<compile_context>
chip_gen: v7x
topology: tpu7x:2x2x1
jax: 0.10.2.dev20260603
libtpu: 0.0.44.dev20260713+nightly
codegen_flags: <defaults>
</compile_context>

<pallas_src>
import functools

import jax
import jax.numpy as jnp
from jax import lax
from jax.experimental import pallas as pl
from jax.experimental.pallas import tpu as pltpu
from jax.experimental.pallas import tpu_sc as plsc

_N = 10000
_NP = 10240
_E = 320000
_D = 128
_NC = 2
_NS = 16
_NTILES = _NC * _NS
_PER_TILE = 10240
_EPAD = _NTILES * _PER_TILE
_PT0 = _PER_TILE
_PT1 = 2 * _PER_TILE - _PT0
_GRP = 128
_SUPER = 1024
_NGRP = _SUPER // _GRP
_NSUPER = _PER_TILE // _SUPER
_RPT = _NP // _NS

_sc_mesh = plsc.VectorSubcoreMesh(core_axis_name="c", subcore_axis_name="s")




@functools.partial(
    pl.kernel,
    mesh=_sc_mesh,
    out_type=jax.ShapeDtypeStruct((_NC, _NP, _D), jnp.float32),
    scratch_types=[
        pltpu.VMEM((8, 128), jnp.int32),
        pltpu.VMEM((_GRP, _D), jnp.float32),
        pltpu.VMEM_SHARED((_NP, _D), jnp.float32),
        pltpu.SemaphoreType.DMA,
    ],
)
def _deg_call(ones_nodes, ones_blk, dst_hbm, d_hbm, dst_i, ones_v, deg_sh,
              sem):
    cid = lax.axis_index("c")
    sid = lax.axis_index("s")
    wid = cid * _NS + sid
    r0 = sid * _RPT
    pltpu.sync_copy(ones_nodes.at[pl.ds(r0, _RPT)], deg_sh.at[pl.ds(r0, _RPT)])
    pltpu.sync_copy(ones_blk, ones_v)
    plsc.subcore_barrier()

    row_base = wid * (_PER_TILE // 128)

    def super_body(i, carry):
        pltpu.sync_copy(dst_hbm.at[pl.ds(row_base + i * 8, 8)], dst_i)
        for j in range(_NGRP):
            pltpu.sync_copy(ones_v, deg_sh.at[dst_i.at[j]], add=True)
        return carry

    lax.fori_loop(0, _NSUPER, super_body, 0)
    plsc.subcore_barrier()
    pltpu.sync_copy(deg_sh.at[pl.ds(r0, _RPT)], d_hbm.at[cid, pl.ds(r0, _RPT)])




@functools.partial(
    pl.kernel,
    mesh=_sc_mesh,
    out_type=jax.ShapeDtypeStruct((_NC, _NP, _D), jnp.float32),
    scratch_types=[
        pltpu.VMEM((8, 128), jnp.int32),
        pltpu.VMEM((8, 128), jnp.int32),
        pltpu.VMEM((_GRP, _D), jnp.float32),
        pltpu.VMEM((_GRP, _D), jnp.float32),
        pltpu.VMEM_SHARED((_NP, _D), jnp.float32),
        pltpu.SemaphoreType.DMA,
        pltpu.SemaphoreType.DMA,
    ],
)
def _prop_call(y_hbm, src_hbm, dst_hbm, z_hbm, src_i, dst_i, rows_v0, rows_v1,
               acc_sh, sem0, sem1):
    cid = lax.axis_index("c")
    sid = lax.axis_index("s")
    r0 = sid * _RPT
    pltpu.sync_copy(y_hbm.at[pl.ds(r0, _RPT)], acc_sh.at[pl.ds(r0, _RPT)])
    plsc.subcore_barrier()

    per_tile = _PT0 + cid * (_PT1 - _PT0)
    sbase = cid * (_NS * _PT0 // _SUPER) + sid * (per_tile // _SUPER)
    nsuper = per_tile // _SUPER
    bufs = (rows_v0, rows_v1)
    sems = (sem0, sem1)

    def super_body(i, carry):
        pltpu.sync_copy(src_hbm.at[pl.ds((sbase + i) * 8, 8)], src_i)
        pltpu.sync_copy(dst_hbm.at[pl.ds((sbase + i) * 8, 8)], dst_i)
        handles = [pltpu.async_copy(y_hbm.at[src_i.at[0]], bufs[0], sems[0])]
        for j in range(_NGRP):
            if j + 1 < _NGRP:
                handles.append(
                    pltpu.async_copy(y_hbm.at[src_i.at[j + 1]],
                                     bufs[(j + 1) % 2], sems[(j + 1) % 2]))
            handles[j].wait()
            pltpu.sync_copy(bufs[j % 2], acc_sh.at[dst_i.at[j]], add=True)
        return carry

    lax.fori_loop(0, nsuper, super_body, 0)
    plsc.subcore_barrier()
    pltpu.sync_copy(acc_sh.at[pl.ds(r0, _RPT)], z_hbm.at[cid, pl.ds(r0, _RPT)])



_BLK = 2048


def _dinv_of(d0, d1):
    return lax.rsqrt(jnp.maximum(d0[:, 0:1] + d1[:, 0:1] - 1.0, 1.0))


def _tc_first_body(x_ref, w_ref, d0_ref, d1_ref, y_ref):
    dinv = _dinv_of(d0_ref[0], d1_ref[0])
    y_ref[...] = jnp.dot(x_ref[...], w_ref[...],
                         preferred_element_type=jnp.float32) * dinv


def _tc_mid_body(z0_ref, z1_ref, y_ref, d0_ref, d1_ref, b_ref, w_ref, o_ref):
    dinv = _dinv_of(d0_ref[0], d1_ref[0])
    z = z0_ref[0] + z1_ref[0] - y_ref[...]
    u = jnp.maximum(z * dinv + b_ref[...], 0.0)
    o_ref[...] = jnp.dot(u, w_ref[...],
                         preferred_element_type=jnp.float32) * dinv


def _tc_last_body(z0_ref, z1_ref, y_ref, d0_ref, d1_ref, b_ref, o_ref):
    dinv = _dinv_of(d0_ref[0], d1_ref[0])
    o_ref[...] = (z0_ref[0] + z1_ref[0] - y_ref[...]) * dinv + b_ref[...]


def _rows_spec():
    return pl.BlockSpec((_BLK, _D), lambda i: (i, 0))


def _z_spec(c):
    return pl.BlockSpec((1, _BLK, _D), lambda i: (c, i, 0))


def _deg_spec(c):
    return pl.BlockSpec((1, _BLK, _D), lambda i: (c, i, 0))


def _full_spec(r):
    return pl.BlockSpec((r, _D), lambda i: (0, 0))


def _tc_first(x, W, d):
    return pl.pallas_call(
        _tc_first_body,
        grid=(_NP // _BLK,),
        in_specs=[_rows_spec(), _full_spec(_D), _deg_spec(0), _deg_spec(1)],
        out_specs=_rows_spec(),
        out_shape=jax.ShapeDtypeStruct((_NP, _D), jnp.float32),
    )(x, W, d, d)


def _tc_mid(z, y, d, b, W):
    return pl.pallas_call(
        _tc_mid_body,
        grid=(_NP // _BLK,),
        in_specs=[_z_spec(0), _z_spec(1), _rows_spec(), _deg_spec(0),
                  _deg_spec(1), _full_spec(1), _full_spec(_D)],
        out_specs=_rows_spec(),
        out_shape=jax.ShapeDtypeStruct((_NP, _D), jnp.float32),
    )(z, z, y, d, d, b, W)


def _tc_last(z, y, d, b):
    return pl.pallas_call(
        _tc_last_body,
        grid=(_NP // _BLK,),
        in_specs=[_z_spec(0), _z_spec(1), _rows_spec(), _deg_spec(0),
                  _deg_spec(1), _full_spec(1)],
        out_specs=_rows_spec(),
        out_shape=jax.ShapeDtypeStruct((_NP, _D), jnp.float32),
    )(z, z, y, d, d, b)




def kernel(x, edge_index, W0, b0, W1, b1, W2, b2, W3, b3):
    src = edge_index[0].astype(jnp.int32)
    dst = edge_index[1].astype(jnp.int32)
    pad = _EPAD - _E
    pad_dst = _N + (jnp.arange(pad, dtype=jnp.int32) % (_NP - _N))
    pad_src = jnp.arange(pad, dtype=jnp.int32) % _N
    src_p = jnp.concatenate([src, pad_src])
    dst_p = jnp.concatenate([dst, pad_dst])
    src_p = src_p.reshape(_EPAD // 128, 128)
    dst_p = dst_p.reshape(_EPAD // 128, 128)

    ones_nodes = jnp.ones((_NP, _D), jnp.float32)
    ones_blk = jnp.ones((_GRP, _D), jnp.float32)
    x = jnp.concatenate([x, jnp.zeros((_NP - _N, _D), jnp.float32)])

    d = _deg_call(ones_nodes, ones_blk, dst_p)

    y = _tc_first(x, W0, d)
    for W, b in ((W1, b0), (W2, b1), (W3, b2)):
        z = _prop_call(y, src_p, dst_p)
        y = _tc_mid(z, y, d, b.reshape(1, _D), W)
    z = _prop_call(y, src_p, dst_p)
    return _tc_last(z, y, d, b3.reshape(1, _D))[:_N]

# --- scband reference (transcript-rebuilt; emitter-appended) ---
"""Pipeline reference for scband-gnnmodel-33320356283137 (READ-ONLY COPY).

The authoritative reference and input builder live on the scoring server;
editing this copy changes nothing except your own understanding.
"""

import jax, jax.numpy as jnp
import numpy as np

N_NODES = 10000
N_EDGES = 320000
D_IN = 128
D_HID = 128
D_OUT = 128


def setup_inputs(seed: int = 0) -> dict:
    key = jax.random.key(seed)
    ks = jax.random.split(key, 12)
    x = jax.random.normal(ks[0], (N_NODES, D_IN), dtype=jnp.float32)
    edge_index = jax.random.randint(ks[1], (2, N_EDGES), 0, N_NODES, dtype=jnp.int64)
    # 4 GCNConv layers: 3 hidden (num_layers=3) + 1 output
    W0 = jax.random.normal(ks[2], (D_IN, D_HID), dtype=jnp.float32) * 0.05
    b0 = jnp.zeros((D_HID,), dtype=jnp.float32)
    W1 = jax.random.normal(ks[3], (D_HID, D_HID), dtype=jnp.float32) * 0.05
    b1 = jnp.zeros((D_HID,), dtype=jnp.float32)
    W2 = jax.random.normal(ks[4], (D_HID, D_HID), dtype=jnp.float32) * 0.05
    b2 = jnp.zeros((D_HID,), dtype=jnp.float32)
    W3 = jax.random.normal(ks[5], (D_HID, D_OUT), dtype=jnp.float32) * 0.05
    b3 = jnp.zeros((D_OUT,), dtype=jnp.float32)
    return {"x": x, "edge_index": edge_index,
            "W0": W0, "b0": b0, "W1": W1, "b1": b1,
            "W2": W2, "b2": b2, "W3": W3, "b3": b3}


def _gcn_norm(edge_index, num_nodes):
    # add self-loops (GCNConv default add_self_loops=True)
    loop = jnp.arange(num_nodes, dtype=edge_index.dtype)
    src = jnp.concatenate([edge_index[0], loop])
    dst = jnp.concatenate([edge_index[1], loop])
    ones = jnp.ones(src.shape[0], dtype=jnp.float32)
    deg = jax.ops.segment_sum(ones, dst, num_segments=num_nodes)
    dinv = jnp.where(deg > 0, 1.0 / jnp.sqrt(deg), 0.0)
    norm = dinv[src] * dinv[dst]
    return src, dst, norm


def _gcn_conv(x, src, dst, norm, W, b, num_nodes):
    h = x @ W
    msg = h[src] * norm[:, None]
    out = jax.ops.segment_sum(msg, dst, num_segments=num_nodes)
    return out + b


def reference(x, edge_index, W0, b0, W1, b1, W2, b2, W3, b3):
    n = x.shape[0]
    src, dst, norm = _gcn_norm(edge_index, n)
    # layer 0 (hidden) + ReLU (dropout is identity in eval)
    h = _gcn_conv(x, src, dst, norm, W0, b0, n)
    h = jax.nn.relu(h)
    # layer 1 (hidden) + ReLU
    h = _gcn_conv(h, src, dst, norm, W1, b1, n)
    h = jax.nn.relu(h)
    # layer 2 (hidden) + ReLU
    h = _gcn_conv(h, src, dst, norm, W2, b2, n)
    h = jax.nn.relu(h)
    # output layer (no activation)
    out = _gcn_conv(h, src, dst, norm, W3, b3, n)
    return out

if __name__ == "__main__":
    import jax
    _d = setup_inputs()
    print(jax.jit(kernel)(*tuple(_d.values())))

</pallas_src>

<mosaic_0001>
#map = affine_map<(d0, d1) -> (0, 0)>
#map1 = affine_map<(d0, d1) -> (0, 0, 0)>
module attributes {stable_mosaic.version = 14 : i64} {
  func.func @_prop_call(%arg0: i32, %arg1: i32, %arg2: memref<10240x128xf32, #tpu.memory_space<hbm>>, %arg3: memref<2560x128xi32, #tpu.memory_space<hbm>>, %arg4: memref<2560x128xi32, #tpu.memory_space<hbm>>, %arg5: memref<2x10240x128xf32, #tpu.memory_space<hbm>>, %arg6: memref<8x128xi32, #tpu.memory_space<vmem>>, %arg7: memref<8x128xi32, #tpu.memory_space<vmem>>, %arg8: memref<128x128xf32, #tpu.memory_space<vmem>>, %arg9: memref<128x128xf32, #tpu.memory_space<vmem>>, %arg10: memref<10240x128xf32, #tpu.memory_space<vmem_shared>>, %arg11: memref<!tpu.dma_semaphore, #tpu.memory_space<semaphore_mem>>, %arg12: memref<!tpu.dma_semaphore, #tpu.memory_space<semaphore_mem>>) attributes {dimension_semantics = [#tpu.dimension_semantics<core_parallel>, #tpu.dimension_semantics<subcore_parallel>], iteration_bounds = array<i64: 2, 16>, scalar_prefetch = 0 : i64, scratch_operands = 7 : i64, tpu.core_type = #tpu.core_type<sc_vector_subcore>, window_params = [{transform_indices = #map}, {transform_indices = #map}, {transform_indices = #map}, {transform_indices = #map1}]} {
    %mul3A = arith.constant 640 : i32
    %mul3A_0 = arith.muli %arg1, %mul3A : i32
    "tpu.region"() ({
      %run_scoped3A = tpu.sem_alloc : memref<!tpu.dma_semaphore, #tpu.memory_space<semaphore_mem>>
      %dma_start3A = arith.constant 0 : i32
      %dma_start3A_58 = tpu.memref_slice %arg10[%mul3A_0, %dma_start3A] : memref<10240x128xf32, #tpu.memory_space<vmem_shared>> -> memref<640x128xf32, #tpu.memory_space<vmem_shared>>
      %dma_start3A_59 = arith.constant 0 : i32
      %dma_start3A_60 = tpu.memref_slice %arg2[%mul3A_0, %dma_start3A_59] : memref<10240x128xf32, #tpu.memory_space<hbm>> -> memref<640x128xf32, #tpu.memory_space<hbm>>
      tpu.enqueue_dma source(%dma_start3A_60 : memref<640x128xf32, #tpu.memory_space<hbm>>) target(%dma_start3A_58 : memref<640x128xf32, #tpu.memory_space<vmem_shared>>) target_semaphore(%run_scoped3A : memref<!tpu.dma_semaphore, #tpu.memory_space<semaphore_mem>>)
      %dma_wait3A = arith.constant 0 : i32
      %dma_wait3A_61 = tpu.memref_slice %arg10[%mul3A_0, %dma_wait3A] : memref<10240x128xf32, #tpu.memory_space<vmem_shared>> -> memref<640x128xf32, #tpu.memory_space<vmem_shared>>
      %dma_wait3A_62 = arith.constant 0 : i32
      %dma_wait3A_63 = tpu.memref_slice %arg2[%mul3A_0, %dma_wait3A_62] : memref<10240x128xf32, #tpu.memory_space<hbm>> -> memref<640x128xf32, #tpu.memory_space<hbm>>
      tpu.wait_dma2 semaphore(%run_scoped3A : memref<!tpu.dma_semaphore, #tpu.memory_space<semaphore_mem>>) src(%dma_wait3A_63 : memref<640x128xf32, #tpu.memory_space<hbm>>) dst(%dma_wait3A_61 : memref<640x128xf32, #tpu.memory_space<vmem_shared>>)
      tpu.yield
    }) : () -> ()
    %barrier3A = arith.constant 0 : index
    tpu.barrier barrier_id(%barrier3A)
    %mul3A_1 = arith.constant 0 : i32
    %mul3A_2 = arith.muli %arg0, %mul3A_1 : i32
    %add3A = arith.constant 10240 : i32
    %add3A_3 = arith.addi %add3A, %mul3A_2 : i32
    %mul3A_4 = arith.constant 160 : i32
    %mul3A_5 = arith.muli %arg0, %mul3A_4 : i32
    %jit3A = arith.constant 1024 : i32
    %div3A = arith.divsi %add3A_3, %jit3A : i32
    %sign3A = arith.constant 0 : i32
    %sign3A_6 = arith.cmpi sgt, %add3A_3, %sign3A : i32
    %sign3A_7 = arith.extui %sign3A_6 : i1 to i32
    %sign3A_8 = arith.constant 0 : i32
    %sign3A_9 = arith.cmpi slt, %add3A_3, %sign3A_8 : i32
    %sign3A_10 = arith.extui %sign3A_9 : i1 to i32
    %sign3A_11 = arith.subi %sign3A_7, %sign3A_10 : i32
    %sign3A_12 = arith.constant 0 : i32
    %sign3A_13 = arith.cmpi sgt, %jit3A, %sign3A_12 : i32
    %sign3A_14 = arith.extui %sign3A_13 : i1 to i32
    %sign3A_15 = arith.constant 0 : i32
    %sign3A_16 = arith.cmpi slt, %jit3A, %sign3A_15 : i32
    %sign3A_17 = arith.extui %sign3A_16 : i1 to i32
    %sign3A_18 = arith.subi %sign3A_14, %sign3A_17 : i32
    %ne3A = arith.cmpi ne, %sign3A_11, %sign3A_18 : i32
    %rem3A = arith.remsi %add3A_3, %jit3A : i32
    %ne3A_19 = arith.constant 0 : i32
    %ne3A_20 = arith.cmpi ne, %rem3A, %ne3A_19 : i32
    %and3A = arith.andi %ne3A, %ne3A_20 : i1
    %sub3A = arith.constant 1 : i32
    %sub3A_21 = arith.subi %div3A, %sub3A : i32
    %select_n3A = arith.select %and3A, %sub3A_21, %div3A : i32
    %mul3A_22 = arith.muli %arg1, %select_n3A : i32
    %add3A_23 = arith.addi %mul3A_5, %mul3A_22 : i32
    %jit3A_24 = arith.constant 1024 : i32
    %div3A_25 = arith.divsi %add3A_3, %jit3A_24 : i32
    %sign3A_26 = arith.constant 0 : i32
    %sign3A_27 = arith.cmpi sgt, %add3A_3, %sign3A_26 : i32
    %sign3A_28 = arith.extui %sign3A_27 : i1 to i32
    %sign3A_29 = arith.constant 0 : i32
    %sign3A_30 = arith.cmpi slt, %add3A_3, %sign3A_29 : i32
    %sign3A_31 = arith.extui %sign3A_30 : i1 to i32
    %sign3A_32 = arith.subi %sign3A_28, %sign3A_31 : i32
    %sign3A_33 = arith.constant 0 : i32
    %sign3A_34 = arith.cmpi sgt, %jit3A_24, %sign3A_33 : i32
    %sign3A_35 = arith.extui %sign3A_34 : i1 to i32
    %sign3A_36 = arith.constant 0 : i32
    %sign3A_37 = arith.cmpi slt, %jit3A_24, %sign3A_36 : i32
    %sign3A_38 = arith.extui %sign3A_37 : i1 to i32
    %sign3A_39 = arith.subi %sign3A_35, %sign3A_38 : i32
    %ne3A_40 = arith.cmpi ne, %sign3A_32, %sign3A_39 : i32
    %rem3A_41 = arith.remsi %add3A_3, %jit3A_24 : i32
    %ne3A_42 = arith.constant 0 : i32
    %ne3A_43 = arith.cmpi ne, %rem3A_41, %ne3A_42 : i32
    %and3A_44 = arith.andi %ne3A_40, %ne3A_43 : i1
    %sub3A_45 = arith.constant 1 : i32
    %sub3A_46 = arith.subi %div3A_25, %sub3A_45 : i32
    %select_n3A_47 = arith.select %and3A_44, %sub3A_46, %div3A_25 : i32
    %while3A = arith.constant 0 : i32
    %while3A_48 = arith.constant 0 : i32
    %while3A_49 = arith.subi %select_n3A_47, %while3A_48 : i32
    %while3A_50 = arith.addi %while3A_48, %while3A_49 : i32
    %while3A_51 = arith.constant 1 : i32
    %while3A_52 = arith.divsi %while3A_49, %while3A_51 : i32
    %while3A_53 = arith.muli %while3A_52, %while3A_51 : i32
    %while3A_54 = arith.addi %while3A_48, %while3A_53 : i32
    %while3A_55 = arith.constant 1 : i32
    scf.for %while3A_58 = %while3A_48 to %while3A_54 step %while3A_55  : i32 {
      %add3A_59 = arith.addi %add3A_23, %while3A_58 : i32
      %mul3A_60 = arith.constant 8 : i32
      %mul3A_61 = arith.muli %add3A_59, %mul3A_60 : i32
      "tpu.region"() ({
        %run_scoped3A_182 = tpu.sem_alloc : memref<!tpu.dma_semaphore, #tpu.memory_space<semaphore_mem>>
        %dma_start3A_183 = arith.constant 0 : i32
        %dma_start3A_184 = tpu.memref_slice %arg3[%mul3A_61, %dma_start3A_183] : memref<2560x128xi32, #tpu.memory_space<hbm>> -> memref<8x128xi32, #tpu.memory_space<hbm>>
        %dma_start3A_185 = arith.constant 0 : i32
        %dma_start3A_186 = tpu.memref_slice %arg3[%mul3A_61, %dma_start3A_185] : memref<2560x128xi32, #tpu.memory_space<hbm>> -> memref<8x128xi32, #tpu.memory_space<hbm>>
        tpu.enqueue_dma source(%dma_start3A_186 : memref<8x128xi32, #tpu.memory_space<hbm>>) target(%arg6 : memref<8x128xi32, #tpu.memory_space<vmem>>) target_semaphore(%run_scoped3A_182 : memref<!tpu.dma_semaphore, #tpu.memory_space<semaphore_mem>>)
        %dma_wait3A_187 = arith.constant 0 : i32
        %dma_wait3A_188 = tpu.memref_slice %arg3[%mul3A_61, %dma_wait3A_187] : memref<2560x128xi32, #tpu.memory_space<hbm>> -> memref<8x128xi32, #tpu.memory_space<hbm>>
        %dma_wait3A_189 = arith.constant 0 : i32
        %dma_wait3A_190 = tpu.memref_slice %arg3[%mul3A_61, %dma_wait3A_189] : memref<2560x128xi32, #tpu.memory_space<hbm>> -> memref<8x128xi32, #tpu.memory_space<hbm>>
        tpu.wait_dma2 semaphore(%run_scoped3A_182 : memref<!tpu.dma_semaphore, #tpu.memory_space<semaphore_mem>>) src(%dma_wait3A_190 : memref<8x128xi32, #tpu.memory_space<hbm>>) dst(%arg6 : memref<8x128xi32, #tpu.memory_space<vmem>>)
        tpu.yield
      }) : () -> ()
      %add3A_62 = arith.addi %add3A_23, %while3A_58 : i32
      %mul3A_63 = arith.constant 8 : i32
      %mul3A_64 = arith.muli %add3A_62, %mul3A_63 : i32
      "tpu.region"() ({
        %run_scoped3A_182 = tpu.sem_alloc : memref<!tpu.dma_semaphore, #tpu.memory_space<semaphore_mem>>
        %dma_start3A_183 = arith.constant 0 : i32
        %dma_start3A_184 = tpu.memref_slice %arg4[%mul3A_64, %dma_start3A_183] : memref<2560x128xi32, #tpu.memory_space<hbm>> -> memref<8x128xi32, #tpu.memory_space<hbm>>
        %dma_start3A_185 = arith.constant 0 : i32
        %dma_start3A_186 = tpu.memref_slice %arg4[%mul3A_64, %dma_start3A_185] : memref<2560x128xi32, #tpu.memory_space<hbm>> -> memref<8x128xi32, #tpu.memory_space<hbm>>
        tpu.enqueue_dma source(%dma_start3A_186 : memref<8x128xi32, #tpu.memory_space<hbm>>) target(%arg7 : memref<8x128xi32, #tpu.memory_space<vmem>>) target_semaphore(%run_scoped3A_182 : memref<!tpu.dma_semaphore, #tpu.memory_space<semaphore_mem>>)
        %dma_wait3A_187 = arith.constant 0 : i32
        %dma_wait3A_188 = tpu.memref_slice %arg4[%mul3A_64, %dma_wait3A_187] : memref<2560x128xi32, #tpu.memory_space<hbm>> -> memref<8x128xi32, #tpu.memory_space<hbm>>
        %dma_wait3A_189 = arith.constant 0 : i32
        %dma_wait3A_190 = tpu.memref_slice %arg4[%mul3A_64, %dma_wait3A_189] : memref<2560x128xi32, #tpu.memory_space<hbm>> -> memref<8x128xi32, #tpu.memory_space<hbm>>
        tpu.wait_dma2 semaphore(%run_scoped3A_182 : memref<!tpu.dma_semaphore, #tpu.memory_space<semaphore_mem>>) src(%dma_wait3A_190 : memref<8x128xi32, #tpu.memory_space<hbm>>) dst(%arg7 : memref<8x128xi32, #tpu.memory_space<vmem>>)
        tpu.yield
      }) : () -> ()
      %dma_start3A = arith.constant 0 : i32
      %dma_start3A_65 = arith.constant 0 : i32
      %dma_start3A_66 = tpu.memref_slice %arg6[%dma_start3A, %dma_start3A_65] : memref<8x128xi32, #tpu.memory_space<vmem>> -> memref<1x128xi32, #tpu.memory_space<vmem>>
      %dma_start3A_67 = tpu.memref_squeeze %dma_start3A_66 : memref<1x128xi32, #tpu.memory_space<vmem>> -> memref<128xi32, #tpu.memory_space<vmem>>
      %dma_start3A_68 = arith.constant 0 : i32
      %dma_start3A_69 = arith.constant 0 : i32
      %dma_start3A_70 = tpu.memref_slice %arg2[%dma_start3A_68, %dma_start3A_69] : memref<10240x128xf32, #tpu.memory_space<hbm>> -> memref<10240x128xf32, #tpu.memory_space<hbm>>
      tpu.enqueue_indirect_dma source(%dma_start3A_70 : memref<10240x128xf32, #tpu.memory_space<hbm>>) target(%arg8 : memref<128x128xf32, #tpu.memory_space<vmem>>) offsets(%dma_start3A_67 : memref<128xi32, #tpu.memory_space<vmem>>) semaphore(%arg11 : memref<!tpu.dma_semaphore, #tpu.memory_space<semaphore_mem>>)
      %dma_start3A_71 = arith.constant 1 : i32
      %dma_start3A_72 = arith.constant 0 : i32
      %dma_start3A_73 = tpu.memref_slice %arg6[%dma_start3A_71, %dma_start3A_72] : memref<8x128xi32, #tpu.memory_space<vmem>> -> memref<1x128xi32, #tpu.memory_space<vmem>>
      %dma_start3A_74 = tpu.memref_squeeze %dma_start3A_73 : memref<1x128xi32, #tpu.memory_space<vmem>> -> memref<128xi32, #tpu.memory_space<vmem>>
      %dma_start3A_75 = arith.constant 0 : i32
      %dma_start3A_76 = arith.constant 0 : i32
      %dma_start3A_77 = tpu.memref_slice %arg2[%dma_start3A_75, %dma_start3A_76] : memref<10240x128xf32, #tpu.memory_space<hbm>> -> memref<10240x128xf32, #tpu.memory_space<hbm>>
      tpu.enqueue_indirect_dma source(%dma_start3A_77 : memref<10240x128xf32, #tpu.memory_space<hbm>>) target(%arg9 : memref<128x128xf32, #tpu.memory_space<vmem>>) offsets(%dma_start3A_74 : memref<128xi32, #tpu.memory_space<vmem>>) semaphore(%arg12 : memref<!tpu.dma_semaphore, #tpu.memory_space<semaphore_mem>>)
      %dma_wait3A = arith.constant 0 : i32
      %dma_wait3A_78 = arith.constant 0 : i32
      %dma_wait3A_79 = tpu.memref_slice %arg6[%dma_wait3A, %dma_wait3A_78] : memref<8x128xi32, #tpu.memory_space<vmem>> -> memref<1x128xi32, #tpu.memory_space<vmem>>
      %dma_wait3A_80 = tpu.memref_squeeze %dma_wait3A_79 : memref<1x128xi32, #tpu.memory_space<vmem>> -> memref<128xi32, #tpu.memory_space<vmem>>
      %dma_wait3A_81 = arith.constant 0 : i32
      %dma_wait3A_82 = arith.constant 0 : i32
      %dma_wait3A_83 = tpu.memref_slice %arg2[%dma_wait3A_81, %dma_wait3A_82] : memref<10240x128xf32, #tpu.memory_space<hbm>> -> memref<10240x128xf32, #tpu.memory_space<hbm>>
      tpu.wait_indirect_dma semaphore(%arg11 : memref<!tpu.dma_semaphore, #tpu.memory_space<semaphore_mem>>) src(%dma_wait3A_83 : memref<10240x128xf32, #tpu.memory_space<hbm>>) dst(%arg8 : memref<128x128xf32, #tpu.memory_space<vmem>>)
      %run_scoped3A = arith.constant 0 : i32
      "tpu.region"() ({
        %run_scoped3A_182 = tpu.sem_alloc : memref<!tpu.dma_semaphore, #tpu.memory_space<semaphore_mem>>
        %dma_start3A_183 = arith.constant 0 : i32
        %dma_start3A_184 = tpu.memref_slice %arg7[%run_scoped3A, %dma_start3A_183] : memref<8x128xi32, #tpu.memory_space<vmem>> -> memref<1x128xi32, #tpu.memory_space<vmem>>
        %dma_start3A_185 = tpu.memref_squeeze %dma_start3A_184 : memref<1x128xi32, #tpu.memory_space<vmem>> -> memref<128xi32, #tpu.memory_space<vmem>>
        %dma_start3A_186 = arith.constant 0 : i32
        %dma_start3A_187 = arith.constant 0 : i32
        %dma_start3A_188 = tpu.memref_slice %arg10[%dma_start3A_186, %dma_start3A_187] : memref<10240x128xf32, #tpu.memory_space<vmem_shared>> -> memref<10240x128xf32, #tpu.memory_space<vmem_shared>>
        tpu.enqueue_indirect_dma source(%arg8 : memref<128x128xf32, #tpu.memory_space<vmem>>) target(%dma_start3A_188 : memref<10240x128xf32, #tpu.memory_space<vmem_shared>>) offsets(%dma_start3A_185 : memref<128xi32, #tpu.memory_space<vmem>>) semaphore(%run_scoped3A_182 : memref<!tpu.dma_semaphore, #tpu.memory_space<semaphore_mem>>) {add = true}
        %dma_wait3A_189 = arith.constant 0 : i32
        %dma_wait3A_190 = tpu.memref_slice %arg7[%run_scoped3A, %dma_wait3A_189] : memref<8x128xi32, #tpu.memory_space<vmem>> -> memref<1x128xi32, #tpu.memory_space<vmem>>
        %dma_wait3A_191 = tpu.memref_squeeze %dma_wait3A_190 : memref<1x128xi32, #tpu.memory_space<vmem>> -> memref<128xi32, #tpu.memory_space<vmem>>
        %dma_wait3A_192 = arith.constant 0 : i32
        %dma_wait3A_193 = arith.constant 0 : i32
        %dma_wait3A_194 = tpu.memref_slice %arg10[%dma_wait3A_192, %dma_wait3A_193] : memref<10240x128xf32, #tpu.memory_space<vmem_shared>> -> memref<10240x128xf32, #tpu.memory_space<vmem_shared>>
        tpu.wait_indirect_dma semaphore(%run_scoped3A_182 : memref<!tpu.dma_semaphore, #tpu.memory_space<semaphore_mem>>) src(%arg8 : memref<128x128xf32, #tpu.memory_space<vmem>>) dst(%dma_wait3A_194 : memref<10240x128xf32, #tpu.memory_space<vmem_shared>>)
        tpu.yield
      }) : () -> ()
      %dma_start3A_84 = arith.constant 2 : i32
      %dma_start3A_85 = arith.constant 0 : i32
      %dma_start3A_86 = tpu.memref_slice %arg6[%dma_start3A_84, %dma_start3A_85] : memref<8x128xi32, #tpu.memory_space<vmem>> -> memref<1x128xi32, #tpu.memory_space<vmem>>
      %dma_start3A_87 = tpu.memref_squeeze %dma_start3A_86 : memref<1x128xi32, #tpu.memory_space<vmem>> -> memref<128xi32, #tpu.memory_space<vmem>>
      %dma_start3A_88 = arith.constant 0 : i32
      %dma_start3A_89 = arith.constant 0 : i32
      %dma_start3A_90 = tpu.memref_slice %arg2[%dma_start3A_88, %dma_start3A_89] : memref<10240x128xf32, #tpu.memory_space<hbm>> -> memref<10240x128xf32, #tpu.memory_space<hbm>>
      tpu.enqueue_indirect_dma source(%dma_start3A_90 : memref<10240x128xf32, #tpu.memory_space<hbm>>) target(%arg8 : memref<128x128xf32, #tpu.memory_space<vmem>>) offsets(%dma_start3A_87 : memref<128xi32, #tpu.memory_space<vmem>>) semaphore(%arg11 : memref<!tpu.dma_semaphore, #tpu.memory_space<semaphore_mem>>)
      %dma_wait3A_91 = arith.constant 1 : i32
      %dma_wait3A_92 = arith.constant 0 : i32
      %dma_wait3A_93 = tpu.memref_slice %arg6[%dma_wait3A_91, %dma_wait3A_92] : memref<8x128xi32, #tpu.memory_space<vmem>> -> memref<1x128xi32, #tpu.memory_space<vmem>>
      %dma_wait3A_94 = tpu.memref_squeeze %dma_wait3A_93 : memref<1x128xi32, #tpu.memory_space<vmem>> -> memref<128xi32, #tpu.memory_space<vmem>>
      %dma_wait3A_95 = arith.constant 0 : i32
      %dma_wait3A_96 = arith.constant 0 : i32
      %dma_wait3A_97 = tpu.memref_slice %arg2[%dma_wait3A_95, %dma_wait3A_96] : memref<10240x128xf32, #tpu.memory_space<hbm>> -> memref<10240x128xf32, #tpu.memory_space<hbm>>
      tpu.wait_indirect_dma semaphore(%arg12 : memref<!tpu.dma_semaphore, #tpu.memory_space<semaphore_mem>>) src(%dma_wait3A_97 : memref<10240x128xf32, #tpu.memory_space<hbm>>) dst(%arg9 : memref<128x128xf32, #tpu.memory_space<vmem>>)
      %run_scoped3A_98 = arith.constant 1 : i32
      "tpu.region"() ({
        %run_scoped3A_182 = tpu.sem_alloc : memref<!tpu.dma_semaphore, #tpu.memory_space<semaphore_mem>>
        %dma_start3A_183 = arith.constant 0 : i32
        %dma_start3A_184 = tpu.memref_slice %arg7[%run_scoped3A_98, %dma_start3A_183] : memref<8x128xi32, #tpu.memory_space<vmem>> -> memref<1x128xi32, #tpu.memory_space<vmem>>
        %dma_start3A_185 = tpu.memref_squeeze %dma_start3A_184 : memref<1x128xi32, #tpu.memory_space<vmem>> -> memref<128xi32, #tpu.memory_space<vmem>>
        %dma_start3A_186 = arith.constant 0 : i32
        %dma_start3A_187 = arith.constant 0 : i32
        %dma_start3A_188 = tpu.memref_slice %arg10[%dma_start3A_186, %dma_start3A_187] : memref<10240x128xf32, #tpu.memory_space<vmem_shared>> -> memref<10240x128xf32, #tpu.memory_space<vmem_shared>>
        tpu.enqueue_indirect_dma source(%arg9 : memref<128x128xf32, #tpu.memory_space<vmem>>) target(%dma_start3A_188 : memref<10240x128xf32, #tpu.memory_space<vmem_shared>>) offsets(%dma_start3A_185 : memref<128xi32, #tpu.memory_space<vmem>>) semaphore(%run_scoped3A_182 : memref<!tpu.dma_semaphore, #tpu.memory_space<semaphore_mem>>) {add = true}
        %dma_wait3A_189 = arith.constant 0 : i32
        %dma_wait3A_190 = tpu.memref_slice %arg7[%run_scoped3A_98, %dma_wait3A_189] : memref<8x128xi32, #tpu.memory_space<vmem>> -> memref<1x128xi32, #tpu.memory_space<vmem>>
        %dma_wait3A_191 = tpu.memref_squeeze %dma_wait3A_190 : memref<1x128xi32, #tpu.memory_space<vmem>> -> memref<128xi32, #tpu.memory_space<vmem>>
        %dma_wait3A_192 = arith.constant 0 : i32
        %dma_wait3A_193 = arith.constant 0 : i32
        %dma_wait3A_194 = tpu.memref_slice %arg10[%dma_wait3A_192, %dma_wait3A_193] : memref<10240x128xf32, #tpu.memory_space<vmem_shared>> -> memref<10240x128xf32, #tpu.memory_space<vmem_shared>>
        tpu.wait_indirect_dma semaphore(%run_scoped3A_182 : memref<!tpu.dma_semaphore, #tpu.memory_space<semaphore_mem>>) src(%arg9 : memref<128x128xf32, #tpu.memory_space<vmem>>) dst(%dma_wait3A_194 : memref<10240x128xf32, #tpu.memory_space<vmem_shared>>)
        tpu.yield
      }) : () -> ()
      %dma_start3A_99 = arith.constant 3 : i32
      %dma_start3A_100 = arith.constant 0 : i32
      %dma_start3A_101 = tpu.memref_slice %arg6[%dma_start3A_99, %dma_start3A_100] : memref<8x128xi32, #tpu.memory_space<vmem>> -> memref<1x128xi32, #tpu.memory_space<vmem>>
      %dma_start3A_102 = tpu.memref_squeeze %dma_start3A_101 : memref<1x128xi32, #tpu.memory_space<vmem>> -> memref<128xi32, #tpu.memory_space<vmem>>
      %dma_start3A_103 = arith.constant 0 : i32
      %dma_start3A_104 = arith.constant 0 : i32
      %dma_start3A_105 = tpu.memref_slice %arg2[%dma_start3A_103, %dma_start3A_104] : memref<10240x128xf32, #tpu.memory_space<hbm>> -> memref<10240x128xf32, #tpu.memory_space<hbm>>
      tpu.enqueue_indirect_dma source(%dma_start3A_105 : memref<10240x128xf32, #tpu.memory_space<hbm>>) target(%arg9 : memref<128x128xf32, #tpu.memory_space<vmem>>) offsets(%dma_start3A_102 : memref<128xi32, #tpu.memory_space<vmem>>) semaphore(%arg12 : memref<!tpu.dma_semaphore, #tpu.memory_space<semaphore_mem>>)
      %dma_wait3A_106 = arith.constant 2 : i32
      %dma_wait3A_107 = arith.constant 0 : i32
      %dma_wait3A_108 = tpu.memref_slice %arg6[%dma_wait3A_106, %dma_wait3A_107] : memref<8x128xi32, #tpu.memory_space<vmem>> -> memref<1x128xi32, #tpu.memory_space<vmem>>
      %dma_wait3A_109 = tpu.memref_squeeze %dma_wait3A_108 : memref<1x128xi32, #tpu.memory_space<vmem>> -> memref<128xi32, #tpu.memory_space<vmem>>
      %dma_wait3A_110 = arith.constant 0 : i32
      %dma_wait3A_111 = arith.constant 0 : i32
      %dma_wait3A_112 = tpu.memref_slice %arg2[%dma_wait3A_110, %dma_wait3A_111] : memref<10240x128xf32, #tpu.memory_space<hbm>> -> memref<10240x128xf32, #tpu.memory_space<hbm>>
      tpu.wait_indirect_dma semaphore(%arg11 : memref<!tpu.dma_semaphore, #tpu.memory_space<semaphore_mem>>) src(%dma_wait3A_112 : memref<10240x128xf32, #tpu.memory_space<hbm>>) dst(%arg8 : memref<128x128xf32, #tpu.memory_space<vmem>>)
      %run_scoped3A_113 = arith.constant 2 : i32
      "tpu.region"() ({
        %run_scoped3A_182 = tpu.sem_alloc : memref<!tpu.dma_semaphore, #tpu.memory_space<semaphore_mem>>
        %dma_start3A_183 = arith.constant 0 : i32
        %dma_start3A_184 = tpu.memref_slice %arg7[%run_scoped3A_113, %dma_start3A_183] : memref<8x128xi32, #tpu.memory_space<vmem>> -> memref<1x128xi32, #tpu.memory_space<vmem>>
        %dma_start3A_185 = tpu.memref_squeeze %dma_start3A_184 : memref<1x128xi32, #tpu.memory_space<vmem>> -> memref<128xi32, #tpu.memory_space<vmem>>
        %dma_start3A_186 = arith.constant 0 : i32
        %dma_start3A_187 = arith.constant 0 : i32
        %dma_start3A_188 = tpu.memref_slice %arg10[%dma_start3A_186, %dma_start3A_187] : memref<10240x128xf32, #tpu.memory_space<vmem_shared>> -> memref<10240x128xf32, #tpu.memory_space<vmem_shared>>
        tpu.enqueue_indirect_dma source(%arg8 : memref<128x128xf32, #tpu.memory_space<vmem>>) target(%dma_start3A_188 : memref<10240x128xf32, #tpu.memory_space<vmem_shared>>) offsets(%dma_start3A_185 : memref<128xi32, #tpu.memory_space<vmem>>) semaphore(%run_scoped3A_182 : memref<!tpu.dma_semaphore, #tpu.memory_space<semaphore_mem>>) {add = true}
        %dma_wait3A_189 = arith.constant 0 : i32
        %dma_wait3A_190 = tpu.memref_slice %arg7[%run_scoped3A_113, %dma_wait3A_189] : memref<8x128xi32, #tpu.memory_space<vmem>> -> memref<1x128xi32, #tpu.memory_space<vmem>>
        %dma_wait3A_191 = tpu.memref_squeeze %dma_wait3A_190 : memref<1x128xi32, #tpu.memory_space<vmem>> -> memref<128xi32, #tpu.memory_space<vmem>>
        %dma_wait3A_192 = arith.constant 0 : i32
        %dma_wait3A_193 = arith.constant 0 : i32
        %dma_wait3A_194 = tpu.memref_slice %arg10[%dma_wait3A_192, %dma_wait3A_193] : memref<10240x128xf32, #tpu.memory_space<vmem_shared>> -> memref<10240x128xf32, #tpu.memory_space<vmem_shared>>
        tpu.wait_indirect_dma semaphore(%run_scoped3A_182 : memref<!tpu.dma_semaphore, #tpu.memory_space<semaphore_mem>>) src(%arg8 : memref<128x128xf32, #tpu.memory_space<vmem>>) dst(%dma_wait3A_194 : memref<10240x128xf32, #tpu.memory_space<vmem_shared>>)
        tpu.yield
      }) : () -> ()
      %dma_start3A_114 = arith.constant 4 : i32
      %dma_start3A_115 = arith.constant 0 : i32
      %dma_start3A_116 = tpu.memref_slice %arg6[%dma_start3A_114, %dma_start3A_115] : memref<8x128xi32, #tpu.memory_space<vmem>> -> memref<1x128xi32, #tpu.memory_space<vmem>>
      %dma_start3A_117 = tpu.memref_squeeze %dma_start3A_116 : memref<1x128xi32, #tpu.memory_space<vmem>> -> memref<128xi32, #tpu.memory_space<vmem>>
      %dma_start3A_118 = arith.constant 0 : i32
      %dma_start3A_119 = arith.constant 0 : i32
      %dma_start3A_120 = tpu.memref_slice %arg2[%dma_start3A_118, %dma_start3A_119] : memref<10240x128xf32, #tpu.memory_space<hbm>> -> memref<10240x128xf32, #tpu.memory_space<hbm>>
      tpu.enqueue_indirect_dma source(%dma_start3A_120 : memref<10240x128xf32, #tpu.memory_space<hbm>>) target(%arg8 : memref<128x128xf32, #tpu.memory_space<vmem>>) offsets(%dma_start3A_117 : memref<128xi32, #tpu.memory_space<vmem>>) semaphore(%arg11 : memref<!tpu.dma_semaphore, #tpu.memory_space<semaphore_mem>>)
      %dma_wait3A_121 = arith.constant 3 : i32
      %dma_wait3A_122 = arith.constant 0 : i32
      %dma_wait3A_123 = tpu.memref_slice %arg6[%dma_wait3A_121, %dma_wait3A_122] : memref<8x128xi32, #tpu.memory_space<vmem>> -> memref<1x128xi32, #tpu.memory_space<vmem>>
      %dma_wait3A_124 = tpu.memref_squeeze %dma_wait3A_123 : memref<1x128xi32, #tpu.memory_space<vmem>> -> memref<128xi32, #tpu.memory_space<vmem>>
      %dma_wait3A_125 = arith.constant 0 : i32
      %dma_wait3A_126 = arith.constant 0 : i32
      %dma_wait3A_127 = tpu.memref_slice %arg2[%dma_wait3A_125, %dma_wait3A_126] : memref<10240x128xf32, #tpu.memory_space<hbm>> -> memref<10240x128xf32, #tpu.memory_space<hbm>>
      tpu.wait_indirect_dma semaphore(%arg12 : memref<!tpu.dma_semaphore, #tpu.memory_space<semaphore_mem>>) src(%dma_wait3A_127 : memref<10240x128xf32, #tpu.memory_space<hbm>>) dst(%arg9 : memref<128x128xf32, #tpu.memory_space<vmem>>)
      %run_scoped3A_128 = arith.constant 3 : i32
      "tpu.region"() ({
        %run_scoped3A_182 = tpu.sem_alloc : memref<!tpu.dma_semaphore, #tpu.memory_space<semaphore_mem>>
        %dma_start3A_183 = arith.constant 0 : i32
        %dma_start3A_184 = tpu.memref_slice %arg7[%run_scoped3A_128, %dma_start3A_183] : memref<8x128xi32, #tpu.memory_space<vmem>> -> memref<1x128xi32, #tpu.memory_space<vmem>>
        %dma_start3A_185 = tpu.memref_squeeze %dma_start3A_184 : memref<1x128xi32, #tpu.memory_space<vmem>> -> memref<128xi32, #tpu.memory_space<vmem>>
        %dma_start3A_186 = arith.constant 0 : i32
        %dma_start3A_187 = arith.constant 0 : i32
        %dma_start3A_188 = tpu.memref_slice %arg10[%dma_start3A_186, %dma_start3A_187] : memref<10240x128xf32, #tpu.memory_space<vmem_shared>> -> memref<10240x128xf32, #tpu.memory_space<vmem_shared>>
        tpu.enqueue_indirect_dma source(%arg9 : memref<128x128xf32, #tpu.memory_space<vmem>>) target(%dma_start3A_188 : memref<10240x128xf32, #tpu.memory_space<vmem_shared>>) offsets(%dma_start3A_185 : memref<128xi32, #tpu.memory_space<vmem>>) semaphore(%run_scoped3A_182 : memref<!tpu.dma_semaphore, #tpu.memory_space<semaphore_mem>>) {add = true}
        %dma_wait3A_189 = arith.constant 0 : i32
        %dma_wait3A_190 = tpu.memref_slice %arg7[%run_scoped3A_128, %dma_wait3A_189] : memref<8x128xi32, #tpu.memory_space<vmem>> -> memref<1x128xi32, #tpu.memory_space<vmem>>
        %dma_wait3A_191 = tpu.memref_squeeze %dma_wait3A_190 : memref<1x128xi32, #tpu.memory_space<vmem>> -> memref<128xi32, #tpu.memory_space<vmem>>
        %dma_wait3A_192 = arith.constant 0 : i32
        %dma_wait3A_193 = arith.constant 0 : i32
        %dma_wait3A_194 = tpu.memref_slice %arg10[%dma_wait3A_192, %dma_wait3A_193] : memref<10240x128xf32, #tpu.memory_space<vmem_shared>> -> memref<10240x128xf32, #tpu.memory_space<vmem_shared>>
        tpu.wait_indirect_dma semaphore(%run_scoped3A_182 : memref<!tpu.dma_semaphore, #tpu.memory_space<semaphore_mem>>) src(%arg9 : memref<128x128xf32, #tpu.memory_space<vmem>>) dst(%dma_wait3A_194 : memref<10240x128xf32, #tpu.memory_space<vmem_shared>>)
        tpu.yield
      }) : () -> ()
      %dma_start3A_129 = arith.constant 5 : i32
      %dma_start3A_130 = arith.constant 0 : i32
      %dma_start3A_131 = tpu.memref_slice %arg6[%dma_start3A_129, %dma_start3A_130] : memref<8x128xi32, #tpu.memory_space<vmem>> -> memref<1x128xi32, #tpu.memory_space<vmem>>
      %dma_start3A_132 = tpu.memref_squeeze %dma_start3A_131 : memref<1x128xi32, #tpu.memory_space<vmem>> -> memref<128xi32, #tpu.memory_space<vmem>>
      %dma_start3A_133 = arith.constant 0 : i32
      %dma_start3A_134 = arith.constant 0 : i32
      %dma_start3A_135 = tpu.memref_slice %arg2[%dma_start3A_133, %dma_start3A_134] : memref<10240x128xf32, #tpu.memory_space<hbm>> -> memref<10240x128xf32, #tpu.memory_space<hbm>>
      tpu.enqueue_indirect_dma source(%dma_start3A_135 : memref<10240x128xf32, #tpu.memory_space<hbm>>) target(%arg9 : memref<128x128xf32, #tpu.memory_space<vmem>>) offsets(%dma_start3A_132 : memref<128xi32, #tpu.memory_space<vmem>>) semaphore(%arg12 : memref<!tpu.dma_semaphore, #tpu.memory_space<semaphore_mem>>)
      %dma_wait3A_136 = arith.constant 4 : i32
      %dma_wait3A_137 = arith.constant 0 : i32
      %dma_wait3A_138 = tpu.memref_slice %arg6[%dma_wait3A_136, %dma_wait3A_137] : memref<8x128xi32, #tpu.memory_space<vmem>> -> memref<1x128xi32, #tpu.memory_space<vmem>>
      %dma_wait3A_139 = tpu.memref_squeeze %dma_wait3A_138 : memref<1x128xi32, #tpu.memory_space<vmem>> -> memref<128xi32, #tpu.memory_space<vmem>>
      %dma_wait3A_140 = arith.constant 0 : i32
      %dma_wait3A_141 = arith.constant 0 : i32
      %dma_wait3A_142 = tpu.memref_slice %arg2[%dma_wait3A_140, %dma_wait3A_141] : memref<10240x128xf32, #tpu.memory_space<hbm>> -> memref<10240x128xf32, #tpu.memory_space<hbm>>
      tpu.wait_indirect_dma semaphore(%arg11 : memref<!tpu.dma_semaphore, #tpu.memory_space<semaphore_mem>>) src(%dma_wait3A_142 : memref<10240x128xf32, #tpu.memory_space<hbm>>) dst(%arg8 : memref<128x128xf32, #tpu.memory_space<vmem>>)
      %run_scoped3A_143 = arith.constant 4 : i32
      "tpu.region"() ({
        %run_scoped3A_182 = tpu.sem_alloc : memref<!tpu.dma_semaphore, #tpu.memory_space<semaphore_mem>>
        %dma_start3A_183 = arith.constant 0 : i32
        %dma_start3A_184 = tpu.memref_slice %arg7[%run_scoped3A_143, %dma_start3A_183] : memref<8x128xi32, #tpu.memory_space<vmem>> -> memref<1x128xi32, #tpu.memory_space<vmem>>
        %dma_start3A_185 = tpu.memref_squeeze %dma_start3A_184 : memref<1x128xi32, #tpu.memory_space<vmem>> -> memref<128xi32, #tpu.memory_space<vmem>>
        %dma_start3A_186 = arith.constant 0 : i32
        %dma_start3A_187 = arith.constant 0 : i32
        %dma_start3A_188 = tpu.memref_slice %arg10[%dma_start3A_186, %dma_start3A_187] : memref<10240x128xf32, #tpu.memory_space<vmem_shared>> -> memref<10240x128xf32, #tpu.memory_space<vmem_shared>>
        tpu.enqueue_indirect_dma source(%arg8 : memref<128x128xf32, #tpu.memory_space<vmem>>) target(%dma_start3A_188 : memref<10240x128xf32, #tpu.memory_space<vmem_shared>>) offsets(%dma_start3A_185 : memref<128xi32, #tpu.memory_space<vmem>>) semaphore(%run_scoped3A_182 : memref<!tpu.dma_semaphore, #tpu.memory_space<semaphore_mem>>) {add = true}
        %dma_wait3A_189 = arith.constant 0 : i32
        %dma_wait3A_190 = tpu.memref_slice %arg7[%run_scoped3A_143, %dma_wait3A_189] : memref<8x128xi32, #tpu.memory_space<vmem>> -> memref<1x128xi32, #tpu.memory_space<vmem>>
        %dma_wait3A_191 = tpu.memref_squeeze %dma_wait3A_190 : memref<1x128xi32, #tpu.memory_space<vmem>> -> memref<128xi32, #tpu.memory_space<vmem>>
        %dma_wait3A_192 = arith.constant 0 : i32
        %dma_wait3A_193 = arith.constant 0 : i32
        %dma_wait3A_194 = tpu.memref_slice %arg10[%dma_wait3A_192, %dma_wait3A_193] : memref<10240x128xf32, #tpu.memory_space<vmem_shared>> -> memref<10240x128xf32, #tpu.memory_space<vmem_shared>>
        tpu.wait_indirect_dma semaphore(%run_scoped3A_182 : memref<!tpu.dma_semaphore, #tpu.memory_space<semaphore_mem>>) src(%arg8 : memref<128x128xf32, #tpu.memory_space<vmem>>) dst(%dma_wait3A_194 : memref<10240x128xf32, #tpu.memory_space<vmem_shared>>)
        tpu.yield
      }) : () -> ()
      %dma_start3A_144 = arith.constant 6 : i32
      %dma_start3A_145 = arith.constant 0 : i32
      %dma_start3A_146 = tpu.memref_slice %arg6[%dma_start3A_144, %dma_start3A_145] : memref<8x128xi32, #tpu.memory_space<vmem>> -> memref<1x128xi32, #tpu.memory_space<vmem>>
      %dma_start3A_147 = tpu.memref_squeeze %dma_start3A_146 : memref<1x128xi32, #tpu.memory_space<vmem>> -> memref<128xi32, #tpu.memory_space<vmem>>
      %dma_start3A_148 = arith.constant 0 : i32
      %dma_start3A_149 = arith.constant 0 : i32
      %dma_start3A_150 = tpu.memref_slice %arg2[%dma_start3A_148, %dma_start3A_149] : memref<10240x128xf32, #tpu.memory_space<hbm>> -> memref<10240x128xf32, #tpu.memory_space<hbm>>
      tpu.enqueue_indirect_dma source(%dma_start3A_150 : memref<10240x128xf32, #tpu.memory_space<hbm>>) target(%arg8 : memref<128x128xf32, #tpu.memory_space<vmem>>) offsets(%dma_start3A_147 : memref<128xi32, #tpu.memory_space<vmem>>) semaphore(%arg11 : memref<!tpu.dma_semaphore, #tpu.memory_space<semaphore_mem>>)
      %dma_wait3A_151 = arith.constant 5 : i32
      %dma_wait3A_152 = arith.constant 0 : i32
      %dma_wait3A_153 = tpu.memref_slice %arg6[%dma_wait3A_151, %dma_wait3A_152] : memref<8x128xi32, #tpu.memory_space<vmem>> -> memref<1x128xi32, #tpu.memory_space<vmem>>
      %dma_wait3A_154 = tpu.memref_squeeze %dma_wait3A_153 : memref<1x128xi32, #tpu.memory_space<vmem>> -> memref<128xi32, #tpu.memory_space<vmem>>
      %dma_wait3A_155 = arith.constant 0 : i32
      %dma_wait3A_156 = arith.constant 0 : i32
      %dma_wait3A_157 = tpu.memref_slice %arg2[%dma_wait3A_155, %dma_wait3A_156] : memref<10240x128xf32, #tpu.memory_space<hbm>> -> memref<10240x128xf32, #tpu.memory_space<hbm>>
      tpu.wait_indirect_dma semaphore(%arg12 : memref<!tpu.dma_semaphore, #tpu.memory_space<semaphore_mem>>) src(%dma_wait3A_157 : memref<10240x128xf32, #tpu.memory_space<hbm>>) dst(%arg9 : memref<128x128xf32, #tpu.memory_space<vmem>>)
      %run_scoped3A_158 = arith.constant 5 : i32
      "tpu.region"() ({
        %run_scoped3A_182 = tpu.sem_alloc : memref<!tpu.dma_semaphore, #tpu.memory_space<semaphore_mem>>
        %dma_start3A_183 = arith.constant 0 : i32
        %dma_start3A_184 = tpu.memref_slice %arg7[%run_scoped3A_158, %dma_start3A_183] : memref<8x128xi32, #tpu.memory_space<vmem>> -> memref<1x128xi32, #tpu.memory_space<vmem>>
        %dma_start3A_185 = tpu.memref_squeeze %dma_start3A_184 : memref<1x128xi32, #tpu.memory_space<vmem>> -> memref<128xi32, #tpu.memory_space<vmem>>
        %dma_start3A_186 = arith.constant 0 : i32
        %dma_start3A_187 = arith.constant 0 : i32
        %dma_start3A_188 = tpu.memref_slice %arg10[%dma_start3A_186, %dma_start3A_187] : memref<10240x128xf32, #tpu.memory_space<vmem_shared>> -> memref<10240x128xf32, #tpu.memory_space<vmem_shared>>
        tpu.enqueue_indirect_dma source(%arg9 : memref<128x128xf32, #tpu.memory_space<vmem>>) target(%dma_start3A_188 : memref<10240x128xf32, #tpu.memory_space<vmem_shared>>) offsets(%dma_start3A_185 : memref<128xi32, #tpu.memory_space<vmem>>) semaphore(%run_scoped3A_182 : memref<!tpu.dma_semaphore, #tpu.memory_space<semaphore_mem>>) {add = true}
        %dma_wait3A_189 = arith.constant 0 : i32
        %dma_wait3A_190 = tpu.memref_slice %arg7[%run_scoped3A_158, %dma_wait3A_189] : memref<8x128xi32, #tpu.memory_space<vmem>> -> memref<1x128xi32, #tpu.memory_space<vmem>>
        %dma_wait3A_191 = tpu.memref_squeeze %dma_wait3A_190 : memref<1x128xi32, #tpu.memory_space<vmem>> -> memref<128xi32, #tpu.memory_space<vmem>>
        %dma_wait3A_192 = arith.constant 0 : i32
        %dma_wait3A_193 = arith.constant 0 : i32
        %dma_wait3A_194 = tpu.memref_slice %arg10[%dma_wait3A_192, %dma_wait3A_193] : memref<10240x128xf32, #tpu.memory_space<vmem_shared>> -> memref<10240x128xf32, #tpu.memory_space<vmem_shared>>
        tpu.wait_indirect_dma semaphore(%run_scoped3A_182 : memref<!tpu.dma_semaphore, #tpu.memory_space<semaphore_mem>>) src(%arg9 : memref<128x128xf32, #tpu.memory_space<vmem>>) dst(%dma_wait3A_194 : memref<10240x128xf32, #tpu.memory_space<vmem_shared>>)
        tpu.yield
      }) : () -> ()
      %dma_start3A_159 = arith.constant 7 : i32
      %dma_start3A_160 = arith.constant 0 : i32
      %dma_start3A_161 = tpu.memref_slice %arg6[%dma_start3A_159, %dma_start3A_160] : memref<8x128xi32, #tpu.memory_space<vmem>> -> memref<1x128xi32, #tpu.memory_space<vmem>>
      %dma_start3A_162 = tpu.memref_squeeze %dma_start3A_161 : memref<1x128xi32, #tpu.memory_space<vmem>> -> memref<128xi32, #tpu.memory_space<vmem>>
      %dma_start3A_163 = arith.constant 0 : i32
      %dma_start3A_164 = arith.constant 0 : i32
      %dma_start3A_165 = tpu.memref_slice %arg2[%dma_start3A_163, %dma_start3A_164] : memref<10240x128xf32, #tpu.memory_space<hbm>> -> memref<10240x128xf32, #tpu.memory_space<hbm>>
      tpu.enqueue_indirect_dma source(%dma_start3A_165 : memref<10240x128xf32, #tpu.memory_space<hbm>>) target(%arg9 : memref<128x128xf32, #tpu.memory_space<vmem>>) offsets(%dma_start3A_162 : memref<128xi32, #tpu.memory_space<vmem>>) semaphore(%arg12 : memref<!tpu.dma_semaphore, #tpu.memory_space<semaphore_mem>>)
      %dma_wait3A_166 = arith.constant 6 : i32
      %dma_wait3A_167 = arith.constant 0 : i32
      %dma_wait3A_168 = tpu.memref_slice %arg6[%dma_wait3A_166, %dma_wait3A_167] : memref<8x128xi32, #tpu.memory_space<vmem>> -> memref<1x128xi32, #tpu.memory_space<vmem>>
      %dma_wait3A_169 = tpu.memref_squeeze %dma_wait3A_168 : memref<1x128xi32, #tpu.memory_space<vmem>> -> memref<128xi32, #tpu.memory_space<vmem>>
      %dma_wait3A_170 = arith.constant 0 : i32
      %dma_wait3A_171 = arith.constant 0 : i32
      %dma_wait3A_172 = tpu.memref_slice %arg2[%dma_wait3A_170, %dma_wait3A_171] : memref<10240x128xf32, #tpu.memory_space<hbm>> -> memref<10240x128xf32, #tpu.memory_space<hbm>>
      tpu.wait_indirect_dma semaphore(%arg11 : memref<!tpu.dma_semaphore, #tpu.memory_space<semaphore_mem>>) src(%dma_wait3A_172 : memref<10240x128xf32, #tpu.memory_space<hbm>>) dst(%arg8 : memref<128x128xf32, #tpu.memory_space<vmem>>)
      %run_scoped3A_173 = arith.constant 6 : i32
      "tpu.region"() ({
        %run_scoped3A_182 = tpu.sem_alloc : memref<!tpu.dma_semaphore, #tpu.memory_space<semaphore_mem>>
        %dma_start3A_183 = arith.constant 0 : i32
        %dma_start3A_184 = tpu.memref_slice %arg7[%run_scoped3A_173, %dma_start3A_183] : memref<8x128xi32, #tpu.memory_space<vmem>> -> memref<1x128xi32, #tpu.memory_space<vmem>>
        %dma_start3A_185 = tpu.memref_squeeze %dma_start3A_184 : memref<1x128xi32, #tpu.memory_space<vmem>> -> memref<128xi32, #tpu.memory_space<vmem>>
        %dma_start3A_186 = arith.constant 0 : i32
        %dma_start3A_187 = arith.constant 0 : i32
        %dma_start3A_188 = tpu.memref_slice %arg10[%dma_start3A_186, %dma_start3A_187] : memref<10240x128xf32, #tpu.memory_space<vmem_shared>> -> memref<10240x128xf32, #tpu.memory_space<vmem_shared>>
        tpu.enqueue_indirect_dma source(%arg8 : memref<128x128xf32, #tpu.memory_space<vmem>>) target(%dma_start3A_188 : memref<10240x128xf32, #tpu.memory_space<vmem_shared>>) offsets(%dma_start3A_185 : memref<128xi32, #tpu.memory_space<vmem>>) semaphore(%run_scoped3A_182 : memref<!tpu.dma_semaphore, #tpu.memory_space<semaphore_mem>>) {add = true}
        %dma_wait3A_189 = arith.constant 0 : i32
        %dma_wait3A_190 = tpu.memref_slice %arg7[%run_scoped3A_173, %dma_wait3A_189] : memref<8x128xi32, #tpu.memory_space<vmem>> -> memref<1x128xi32, #tpu.memory_space<vmem>>
        %dma_wait3A_191 = tpu.memref_squeeze %dma_wait3A_190 : memref<1x128xi32, #tpu.memory_space<vmem>> -> memref<128xi32, #tpu.memory_space<vmem>>
        %dma_wait3A_192 = arith.constant 0 : i32
        %dma_wait3A_193 = arith.constant 0 : i32
        %dma_wait3A_194 = tpu.memref_slice %arg10[%dma_wait3A_192, %dma_wait3A_193] : memref<10240x128xf32, #tpu.memory_space<vmem_shared>> -> memref<10240x128xf32, #tpu.memory_space<vmem_shared>>
        tpu.wait_indirect_dma semaphore(%run_scoped3A_182 : memref<!tpu.dma_semaphore, #tpu.memory_space<semaphore_mem>>) src(%arg8 : memref<128x128xf32, #tpu.memory_space<vmem>>) dst(%dma_wait3A_194 : memref<10240x128xf32, #tpu.memory_space<vmem_shared>>)
        tpu.yield
      }) : () -> ()
      %dma_wait3A_174 = arith.constant 7 : i32
      %dma_wait3A_175 = arith.constant 0 : i32
      %dma_wait3A_176 = tpu.memref_slice %arg6[%dma_wait3A_174, %dma_wait3A_175] : memref<8x128xi32, #tpu.memory_space<vmem>> -> memref<1x128xi32, #tpu.memory_space<vmem>>
      %dma_wait3A_177 = tpu.memref_squeeze %dma_wait3A_176 : memref<1x128xi32, #tpu.memory_space<vmem>> -> memref<128xi32, #tpu.memory_space<vmem>>
      %dma_wait3A_178 = arith.constant 0 : i32
      %dma_wait3A_179 = arith.constant 0 : i32
      %dma_wait3A_180 = tpu.memref_slice %arg2[%dma_wait3A_178, %dma_wait3A_179] : memref<10240x128xf32, #tpu.memory_space<hbm>> -> memref<10240x128xf32, #tpu.memory_space<hbm>>
      tpu.wait_indirect_dma semaphore(%arg12 : memref<!tpu.dma_semaphore, #tpu.memory_space<semaphore_mem>>) src(%dma_wait3A_180 : memref<10240x128xf32, #tpu.memory_space<hbm>>) dst(%arg9 : memref<128x128xf32, #tpu.memory_space<vmem>>)
      %run_scoped3A_181 = arith.constant 7 : i32
      "tpu.region"() ({
        %run_scoped3A_182 = tpu.sem_alloc : memref<!tpu.dma_semaphore, #tpu.memory_space<semaphore_mem>>
        %dma_start3A_183 = arith.constant 0 : i32
        %dma_start3A_184 = tpu.memref_slice %arg7[%run_scoped3A_181, %dma_start3A_183] : memref<8x128xi32, #tpu.memory_space<vmem>> -> memref<1x128xi32, #tpu.memory_space<vmem>>
        %dma_start3A_185 = tpu.memref_squeeze %dma_start3A_184 : memref<1x128xi32, #tpu.memory_space<vmem>> -> memref<128xi32, #tpu.memory_space<vmem>>
        %dma_start3A_186 = arith.constant 0 : i32
        %dma_start3A_187 = arith.constant 0 : i32
        %dma_start3A_188 = tpu.memref_slice %arg10[%dma_start3A_186, %dma_start3A_187] : memref<10240x128xf32, #tpu.memory_space<vmem_shared>> -> memref<10240x128xf32, #tpu.memory_space<vmem_shared>>
        tpu.enqueue_indirect_dma source(%arg9 : memref<128x128xf32, #tpu.memory_space<vmem>>) target(%dma_start3A_188 : memref<10240x128xf32, #tpu.memory_space<vmem_shared>>) offsets(%dma_start3A_185 : memref<128xi32, #tpu.memory_space<vmem>>) semaphore(%run_scoped3A_182 : memref<!tpu.dma_semaphore, #tpu.memory_space<semaphore_mem>>) {add = true}
        %dma_wait3A_189 = arith.constant 0 : i32
        %dma_wait3A_190 = tpu.memref_slice %arg7[%run_scoped3A_181, %dma_wait3A_189] : memref<8x128xi32, #tpu.memory_space<vmem>> -> memref<1x128xi32, #tpu.memory_space<vmem>>
        %dma_wait3A_191 = tpu.memref_squeeze %dma_wait3A_190 : memref<1x128xi32, #tpu.memory_space<vmem>> -> memref<128xi32, #tpu.memory_space<vmem>>
        %dma_wait3A_192 = arith.constant 0 : i32
        %dma_wait3A_193 = arith.constant 0 : i32
        %dma_wait3A_194 = tpu.memref_slice %arg10[%dma_wait3A_192, %dma_wait3A_193] : memref<10240x128xf32, #tpu.memory_space<vmem_shared>> -> memref<10240x128xf32, #tpu.memory_space<vmem_shared>>
        tpu.wait_indirect_dma semaphore(%run_scoped3A_182 : memref<!tpu.dma_semaphore, #tpu.memory_space<semaphore_mem>>) src(%arg9 : memref<128x128xf32, #tpu.memory_space<vmem>>) dst(%dma_wait3A_194 : memref<10240x128xf32, #tpu.memory_space<vmem_shared>>)
        tpu.yield
      }) : () -> ()
    }
    %while3A_56 = arith.constant 1 : i32
    scf.for %while3A_58 = %while3A_54 to %while3A_50 step %while3A_56  : i32 {
      %add3A_59 = arith.addi %add3A_23, %while3A_58 : i32
      %mul3A_60 = arith.constant 8 : i32
      %mul3A_61 = arith.muli %add3A_59, %mul3A_60 : i32
      "tpu.region"() ({
        %run_scoped3A_182 = tpu.sem_alloc : memref<!tpu.dma_semaphore, #tpu.memory_space<semaphore_mem>>
        %dma_start3A_183 = arith.constant 0 : i32
        %dma_start3A_184 = tpu.memref_slice %arg3[%mul3A_61, %dma_start3A_183] : memref<2560x128xi32, #tpu.memory_space<hbm>> -> memref<8x128xi32, #tpu.memory_space<hbm>>
        %dma_start3A_185 = arith.constant 0 : i32
        %dma_start3A_186 = tpu.memref_slice %arg3[%mul3A_61, %dma_start3A_185] : memref<2560x128xi32, #tpu.memory_space<hbm>> -> memref<8x128xi32, #tpu.memory_space<hbm>>
        tpu.enqueue_dma source(%dma_start3A_186 : memref<8x128xi32, #tpu.memory_space<hbm>>) target(%arg6 : memref<8x128xi32, #tpu.memory_space<vmem>>) target_semaphore(%run_scoped3A_182 : memref<!tpu.dma_semaphore, #tpu.memory_space<semaphore_mem>>)
        %dma_wait3A_187 = arith.constant 0 : i32
        %dma_wait3A_188 = tpu.memref_slice %arg3[%mul3A_61, %dma_wait3A_187] : memref<2560x128xi32, #tpu.memory_space<hbm>> -> memref<8x128xi32, #tpu.memory_space<hbm>>
        %dma_wait3A_189 = arith.constant 0 : i32
        %dma_wait3A_190 = tpu.memref_slice %arg3[%mul3A_61, %dma_wait3A_189] : memref<2560x128xi32, #tpu.memory_space<hbm>> -> memref<8x128xi32, #tpu.memory_space<hbm>>
        tpu.wait_dma2 semaphore(%run_scoped3A_182 : memref<!tpu.dma_semaphore, #tpu.memory_space<semaphore_mem>>) src(%dma_wait3A_190 : memref<8x128xi32, #tpu.memory_space<hbm>>) dst(%arg6 : memref<8x128xi32, #tpu.memory_space<vmem>>)
        tpu.yield
      }) : () -> ()
      %add3A_62 = arith.addi %add3A_23, %while3A_58 : i32
      %mul3A_63 = arith.constant 8 : i32
      %mul3A_64 = arith.muli %add3A_62, %mul3A_63 : i32
      "tpu.region"() ({
        %run_scoped3A_182 = tpu.sem_alloc : memref<!tpu.dma_semaphore, #tpu.memory_space<semaphore_mem>>
        %dma_start3A_183 = arith.constant 0 : i32
        %dma_start3A_184 = tpu.memref_slice %arg4[%mul3A_64, %dma_start3A_183] : memref<2560x128xi32, #tpu.memory_space<hbm>> -> memref<8x128xi32, #tpu.memory_space<hbm>>
        %dma_start3A_185 = arith.constant 0 : i32
        %dma_start3A_186 = tpu.memref_slice %arg4[%mul3A_64, %dma_start3A_185] : memref<2560x128xi32, #tpu.memory_space<hbm>> -> memref<8x128xi32, #tpu.memory_space<hbm>>
        tpu.enqueue_dma source(%dma_start3A_186 : memref<8x128xi32, #tpu.memory_space<hbm>>) target(%arg7 : memref<8x128xi32, #tpu.memory_space<vmem>>) target_semaphore(%run_scoped3A_182 : memref<!tpu.dma_semaphore, #tpu.memory_space<semaphore_mem>>)
        %dma_wait3A_187 = arith.constant 0 : i32
        %dma_wait3A_188 = tpu.memref_slice %arg4[%mul3A_64, %dma_wait3A_187] : memref<2560x128xi32, #tpu.memory_space<hbm>> -> memref<8x128xi32, #tpu.memory_space<hbm>>
        %dma_wait3A_189 = arith.constant 0 : i32
        %dma_wait3A_190 = tpu.memref_slice %arg4[%mul3A_64, %dma_wait3A_189] : memref<2560x128xi32, #tpu.memory_space<hbm>> -> memref<8x128xi32, #tpu.memory_space<hbm>>
        tpu.wait_dma2 semaphore(%run_scoped3A_182 : memref<!tpu.dma_semaphore, #tpu.memory_space<semaphore_mem>>) src(%dma_wait3A_190 : memref<8x128xi32, #tpu.memory_space<hbm>>) dst(%arg7 : memref<8x128xi32, #tpu.memory_space<vmem>>)
        tpu.yield
      }) : () -> ()
      %dma_start3A = arith.constant 0 : i32
      %dma_start3A_65 = arith.constant 0 : i32
      %dma_start3A_66 = tpu.memref_slice %arg6[%dma_start3A, %dma_start3A_65] : memref<8x128xi32, #tpu.memory_space<vmem>> -> memref<1x128xi32, #tpu.memory_space<vmem>>
      %dma_start3A_67 = tpu.memref_squeeze %dma_start3A_66 : memref<1x128xi32, #tpu.memory_space<vmem>> -> memref<128xi32, #tpu.memory_space<vmem>>
      %dma_start3A_68 = arith.constant 0 : i32
      %dma_start3A_69 = arith.constant 0 : i32
      %dma_start3A_70 = tpu.memref_slice %arg2[%dma_start3A_68, %dma_start3A_69] : memref<10240x128xf32, #tpu.memory_space<hbm>> -> memref<10240x128xf32, #tpu.memory_space<hbm>>
      tpu.enqueue_indirect_dma source(%dma_start3A_70 : memref<10240x128xf32, #tpu.memory_space<hbm>>) target(%arg8 : memref<128x128xf32, #tpu.memory_space<vmem>>) offsets(%dma_start3A_67 : memref<128xi32, #tpu.memory_space<vmem>>) semaphore(%arg11 : memref<!tpu.dma_semaphore, #tpu.memory_space<semaphore_mem>>)
      %dma_start3A_71 = arith.constant 1 : i32
      %dma_start3A_72 = arith.constant 0 : i32
      %dma_start3A_73 = tpu.memref_slice %arg6[%dma_start3A_71, %dma_start3A_72] : memref<8x128xi32, #tpu.memory_space<vmem>> -> memref<1x128xi32, #tpu.memory_space<vmem>>
      %dma_start3A_74 = tpu.memref_squeeze %dma_start3A_73 : memref<1x128xi32, #tpu.memory_space<vmem>> -> memref<128xi32, #tpu.memory_space<vmem>>
      %dma_start3A_75 = arith.constant 0 : i32
      %dma_start3A_76 = arith.constant 0 : i32
      %dma_start3A_77 = tpu.memref_slice %arg2[%dma_start3A_75, %dma_start3A_76] : memref<10240x128xf32, #tpu.memory_space<hbm>> -> memref<10240x128xf32, #tpu.memory_space<hbm>>
      tpu.enqueue_indirect_dma source(%dma_start3A_77 : memref<10240x128xf32, #tpu.memory_space<hbm>>) target(%arg9 : memref<128x128xf32, #tpu.memory_space<vmem>>) offsets(%dma_start3A_74 : memref<128xi32, #tpu.memory_space<vmem>>) semaphore(%arg12 : memref<!tpu.dma_semaphore, #tpu.memory_space<semaphore_mem>>)
      %dma_wait3A = arith.constant 0 : i32
      %dma_wait3A_78 = arith.constant 0 : i32
      %dma_wait3A_79 = tpu.memref_slice %arg6[%dma_wait3A, %dma_wait3A_78] : memref<8x128xi32, #tpu.memory_space<vmem>> -> memref<1x128xi32, #tpu.memory_space<vmem>>
      %dma_wait3A_80 = tpu.memref_squeeze %dma_wait3A_79 : memref<1x128xi32, #tpu.memory_space<vmem>> -> memref<128xi32, #tpu.memory_space<vmem>>
      %dma_wait3A_81 = arith.constant 0 : i32
      %dma_wait3A_82 = arith.constant 0 : i32
      %dma_wait3A_83 = tpu.memref_slice %arg2[%dma_wait3A_81, %dma_wait3A_82] : memref<10240x128xf32, #tpu.memory_space<hbm>> -> memref<10240x128xf32, #tpu.memory_space<hbm>>
      tpu.wait_indirect_dma semaphore(%arg11 : memref<!tpu.dma_semaphore, #tpu.memory_space<semaphore_mem>>) src(%dma_wait3A_83 : memref<10240x128xf32, #tpu.memory_space<hbm>>) dst(%arg8 : memref<128x128xf32, #tpu.memory_space<vmem>>)
      %run_scoped3A = arith.constant 0 : i32
      "tpu.region"() ({
        %run_scoped3A_182 = tpu.sem_alloc : memref<!tpu.dma_semaphore, #tpu.memory_space<semaphore_mem>>
        %dma_start3A_183 = arith.constant 0 : i32
        %dma_start3A_184 = tpu.memref_slice %arg7[%run_scoped3A, %dma_start3A_183] : memref<8x128xi32, #tpu.memory_space<vmem>> -> memref<1x128xi32, #tpu.memory_space<vmem>>
        %dma_start3A_185 = tpu.memref_squeeze %dma_start3A_184 : memref<1x128xi32, #tpu.memory_space<vmem>> -> memref<128xi32, #tpu.memory_space<vmem>>
        %dma_start3A_186 = arith.constant 0 : i32
        %dma_start3A_187 = arith.constant 0 : i32
        %dma_start3A_188 = tpu.memref_slice %arg10[%dma_start3A_186, %dma_start3A_187] : memref<10240x128xf32, #tpu.memory_space<vmem_shared>> -> memref<10240x128xf32, #tpu.memory_space<vmem_shared>>
        tpu.enqueue_indirect_dma source(%arg8 : memref<128x128xf32, #tpu.memory_space<vmem>>) target(%dma_start3A_188 : memref<10240x128xf32, #tpu.memory_space<vmem_shared>>) offsets(%dma_start3A_185 : memref<128xi32, #tpu.memory_space<vmem>>) semaphore(%run_scoped3A_182 : memref<!tpu.dma_semaphore, #tpu.memory_space<semaphore_mem>>) {add = true}
        %dma_wait3A_189 = arith.constant 0 : i32
        %dma_wait3A_190 = tpu.memref_slice %arg7[%run_scoped3A, %dma_wait3A_189] : memref<8x128xi32, #tpu.memory_space<vmem>> -> memref<1x128xi32, #tpu.memory_space<vmem>>
        %dma_wait3A_191 = tpu.memref_squeeze %dma_wait3A_190 : memref<1x128xi32, #tpu.memory_space<vmem>> -> memref<128xi32, #tpu.memory_space<vmem>>
        %dma_wait3A_192 = arith.constant 0 : i32
        %dma_wait3A_193 = arith.constant 0 : i32
        %dma_wait3A_194 = tpu.memref_slice %arg10[%dma_wait3A_192, %dma_wait3A_193] : memref<10240x128xf32, #tpu.memory_space<vmem_shared>> -> memref<10240x128xf32, #tpu.memory_space<vmem_shared>>
        tpu.wait_indirect_dma semaphore(%run_scoped3A_182 : memref<!tpu.dma_semaphore, #tpu.memory_space<semaphore_mem>>) src(%arg8 : memref<128x128xf32, #tpu.memory_space<vmem>>) dst(%dma_wait3A_194 : memref<10240x128xf32, #tpu.memory_space<vmem_shared>>)
        tpu.yield
      }) : () -> ()
      %dma_start3A_84 = arith.constant 2 : i32
      %dma_start3A_85 = arith.constant 0 : i32
      %dma_start3A_86 = tpu.memref_slice %arg6[%dma_start3A_84, %dma_start3A_85] : memref<8x128xi32, #tpu.memory_space<vmem>> -> memref<1x128xi32, #tpu.memory_space<vmem>>
      %dma_start3A_87 = tpu.memref_squeeze %dma_start3A_86 : memref<1x128xi32, #tpu.memory_space<vmem>> -> memref<128xi32, #tpu.memory_space<vmem>>
      %dma_start3A_88 = arith.constant 0 : i32
      %dma_start3A_89 = arith.constant 0 : i32
      %dma_start3A_90 = tpu.memref_slice %arg2[%dma_start3A_88, %dma_start3A_89] : memref<10240x128xf32, #tpu.memory_space<hbm>> -> memref<10240x128xf32, #tpu.memory_space<hbm>>
      tpu.enqueue_indirect_dma source(%dma_start3A_90 : memref<10240x128xf32, #tpu.memory_space<hbm>>) target(%arg8 : memref<128x128xf32, #tpu.memory_space<vmem>>) offsets(%dma_start3A_87 : memref<128xi32, #tpu.memory_space<vmem>>) semaphore(%arg11 : memref<!tpu.dma_semaphore, #tpu.memory_space<semaphore_mem>>)
      %dma_wait3A_91 = arith.constant 1 : i32
      %dma_wait3A_92 = arith.constant 0 : i32
      %dma_wait3A_93 = tpu.memref_slice %arg6[%dma_wait3A_91, %dma_wait3A_92] : memref<8x128xi32, #tpu.memory_space<vmem>> -> memref<1x128xi32, #tpu.memory_space<vmem>>
      %dma_wait3A_94 = tpu.memref_squeeze %dma_wait3A_93 : memref<1x128xi32, #tpu.memory_space<vmem>> -> memref<128xi32, #tpu.memory_space<vmem>>
      %dma_wait3A_95 = arith.constant 0 : i32
      %dma_wait3A_96 = arith.constant 0 : i32
      %dma_wait3A_97 = tpu.memref_slice %arg2[%dma_wait3A_95, %dma_wait3A_96] : memref<10240x128xf32, #tpu.memory_space<hbm>> -> memref<10240x128xf32, #tpu.memory_space<hbm>>
      tpu.wait_indirect_dma semaphore(%arg12 : memref<!tpu.dma_semaphore, #tpu.memory_space<semaphore_mem>>) src(%dma_wait3A_97 : memref<10240x128xf32, #tpu.memory_space<hbm>>) dst(%arg9 : memref<128x128xf32, #tpu.memory_space<vmem>>)
      %run_scoped3A_98 = arith.constant 1 : i32
      "tpu.region"() ({
        %run_scoped3A_182 = tpu.sem_alloc : memref<!tpu.dma_semaphore, #tpu.memory_space<semaphore_mem>>
        %dma_start3A_183 = arith.constant 0 : i32
        %dma_start3A_184 = tpu.memref_slice %arg7[%run_scoped3A_98, %dma_start3A_183] : memref<8x128xi32, #tpu.memory_space<vmem>> -> memref<1x128xi32, #tpu.memory_space<vmem>>
        %dma_start3A_185 = tpu.memref_squeeze %dma_start3A_184 : memref<1x128xi32, #tpu.memory_space<vmem>> -> memref<128xi32, #tpu.memory_space<vmem>>
        %dma_start3A_186 = arith.constant 0 : i32
        %dma_start3A_187 = arith.constant 0 : i32
        %dma_start3A_188 = tpu.memref_slice %arg10[%dma_start3A_186, %dma_start3A_187] : memref<10240x128xf32, #tpu.memory_space<vmem_shared>> -> memref<10240x128xf32, #tpu.memory_space<vmem_shared>>
        tpu.enqueue_indirect_dma source(%arg9 : memref<128x128xf32, #tpu.memory_space<vmem>>) target(%dma_start3A_188 : memref<10240x128xf32, #tpu.memory_space<vmem_shared>>) offsets(%dma_start3A_185 : memref<128xi32, #tpu.memory_space<vmem>>) semaphore(%run_scoped3A_182 : memref<!tpu.dma_semaphore, #tpu.memory_space<semaphore_mem>>) {add = true}
        %dma_wait3A_189 = arith.constant 0 : i32
        %dma_wait3A_190 = tpu.memref_slice %arg7[%run_scoped3A_98, %dma_wait3A_189] : memref<8x128xi32, #tpu.memory_space<vmem>> -> memref<1x128xi32, #tpu.memory_space<vmem>>
        %dma_wait3A_191 = tpu.memref_squeeze %dma_wait3A_190 : memref<1x128xi32, #tpu.memory_space<vmem>> -> memref<128xi32, #tpu.memory_space<vmem>>
        %dma_wait3A_192 = arith.constant 0 : i32
        %dma_wait3A_193 = arith.constant 0 : i32
        %dma_wait3A_194 = tpu.memref_slice %arg10[%dma_wait3A_192, %dma_wait3A_193] : memref<10240x128xf32, #tpu.memory_space<vmem_shared>> -> memref<10240x128xf32, #tpu.memory_space<vmem_shared>>
        tpu.wait_indirect_dma semaphore(%run_scoped3A_182 : memref<!tpu.dma_semaphore, #tpu.memory_space<semaphore_mem>>) src(%arg9 : memref<128x128xf32, #tpu.memory_space<vmem>>) dst(%dma_wait3A_194 : memref<10240x128xf32, #tpu.memory_space<vmem_shared>>)
        tpu.yield
      }) : () -> ()
      %dma_start3A_99 = arith.constant 3 : i32
      %dma_start3A_100 = arith.constant 0 : i32
      %dma_start3A_101 = tpu.memref_slice %arg6[%dma_start3A_99, %dma_start3A_100] : memref<8x128xi32, #tpu.memory_space<vmem>> -> memref<1x128xi32, #tpu.memory_space<vmem>>
      %dma_start3A_102 = tpu.memref_squeeze %dma_start3A_101 : memref<1x128xi32, #tpu.memory_space<vmem>> -> memref<128xi32, #tpu.memory_space<vmem>>
      %dma_start3A_103 = arith.constant 0 : i32
      %dma_start3A_104 = arith.constant 0 : i32
      %dma_start3A_105 = tpu.memref_slice %arg2[%dma_start3A_103, %dma_start3A_104] : memref<10240x128xf32, #tpu.memory_space<hbm>> -> memref<10240x128xf32, #tpu.memory_space<hbm>>
      tpu.enqueue_indirect_dma source(%dma_start3A_105 : memref<10240x128xf32, #tpu.memory_space<hbm>>) target(%arg9 : memref<128x128xf32, #tpu.memory_space<vmem>>) offsets(%dma_start3A_102 : memref<128xi32, #tpu.memory_space<vmem>>) semaphore(%arg12 : memref<!tpu.dma_semaphore, #tpu.memory_space<semaphore_mem>>)
      %dma_wait3A_106 = arith.constant 2 : i32
      %dma_wait3A_107 = arith.constant 0 : i32
      %dma_wait3A_108 = tpu.memref_slice %arg6[%dma_wait3A_106, %dma_wait3A_107] : memref<8x128xi32, #tpu.memory_space<vmem>> -> memref<1x128xi32, #tpu.memory_space<vmem>>
      %dma_wait3A_109 = tpu.memref_squeeze %dma_wait3A_108 : memref<1x128xi32, #tpu.memory_space<vmem>> -> memref<128xi32, #tpu.memory_space<vmem>>
      %dma_wait3A_110 = arith.constant 0 : i32
      %dma_wait3A_111 = arith.constant 0 : i32
      %dma_wait3A_112 = tpu.memref_slice %arg2[%dma_wait3A_110, %dma_wait3A_111] : memref<10240x128xf32, #tpu.memory_space<hbm>> -> memref<10240x128xf32, #tpu.memory_space<hbm>>
      tpu.wait_indirect_dma semaphore(%arg11 : memref<!tpu.dma_semaphore, #tpu.memory_space<semaphore_mem>>) src(%dma_wait3A_112 : memref<10240x128xf32, #tpu.memory_space<hbm>>) dst(%arg8 : memref<128x128xf32, #tpu.memory_space<vmem>>)
      %run_scoped3A_113 = arith.constant 2 : i32
      "tpu.region"() ({
        %run_scoped3A_182 = tpu.sem_alloc : memref<!tpu.dma_semaphore, #tpu.memory_space<semaphore_mem>>
        %dma_start3A_183 = arith.constant 0 : i32
        %dma_start3A_184 = tpu.memref_slice %arg7[%run_scoped3A_113, %dma_start3A_183] : memref<8x128xi32, #tpu.memory_space<vmem>> -> memref<1x128xi32, #tpu.memory_space<vmem>>
        %dma_start3A_185 = tpu.memref_squeeze %dma_start3A_184 : memref<1x128xi32, #tpu.memory_space<vmem>> -> memref<128xi32, #tpu.memory_space<vmem>>
        %dma_start3A_186 = arith.constant 0 : i32
        %dma_start3A_187 = arith.constant 0 : i32
        %dma_start3A_188 = tpu.memref_slice %arg10[%dma_start3A_186, %dma_start3A_187] : memref<10240x128xf32, #tpu.memory_space<vmem_shared>> -> memref<10240x128xf32, #tpu.memory_space<vmem_shared>>
        tpu.enqueue_indirect_dma source(%arg8 : memref<128x128xf32, #tpu.memory_space<vmem>>) target(%dma_start3A_188 : memref<10240x128xf32, #tpu.memory_space<vmem_shared>>) offsets(%dma_start3A_185 : memref<128xi32, #tpu.memory_space<vmem>>) semaphore(%run_scoped3A_182 : memref<!tpu.dma_semaphore, #tpu.memory_space<semaphore_mem>>) {add = true}
        %dma_wait3A_189 = arith.constant 0 : i32
        %dma_wait3A_190 = tpu.memref_slice %arg7[%run_scoped3A_113, %dma_wait3A_189] : memref<8x128xi32, #tpu.memory_space<vmem>> -> memref<1x128xi32, #tpu.memory_space<vmem>>
        %dma_wait3A_191 = tpu.memref_squeeze %dma_wait3A_190 : memref<1x128xi32, #tpu.memory_space<vmem>> -> memref<128xi32, #tpu.memory_space<vmem>>
        %dma_wait3A_192 = arith.constant 0 : i32
        %dma_wait3A_193 = arith.constant 0 : i32
        %dma_wait3A_194 = tpu.memref_slice %arg10[%dma_wait3A_192, %dma_wait3A_193] : memref<10240x128xf32, #tpu.memory_space<vmem_shared>> -> memref<10240x128xf32, #tpu.memory_space<vmem_shared>>
        tpu.wait_indirect_dma semaphore(%run_scoped3A_182 : memref<!tpu.dma_semaphore, #tpu.memory_space<semaphore_mem>>) src(%arg8 : memref<128x128xf32, #tpu.memory_space<vmem>>) dst(%dma_wait3A_194 : memref<10240x128xf32, #tpu.memory_space<vmem_shared>>)
        tpu.yield
      }) : () -> ()
      %dma_start3A_114 = arith.constant 4 : i32
      %dma_start3A_115 = arith.constant 0 : i32
      %dma_start3A_116 = tpu.memref_slice %arg6[%dma_start3A_114, %dma_start3A_115] : memref<8x128xi32, #tpu.memory_space<vmem>> -> memref<1x128xi32, #tpu.memory_space<vmem>>
      %dma_start3A_117 = tpu.memref_squeeze %dma_start3A_116 : memref<1x128xi32, #tpu.memory_space<vmem>> -> memref<128xi32, #tpu.memory_space<vmem>>
      %dma_start3A_118 = arith.constant 0 : i32
      %dma_start3A_119 = arith.constant 0 : i32
      %dma_start3A_120 = tpu.memref_slice %arg2[%dma_start3A_118, %dma_start3A_119] : memref<10240x128xf32, #tpu.memory_space<hbm>> -> memref<10240x128xf32, #tpu.memory_space<hbm>>
      tpu.enqueue_indirect_dma source(%dma_start3A_120 : memref<10240x128xf32, #tpu.memory_space<hbm>>) target(%arg8 : memref<128x128xf32, #tpu.memory_space<vmem>>) offsets(%dma_start3A_117 : memref<128xi32, #tpu.memory_space<vmem>>) semaphore(%arg11 : memref<!tpu.dma_semaphore, #tpu.memory_space<semaphore_mem>>)
      %dma_wait3A_121 = arith.constant 3 : i32
      %dma_wait3A_122 = arith.constant 0 : i32
      %dma_wait3A_123 = tpu.memref_slice %arg6[%dma_wait3A_121, %dma_wait3A_122] : memref<8x128xi32, #tpu.memory_space<vmem>> -> memref<1x128xi32, #tpu.memory_space<vmem>>
      %dma_wait3A_124 = tpu.memref_squeeze %dma_wait3A_123 : memref<1x128xi32, #tpu.memory_space<vmem>> -> memref<128xi32, #tpu.memory_space<vmem>>
      %dma_wait3A_125 = arith.constant 0 : i32
      %dma_wait3A_126 = arith.constant 0 : i32
      %dma_wait3A_127 = tpu.memref_slice %arg2[%dma_wait3A_125, %dma_wait3A_126] : memref<10240x128xf32, #tpu.memory_space<hbm>> -> memref<10240x128xf32, #tpu.memory_space<hbm>>
      tpu.wait_indirect_dma semaphore(%arg12 : memref<!tpu.dma_semaphore, #tpu.memory_space<semaphore_mem>>) src(%dma_wait3A_127 : memref<10240x128xf32, #tpu.memory_space<hbm>>) dst(%arg9 : memref<128x128xf32, #tpu.memory_space<vmem>>)
      %run_scoped3A_128 = arith.constant 3 : i32
      "tpu.region"() ({
        %run_scoped3A_182 = tpu.sem_alloc : memref<!tpu.dma_semaphore, #tpu.memory_space<semaphore_mem>>
        %dma_start3A_183 = arith.constant 0 : i32
        %dma_start3A_184 = tpu.memref_slice %arg7[%run_scoped3A_128, %dma_start3A_183] : memref<8x128xi32, #tpu.memory_space<vmem>> -> memref<1x128xi32, #tpu.memory_space<vmem>>
        %dma_start3A_185 = tpu.memref_squeeze %dma_start3A_184 : memref<1x128xi32, #tpu.memory_space<vmem>> -> memref<128xi32, #tpu.memory_space<vmem>>
        %dma_start3A_186 = arith.constant 0 : i32
        %dma_start3A_187 = arith.constant 0 : i32
        %dma_start3A_188 = tpu.memref_slice %arg10[%dma_start3A_186, %dma_start3A_187] : memref<10240x128xf32, #tpu.memory_space<vmem_shared>> -> memref<10240x128xf32, #tpu.memory_space<vmem_shared>>
        tpu.enqueue_indirect_dma source(%arg9 : memref<128x128xf32, #tpu.memory_space<vmem>>) target(%dma_start3A_188 : memref<10240x128xf32, #tpu.memory_space<vmem_shared>>) offsets(%dma_start3A_185 : memref<128xi32, #tpu.memory_space<vmem>>) semaphore(%run_scoped3A_182 : memref<!tpu.dma_semaphore, #tpu.memory_space<semaphore_mem>>) {add = true}
        %dma_wait3A_189 = arith.constant 0 : i32
        %dma_wait3A_190 = tpu.memref_slice %arg7[%run_scoped3A_128, %dma_wait3A_189] : memref<8x128xi32, #tpu.memory_space<vmem>> -> memref<1x128xi32, #tpu.memory_space<vmem>>
        %dma_wait3A_191 = tpu.memref_squeeze %dma_wait3A_190 : memref<1x128xi32, #tpu.memory_space<vmem>> -> memref<128xi32, #tpu.memory_space<vmem>>
        %dma_wait3A_192 = arith.constant 0 : i32
        %dma_wait3A_193 = arith.constant 0 : i32
        %dma_wait3A_194 = tpu.memref_slice %arg10[%dma_wait3A_192, %dma_wait3A_193] : memref<10240x128xf32, #tpu.memory_space<vmem_shared>> -> memref<10240x128xf32, #tpu.memory_space<vmem_shared>>
        tpu.wait_indirect_dma semaphore(%run_scoped3A_182 : memref<!tpu.dma_semaphore, #tpu.memory_space<semaphore_mem>>) src(%arg9 : memref<128x128xf32, #tpu.memory_space<vmem>>) dst(%dma_wait3A_194 : memref<10240x128xf32, #tpu.memory_space<vmem_shared>>)
        tpu.yield
      }) : () -> ()
      %dma_start3A_129 = arith.constant 5 : i32
      %dma_start3A_130 = arith.constant 0 : i32
      %dma_start3A_131 = tpu.memref_slice %arg6[%dma_start3A_129, %dma_start3A_130] : memref<8x128xi32, #tpu.memory_space<vmem>> -> memref<1x128xi32, #tpu.memory_space<vmem>>
      %dma_start3A_132 = tpu.memref_squeeze %dma_start3A_131 : memref<1x128xi32, #tpu.memory_space<vmem>> -> memref<128xi32, #tpu.memory_space<vmem>>
      %dma_start3A_133 = arith.constant 0 : i32
      %dma_start3A_134 = arith.constant 0 : i32
      %dma_start3A_135 = tpu.memref_slice %arg2[%dma_start3A_133, %dma_start3A_134] : memref<10240x128xf32, #tpu.memory_space<hbm>> -> memref<10240x128xf32, #tpu.memory_space<hbm>>
      tpu.enqueue_indirect_dma source(%dma_start3A_135 : memref<10240x128xf32, #tpu.memory_space<hbm>>) target(%arg9 : memref<128x128xf32, #tpu.memory_space<vmem>>) offsets(%dma_start3A_132 : memref<128xi32, #tpu.memory_space<vmem>>) semaphore(%arg12 : memref<!tpu.dma_semaphore, #tpu.memory_space<semaphore_mem>>)
      %dma_wait3A_136 = arith.constant 4 : i32
      %dma_wait3A_137 = arith.constant 0 : i32
      %dma_wait3A_138 = tpu.memref_slice %arg6[%dma_wait3A_136, %dma_wait3A_137] : memref<8x128xi32, #tpu.memory_space<vmem>> -> memref<1x128xi32, #tpu.memory_space<vmem>>
      %dma_wait3A_139 = tpu.memref_squeeze %dma_wait3A_138 : memref<1x128xi32, #tpu.memory_space<vmem>> -> memref<128xi32, #tpu.memory_space<vmem>>
      %dma_wait3A_140 = arith.constant 0 : i32
      %dma_wait3A_141 = arith.constant 0 : i32
      %dma_wait3A_142 = tpu.memref_slice %arg2[%dma_wait3A_140, %dma_wait3A_141] : memref<10240x128xf32, #tpu.memory_space<hbm>> -> memref<10240x128xf32, #tpu.memory_space<hbm>>
      tpu.wait_indirect_dma semaphore(%arg11 : memref<!tpu.dma_semaphore, #tpu.memory_space<semaphore_mem>>) src(%dma_wait3A_142 : memref<10240x128xf32, #tpu.memory_space<hbm>>) dst(%arg8 : memref<128x128xf32, #tpu.memory_space<vmem>>)
      %run_scoped3A_143 = arith.constant 4 : i32
      "tpu.region"() ({
        %run_scoped3A_182 = tpu.sem_alloc : memref<!tpu.dma_semaphore, #tpu.memory_space<semaphore_mem>>
        %dma_start3A_183 = arith.constant 0 : i32
        %dma_start3A_184 = tpu.memref_slice %arg7[%run_scoped3A_143, %dma_start3A_183] : memref<8x128xi32, #tpu.memory_space<vmem>> -> memref<1x128xi32, #tpu.memory_space<vmem>>
        %dma_start3A_185 = tpu.memref_squeeze %dma_start3A_184 : memref<1x128xi32, #tpu.memory_space<vmem>> -> memref<128xi32, #tpu.memory_space<vmem>>
        %dma_start3A_186 = arith.constant 0 : i32
        %dma_start3A_187 = arith.constant 0 : i32
        %dma_start3A_188 = tpu.memref_slice %arg10[%dma_start3A_186, %dma_start3A_187] : memref<10240x128xf32, #tpu.memory_space<vmem_shared>> -> memref<10240x128xf32, #tpu.memory_space<vmem_shared>>
        tpu.enqueue_indirect_dma source(%arg8 : memref<128x128xf32, #tpu.memory_space<vmem>>) target(%dma_start3A_188 : memref<10240x128xf32, #tpu.memory_space<vmem_shared>>) offsets(%dma_start3A_185 : memref<128xi32, #tpu.memory_space<vmem>>) semaphore(%run_scoped3A_182 : memref<!tpu.dma_semaphore, #tpu.memory_space<semaphore_mem>>) {add = true}
        %dma_wait3A_189 = arith.constant 0 : i32
        %dma_wait3A_190 = tpu.memref_slice %arg7[%run_scoped3A_143, %dma_wait3A_189] : memref<8x128xi32, #tpu.memory_space<vmem>> -> memref<1x128xi32, #tpu.memory_space<vmem>>
        %dma_wait3A_191 = tpu.memref_squeeze %dma_wait3A_190 : memref<1x128xi32, #tpu.memory_space<vmem>> -> memref<128xi32, #tpu.memory_space<vmem>>
        %dma_wait3A_192 = arith.constant 0 : i32
        %dma_wait3A_193 = arith.constant 0 : i32
        %dma_wait3A_194 = tpu.memref_slice %arg10[%dma_wait3A_192, %dma_wait3A_193] : memref<10240x128xf32, #tpu.memory_space<vmem_shared>> -> memref<10240x128xf32, #tpu.memory_space<vmem_shared>>
        tpu.wait_indirect_dma semaphore(%run_scoped3A_182 : memref<!tpu.dma_semaphore, #tpu.memory_space<semaphore_mem>>) src(%arg8 : memref<128x128xf32, #tpu.memory_space<vmem>>) dst(%dma_wait3A_194 : memref<10240x128xf32, #tpu.memory_space<vmem_shared>>)
        tpu.yield
      }) : () -> ()
      %dma_start3A_144 = arith.constant 6 : i32
      %dma_start3A_145 = arith.constant 0 : i32
      %dma_start3A_146 = tpu.memref_slice %arg6[%dma_start3A_144, %dma_start3A_145] : memref<8x128xi32, #tpu.memory_space<vmem>> -> memref<1x128xi32, #tpu.memory_space<vmem>>
      %dma_start3A_147 = tpu.memref_squeeze %dma_start3A_146 : memref<1x128xi32, #tpu.memory_space<vmem>> -> memref<128xi32, #tpu.memory_space<vmem>>
      %dma_start3A_148 = arith.constant 0 : i32
      %dma_start3A_149 = arith.constant 0 : i32
      %dma_start3A_150 = tpu.memref_slice %arg2[%dma_start3A_148, %dma_start3A_149] : memref<10240x128xf32, #tpu.memory_space<hbm>> -> memref<10240x128xf32, #tpu.memory_space<hbm>>
      tpu.enqueue_indirect_dma source(%dma_start3A_150 : memref<10240x128xf32, #tpu.memory_space<hbm>>) target(%arg8 : memref<128x128xf32, #tpu.memory_space<vmem>>) offsets(%dma_start3A_147 : memref<128xi32, #tpu.memory_space<vmem>>) semaphore(%arg11 : memref<!tpu.dma_semaphore, #tpu.memory_space<semaphore_mem>>)
      %dma_wait3A_151 = arith.constant 5 : i32
      %dma_wait3A_152 = arith.constant 0 : i32
      %dma_wait3A_153 = tpu.memref_slice %arg6[%dma_wait3A_151, %dma_wait3A_152] : memref<8x128xi32, #tpu.memory_space<vmem>> -> memref<1x128xi32, #tpu.memory_space<vmem>>
      %dma_wait3A_154 = tpu.memref_squeeze %dma_wait3A_153 : memref<1x128xi32, #tpu.memory_space<vmem>> -> memref<128xi32, #tpu.memory_space<vmem>>
      %dma_wait3A_155 = arith.constant 0 : i32
      %dma_wait3A_156 = arith.constant 0 : i32
      %dma_wait3A_157 = tpu.memref_slice %arg2[%dma_wait3A_155, %dma_wait3A_156] : memref<10240x128xf32, #tpu.memory_space<hbm>> -> memref<10240x128xf32, #tpu.memory_space<hbm>>
      tpu.wait_indirect_dma semaphore(%arg12 : memref<!tpu.dma_semaphore, #tpu.memory_space<semaphore_mem>>) src(%dma_wait3A_157 : memref<10240x128xf32, #tpu.memory_space<hbm>>) dst(%arg9 : memref<128x128xf32, #tpu.memory_space<vmem>>)
      %run_scoped3A_158 = arith.constant 5 : i32
      "tpu.region"() ({
        %run_scoped3A_182 = tpu.sem_alloc : memref<!tpu.dma_semaphore, #tpu.memory_space<semaphore_mem>>
        %dma_start3A_183 = arith.constant 0 : i32
        %dma_start3A_184 = tpu.memref_slice %arg7[%run_scoped3A_158, %dma_start3A_183] : memref<8x128xi32, #tpu.memory_space<vmem>> -> memref<1x128xi32, #tpu.memory_space<vmem>>
        %dma_start3A_185 = tpu.memref_squeeze %dma_start3A_184 : memref<1x128xi32, #tpu.memory_space<vmem>> -> memref<128xi32, #tpu.memory_space<vmem>>
        %dma_start3A_186 = arith.constant 0 : i32
        %dma_start3A_187 = arith.constant 0 : i32
        %dma_start3A_188 = tpu.memref_slice %arg10[%dma_start3A_186, %dma_start3A_187] : memref<10240x128xf32, #tpu.memory_space<vmem_shared>> -> memref<10240x128xf32, #tpu.memory_space<vmem_shared>>
        tpu.enqueue_indirect_dma source(%arg9 : memref<128x128xf32, #tpu.memory_space<vmem>>) target(%dma_start3A_188 : memref<10240x128xf32, #tpu.memory_space<vmem_shared>>) offsets(%dma_start3A_185 : memref<128xi32, #tpu.memory_space<vmem>>) semaphore(%run_scoped3A_182 : memref<!tpu.dma_semaphore, #tpu.memory_space<semaphore_mem>>) {add = true}
        %dma_wait3A_189 = arith.constant 0 : i32
        %dma_wait3A_190 = tpu.memref_slice %arg7[%run_scoped3A_158, %dma_wait3A_189] : memref<8x128xi32, #tpu.memory_space<vmem>> -> memref<1x128xi32, #tpu.memory_space<vmem>>
        %dma_wait3A_191 = tpu.memref_squeeze %dma_wait3A_190 : memref<1x128xi32, #tpu.memory_space<vmem>> -> memref<128xi32, #tpu.memory_space<vmem>>
        %dma_wait3A_192 = arith.constant 0 : i32
        %dma_wait3A_193 = arith.constant 0 : i32
        %dma_wait3A_194 = tpu.memref_slice %arg10[%dma_wait3A_192, %dma_wait3A_193] : memref<10240x128xf32, #tpu.memory_space<vmem_shared>> -> memref<10240x128xf32, #tpu.memory_space<vmem_shared>>
        tpu.wait_indirect_dma semaphore(%run_scoped3A_182 : memref<!tpu.dma_semaphore, #tpu.memory_space<semaphore_mem>>) src(%arg9 : memref<128x128xf32, #tpu.memory_space<vmem>>) dst(%dma_wait3A_194 : memref<10240x128xf32, #tpu.memory_space<vmem_shared>>)
        tpu.yield
      }) : () -> ()
      %dma_start3A_159 = arith.constant 7 : i32
      %dma_start3A_160 = arith.constant 0 : i32
      %dma_start3A_161 = tpu.memref_slice %arg6[%dma_start3A_159, %dma_start3A_160] : memref<8x128xi32, #tpu.memory_space<vmem>> -> memref<1x128xi32, #tpu.memory_space<vmem>>
      %dma_start3A_162 = tpu.memref_squeeze %dma_start3A_161 : memref<1x128xi32, #tpu.memory_space<vmem>> -> memref<128xi32, #tpu.memory_space<vmem>>
      %dma_start3A_163 = arith.constant 0 : i32
      %dma_start3A_164 = arith.constant 0 : i32
      %dma_start3A_165 = tpu.memref_slice %arg2[%dma_start3A_163, %dma_start3A_164] : memref<10240x128xf32, #tpu.memory_space<hbm>> -> memref<10240x128xf32, #tpu.memory_space<hbm>>
      tpu.enqueue_indirect_dma source(%dma_start3A_165 : memref<10240x128xf32, #tpu.memory_space<hbm>>) target(%arg9 : memref<128x128xf32, #tpu.memory_space<vmem>>) offsets(%dma_start3A_162 : memref<128xi32, #tpu.memory_space<vmem>>) semaphore(%arg12 : memref<!tpu.dma_semaphore, #tpu.memory_space<semaphore_mem>>)
      %dma_wait3A_166 = arith.constant 6 : i32
      %dma_wait3A_167 = arith.constant 0 : i32
      %dma_wait3A_168 = tpu.memref_slice %arg6[%dma_wait3A_166, %dma_wait3A_167] : memref<8x128xi32, #tpu.memory_space<vmem>> -> memref<1x128xi32, #tpu.memory_space<vmem>>
      %dma_wait3A_169 = tpu.memref_squeeze %dma_wait3A_168 : memref<1x128xi32, #tpu.memory_space<vmem>> -> memref<128xi32, #tpu.memory_space<vmem>>
      %dma_wait3A_170 = arith.constant 0 : i32
      %dma_wait3A_171 = arith.constant 0 : i32
      %dma_wait3A_172 = tpu.memref_slice %arg2[%dma_wait3A_170, %dma_wait3A_171] : memref<10240x128xf32, #tpu.memory_space<hbm>> -> memref<10240x128xf32, #tpu.memory_space<hbm>>
      tpu.wait_indirect_dma semaphore(%arg11 : memref<!tpu.dma_semaphore, #tpu.memory_space<semaphore_mem>>) src(%dma_wait3A_172 : memref<10240x128xf32, #tpu.memory_space<hbm>>) dst(%arg8 : memref<128x128xf32, #tpu.memory_space<vmem>>)
      %run_scoped3A_173 = arith.constant 6 : i32
      "tpu.region"() ({
        %run_scoped3A_182 = tpu.sem_alloc : memref<!tpu.dma_semaphore, #tpu.memory_space<semaphore_mem>>
        %dma_start3A_183 = arith.constant 0 : i32
        %dma_start3A_184 = tpu.memref_slice %arg7[%run_scoped3A_173, %dma_start3A_183] : memref<8x128xi32, #tpu.memory_space<vmem>> -> memref<1x128xi32, #tpu.memory_space<vmem>>
        %dma_start3A_185 = tpu.memref_squeeze %dma_start3A_184 : memref<1x128xi32, #tpu.memory_space<vmem>> -> memref<128xi32, #tpu.memory_space<vmem>>
        %dma_start3A_186 = arith.constant 0 : i32
        %dma_start3A_187 = arith.constant 0 : i32
        %dma_start3A_188 = tpu.memref_slice %arg10[%dma_start3A_186, %dma_start3A_187] : memref<10240x128xf32, #tpu.memory_space<vmem_shared>> -> memref<10240x128xf32, #tpu.memory_space<vmem_shared>>
        tpu.enqueue_indirect_dma source(%arg8 : memref<128x128xf32, #tpu.memory_space<vmem>>) target(%dma_start3A_188 : memref<10240x128xf32, #tpu.memory_space<vmem_shared>>) offsets(%dma_start3A_185 : memref<128xi32, #tpu.memory_space<vmem>>) semaphore(%run_scoped3A_182 : memref<!tpu.dma_semaphore, #tpu.memory_space<semaphore_mem>>) {add = true}
        %dma_wait3A_189 = arith.constant 0 : i32
        %dma_wait3A_190 = tpu.memref_slice %arg7[%run_scoped3A_173, %dma_wait3A_189] : memref<8x128xi32, #tpu.memory_space<vmem>> -> memref<1x128xi32, #tpu.memory_space<vmem>>
        %dma_wait3A_191 = tpu.memref_squeeze %dma_wait3A_190 : memref<1x128xi32, #tpu.memory_space<vmem>> -> memref<128xi32, #tpu.memory_space<vmem>>
        %dma_wait3A_192 = arith.constant 0 : i32
        %dma_wait3A_193 = arith.constant 0 : i32
        %dma_wait3A_194 = tpu.memref_slice %arg10[%dma_wait3A_192, %dma_wait3A_193] : memref<10240x128xf32, #tpu.memory_space<vmem_shared>> -> memref<10240x128xf32, #tpu.memory_space<vmem_shared>>
        tpu.wait_indirect_dma semaphore(%run_scoped3A_182 : memref<!tpu.dma_semaphore, #tpu.memory_space<semaphore_mem>>) src(%arg8 : memref<128x128xf32, #tpu.memory_space<vmem>>) dst(%dma_wait3A_194 : memref<10240x128xf32, #tpu.memory_space<vmem_shared>>)
        tpu.yield
      }) : () -> ()
      %dma_wait3A_174 = arith.constant 7 : i32
      %dma_wait3A_175 = arith.constant 0 : i32
      %dma_wait3A_176 = tpu.memref_slice %arg6[%dma_wait3A_174, %dma_wait3A_175] : memref<8x128xi32, #tpu.memory_space<vmem>> -> memref<1x128xi32, #tpu.memory_space<vmem>>
      %dma_wait3A_177 = tpu.memref_squeeze %dma_wait3A_176 : memref<1x128xi32, #tpu.memory_space<vmem>> -> memref<128xi32, #tpu.memory_space<vmem>>
      %dma_wait3A_178 = arith.constant 0 : i32
      %dma_wait3A_179 = arith.constant 0 : i32
      %dma_wait3A_180 = tpu.memref_slice %arg2[%dma_wait3A_178, %dma_wait3A_179] : memref<10240x128xf32, #tpu.memory_space<hbm>> -> memref<10240x128xf32, #tpu.memory_space<hbm>>
      tpu.wait_indirect_dma semaphore(%arg12 : memref<!tpu.dma_semaphore, #tpu.memory_space<semaphore_mem>>) src(%dma_wait3A_180 : memref<10240x128xf32, #tpu.memory_space<hbm>>) dst(%arg9 : memref<128x128xf32, #tpu.memory_space<vmem>>)
      %run_scoped3A_181 = arith.constant 7 : i32
      "tpu.region"() ({
        %run_scoped3A_182 = tpu.sem_alloc : memref<!tpu.dma_semaphore, #tpu.memory_space<semaphore_mem>>
        %dma_start3A_183 = arith.constant 0 : i32
        %dma_start3A_184 = tpu.memref_slice %arg7[%run_scoped3A_181, %dma_start3A_183] : memref<8x128xi32, #tpu.memory_space<vmem>> -> memref<1x128xi32, #tpu.memory_space<vmem>>
        %dma_start3A_185 = tpu.memref_squeeze %dma_start3A_184 : memref<1x128xi32, #tpu.memory_space<vmem>> -> memref<128xi32, #tpu.memory_space<vmem>>
        %dma_start3A_186 = arith.constant 0 : i32
        %dma_start3A_187 = arith.constant 0 : i32
        %dma_start3A_188 = tpu.memref_slice %arg10[%dma_start3A_186, %dma_start3A_187] : memref<10240x128xf32, #tpu.memory_space<vmem_shared>> -> memref<10240x128xf32, #tpu.memory_space<vmem_shared>>
        tpu.enqueue_indirect_dma source(%arg9 : memref<128x128xf32, #tpu.memory_space<vmem>>) target(%dma_start3A_188 : memref<10240x128xf32, #tpu.memory_space<vmem_shared>>) offsets(%dma_start3A_185 : memref<128xi32, #tpu.memory_space<vmem>>) semaphore(%run_scoped3A_182 : memref<!tpu.dma_semaphore, #tpu.memory_space<semaphore_mem>>) {add = true}
        %dma_wait3A_189 = arith.constant 0 : i32
        %dma_wait3A_190 = tpu.memref_slice %arg7[%run_scoped3A_181, %dma_wait3A_189] : memref<8x128xi32, #tpu.memory_space<vmem>> -> memref<1x128xi32, #tpu.memory_space<vmem>>
        %dma_wait3A_191 = tpu.memref_squeeze %dma_wait3A_190 : memref<1x128xi32, #tpu.memory_space<vmem>> -> memref<128xi32, #tpu.memory_space<vmem>>
        %dma_wait3A_192 = arith.constant 0 : i32
        %dma_wait3A_193 = arith.constant 0 : i32
        %dma_wait3A_194 = tpu.memref_slice %arg10[%dma_wait3A_192, %dma_wait3A_193] : memref<10240x128xf32, #tpu.memory_space<vmem_shared>> -> memref<10240x128xf32, #tpu.memory_space<vmem_shared>>
        tpu.wait_indirect_dma semaphore(%run_scoped3A_182 : memref<!tpu.dma_semaphore, #tpu.memory_space<semaphore_mem>>) src(%arg9 : memref<128x128xf32, #tpu.memory_space<vmem>>) dst(%dma_wait3A_194 : memref<10240x128xf32, #tpu.memory_space<vmem_shared>>)
        tpu.yield
      }) : () -> ()
    }
    %barrier3A_57 = arith.constant 0 : index
    tpu.barrier barrier_id(%barrier3A_57)
    "tpu.region"() ({
      %run_scoped3A = tpu.sem_alloc : memref<!tpu.dma_semaphore, #tpu.memory_space<semaphore_mem>>
      %dma_start3A = arith.constant 0 : i32
      %dma_start3A_58 = tpu.memref_slice %arg5[%arg0, %mul3A_0, %dma_start3A] : memref<2x10240x128xf32, #tpu.memory_space<hbm>> -> memref<1x640x128xf32, #tpu.memory_space<hbm>>
      %dma_start3A_59 = tpu.memref_squeeze %dma_start3A_58 : memref<1x640x128xf32, #tpu.memory_space<hbm>> -> memref<640x128xf32, #tpu.memory_space<hbm>>
      %dma_start3A_60 = arith.constant 0 : i32
      %dma_start3A_61 = tpu.memref_slice %arg10[%mul3A_0, %dma_start3A_60] : memref<10240x128xf32, #tpu.memory_space<vmem_shared>> -> memref<640x128xf32, #tpu.memory_space<vmem_shared>>
      tpu.enqueue_dma source(%dma_start3A_61 : memref<640x128xf32, #tpu.memory_space<vmem_shared>>) target(%dma_start3A_59 : memref<640x128xf32, #tpu.memory_space<hbm>>) target_semaphore(%run_scoped3A : memref<!tpu.dma_semaphore, #tpu.memory_space<semaphore_mem>>)
      %dma_wait3A = arith.constant 0 : i32
      %dma_wait3A_62 = tpu.memref_slice %arg5[%arg0, %mul3A_0, %dma_wait3A] : memref<2x10240x128xf32, #tpu.memory_space<hbm>> -> memref<1x640x128xf32, #tpu.memory_space<hbm>>
      %dma_wait3A_63 = tpu.memref_squeeze %dma_wait3A_62 : memref<1x640x128xf32, #tpu.memory_space<hbm>> -> memref<640x128xf32, #tpu.memory_space<hbm>>
      %dma_wait3A_64 = arith.constant 0 : i32
      %dma_wait3A_65 = tpu.memref_slice %arg10[%mul3A_0, %dma_wait3A_64] : memref<10240x128xf32, #tpu.memory_space<vmem_shared>> -> memref<640x128xf32, #tpu.memory_space<vmem_shared>>
      tpu.wait_dma2 semaphore(%run_scoped3A : memref<!tpu.dma_semaphore, #tpu.memory_space<semaphore_mem>>) src(%dma_wait3A_65 : memref<640x128xf32, #tpu.memory_space<vmem_shared>>) dst(%dma_wait3A_63 : memref<640x128xf32, #tpu.memory_space<hbm>>)
      tpu.yield
    }) : () -> ()
    return
  }
}

#map = affine_map<(d0, d1) -> (0, 0)>
#map1 = affine_map<(d0, d1) -> (0, 0, 0)>
module attributes {stable_mosaic.version = 14 : i64} {
  func.func @_deg_call(%arg0: i32, %arg1: i32, %arg2: memref<10240x128xf32, #tpu.memory_space<hbm>>, %arg3: memref<128x128xf32, #tpu.memory_space<hbm>>, %arg4: memref<2560x128xi32, #tpu.memory_space<hbm>>, %arg5: memref<2x10240x128xf32, #tpu.memory_space<hbm>>, %arg6: memref<8x128xi32, #tpu.memory_space<vmem>>, %arg7: memref<128x128xf32, #tpu.memory_space<vmem>>, %arg8: memref<10240x128xf32, #tpu.memory_space<vmem_shared>>, %arg9: memref<!tpu.dma_semaphore, #tpu.memory_space<semaphore_mem>>) attributes {dimension_semantics = [#tpu.dimension_semantics<core_parallel>, #tpu.dimension_semantics<subcore_parallel>], iteration_bounds = array<i64: 2, 16>, scalar_prefetch = 0 : i64, scratch_operands = 4 : i64, tpu.core_type = #tpu.core_type<sc_vector_subcore>, window_params = [{transform_indices = #map}, {transform_indices = #map}, {transform_indices = #map}, {transform_indices = #map1}]} {
    %mul3A = arith.constant 16 : i32
    %mul3A_0 = arith.muli %arg0, %mul3A : i32
    %add3A = arith.addi %mul3A_0, %arg1 : i32
    %mul3A_1 = arith.constant 640 : i32
    %mul3A_2 = arith.muli %arg1, %mul3A_1 : i32
    "tpu.region"() ({
      %run_scoped3A = tpu.sem_alloc : memref<!tpu.dma_semaphore, #tpu.memory_space<semaphore_mem>>
      %dma_start3A = arith.constant 0 : i32
      %dma_start3A_11 = tpu.memref_slice %arg8[%mul3A_2, %dma_start3A] : memref<10240x128xf32, #tpu.memory_space<vmem_shared>> -> memref<640x128xf32, #tpu.memory_space<vmem_shared>>
      %dma_start3A_12 = arith.constant 0 : i32
      %dma_start3A_13 = tpu.memref_slice %arg2[%mul3A_2, %dma_start3A_12] : memref<10240x128xf32, #tpu.memory_space<hbm>> -> memref<640x128xf32, #tpu.memory_space<hbm>>
      tpu.enqueue_dma source(%dma_start3A_13 : memref<640x128xf32, #tpu.memory_space<hbm>>) target(%dma_start3A_11 : memref<640x128xf32, #tpu.memory_space<vmem_shared>>) target_semaphore(%run_scoped3A : memref<!tpu.dma_semaphore, #tpu.memory_space<semaphore_mem>>)
      %dma_wait3A = arith.constant 0 : i32
      %dma_wait3A_14 = tpu.memref_slice %arg8[%mul3A_2, %dma_wait3A] : memref<10240x128xf32, #tpu.memory_space<vmem_shared>> -> memref<640x128xf32, #tpu.memory_space<vmem_shared>>
      %dma_wait3A_15 = arith.constant 0 : i32
      %dma_wait3A_16 = tpu.memref_slice %arg2[%mul3A_2, %dma_wait3A_15] : memref<10240x128xf32, #tpu.memory_space<hbm>> -> memref<640x128xf32, #tpu.memory_space<hbm>>
      tpu.wait_dma2 semaphore(%run_scoped3A : memref<!tpu.dma_semaphore, #tpu.memory_space<semaphore_mem>>) src(%dma_wait3A_16 : memref<640x128xf32, #tpu.memory_space<hbm>>) dst(%dma_wait3A_14 : memref<640x128xf32, #tpu.memory_space<vmem_shared>>)
      tpu.yield
    }) : () -> ()
    "tpu.region"() ({
      %run_scoped3A = tpu.sem_alloc : memref<!tpu.dma_semaphore, #tpu.memory_space<semaphore_mem>>
      tpu.enqueue_dma source(%arg3 : memref<128x128xf32, #tpu.memory_space<hbm>>) target(%arg7 : memref<128x128xf32, #tpu.memory_space<vmem>>) target_semaphore(%run_scoped3A : memref<!tpu.dma_semaphore, #tpu.memory_space<semaphore_mem>>)
      tpu.wait_dma2 semaphore(%run_scoped3A : memref<!tpu.dma_semaphore, #tpu.memory_space<semaphore_mem>>) src(%arg3 : memref<128x128xf32, #tpu.memory_space<hbm>>) dst(%arg7 : memref<128x128xf32, #tpu.memory_space<vmem>>)
      tpu.yield
    }) : () -> ()
    %barrier3A = arith.constant 0 : index
    tpu.barrier barrier_id(%barrier3A)
    %mul3A_3 = arith.constant 80 : i32
    %mul3A_4 = arith.muli %add3A, %mul3A_3 : i32
    %scan3A = arith.constant 0 : i32
    %scan3A_5 = arith.constant 0 : i32
    %scan3A_6 = arith.constant 10 : i32
    %scan3A_7 = arith.addi %scan3A_5, %scan3A_6 : i32
    %scan3A_8 = arith.constant 1 : i32
    scf.for %scan3A_11 = %scan3A_5 to %scan3A_7 step %scan3A_8  : i32 {
      %mul3A_12 = arith.constant 8 : i32
      %mul3A_13 = arith.muli %scan3A_11, %mul3A_12 : i32
      %add3A_14 = arith.addi %mul3A_4, %mul3A_13 : i32
      "tpu.region"() ({
        %run_scoped3A_22 = tpu.sem_alloc : memref<!tpu.dma_semaphore, #tpu.memory_space<semaphore_mem>>
        %dma_start3A = arith.constant 0 : i32
        %dma_start3A_23 = tpu.memref_slice %arg4[%add3A_14, %dma_start3A] : memref<2560x128xi32, #tpu.memory_space<hbm>> -> memref<8x128xi32, #tpu.memory_space<hbm>>
        %dma_start3A_24 = arith.constant 0 : i32
        %dma_start3A_25 = tpu.memref_slice %arg4[%add3A_14, %dma_start3A_24] : memref<2560x128xi32, #tpu.memory_space<hbm>> -> memref<8x128xi32, #tpu.memory_space<hbm>>
        tpu.enqueue_dma source(%dma_start3A_25 : memref<8x128xi32, #tpu.memory_space<hbm>>) target(%arg6 : memref<8x128xi32, #tpu.memory_space<vmem>>) target_semaphore(%run_scoped3A_22 : memref<!tpu.dma_semaphore, #tpu.memory_space<semaphore_mem>>)
        %dma_wait3A = arith.constant 0 : i32
        %dma_wait3A_26 = tpu.memref_slice %arg4[%add3A_14, %dma_wait3A] : memref<2560x128xi32, #tpu.memory_space<hbm>> -> memref<8x128xi32, #tpu.memory_space<hbm>>
        %dma_wait3A_27 = arith.constant 0 : i32
        %dma_wait3A_28 = tpu.memref_slice %arg4[%add3A_14, %dma_wait3A_27] : memref<2560x128xi32, #tpu.memory_space<hbm>> -> memref<8x128xi32, #tpu.memory_space<hbm>>
        tpu.wait_dma2 semaphore(%run_scoped3A_22 : memref<!tpu.dma_semaphore, #tpu.memory_space<semaphore_mem>>) src(%dma_wait3A_28 : memref<8x128xi32, #tpu.memory_space<hbm>>) dst(%arg6 : memref<8x128xi32, #tpu.memory_space<vmem>>)
        tpu.yield
      }) : () -> ()
      %run_scoped3A = arith.constant 0 : i32
      "tpu.region"() ({
        %run_scoped3A_22 = tpu.sem_alloc : memref<!tpu.dma_semaphore, #tpu.memory_space<semaphore_mem>>
        %dma_start3A = arith.constant 0 : i32
        %dma_start3A_23 = tpu.memref_slice %arg6[%run_scoped3A, %dma_start3A] : memref<8x128xi32, #tpu.memory_space<vmem>> -> memref<1x128xi32, #tpu.memory_space<vmem>>
        %dma_start3A_24 = tpu.memref_squeeze %dma_start3A_23 : memref<1x128xi32, #tpu.memory_space<vmem>> -> memref<128xi32, #tpu.memory_space<vmem>>
        %dma_start3A_25 = arith.constant 0 : i32
        %dma_start3A_26 = arith.constant 0 : i32
        %dma_start3A_27 = tpu.memref_slice %arg8[%dma_start3A_25, %dma_start3A_26] : memref<10240x128xf32, #tpu.memory_space<vmem_shared>> -> memref<10240x128xf32, #tpu.memory_space<vmem_shared>>
        tpu.enqueue_indirect_dma source(%arg7 : memref<128x128xf32, #tpu.memory_space<vmem>>) target(%dma_start3A_27 : memref<10240x128xf32, #tpu.memory_space<vmem_shared>>) offsets(%dma_start3A_24 : memref<128xi32, #tpu.memory_space<vmem>>) semaphore(%run_scoped3A_22 : memref<!tpu.dma_semaphore, #tpu.memory_space<semaphore_mem>>) {add = true}
        %dma_wait3A = arith.constant 0 : i32
        %dma_wait3A_28 = tpu.memref_slice %arg6[%run_scoped3A, %dma_wait3A] : memref<8x128xi32, #tpu.memory_space<vmem>> -> memref<1x128xi32, #tpu.memory_space<vmem>>
        %dma_wait3A_29 = tpu.memref_squeeze %dma_wait3A_28 : memref<1x128xi32, #tpu.memory_space<vmem>> -> memref<128xi32, #tpu.memory_space<vmem>>
        %dma_wait3A_30 = arith.constant 0 : i32
        %dma_wait3A_31 = arith.constant 0 : i32
        %dma_wait3A_32 = tpu.memref_slice %arg8[%dma_wait3A_30, %dma_wait3A_31] : memref<10240x128xf32, #tpu.memory_space<vmem_shared>> -> memref<10240x128xf32, #tpu.memory_space<vmem_shared>>
        tpu.wait_indirect_dma semaphore(%run_scoped3A_22 : memref<!tpu.dma_semaphore, #tpu.memory_space<semaphore_mem>>) src(%arg7 : memref<128x128xf32, #tpu.memory_space<vmem>>) dst(%dma_wait3A_32 : memref<10240x128xf32, #tpu.memory_space<vmem_shared>>)
        tpu.yield
      }) : () -> ()
      %run_scoped3A_15 = arith.constant 1 : i32
      "tpu.region"() ({
        %run_scoped3A_22 = tpu.sem_alloc : memref<!tpu.dma_semaphore, #tpu.memory_space<semaphore_mem>>
        %dma_start3A = arith.constant 0 : i32
        %dma_start3A_23 = tpu.memref_slice %arg6[%run_scoped3A_15, %dma_start3A] : memref<8x128xi32, #tpu.memory_space<vmem>> -> memref<1x128xi32, #tpu.memory_space<vmem>>
        %dma_start3A_24 = tpu.memref_squeeze %dma_start3A_23 : memref<1x128xi32, #tpu.memory_space<vmem>> -> memref<128xi32, #tpu.memory_space<vmem>>
        %dma_start3A_25 = arith.constant 0 : i32
        %dma_start3A_26 = arith.constant 0 : i32
        %dma_start3A_27 = tpu.memref_slice %arg8[%dma_start3A_25, %dma_start3A_26] : memref<10240x128xf32, #tpu.memory_space<vmem_shared>> -> memref<10240x128xf32, #tpu.memory_space<vmem_shared>>
        tpu.enqueue_indirect_dma source(%arg7 : memref<128x128xf32, #tpu.memory_space<vmem>>) target(%dma_start3A_27 : memref<10240x128xf32, #tpu.memory_space<vmem_shared>>) offsets(%dma_start3A_24 : memref<128xi32, #tpu.memory_space<vmem>>) semaphore(%run_scoped3A_22 : memref<!tpu.dma_semaphore, #tpu.memory_space<semaphore_mem>>) {add = true}
        %dma_wait3A = arith.constant 0 : i32
        %dma_wait3A_28 = tpu.memref_slice %arg6[%run_scoped3A_15, %dma_wait3A] : memref<8x128xi32, #tpu.memory_space<vmem>> -> memref<1x128xi32, #tpu.memory_space<vmem>>
        %dma_wait3A_29 = tpu.memref_squeeze %dma_wait3A_28 : memref<1x128xi32, #tpu.memory_space<vmem>> -> memref<128xi32, #tpu.memory_space<vmem>>
        %dma_wait3A_30 = arith.constant 0 : i32
        %dma_wait3A_31 = arith.constant 0 : i32
        %dma_wait3A_32 = tpu.memref_slice %arg8[%dma_wait3A_30, %dma_wait3A_31] : memref<10240x128xf32, #tpu.memory_space<vmem_shared>> -> memref<10240x128xf32, #tpu.memory_space<vmem_shared>>
        tpu.wait_indirect_dma semaphore(%run_scoped3A_22 : memref<!tpu.dma_semaphore, #tpu.memory_space<semaphore_mem>>) src(%arg7 : memref<128x128xf32, #tpu.memory_space<vmem>>) dst(%dma_wait3A_32 : memref<10240x128xf32, #tpu.memory_space<vmem_shared>>)
        tpu.yield
      }) : () -> ()
      %run_scoped3A_16 = arith.constant 2 : i32
      "tpu.region"() ({
        %run_scoped3A_22 = tpu.sem_alloc : memref<!tpu.dma_semaphore, #tpu.memory_space<semaphore_mem>>
        %dma_start3A = arith.constant 0 : i32
        %dma_start3A_23 = tpu.memref_slice %arg6[%run_scoped3A_16, %dma_start3A] : memref<8x128xi32, #tpu.memory_space<vmem>> -> memref<1x128xi32, #tpu.memory_space<vmem>>
        %dma_start3A_24 = tpu.memref_squeeze %dma_start3A_23 : memref<1x128xi32, #tpu.memory_space<vmem>> -> memref<128xi32, #tpu.memory_space<vmem>>
        %dma_start3A_25 = arith.constant 0 : i32
        %dma_start3A_26 = arith.constant 0 : i32
        %dma_start3A_27 = tpu.memref_slice %arg8[%dma_start3A_25, %dma_start3A_26] : memref<10240x128xf32, #tpu.memory_space<vmem_shared>> -> memref<10240x128xf32, #tpu.memory_space<vmem_shared>>
        tpu.enqueue_indirect_dma source(%arg7 : memref<128x128xf32, #tpu.memory_space<vmem>>) target(%dma_start3A_27 : memref<10240x128xf32, #tpu.memory_space<vmem_shared>>) offsets(%dma_start3A_24 : memref<128xi32, #tpu.memory_space<vmem>>) semaphore(%run_scoped3A_22 : memref<!tpu.dma_semaphore, #tpu.memory_space<semaphore_mem>>) {add = true}
        %dma_wait3A = arith.constant 0 : i32
        %dma_wait3A_28 = tpu.memref_slice %arg6[%run_scoped3A_16, %dma_wait3A] : memref<8x128xi32, #tpu.memory_space<vmem>> -> memref<1x128xi32, #tpu.memory_space<vmem>>
        %dma_wait3A_29 = tpu.memref_squeeze %dma_wait3A_28 : memref<1x128xi32, #tpu.memory_space<vmem>> -> memref<128xi32, #tpu.memory_space<vmem>>
        %dma_wait3A_30 = arith.constant 0 : i32
        %dma_wait3A_31 = arith.constant 0 : i32
        %dma_wait3A_32 = tpu.memref_slice %arg8[%dma_wait3A_30, %dma_wait3A_31] : memref<10240x128xf32, #tpu.memory_space<vmem_shared>> -> memref<10240x128xf32, #tpu.memory_space<vmem_shared>>
        tpu.wait_indirect_dma semaphore(%run_scoped3A_22 : memref<!tpu.dma_semaphore, #tpu.memory_space<semaphore_mem>>) src(%arg7 : memref<128x128xf32, #tpu.memory_space<vmem>>) dst(%dma_wait3A_32 : memref<10240x128xf32, #tpu.memory_space<vmem_shared>>)
        tpu.yield
      }) : () -> ()
      %run_scoped3A_17 = arith.constant 3 : i32
      "tpu.region"() ({
        %run_scoped3A_22 = tpu.sem_alloc : memref<!tpu.dma_semaphore, #tpu.memory_space<semaphore_mem>>
        %dma_start3A = arith.constant 0 : i32
        %dma_start3A_23 = tpu.memref_slice %arg6[%run_scoped3A_17, %dma_start3A] : memref<8x128xi32, #tpu.memory_space<vmem>> -> memref<1x128xi32, #tpu.memory_space<vmem>>
        %dma_start3A_24 = tpu.memref_squeeze %dma_start3A_23 : memref<1x128xi32, #tpu.memory_space<vmem>> -> memref<128xi32, #tpu.memory_space<vmem>>
        %dma_start3A_25 = arith.constant 0 : i32
        %dma_start3A_26 = arith.constant 0 : i32
        %dma_start3A_27 = tpu.memref_slice %arg8[%dma_start3A_25, %dma_start3A_26] : memref<10240x128xf32, #tpu.memory_space<vmem_shared>> -> memref<10240x128xf32, #tpu.memory_space<vmem_shared>>
        tpu.enqueue_indirect_dma source(%arg7 : memref<128x128xf32, #tpu.memory_space<vmem>>) target(%dma_start3A_27 : memref<10240x128xf32, #tpu.memory_space<vmem_shared>>) offsets(%dma_start3A_24 : memref<128xi32, #tpu.memory_space<vmem>>) semaphore(%run_scoped3A_22 : memref<!tpu.dma_semaphore, #tpu.memory_space<semaphore_mem>>) {add = true}
        %dma_wait3A = arith.constant 0 : i32
        %dma_wait3A_28 = tpu.memref_slice %arg6[%run_scoped3A_17, %dma_wait3A] : memref<8x128xi32, #tpu.memory_space<vmem>> -> memref<1x128xi32, #tpu.memory_space<vmem>>
        %dma_wait3A_29 = tpu.memref_squeeze %dma_wait3A_28 : memref<1x128xi32, #tpu.memory_space<vmem>> -> memref<128xi32, #tpu.memory_space<vmem>>
        %dma_wait3A_30 = arith.constant 0 : i32
        %dma_wait3A_31 = arith.constant 0 : i32
        %dma_wait3A_32 = tpu.memref_slice %arg8[%dma_wait3A_30, %dma_wait3A_31] : memref<10240x128xf32, #tpu.memory_space<vmem_shared>> -> memref<10240x128xf32, #tpu.memory_space<vmem_shared>>
        tpu.wait_indirect_dma semaphore(%run_scoped3A_22 : memref<!tpu.dma_semaphore, #tpu.memory_space<semaphore_mem>>) src(%arg7 : memref<128x128xf32, #tpu.memory_space<vmem>>) dst(%dma_wait3A_32 : memref<10240x128xf32, #tpu.memory_space<vmem_shared>>)
        tpu.yield
      }) : () -> ()
      %run_scoped3A_18 = arith.constant 4 : i32
      "tpu.region"() ({
        %run_scoped3A_22 = tpu.sem_alloc : memref<!tpu.dma_semaphore, #tpu.memory_space<semaphore_mem>>
        %dma_start3A = arith.constant 0 : i32
        %dma_start3A_23 = tpu.memref_slice %arg6[%run_scoped3A_18, %dma_start3A] : memref<8x128xi32, #tpu.memory_space<vmem>> -> memref<1x128xi32, #tpu.memory_space<vmem>>
        %dma_start3A_24 = tpu.memref_squeeze %dma_start3A_23 : memref<1x128xi32, #tpu.memory_space<vmem>> -> memref<128xi32, #tpu.memory_space<vmem>>
        %dma_start3A_25 = arith.constant 0 : i32
        %dma_start3A_26 = arith.constant 0 : i32
        %dma_start3A_27 = tpu.memref_slice %arg8[%dma_start3A_25, %dma_start3A_26] : memref<10240x128xf32, #tpu.memory_space<vmem_shared>> -> memref<10240x128xf32, #tpu.memory_space<vmem_shared>>
        tpu.enqueue_indirect_dma source(%arg7 : memref<128x128xf32, #tpu.memory_space<vmem>>) target(%dma_start3A_27 : memref<10240x128xf32, #tpu.memory_space<vmem_shared>>) offsets(%dma_start3A_24 : memref<128xi32, #tpu.memory_space<vmem>>) semaphore(%run_scoped3A_22 : memref<!tpu.dma_semaphore, #tpu.memory_space<semaphore_mem>>) {add = true}
        %dma_wait3A = arith.constant 0 : i32
        %dma_wait3A_28 = tpu.memref_slice %arg6[%run_scoped3A_18, %dma_wait3A] : memref<8x128xi32, #tpu.memory_space<vmem>> -> memref<1x128xi32, #tpu.memory_space<vmem>>
        %dma_wait3A_29 = tpu.memref_squeeze %dma_wait3A_28 : memref<1x128xi32, #tpu.memory_space<vmem>> -> memref<128xi32, #tpu.memory_space<vmem>>
        %dma_wait3A_30 = arith.constant 0 : i32
        %dma_wait3A_31 = arith.constant 0 : i32
        %dma_wait3A_32 = tpu.memref_slice %arg8[%dma_wait3A_30, %dma_wait3A_31] : memref<10240x128xf32, #tpu.memory_space<vmem_shared>> -> memref<10240x128xf32, #tpu.memory_space<vmem_shared>>
        tpu.wait_indirect_dma semaphore(%run_scoped3A_22 : memref<!tpu.dma_semaphore, #tpu.memory_space<semaphore_mem>>) src(%arg7 : memref<128x128xf32, #tpu.memory_space<vmem>>) dst(%dma_wait3A_32 : memref<10240x128xf32, #tpu.memory_space<vmem_shared>>)
        tpu.yield
      }) : () -> ()
      %run_scoped3A_19 = arith.constant 5 : i32
      "tpu.region"() ({
        %run_scoped3A_22 = tpu.sem_alloc : memref<!tpu.dma_semaphore, #tpu.memory_space<semaphore_mem>>
        %dma_start3A = arith.constant 0 : i32
        %dma_start3A_23 = tpu.memref_slice %arg6[%run_scoped3A_19, %dma_start3A] : memref<8x128xi32, #tpu.memory_space<vmem>> -> memref<1x128xi32, #tpu.memory_space<vmem>>
        %dma_start3A_24 = tpu.memref_squeeze %dma_start3A_23 : memref<1x128xi32, #tpu.memory_space<vmem>> -> memref<128xi32, #tpu.memory_space<vmem>>
        %dma_start3A_25 = arith.constant 0 : i32
        %dma_start3A_26 = arith.constant 0 : i32
        %dma_start3A_27 = tpu.memref_slice %arg8[%dma_start3A_25, %dma_start3A_26] : memref<10240x128xf32, #tpu.memory_space<vmem_shared>> -> memref<10240x128xf32, #tpu.memory_space<vmem_shared>>
        tpu.enqueue_indirect_dma source(%arg7 : memref<128x128xf32, #tpu.memory_space<vmem>>) target(%dma_start3A_27 : memref<10240x128xf32, #tpu.memory_space<vmem_shared>>) offsets(%dma_start3A_24 : memref<128xi32, #tpu.memory_space<vmem>>) semaphore(%run_scoped3A_22 : memref<!tpu.dma_semaphore, #tpu.memory_space<semaphore_mem>>) {add = true}
        %dma_wait3A = arith.constant 0 : i32
        %dma_wait3A_28 = tpu.memref_slice %arg6[%run_scoped3A_19, %dma_wait3A] : memref<8x128xi32, #tpu.memory_space<vmem>> -> memref<1x128xi32, #tpu.memory_space<vmem>>
        %dma_wait3A_29 = tpu.memref_squeeze %dma_wait3A_28 : memref<1x128xi32, #tpu.memory_space<vmem>> -> memref<128xi32, #tpu.memory_space<vmem>>
        %dma_wait3A_30 = arith.constant 0 : i32
        %dma_wait3A_31 = arith.constant 0 : i32
        %dma_wait3A_32 = tpu.memref_slice %arg8[%dma_wait3A_30, %dma_wait3A_31] : memref<10240x128xf32, #tpu.memory_space<vmem_shared>> -> memref<10240x128xf32, #tpu.memory_space<vmem_shared>>
        tpu.wait_indirect_dma semaphore(%run_scoped3A_22 : memref<!tpu.dma_semaphore, #tpu.memory_space<semaphore_mem>>) src(%arg7 : memref<128x128xf32, #tpu.memory_space<vmem>>) dst(%dma_wait3A_32 : memref<10240x128xf32, #tpu.memory_space<vmem_shared>>)
        tpu.yield
      }) : () -> ()
      %run_scoped3A_20 = arith.constant 6 : i32
      "tpu.region"() ({
        %run_scoped3A_22 = tpu.sem_alloc : memref<!tpu.dma_semaphore, #tpu.memory_space<semaphore_mem>>
        %dma_start3A = arith.constant 0 : i32
        %dma_start3A_23 = tpu.memref_slice %arg6[%run_scoped3A_20, %dma_start3A] : memref<8x128xi32, #tpu.memory_space<vmem>> -> memref<1x128xi32, #tpu.memory_space<vmem>>
        %dma_start3A_24 = tpu.memref_squeeze %dma_start3A_23 : memref<1x128xi32, #tpu.memory_space<vmem>> -> memref<128xi32, #tpu.memory_space<vmem>>
        %dma_start3A_25 = arith.constant 0 : i32
        %dma_start3A_26 = arith.constant 0 : i32
        %dma_start3A_27 = tpu.memref_slice %arg8[%dma_start3A_25, %dma_start3A_26] : memref<10240x128xf32, #tpu.memory_space<vmem_shared>> -> memref<10240x128xf32, #tpu.memory_space<vmem_shared>>
        tpu.enqueue_indirect_dma source(%arg7 : memref<128x128xf32, #tpu.memory_space<vmem>>) target(%dma_start3A_27 : memref<10240x128xf32, #tpu.memory_space<vmem_shared>>) offsets(%dma_start3A_24 : memref<128xi32, #tpu.memory_space<vmem>>) semaphore(%run_scoped3A_22 : memref<!tpu.dma_semaphore, #tpu.memory_space<semaphore_mem>>) {add = true}
        %dma_wait3A = arith.constant 0 : i32
        %dma_wait3A_28 = tpu.memref_slice %arg6[%run_scoped3A_20, %dma_wait3A] : memref<8x128xi32, #tpu.memory_space<vmem>> -> memref<1x128xi32, #tpu.memory_space<vmem>>
        %dma_wait3A_29 = tpu.memref_squeeze %dma_wait3A_28 : memref<1x128xi32, #tpu.memory_space<vmem>> -> memref<128xi32, #tpu.memory_space<vmem>>
        %dma_wait3A_30 = arith.constant 0 : i32
        %dma_wait3A_31 = arith.constant 0 : i32
        %dma_wait3A_32 = tpu.memref_slice %arg8[%dma_wait3A_30, %dma_wait3A_31] : memref<10240x128xf32, #tpu.memory_space<vmem_shared>> -> memref<10240x128xf32, #tpu.memory_space<vmem_shared>>
        tpu.wait_indirect_dma semaphore(%run_scoped3A_22 : memref<!tpu.dma_semaphore, #tpu.memory_space<semaphore_mem>>) src(%arg7 : memref<128x128xf32, #tpu.memory_space<vmem>>) dst(%dma_wait3A_32 : memref<10240x128xf32, #tpu.memory_space<vmem_shared>>)
        tpu.yield
      }) : () -> ()
      %run_scoped3A_21 = arith.constant 7 : i32
      "tpu.region"() ({
        %run_scoped3A_22 = tpu.sem_alloc : memref<!tpu.dma_semaphore, #tpu.memory_space<semaphore_mem>>
        %dma_start3A = arith.constant 0 : i32
        %dma_start3A_23 = tpu.memref_slice %arg6[%run_scoped3A_21, %dma_start3A] : memref<8x128xi32, #tpu.memory_space<vmem>> -> memref<1x128xi32, #tpu.memory_space<vmem>>
        %dma_start3A_24 = tpu.memref_squeeze %dma_start3A_23 : memref<1x128xi32, #tpu.memory_space<vmem>> -> memref<128xi32, #tpu.memory_space<vmem>>
        %dma_start3A_25 = arith.constant 0 : i32
        %dma_start3A_26 = arith.constant 0 : i32
        %dma_start3A_27 = tpu.memref_slice %arg8[%dma_start3A_25, %dma_start3A_26] : memref<10240x128xf32, #tpu.memory_space<vmem_shared>> -> memref<10240x128xf32, #tpu.memory_space<vmem_shared>>
        tpu.enqueue_indirect_dma source(%arg7 : memref<128x128xf32, #tpu.memory_space<vmem>>) target(%dma_start3A_27 : memref<10240x128xf32, #tpu.memory_space<vmem_shared>>) offsets(%dma_start3A_24 : memref<128xi32, #tpu.memory_space<vmem>>) semaphore(%run_scoped3A_22 : memref<!tpu.dma_semaphore, #tpu.memory_space<semaphore_mem>>) {add = true}
        %dma_wait3A = arith.constant 0 : i32
        %dma_wait3A_28 = tpu.memref_slice %arg6[%run_scoped3A_21, %dma_wait3A] : memref<8x128xi32, #tpu.memory_space<vmem>> -> memref<1x128xi32, #tpu.memory_space<vmem>>
        %dma_wait3A_29 = tpu.memref_squeeze %dma_wait3A_28 : memref<1x128xi32, #tpu.memory_space<vmem>> -> memref<128xi32, #tpu.memory_space<vmem>>
        %dma_wait3A_30 = arith.constant 0 : i32
        %dma_wait3A_31 = arith.constant 0 : i32
        %dma_wait3A_32 = tpu.memref_slice %arg8[%dma_wait3A_30, %dma_wait3A_31] : memref<10240x128xf32, #tpu.memory_space<vmem_shared>> -> memref<10240x128xf32, #tpu.memory_space<vmem_shared>>
        tpu.wait_indirect_dma semaphore(%run_scoped3A_22 : memref<!tpu.dma_semaphore, #tpu.memory_space<semaphore_mem>>) src(%arg7 : memref<128x128xf32, #tpu.memory_space<vmem>>) dst(%dma_wait3A_32 : memref<10240x128xf32, #tpu.memory_space<vmem_shared>>)
        tpu.yield
      }) : () -> ()
    }
    %scan3A_9 = arith.constant 10 : i32
    %barrier3A_10 = arith.constant 0 : index
    tpu.barrier barrier_id(%barrier3A_10)
    "tpu.region"() ({
      %run_scoped3A = tpu.sem_alloc : memref<!tpu.dma_semaphore, #tpu.memory_space<semaphore_mem>>
      %dma_start3A = arith.constant 0 : i32
      %dma_start3A_11 = tpu.memref_slice %arg5[%arg0, %mul3A_2, %dma_start3A] : memref<2x10240x128xf32, #tpu.memory_space<hbm>> -> memref<1x640x128xf32, #tpu.memory_space<hbm>>
      %dma_start3A_12 = tpu.memref_squeeze %dma_start3A_11 : memref<1x640x128xf32, #tpu.memory_space<hbm>> -> memref<640x128xf32, #tpu.memory_space<hbm>>
      %dma_start3A_13 = arith.constant 0 : i32
      %dma_start3A_14 = tpu.memref_slice %arg8[%mul3A_2, %dma_start3A_13] : memref<10240x128xf32, #tpu.memory_space<vmem_shared>> -> memref<640x128xf32, #tpu.memory_space<vmem_shared>>
      tpu.enqueue_dma source(%dma_start3A_14 : memref<640x128xf32, #tpu.memory_space<vmem_shared>>) target(%dma_start3A_12 : memref<640x128xf32, #tpu.memory_space<hbm>>) target_semaphore(%run_scoped3A : memref<!tpu.dma_semaphore, #tpu.memory_space<semaphore_mem>>)
      %dma_wait3A = arith.constant 0 : i32
      %dma_wait3A_15 = tpu.memref_slice %arg5[%arg0, %mul3A_2, %dma_wait3A] : memref<2x10240x128xf32, #tpu.memory_space<hbm>> -> memref<1x640x128xf32, #tpu.memory_space<hbm>>
      %dma_wait3A_16 = tpu.memref_squeeze %dma_wait3A_15 : memref<1x640x128xf32, #tpu.memory_space<hbm>> -> memref<640x128xf32, #tpu.memory_space<hbm>>
      %dma_wait3A_17 = arith.constant 0 : i32
      %dma_wait3A_18 = tpu.memref_slice %arg8[%mul3A_2, %dma_wait3A_17] : memref<10240x128xf32, #tpu.memory_space<vmem_shared>> -> memref<640x128xf32, #tpu.memory_space<vmem_shared>>
      tpu.wait_dma2 semaphore(%run_scoped3A : memref<!tpu.dma_semaphore, #tpu.memory_space<semaphore_mem>>) src(%dma_wait3A_18 : memref<640x128xf32, #tpu.memory_space<vmem_shared>>) dst(%dma_wait3A_16 : memref<640x128xf32, #tpu.memory_space<hbm>>)
      tpu.yield
    }) : () -> ()
    return
  }
}

#map = affine_map<(d0, d1) -> (0, 0)>
#map1 = affine_map<(d0, d1) -> (0, 0, 0)>
module attributes {stable_mosaic.version = 14 : i64} {
  func.func @_prop_call(%arg0: i32, %arg1: i32, %arg2: memref<10240x128xf32, #tpu.memory_space<hbm>>, %arg3: memref<2560x128xi32, #tpu.memory_space<hbm>>, %arg4: memref<2560x128xi32, #tpu.memory_space<hbm>>, %arg5: memref<2x10240x128xf32, #tpu.memory_space<hbm>>, %arg6: memref<8x128xi32, #tpu.memory_space<vmem>>, %arg7: memref<8x128xi32, #tpu.memory_space<vmem>>, %arg8: memref<128x128xf32, #tpu.memory_space<vmem>>, %arg9: memref<128x128xf32, #tpu.memory_space<vmem>>, %arg10: memref<10240x128xf32, #tpu.memory_space<vmem_shared>>, %arg11: memref<!tpu.dma_semaphore, #tpu.memory_space<semaphore_mem>>, %arg12: memref<!tpu.dma_semaphore, #tpu.memory_space<semaphore_mem>>) attributes {dimension_semantics = [#tpu.dimension_semantics<core_parallel>, #tpu.dimension_semantics<subcore_parallel>], iteration_bounds = array<i64: 2, 16>, scalar_prefetch = 0 : i64, scratch_operands = 7 : i64, tpu.core_type = #tpu.core_type<sc_vector_subcore>, window_params = [{transform_indices = #map}, {transform_indices = #map}, {transform_indices = #map}, {transform_indices = #map1}]} {
    %mul3A = arith.constant 640 : i32
    %mul3A_0 = arith.muli %arg1, %mul3A : i32
    "tpu.region"() ({
      %run_scoped3A = tpu.sem_alloc : memref<!tpu.dma_semaphore, #tpu.memory_space<semaphore_mem>>
      %dma_start3A = arith.constant 0 : i32
      %dma_start3A_58 = tpu.memref_slice %arg10[%mul3A_0, %dma_start3A] : memref<10240x128xf32, #tpu.memory_space<vmem_shared>> -> memref<640x128xf32, #tpu.memory_space<vmem_shared>>
      %dma_start3A_59 = arith.constant 0 : i32
      %dma_start3A_60 = tpu.memref_slice %arg2[%mul3A_0, %dma_start3A_59] : memref<10240x128xf32, #tpu.memory_space<hbm>> -> memref<640x128xf32, #tpu.memory_space<hbm>>
      tpu.enqueue_dma source(%dma_start3A_60 : memref<640x128xf32, #tpu.memory_space<hbm>>) target(%dma_start3A_58 : memref<640x128xf32, #tpu.memory_space<vmem_shared>>) target_semaphore(%run_scoped3A : memref<!tpu.dma_semaphore, #tpu.memory_space<semaphore_mem>>)
      %dma_wait3A = arith.constant 0 : i32
      %dma_wait3A_61 = tpu.memref_slice %arg10[%mul3A_0, %dma_wait3A] : memref<10240x128xf32, #tpu.memory_space<vmem_shared>> -> memref<640x128xf32, #tpu.memory_space<vmem_shared>>
      %dma_wait3A_62 = arith.constant 0 : i32
      %dma_wait3A_63 = tpu.memref_slice %arg2[%mul3A_0, %dma_wait3A_62] : memref<10240x128xf32, #tpu.memory_space<hbm>> -> memref<640x128xf32, #tpu.memory_space<hbm>>
      tpu.wait_dma2 semaphore(%run_scoped3A : memref<!tpu.dma_semaphore, #tpu.memory_space<semaphore_mem>>) src(%dma_wait3A_63 : memref<640x128xf32, #tpu.memory_space<hbm>>) dst(%dma_wait3A_61 : memref<640x128xf32, #tpu.memory_space<vmem_shared>>)
      tpu.yield
    }) : () -> ()
    %barrier3A = arith.constant 0 : index
    tpu.barrier barrier_id(%barrier3A)
    %mul3A_1 = arith.constant 0 : i32
    %mul3A_2 = arith.muli %arg0, %mul3A_1 : i32
    %add3A = arith.constant 10240 : i32
    %add3A_3 = arith.addi %add3A, %mul3A_2 : i32
    %mul3A_4 = arith.constant 160 : i32
    %mul3A_5 = arith.muli %arg0, %mul3A_4 : i32
    %jit3A = arith.constant 1024 : i32
    %div3A = arith.divsi %add3A_3, %jit3A : i32
    %sign3A = arith.constant 0 : i32
    %sign3A_6 = arith.cmpi sgt, %add3A_3, %sign3A : i32
    %sign3A_7 = arith.extui %sign3A_6 : i1 to i32
    %sign3A_8 = arith.constant 0 : i32
    %sign3A_9 = arith.cmpi slt, %add3A_3, %sign3A_8 : i32
    %sign3A_10 = arith.extui %sign3A_9 : i1 to i32
    %sign3A_11 = arith.subi %sign3A_7, %sign3A_10 : i32
    %sign3A_12 = arith.constant 0 : i32
    %sign3A_13 = arith.cmpi sgt, %jit3A, %sign3A_12 : i32
    %sign3A_14 = arith.extui %sign3A_13 : i1 to i32
    %sign3A_15 = arith.constant 0 : i32
    %sign3A_16 = arith.cmpi slt, %jit3A, %sign3A_15 : i32
    %sign3A_17 = arith.extui %sign3A_16 : i1 to i32
    %sign3A_18 = arith.subi %sign3A_14, %sign3A_17 : i32
    %ne3A = arith.cmpi ne, %sign3A_11, %sign3A_18 : i32
    %rem3A = arith.remsi %add3A_3, %jit3A : i32
    %ne3A_19 = arith.constant 0 : i32
    %ne3A_20 = arith.cmpi ne, %rem3A, %ne3A_19 : i32
    %and3A = arith.andi %ne3A, %ne3A_20 : i1
    %sub3A = arith.constant 1 : i32
    %sub3A_21 = arith.subi %div3A, %sub3A : i32
    %select_n3A = arith.select %and3A, %sub3A_21, %div3A : i32
    %mul3A_22 = arith.muli %arg1, %select_n3A : i32
    %add3A_23 = arith.addi %mul3A_5, %mul3A_22 : i32
    %jit3A_24 = arith.constant 1024 : i32
    %div3A_25 = arith.divsi %add3A_3, %jit3A_24 : i32
    %sign3A_26 = arith.constant 0 : i32
    %sign3A_27 = arith.cmpi sgt, %add3A_3, %sign3A_26 : i32
    %sign3A_28 = arith.extui %sign3A_27 : i1 to i32
    %sign3A_29 = arith.constant 0 : i32
    %sign3A_30 = arith.cmpi slt, %add3A_3, %sign3A_29 : i32
    %sign3A_31 = arith.extui %sign3A_30 : i1 to i32
    %sign3A_32 = arith.subi %sign3A_28, %sign3A_31 : i32
    %sign3A_33 = arith.constant 0 : i32
    %sign3A_34 = arith.cmpi sgt, %jit3A_24, %sign3A_33 : i32
    %sign3A_35 = arith.extui %sign3A_34 : i1 to i32
    %sign3A_36 = arith.constant 0 : i32
    %sign3A_37 = arith.cmpi slt, %jit3A_24, %sign3A_36 : i32
    %sign3A_38 = arith.extui %sign3A_37 : i1 to i32
    %sign3A_39 = arith.subi %sign3A_35, %sign3A_38 : i32
    %ne3A_40 = arith.cmpi ne, %sign3A_32, %sign3A_39 : i32
    %rem3A_41 = arith.remsi %add3A_3, %jit3A_24 : i32
    %ne3A_42 = arith.constant 0 : i32
    %ne3A_43 = arith.cmpi ne, %rem3A_41, %ne3A_42 : i32
    %and3A_44 = arith.andi %ne3A_40, %ne3A_43 : i1
    %sub3A_45 = arith.constant 1 : i32
    %sub3A_46 = arith.subi %div3A_25, %sub3A_45 : i32
    %select_n3A_47 = arith.select %and3A_44, %sub3A_46, %div3A_25 : i32
    %while3A = arith.constant 0 : i32
    %while3A_48 = arith.constant 0 : i32
    %while3A_49 = arith.subi %select_n3A_47, %while3A_48 : i32
    %while3A_50 = arith.addi %while3A_48, %while3A_49 : i32
    %while3A_51 = arith.constant 1 : i32
    %while3A_52 = arith.divsi %while3A_49, %while3A_51 : i32
    %while3A_53 = arith.muli %while3A_52, %while3A_51 : i32
    %while3A_54 = arith.addi %while3A_48, %while3A_53 : i32
    %while3A_55 = arith.constant 1 : i32
    scf.for %while3A_58 = %while3A_48 to %while3A_54 step %while3A_55  : i32 {
      %add3A_59 = arith.addi %add3A_23, %while3A_58 : i32
      %mul3A_60 = arith.constant 8 : i32
      %mul3A_61 = arith.muli %add3A_59, %mul3A_60 : i32
      "tpu.region"() ({
        %run_scoped3A_182 = tpu.sem_alloc : memref<!tpu.dma_semaphore, #tpu.memory_space<semaphore_mem>>
        %dma_start3A_183 = arith.constant 0 : i32
        %dma_start3A_184 = tpu.memref_slice %arg3[%mul3A_61, %dma_start3A_183] : memref<2560x128xi32, #tpu.memory_space<hbm>> -> memref<8x128xi32, #tpu.memory_space<hbm>>
        %dma_start3A_185 = arith.constant 0 : i32
        %dma_start3A_186 = tpu.memref_slice %arg3[%mul3A_61, %dma_start3A_185] : memref<2560x128xi32, #tpu.memory_space<hbm>> -> memref<8x128xi32, #tpu.memory_space<hbm>>
        tpu.enqueue_dma source(%dma_start3A_186 : memref<8x128xi32, #tpu.memory_space<hbm>>) target(%arg6 : memref<8x128xi32, #tpu.memory_space<vmem>>) target_semaphore(%run_scoped3A_182 : memref<!tpu.dma_semaphore, #tpu.memory_space<semaphore_mem>>)
        %dma_wait3A_187 = arith.constant 0 : i32
        %dma_wait3A_188 = tpu.memref_slice %arg3[%mul3A_61, %dma_wait3A_187] : memref<2560x128xi32, #tpu.memory_space<hbm>> -> memref<8x128xi32, #tpu.memory_space<hbm>>
        %dma_wait3A_189 = arith.constant 0 : i32
        %dma_wait3A_190 = tpu.memref_slice %arg3[%mul3A_61, %dma_wait3A_189] : memref<2560x128xi32, #tpu.memory_space<hbm>> -> memref<8x128xi32, #tpu.memory_space<hbm>>
        tpu.wait_dma2 semaphore(%run_scoped3A_182 : memref<!tpu.dma_semaphore, #tpu.memory_space<semaphore_mem>>) src(%dma_wait3A_190 : memref<8x128xi32, #tpu.memory_space<hbm>>) dst(%arg6 : memref<8x128xi32, #tpu.memory_space<vmem>>)
        tpu.yield
      }) : () -> ()
      %add3A_62 = arith.addi %add3A_23, %while3A_58 : i32
      %mul3A_63 = arith.constant 8 : i32
      %mul3A_64 = arith.muli %add3A_62, %mul3A_63 : i32
      "tpu.region"() ({
        %run_scoped3A_182 = tpu.sem_alloc : memref<!tpu.dma_semaphore, #tpu.memory_space<semaphore_mem>>
        %dma_start3A_183 = arith.constant 0 : i32
        %dma_start3A_184 = tpu.memref_slice %arg4[%mul3A_64, %dma_start3A_183] : memref<2560x128xi32, #tpu.memory_space<hbm>> -> memref<8x128xi32, #tpu.memory_space<hbm>>
        %dma_start3A_185 = arith.constant 0 : i32
        %dma_start3A_186 = tpu.memref_slice %arg4[%mul3A_64, %dma_start3A_185] : memref<2560x128xi32, #tpu.memory_space<hbm>> -> memref<8x128xi32, #tpu.memory_space<hbm>>
        tpu.enqueue_dma source(%dma_start3A_186 : memref<8x128xi32, #tpu.memory_space<hbm>>) target(%arg7 : memref<8x128xi32, #tpu.memory_space<vmem>>) target_semaphore(%run_scoped3A_182 : memref<!tpu.dma_semaphore, #tpu.memory_space<semaphore_mem>>)
        %dma_wait3A_187 = arith.constant 0 : i32
        %dma_wait3A_188 = tpu.memref_slice %arg4[%mul3A_64, %dma_wait3A_187] : memref<2560x128xi32, #tpu.memory_space<hbm>> -> memref<8x128xi32, #tpu.memory_space<hbm>>
        %dma_wait3A_189 = arith.constant 0 : i32
        %dma_wait3A_190 = tpu.memref_slice %arg4[%mul3A_64, %dma_wait3A_189] : memref<2560x128xi32, #tpu.memory_space<hbm>> -> memref<8x128xi32, #tpu.memory_space<hbm>>
        tpu.wait_dma2 semaphore(%run_scoped3A_182 : memref<!tpu.dma_semaphore, #tpu.memory_space<semaphore_mem>>) src(%dma_wait3A_190 : memref<8x128xi32, #tpu.memory_space<hbm>>) dst(%arg7 : memref<8x128xi32, #tpu.memory_space<vmem>>)
        tpu.yield
      }) : () -> ()
      %dma_start3A = arith.constant 0 : i32
      %dma_start3A_65 = arith.constant 0 : i32
      %dma_start3A_66 = tpu.memref_slice %arg6[%dma_start3A, %dma_start3A_65] : memref<8x128xi32, #tpu.memory_space<vmem>> -> memref<1x128xi32, #tpu.memory_space<vmem>>
      %dma_start3A_67 = tpu.memref_squeeze %dma_start3A_66 : memref<1x128xi32, #tpu.memory_space<vmem>> -> memref<128xi32, #tpu.memory_space<vmem>>
      %dma_start3A_68 = arith.constant 0 : i32
      %dma_start3A_69 = arith.constant 0 : i32
      %dma_start3A_70 = tpu.memref_slice %arg2[%dma_start3A_68, %dma_start3A_69] : memref<10240x128xf32, #tpu.memory_space<hbm>> -> memref<10240x128xf32, #tpu.memory_space<hbm>>
      tpu.enqueue_indirect_dma source(%dma_start3A_70 : memref<10240x128xf32, #tpu.memory_space<hbm>>) target(%arg8 : memref<128x128xf32, #tpu.memory_space<vmem>>) offsets(%dma_start3A_67 : memref<128xi32, #tpu.memory_space<vmem>>) semaphore(%arg11 : memref<!tpu.dma_semaphore, #tpu.memory_space<semaphore_mem>>)
      %dma_start3A_71 = arith.constant 1 : i32
      %dma_start3A_72 = arith.constant 0 : i32
      %dma_start3A_73 = tpu.memref_slice %arg6[%dma_start3A_71, %dma_start3A_72] : memref<8x128xi32, #tpu.memory_space<vmem>> -> memref<1x128xi32, #tpu.memory_space<vmem>>
      %dma_start3A_74 = tpu.memref_squeeze %dma_start3A_73 : memref<1x128xi32, #tpu.memory_space<vmem>> -> memref<128xi32, #tpu.memory_space<vmem>>
      %dma_start3A_75 = arith.constant 0 : i32
      %dma_start3A_76 = arith.constant 0 : i32
      %dma_start3A_77 = tpu.memref_slice %arg2[%dma_start3A_75, %dma_start3A_76] : memref<10240x128xf32, #tpu.memory_space<hbm>> -> memref<10240x128xf32, #tpu.memory_space<hbm>>
      tpu.enqueue_indirect_dma source(%dma_start3A_77 : memref<10240x128xf32, #tpu.memory_space<hbm>>) target(%arg9 : memref<128x128xf32, #tpu.memory_space<vmem>>) offsets(%dma_start3A_74 : memref<128xi32, #tpu.memory_space<vmem>>) semaphore(%arg12 : memref<!tpu.dma_semaphore, #tpu.memory_space<semaphore_mem>>)
      %dma_wait3A = arith.constant 0 : i32
      %dma_wait3A_78 = arith.constant 0 : i32
      %dma_wait3A_79 = tpu.memref_slice %arg6[%dma_wait3A, %dma_wait3A_78] : memref<8x128xi32, #tpu.memory_space<vmem>> -> memref<1x128xi32, #tpu.memory_space<vmem>>
      %dma_wait3A_80 = tpu.memref_squeeze %dma_wait3A_79 : memref<1x128xi32, #tpu.memory_space<vmem>> -> memref<128xi32, #tpu.memory_space<vmem>>
      %dma_wait3A_81 = arith.constant 0 : i32
      %dma_wait3A_82 = arith.constant 0 : i32
      %dma_wait3A_83 = tpu.memref_slice %arg2[%dma_wait3A_81, %dma_wait3A_82] : memref<10240x128xf32, #tpu.memory_space<hbm>> -> memref<10240x128xf32, #tpu.memory_space<hbm>>
      tpu.wait_indirect_dma semaphore(%arg11 : memref<!tpu.dma_semaphore, #tpu.memory_space<semaphore_mem>>) src(%dma_wait3A_83 : memref<10240x128xf32, #tpu.memory_space<hbm>>) dst(%arg8 : memref<128x128xf32, #tpu.memory_space<vmem>>)
      %run_scoped3A = arith.constant 0 : i32
      "tpu.region"() ({
        %run_scoped3A_182 = tpu.sem_alloc : memref<!tpu.dma_semaphore, #tpu.memory_space<semaphore_mem>>
        %dma_start3A_183 = arith.constant 0 : i32
        %dma_start3A_184 = tpu.memref_slice %arg7[%run_scoped3A, %dma_start3A_183] : memref<8x128xi32, #tpu.memory_space<vmem>> -> memref<1x128xi32, #tpu.memory_space<vmem>>
        %dma_start3A_185 = tpu.memref_squeeze %dma_start3A_184 : memref<1x128xi32, #tpu.memory_space<vmem>> -> memref<128xi32, #tpu.memory_space<vmem>>
        %dma_start3A_186 = arith.constant 0 : i32
        %dma_start3A_187 = arith.constant 0 : i32
        %dma_start3A_188 = tpu.memref_slice %arg10[%dma_start3A_186, %dma_start3A_187] : memref<10240x128xf32, #tpu.memory_space<vmem_shared>> -> memref<10240x128xf32, #tpu.memory_space<vmem_shared>>
        tpu.enqueue_indirect_dma source(%arg8 : memref<128x128xf32, #tpu.memory_space<vmem>>) target(%dma_start3A_188 : memref<10240x128xf32, #tpu.memory_space<vmem_shared>>) offsets(%dma_start3A_185 : memref<128xi32, #tpu.memory_space<vmem>>) semaphore(%run_scoped3A_182 : memref<!tpu.dma_semaphore, #tpu.memory_space<semaphore_mem>>) {add = true}
        %dma_wait3A_189 = arith.constant 0 : i32
        %dma_wait3A_190 = tpu.memref_slice %arg7[%run_scoped3A, %dma_wait3A_189] : memref<8x128xi32, #tpu.memory_space<vmem>> -> memref<1x128xi32, #tpu.memory_space<vmem>>
        %dma_wait3A_191 = tpu.memref_squeeze %dma_wait3A_190 : memref<1x128xi32, #tpu.memory_space<vmem>> -> memref<128xi32, #tpu.memory_space<vmem>>
        %dma_wait3A_192 = arith.constant 0 : i32
        %dma_wait3A_193 = arith.constant 0 : i32
        %dma_wait3A_194 = tpu.memref_slice %arg10[%dma_wait3A_192, %dma_wait3A_193] : memref<10240x128xf32, #tpu.memory_space<vmem_shared>> -> memref<10240x128xf32, #tpu.memory_space<vmem_shared>>
        tpu.wait_indirect_dma semaphore(%run_scoped3A_182 : memref<!tpu.dma_semaphore, #tpu.memory_space<semaphore_mem>>) src(%arg8 : memref<128x128xf32, #tpu.memory_space<vmem>>) dst(%dma_wait3A_194 : memref<10240x128xf32, #tpu.memory_space<vmem_shared>>)
        tpu.yield
      }) : () -> ()
      %dma_start3A_84 = arith.constant 2 : i32
      %dma_start3A_85 = arith.constant 0 : i32
      %dma_start3A_86 = tpu.memref_slice %arg6[%dma_start3A_84, %dma_start3A_85] : memref<8x128xi32, #tpu.memory_space<vmem>> -> memref<1x128xi32, #tpu.memory_space<vmem>>
      %dma_start3A_87 = tpu.memref_squeeze %dma_start3A_86 : memref<1x128xi32, #tpu.memory_space<vmem>> -> memref<128xi32, #tpu.memory_space<vmem>>
      %dma_start3A_88 = arith.constant 0 : i32
      %dma_start3A_89 = arith.constant 0 : i32
      %dma_start3A_90 = tpu.memref_slice %arg2[%dma_start3A_88, %dma_start3A_89] : memref<10240x128xf32, #tpu.memory_space<hbm>> -> memref<10240x128xf32, #tpu.memory_space<hbm>>
      tpu.enqueue_indirect_dma source(%dma_start3A_90 : memref<10240x128xf32, #tpu.memory_space<hbm>>) target(%arg8 : memref<128x128xf32, #tpu.memory_space<vmem>>) offsets(%dma_start3A_87 : memref<128xi32, #tpu.memory_space<vmem>>) semaphore(%arg11 : memref<!tpu.dma_semaphore, #tpu.memory_space<semaphore_mem>>)
      %dma_wait3A_91 = arith.constant 1 : i32
      %dma_wait3A_92 = arith.constant 0 : i32
      %dma_wait3A_93 = tpu.memref_slice %arg6[%dma_wait3A_91, %dma_wait3A_92] : memref<8x128xi32, #tpu.memory_space<vmem>> -> memref<1x128xi32, #tpu.memory_space<vmem>>
      %dma_wait3A_94 = tpu.memref_squeeze %dma_wait3A_93 : memref<1x128xi32, #tpu.memory_space<vmem>> -> memref<128xi32, #tpu.memory_space<vmem>>
      %dma_wait3A_95 = arith.constant 0 : i32
      %dma_wait3A_96 = arith.constant 0 : i32
      %dma_wait3A_97 = tpu.memref_slice %arg2[%dma_wait3A_95, %dma_wait3A_96] : memref<10240x128xf32, #tpu.memory_space<hbm>> -> memref<10240x128xf32, #tpu.memory_space<hbm>>
      tpu.wait_indirect_dma semaphore(%arg12 : memref<!tpu.dma_semaphore, #tpu.memory_space<semaphore_mem>>) src(%dma_wait3A_97 : memref<10240x128xf32, #tpu.memory_space<hbm>>) dst(%arg9 : memref<128x128xf32, #tpu.memory_space<vmem>>)
      %run_scoped3A_98 = arith.constant 1 : i32
      "tpu.region"() ({
        %run_scoped3A_182 = tpu.sem_alloc : memref<!tpu.dma_semaphore, #tpu.memory_space<semaphore_mem>>
        %dma_start3A_183 = arith.constant 0 : i32
        %dma_start3A_184 = tpu.memref_slice %arg7[%run_scoped3A_98, %dma_start3A_183] : memref<8x128xi32, #tpu.memory_space<vmem>> -> memref<1x128xi32, #tpu.memory_space<vmem>>
        %dma_start3A_185 = tpu.memref_squeeze %dma_start3A_184 : memref<1x128xi32, #tpu.memory_space<vmem>> -> memref<128xi32, #tpu.memory_space<vmem>>
        %dma_start3A_186 = arith.constant 0 : i32
        %dma_start3A_187 = arith.constant 0 : i32
        %dma_start3A_188 = tpu.memref_slice %arg10[%dma_start3A_186, %dma_start3A_187] : memref<10240x128xf32, #tpu.memory_space<vmem_shared>> -> memref<10240x128xf32, #tpu.memory_space<vmem_shared>>
        tpu.enqueue_indirect_dma source(%arg9 : memref<128x128xf32, #tpu.memory_space<vmem>>) target(%dma_start3A_188 : memref<10240x128xf32, #tpu.memory_space<vmem_shared>>) offsets(%dma_start3A_185 : memref<128xi32, #tpu.memory_space<vmem>>) semaphore(%run_scoped3A_182 : memref<!tpu.dma_semaphore, #tpu.memory_space<semaphore_mem>>) {add = true}
        %dma_wait3A_189 = arith.constant 0 : i32
        %dma_wait3A_190 = tpu.memref_slice %arg7[%run_scoped3A_98, %dma_wait3A_189] : memref<8x128xi32, #tpu.memory_space<vmem>> -> memref<1x128xi32, #tpu.memory_space<vmem>>
        %dma_wait3A_191 = tpu.memref_squeeze %dma_wait3A_190 : memref<1x128xi32, #tpu.memory_space<vmem>> -> memref<128xi32, #tpu.memory_space<vmem>>
        %dma_wait3A_192 = arith.constant 0 : i32
        %dma_wait3A_193 = arith.constant 0 : i32
        %dma_wait3A_194 = tpu.memref_slice %arg10[%dma_wait3A_192, %dma_wait3A_193] : memref<10240x128xf32, #tpu.memory_space<vmem_shared>> -> memref<10240x128xf32, #tpu.memory_space<vmem_shared>>
        tpu.wait_indirect_dma semaphore(%run_scoped3A_182 : memref<!tpu.dma_semaphore, #tpu.memory_space<semaphore_mem>>) src(%arg9 : memref<128x128xf32, #tpu.memory_space<vmem>>) dst(%dma_wait3A_194 : memref<10240x128xf32, #tpu.memory_space<vmem_shared>>)
        tpu.yield
      }) : () -> ()
      %dma_start3A_99 = arith.constant 3 : i32
      %dma_start3A_100 = arith.constant 0 : i32
      %dma_start3A_101 = tpu.memref_slice %arg6[%dma_start3A_99, %dma_start3A_100] : memref<8x128xi32, #tpu.memory_space<vmem>> -> memref<1x128xi32, #tpu.memory_space<vmem>>
      %dma_start3A_102 = tpu.memref_squeeze %dma_start3A_101 : memref<1x128xi32, #tpu.memory_space<vmem>> -> memref<128xi32, #tpu.memory_space<vmem>>
      %dma_start3A_103 = arith.constant 0 : i32
      %dma_start3A_104 = arith.constant 0 : i32
      %dma_start3A_105 = tpu.memref_slice %arg2[%dma_start3A_103, %dma_start3A_104] : memref<10240x128xf32, #tpu.memory_space<hbm>> -> memref<10240x128xf32, #tpu.memory_space<hbm>>
      tpu.enqueue_indirect_dma source(%dma_start3A_105 : memref<10240x128xf32, #tpu.memory_space<hbm>>) target(%arg9 : memref<128x128xf32, #tpu.memory_space<vmem>>) offsets(%dma_start3A_102 : memref<128xi32, #tpu.memory_space<vmem>>) semaphore(%arg12 : memref<!tpu.dma_semaphore, #tpu.memory_space<semaphore_mem>>)
      %dma_wait3A_106 = arith.constant 2 : i32
      %dma_wait3A_107 = arith.constant 0 : i32
      %dma_wait3A_108 = tpu.memref_slice %arg6[%dma_wait3A_106, %dma_wait3A_107] : memref<8x128xi32, #tpu.memory_space<vmem>> -> memref<1x128xi32, #tpu.memory_space<vmem>>
      %dma_wait3A_109 = tpu.memref_squeeze %dma_wait3A_108 : memref<1x128xi32, #tpu.memory_space<vmem>> -> memref<128xi32, #tpu.memory_space<vmem>>
      %dma_wait3A_110 = arith.constant 0 : i32
      %dma_wait3A_111 = arith.constant 0 : i32
      %dma_wait3A_112 = tpu.memref_slice %arg2[%dma_wait3A_110, %dma_wait3A_111] : memref<10240x128xf32, #tpu.memory_space<hbm>> -> memref<10240x128xf32, #tpu.memory_space<hbm>>
      tpu.wait_indirect_dma semaphore(%arg11 : memref<!tpu.dma_semaphore, #tpu.memory_space<semaphore_mem>>) src(%dma_wait3A_112 : memref<10240x128xf32, #tpu.memory_space<hbm>>) dst(%arg8 : memref<128x128xf32, #tpu.memory_space<vmem>>)
      %run_scoped3A_113 = arith.constant 2 : i32
      "tpu.region"() ({
        %run_scoped3A_182 = tpu.sem_alloc : memref<!tpu.dma_semaphore, #tpu.memory_space<semaphore_mem>>
        %dma_start3A_183 = arith.constant 0 : i32
        %dma_start3A_184 = tpu.memref_slice %arg7[%run_scoped3A_113, %dma_start3A_183] : memref<8x128xi32, #tpu.memory_space<vmem>> -> memref<1x128xi32, #tpu.memory_space<vmem>>
        %dma_start3A_185 = tpu.memref_squeeze %dma_start3A_184 : memref<1x128xi32, #tpu.memory_space<vmem>> -> memref<128xi32, #tpu.memory_space<vmem>>
        %dma_start3A_186 = arith.constant 0 : i32
        %dma_start3A_187 = arith.constant 0 : i32
        %dma_start3A_188 = tpu.memref_slice %arg10[%dma_start3A_186, %dma_start3A_187] : memref<10240x128xf32, #tpu.memory_space<vmem_shared>> -> memref<10240x128xf32, #tpu.memory_space<vmem_shared>>
        tpu.enqueue_indirect_dma source(%arg8 : memref<128x128xf32, #tpu.memory_space<vmem>>) target(%dma_start3A_188 : memref<10240x128xf32, #tpu.memory_space<vmem_shared>>) offsets(%dma_start3A_185 : memref<128xi32, #tpu.memory_space<vmem>>) semaphore(%run_scoped3A_182 : memref<!tpu.dma_semaphore, #tpu.memory_space<semaphore_mem>>) {add = true}
        %dma_wait3A_189 = arith.constant 0 : i32
        %dma_wait3A_190 = tpu.memref_slice %arg7[%run_scoped3A_113, %dma_wait3A_189] : memref<8x128xi32, #tpu.memory_space<vmem>> -> memref<1x128xi32, #tpu.memory_space<vmem>>
        %dma_wait3A_191 = tpu.memref_squeeze %dma_wait3A_190 : memref<1x128xi32, #tpu.memory_space<vmem>> -> memref<128xi32, #tpu.memory_space<vmem>>
        %dma_wait3A_192 = arith.constant 0 : i32
        %dma_wait3A_193 = arith.constant 0 : i32
        %dma_wait3A_194 = tpu.memref_slice %arg10[%dma_wait3A_192, %dma_wait3A_193] : memref<10240x128xf32, #tpu.memory_space<vmem_shared>> -> memref<10240x128xf32, #tpu.memory_space<vmem_shared>>
        tpu.wait_indirect_dma semaphore(%run_scoped3A_182 : memref<!tpu.dma_semaphore, #tpu.memory_space<semaphore_mem>>) src(%arg8 : memref<128x128xf32, #tpu.memory_space<vmem>>) dst(%dma_wait3A_194 : memref<10240x128xf32, #tpu.memory_space<vmem_shared>>)
        tpu.yield
      }) : () -> ()
      %dma_start3A_114 = arith.constant 4 : i32
      %dma_start3A_115 = arith.constant 0 : i32
      %dma_start3A_116 = tpu.memref_slice %arg6[%dma_start3A_114, %dma_start3A_115] : memref<8x128xi32, #tpu.memory_space<vmem>> -> memref<1x128xi32, #tpu.memory_space<vmem>>
      %dma_start3A_117 = tpu.memref_squeeze %dma_start3A_116 : memref<1x128xi32, #tpu.memory_space<vmem>> -> memref<128xi32, #tpu.memory_space<vmem>>
      %dma_start3A_118 = arith.constant 0 : i32
      %dma_start3A_119 = arith.constant 0 : i32
      %dma_start3A_120 = tpu.memref_slice %arg2[%dma_start3A_118, %dma_start3A_119] : memref<10240x128xf32, #tpu.memory_space<hbm>> -> memref<10240x128xf32, #tpu.memory_space<hbm>>
      tpu.enqueue_indirect_dma source(%dma_start3A_120 : memref<10240x128xf32, #tpu.memory_space<hbm>>) target(%arg8 : memref<128x128xf32, #tpu.memory_space<vmem>>) offsets(%dma_start3A_117 : memref<128xi32, #tpu.memory_space<vmem>>) semaphore(%arg11 : memref<!tpu.dma_semaphore, #tpu.memory_space<semaphore_mem>>)
      %dma_wait3A_121 = arith.constant 3 : i32
      %dma_wait3A_122 = arith.constant 0 : i32
      %dma_wait3A_123 = tpu.memref_slice %arg6[%dma_wait3A_121, %dma_wait3A_122] : memref<8x128xi32, #tpu.memory_space<vmem>> -> memref<1x128xi32, #tpu.memory_space<vmem>>
      %dma_wait3A_124 = tpu.memref_squeeze %dma_wait3A_123 : memref<1x128xi32, #tpu.memory_space<vmem>> -> memref<128xi32, #tpu.memory_space<vmem>>
      %dma_wait3A_125 = arith.constant 0 : i32
      %dma_wait3A_126 = arith.constant 0 : i32
      %dma_wait3A_127 = tpu.memref_slice %arg2[%dma_wait3A_125, %dma_wait3A_126] : memref<10240x128xf32, #tpu.memory_space<hbm>> -> memref<10240x128xf32, #tpu.memory_space<hbm>>
      tpu.wait_indirect_dma semaphore(%arg12 : memref<!tpu.dma_semaphore, #tpu.memory_space<semaphore_mem>>) src(%dma_wait3A_127 : memref<10240x128xf32, #tpu.memory_space<hbm>>) dst(%arg9 : memref<128x128xf32, #tpu.memory_space<vmem>>)
      %run_scoped3A_128 = arith.constant 3 : i32
      "tpu.region"() ({
        %run_scoped3A_182 = tpu.sem_alloc : memref<!tpu.dma_semaphore, #tpu.memory_space<semaphore_mem>>
        %dma_start3A_183 = arith.constant 0 : i32
        %dma_start3A_184 = tpu.memref_slice %arg7[%run_scoped3A_128, %dma_start3A_183] : memref<8x128xi32, #tpu.memory_space<vmem>> -> memref<1x128xi32, #tpu.memory_space<vmem>>
        %dma_start3A_185 = tpu.memref_squeeze %dma_start3A_184 : memref<1x128xi32, #tpu.memory_space<vmem>> -> memref<128xi32, #tpu.memory_space<vmem>>
        %dma_start3A_186 = arith.constant 0 : i32
        %dma_start3A_187 = arith.constant 0 : i32
        %dma_start3A_188 = tpu.memref_slice %arg10[%dma_start3A_186, %dma_start3A_187] : memref<10240x128xf32, #tpu.memory_space<vmem_shared>> -> memref<10240x128xf32, #tpu.memory_space<vmem_shared>>
        tpu.enqueue_indirect_dma source(%arg9 : memref<128x128xf32, #tpu.memory_space<vmem>>) target(%dma_start3A_188 : memref<10240x128xf32, #tpu.memory_space<vmem_shared>>) offsets(%dma_start3A_185 : memref<128xi32, #tpu.memory_space<vmem>>) semaphore(%run_scoped3A_182 : memref<!tpu.dma_semaphore, #tpu.memory_space<semaphore_mem>>) {add = true}
        %dma_wait3A_189 = arith.constant 0 : i32
        %dma_wait3A_190 = tpu.memref_slice %arg7[%run_scoped3A_128, %dma_wait3A_189] : memref<8x128xi32, #tpu.memory_space<vmem>> -> memref<1x128xi32, #tpu.memory_space<vmem>>
        %dma_wait3A_191 = tpu.memref_squeeze %dma_wait3A_190 : memref<1x128xi32, #tpu.memory_space<vmem>> -> memref<128xi32, #tpu.memory_space<vmem>>
        %dma_wait3A_192 = arith.constant 0 : i32
        %dma_wait3A_193 = arith.constant 0 : i32
        %dma_wait3A_194 = tpu.memref_slice %arg10[%dma_wait3A_192, %dma_wait3A_193] : memref<10240x128xf32, #tpu.memory_space<vmem_shared>> -> memref<10240x128xf32, #tpu.memory_space<vmem_shared>>
        tpu.wait_indirect_dma semaphore(%run_scoped3A_182 : memref<!tpu.dma_semaphore, #tpu.memory_space<semaphore_mem>>) src(%arg9 : memref<128x128xf32, #tpu.memory_space<vmem>>) dst(%dma_wait3A_194 : memref<10240x128xf32, #tpu.memory_space<vmem_shared>>)
        tpu.yield
      }) : () -> ()
      %dma_start3A_129 = arith.constant 5 : i32
      %dma_start3A_130 = arith.constant 0 : i32
      %dma_start3A_131 = tpu.memref_slice %arg6[%dma_start3A_129, %dma_start3A_130] : memref<8x128xi32, #tpu.memory_space<vmem>> -> memref<1x128xi32, #tpu.memory_space<vmem>>
      %dma_start3A_132 = tpu.memref_squeeze %dma_start3A_131 : memref<1x128xi32, #tpu.memory_space<vmem>> -> memref<128xi32, #tpu.memory_space<vmem>>
      %dma_start3A_133 = arith.constant 0 : i32
      %dma_start3A_134 = arith.constant 0 : i32
      %dma_start3A_135 = tpu.memref_slice %arg2[%dma_start3A_133, %dma_start3A_134] : memref<10240x128xf32, #tpu.memory_space<hbm>> -> memref<10240x128xf32, #tpu.memory_space<hbm>>
      tpu.enqueue_indirect_dma source(%dma_start3A_135 : memref<10240x128xf32, #tpu.memory_space<hbm>>) target(%arg9 : memref<128x128xf32, #tpu.memory_space<vmem>>) offsets(%dma_start3A_132 : memref<128xi32, #tpu.memory_space<vmem>>) semaphore(%arg12 : memref<!tpu.dma_semaphore, #tpu.memory_space<semaphore_mem>>)
      %dma_wait3A_136 = arith.constant 4 : i32
      %dma_wait3A_137 = arith.constant 0 : i32
      %dma_wait3A_138 = tpu.memref_slice %arg6[%dma_wait3A_136, %dma_wait3A_137] : memref<8x128xi32, #tpu.memory_space<vmem>> -> memref<1x128xi32, #tpu.memory_space<vmem>>
      %dma_wait3A_139 = tpu.memref_squeeze %dma_wait3A_138 : memref<1x128xi32, #tpu.memory_space<vmem>> -> memref<128xi32, #tpu.memory_space<vmem>>
      %dma_wait3A_140 = arith.constant 0 : i32
      %dma_wait3A_141 = arith.constant 0 : i32
      %dma_wait3A_142 = tpu.memref_slice %arg2[%dma_wait3A_140, %dma_wait3A_141] : memref<10240x128xf32, #tpu.memory_space<hbm>> -> memref<10240x128xf32, #tpu.memory_space<hbm>>
      tpu.wait_indirect_dma semaphore(%arg11 : memref<!tpu.dma_semaphore, #tpu.memory_space<semaphore_mem>>) src(%dma_wait3A_142 : memref<10240x128xf32, #tpu.memory_space<hbm>>) dst(%arg8 : memref<128x128xf32, #tpu.memory_space<vmem>>)
      %run_scoped3A_143 = arith.constant 4 : i32
      "tpu.region"() ({
        %run_scoped3A_182 = tpu.sem_alloc : memref<!tpu.dma_semaphore, #tpu.memory_space<semaphore_mem>>
        %dma_start3A_183 = arith.constant 0 : i32
        %dma_start3A_184 = tpu.memref_slice %arg7[%run_scoped3A_143, %dma_start3A_183] : memref<8x128xi32, #tpu.memory_space<vmem>> -> memref<1x128xi32, #tpu.memory_space<vmem>>
        %dma_start3A_185 = tpu.memref_squeeze %dma_start3A_184 : memref<1x128xi32, #tpu.memory_space<vmem>> -> memref<128xi32, #tpu.memory_space<vmem>>
        %dma_start3A_186 = arith.constant 0 : i32
        %dma_start3A_187 = arith.constant 0 : i32
        %dma_start3A_188 = tpu.memref_slice %arg10[%dma_start3A_186, %dma_start3A_187] : memref<10240x128xf32, #tpu.memory_space<vmem_shared>> -> memref<10240x128xf32, #tpu.memory_space<vmem_shared>>
        tpu.enqueue_indirect_dma source(%arg8 : memref<128x128xf32, #tpu.memory_space<vmem>>) target(%dma_start3A_188 : memref<10240x128xf32, #tpu.memory_space<vmem_shared>>) offsets(%dma_start3A_185 : memref<128xi32, #tpu.memory_space<vmem>>) semaphore(%run_scoped3A_182 : memref<!tpu.dma_semaphore, #tpu.memory_space<semaphore_mem>>) {add = true}
        %dma_wait3A_189 = arith.constant 0 : i32
        %dma_wait3A_190 = tpu.memref_slice %arg7[%run_scoped3A_143, %dma_wait3A_189] : memref<8x128xi32, #tpu.memory_space<vmem>> -> memref<1x128xi32, #tpu.memory_space<vmem>>
        %dma_wait3A_191 = tpu.memref_squeeze %dma_wait3A_190 : memref<1x128xi32, #tpu.memory_space<vmem>> -> memref<128xi32, #tpu.memory_space<vmem>>
        %dma_wait3A_192 = arith.constant 0 : i32
        %dma_wait3A_193 = arith.constant 0 : i32
        %dma_wait3A_194 = tpu.memref_slice %arg10[%dma_wait3A_192, %dma_wait3A_193] : memref<10240x128xf32, #tpu.memory_space<vmem_shared>> -> memref<10240x128xf32, #tpu.memory_space<vmem_shared>>
        tpu.wait_indirect_dma semaphore(%run_scoped3A_182 : memref<!tpu.dma_semaphore, #tpu.memory_space<semaphore_mem>>) src(%arg8 : memref<128x128xf32, #tpu.memory_space<vmem>>) dst(%dma_wait3A_194 : memref<10240x128xf32, #tpu.memory_space<vmem_shared>>)
        tpu.yield
      }) : () -> ()
      %dma_start3A_144 = arith.constant 6 : i32
      %dma_start3A_145 = arith.constant 0 : i32
      %dma_start3A_146 = tpu.memref_slice %arg6[%dma_start3A_144, %dma_start3A_145] : memref<8x128xi32, #tpu.memory_space<vmem>> -> memref<1x128xi32, #tpu.memory_space<vmem>>
      %dma_start3A_147 = tpu.memref_squeeze %dma_start3A_146 : memref<1x128xi32, #tpu.memory_space<vmem>> -> memref<128xi32, #tpu.memory_space<vmem>>
      %dma_start3A_148 = arith.constant 0 : i32
      %dma_start3A_149 = arith.constant 0 : i32
      %dma_start3A_150 = tpu.memref_slice %arg2[%dma_start3A_148, %dma_start3A_149] : memref<10240x128xf32, #tpu.memory_space<hbm>> -> memref<10240x128xf32, #tpu.memory_space<hbm>>
      tpu.enqueue_indirect_dma source(%dma_start3A_150 : memref<10240x128xf32, #tpu.memory_space<hbm>>) target(%arg8 : memref<128x128xf32, #tpu.memory_space<vmem>>) offsets(%dma_start3A_147 : memref<128xi32, #tpu.memory_space<vmem>>) semaphore(%arg11 : memref<!tpu.dma_semaphore, #tpu.memory_space<semaphore_mem>>)
      %dma_wait3A_151 = arith.constant 5 : i32
      %dma_wait3A_152 = arith.constant 0 : i32
      %dma_wait3A_153 = tpu.memref_slice %arg6[%dma_wait3A_151, %dma_wait3A_152] : memref<8x128xi32, #tpu.memory_space<vmem>> -> memref<1x128xi32, #tpu.memory_space<vmem>>
      %dma_wait3A_154 = tpu.memref_squeeze %dma_wait3A_153 : memref<1x128xi32, #tpu.memory_space<vmem>> -> memref<128xi32, #tpu.memory_space<vmem>>
      %dma_wait3A_155 = arith.constant 0 : i32
      %dma_wait3A_156 = arith.constant 0 : i32
      %dma_wait3A_157 = tpu.memref_slice %arg2[%dma_wait3A_155, %dma_wait3A_156] : memref<10240x128xf32, #tpu.memory_space<hbm>> -> memref<10240x128xf32, #tpu.memory_space<hbm>>
      tpu.wait_indirect_dma semaphore(%arg12 : memref<!tpu.dma_semaphore, #tpu.memory_space<semaphore_mem>>) src(%dma_wait3A_157 : memref<10240x128xf32, #tpu.memory_space<hbm>>) dst(%arg9 : memref<128x128xf32, #tpu.memory_space<vmem>>)
      %run_scoped3A_158 = arith.constant 5 : i32
      "tpu.region"() ({
        %run_scoped3A_182 = tpu.sem_alloc : memref<!tpu.dma_semaphore, #tpu.memory_space<semaphore_mem>>
        %dma_start3A_183 = arith.constant 0 : i32
        %dma_start3A_184 = tpu.memref_slice %arg7[%run_scoped3A_158, %dma_start3A_183] : memref<8x128xi32, #tpu.memory_space<vmem>> -> memref<1x128xi32, #tpu.memory_space<vmem>>
        %dma_start3A_185 = tpu.memref_squeeze %dma_start3A_184 : memref<1x128xi32, #tpu.memory_space<vmem>> -> memref<128xi32, #tpu.memory_space<vmem>>
        %dma_start3A_186 = arith.constant 0 : i32
        %dma_start3A_187 = arith.constant 0 : i32
        %dma_start3A_188 = tpu.memref_slice %arg10[%dma_start3A_186, %dma_start3A_187] : memref<10240x128xf32, #tpu.memory_space<vmem_shared>> -> memref<10240x128xf32, #tpu.memory_space<vmem_shared>>
        tpu.enqueue_indirect_dma source(%arg9 : memref<128x128xf32, #tpu.memory_space<vmem>>) target(%dma_start3A_188 : memref<10240x128xf32, #tpu.memory_space<vmem_shared>>) offsets(%dma_start3A_185 : memref<128xi32, #tpu.memory_space<vmem>>) semaphore(%run_scoped3A_182 : memref<!tpu.dma_semaphore, #tpu.memory_space<semaphore_mem>>) {add = true}
        %dma_wait3A_189 = arith.constant 0 : i32
        %dma_wait3A_190 = tpu.memref_slice %arg7[%run_scoped3A_158, %dma_wait3A_189] : memref<8x128xi32, #tpu.memory_space<vmem>> -> memref<1x128xi32, #tpu.memory_space<vmem>>
        %dma_wait3A_191 = tpu.memref_squeeze %dma_wait3A_190 : memref<1x128xi32, #tpu.memory_space<vmem>> -> memref<128xi32, #tpu.memory_space<vmem>>
        %dma_wait3A_192 = arith.constant 0 : i32
        %dma_wait3A_193 = arith.constant 0 : i32
        %dma_wait3A_194 = tpu.memref_slice %arg10[%dma_wait3A_192, %dma_wait3A_193] : memref<10240x128xf32, #tpu.memory_space<vmem_shared>> -> memref<10240x128xf32, #tpu.memory_space<vmem_shared>>
        tpu.wait_indirect_dma semaphore(%run_scoped3A_182 : memref<!tpu.dma_semaphore, #tpu.memory_space<semaphore_mem>>) src(%arg9 : memref<128x128xf32, #tpu.memory_space<vmem>>) dst(%dma_wait3A_194 : memref<10240x128xf32, #tpu.memory_space<vmem_shared>>)
        tpu.yield
      }) : () -> ()
      %dma_start3A_159 = arith.constant 7 : i32
      %dma_start3A_160 = arith.constant 0 : i32
      %dma_start3A_161 = tpu.memref_slice %arg6[%dma_start3A_159, %dma_start3A_160] : memref<8x128xi32, #tpu.memory_space<vmem>> -> memref<1x128xi32, #tpu.memory_space<vmem>>
      %dma_start3A_162 = tpu.memref_squeeze %dma_start3A_161 : memref<1x128xi32, #tpu.memory_space<vmem>> -> memref<128xi32, #tpu.memory_space<vmem>>
      %dma_start3A_163 = arith.constant 0 : i32
      %dma_start3A_164 = arith.constant 0 : i32
      %dma_start3A_165 = tpu.memref_slice %arg2[%dma_start3A_163, %dma_start3A_164] : memref<10240x128xf32, #tpu.memory_space<hbm>> -> memref<10240x128xf32, #tpu.memory_space<hbm>>
      tpu.enqueue_indirect_dma source(%dma_start3A_165 : memref<10240x128xf32, #tpu.memory_space<hbm>>) target(%arg9 : memref<128x128xf32, #tpu.memory_space<vmem>>) offsets(%dma_start3A_162 : memref<128xi32, #tpu.memory_space<vmem>>) semaphore(%arg12 : memref<!tpu.dma_semaphore, #tpu.memory_space<semaphore_mem>>)
      %dma_wait3A_166 = arith.constant 6 : i32
      %dma_wait3A_167 = arith.constant 0 : i32
      %dma_wait3A_168 = tpu.memref_slice %arg6[%dma_wait3A_166, %dma_wait3A_167] : memref<8x128xi32, #tpu.memory_space<vmem>> -> memref<1x128xi32, #tpu.memory_space<vmem>>
      %dma_wait3A_169 = tpu.memref_squeeze %dma_wait3A_168 : memref<1x128xi32, #tpu.memory_space<vmem>> -> memref<128xi32, #tpu.memory_space<vmem>>
      %dma_wait3A_170 = arith.constant 0 : i32
      %dma_wait3A_171 = arith.constant 0 : i32
      %dma_wait3A_172 = tpu.memref_slice %arg2[%dma_wait3A_170, %dma_wait3A_171] : memref<10240x128xf32, #tpu.memory_space<hbm>> -> memref<10240x128xf32, #tpu.memory_space<hbm>>
      tpu.wait_indirect_dma semaphore(%arg11 : memref<!tpu.dma_semaphore, #tpu.memory_space<semaphore_mem>>) src(%dma_wait3A_172 : memref<10240x128xf32, #tpu.memory_space<hbm>>) dst(%arg8 : memref<128x128xf32, #tpu.memory_space<vmem>>)
      %run_scoped3A_173 = arith.constant 6 : i32
      "tpu.region"() ({
        %run_scoped3A_182 = tpu.sem_alloc : memref<!tpu.dma_semaphore, #tpu.memory_space<semaphore_mem>>
        %dma_start3A_183 = arith.constant 0 : i32
        %dma_start3A_184 = tpu.memref_slice %arg7[%run_scoped3A_173, %dma_start3A_183] : memref<8x128xi32, #tpu.memory_space<vmem>> -> memref<1x128xi32, #tpu.memory_space<vmem>>
        %dma_start3A_185 = tpu.memref_squeeze %dma_start3A_184 : memref<1x128xi32, #tpu.memory_space<vmem>> -> memref<128xi32, #tpu.memory_space<vmem>>
        %dma_start3A_186 = arith.constant 0 : i32
        %dma_start3A_187 = arith.constant 0 : i32
        %dma_start3A_188 = tpu.memref_slice %arg10[%dma_start3A_186, %dma_start3A_187] : memref<10240x128xf32, #tpu.memory_space<vmem_shared>> -> memref<10240x128xf32, #tpu.memory_space<vmem_shared>>
        tpu.enqueue_indirect_dma source(%arg8 : memref<128x128xf32, #tpu.memory_space<vmem>>) target(%dma_start3A_188 : memref<10240x128xf32, #tpu.memory_space<vmem_shared>>) offsets(%dma_start3A_185 : memref<128xi32, #tpu.memory_space<vmem>>) semaphore(%run_scoped3A_182 : memref<!tpu.dma_semaphore, #tpu.memory_space<semaphore_mem>>) {add = true}
        %dma_wait3A_189 = arith.constant 0 : i32
        %dma_wait3A_190 = tpu.memref_slice %arg7[%run_scoped3A_173, %dma_wait3A_189] : memref<8x128xi32, #tpu.memory_space<vmem>> -> memref<1x128xi32, #tpu.memory_space<vmem>>
        %dma_wait3A_191 = tpu.memref_squeeze %dma_wait3A_190 : memref<1x128xi32, #tpu.memory_space<vmem>> -> memref<128xi32, #tpu.memory_space<vmem>>
        %dma_wait3A_192 = arith.constant 0 : i32
        %dma_wait3A_193 = arith.constant 0 : i32
        %dma_wait3A_194 = tpu.memref_slice %arg10[%dma_wait3A_192, %dma_wait3A_193] : memref<10240x128xf32, #tpu.memory_space<vmem_shared>> -> memref<10240x128xf32, #tpu.memory_space<vmem_shared>>
        tpu.wait_indirect_dma semaphore(%run_scoped3A_182 : memref<!tpu.dma_semaphore, #tpu.memory_space<semaphore_mem>>) src(%arg8 : memref<128x128xf32, #tpu.memory_space<vmem>>) dst(%dma_wait3A_194 : memref<10240x128xf32, #tpu.memory_space<vmem_shared>>)
        tpu.yield
      }) : () -> ()
      %dma_wait3A_174 = arith.constant 7 : i32
      %dma_wait3A_175 = arith.constant 0 : i32
      %dma_wait3A_176 = tpu.memref_slice %arg6[%dma_wait3A_174, %dma_wait3A_175] : memref<8x128xi32, #tpu.memory_space<vmem>> -> memref<1x128xi32, #tpu.memory_space<vmem>>
      %dma_wait3A_177 = tpu.memref_squeeze %dma_wait3A_176 : memref<1x128xi32, #tpu.memory_space<vmem>> -> memref<128xi32, #tpu.memory_space<vmem>>
      %dma_wait3A_178 = arith.constant 0 : i32
      %dma_wait3A_179 = arith.constant 0 : i32
      %dma_wait3A_180 = tpu.memref_slice %arg2[%dma_wait3A_178, %dma_wait3A_179] : memref<10240x128xf32, #tpu.memory_space<hbm>> -> memref<10240x128xf32, #tpu.memory_space<hbm>>
      tpu.wait_indirect_dma semaphore(%arg12 : memref<!tpu.dma_semaphore, #tpu.memory_space<semaphore_mem>>) src(%dma_wait3A_180 : memref<10240x128xf32, #tpu.memory_space<hbm>>) dst(%arg9 : memref<128x128xf32, #tpu.memory_space<vmem>>)
      %run_scoped3A_181 = arith.constant 7 : i32
      "tpu.region"() ({
        %run_scoped3A_182 = tpu.sem_alloc : memref<!tpu.dma_semaphore, #tpu.memory_space<semaphore_mem>>
        %dma_start3A_183 = arith.constant 0 : i32
        %dma_start3A_184 = tpu.memref_slice %arg7[%run_scoped3A_181, %dma_start3A_183] : memref<8x128xi32, #tpu.memory_space<vmem>> -> memref<1x128xi32, #tpu.memory_space<vmem>>
        %dma_start3A_185 = tpu.memref_squeeze %dma_start3A_184 : memref<1x128xi32, #tpu.memory_space<vmem>> -> memref<128xi32, #tpu.memory_space<vmem>>
        %dma_start3A_186 = arith.constant 0 : i32
        %dma_start3A_187 = arith.constant 0 : i32
        %dma_start3A_188 = tpu.memref_slice %arg10[%dma_start3A_186, %dma_start3A_187] : memref<10240x128xf32, #tpu.memory_space<vmem_shared>> -> memref<10240x128xf32, #tpu.memory_space<vmem_shared>>
        tpu.enqueue_indirect_dma source(%arg9 : memref<128x128xf32, #tpu.memory_space<vmem>>) target(%dma_start3A_188 : memref<10240x128xf32, #tpu.memory_space<vmem_shared>>) offsets(%dma_start3A_185 : memref<128xi32, #tpu.memory_space<vmem>>) semaphore(%run_scoped3A_182 : memref<!tpu.dma_semaphore, #tpu.memory_space<semaphore_mem>>) {add = true}
        %dma_wait3A_189 = arith.constant 0 : i32
        %dma_wait3A_190 = tpu.memref_slice %arg7[%run_scoped3A_181, %dma_wait3A_189] : memref<8x128xi32, #tpu.memory_space<vmem>> -> memref<1x128xi32, #tpu.memory_space<vmem>>
        %dma_wait3A_191 = tpu.memref_squeeze %dma_wait3A_190 : memref<1x128xi32, #tpu.memory_space<vmem>> -> memref<128xi32, #tpu.memory_space<vmem>>
        %dma_wait3A_192 = arith.constant 0 : i32
        %dma_wait3A_193 = arith.constant 0 : i32
        %dma_wait3A_194 = tpu.memref_slice %arg10[%dma_wait3A_192, %dma_wait3A_193] : memref<10240x128xf32, #tpu.memory_space<vmem_shared>> -> memref<10240x128xf32, #tpu.memory_space<vmem_shared>>
        tpu.wait_indirect_dma semaphore(%run_scoped3A_182 : memref<!tpu.dma_semaphore, #tpu.memory_space<semaphore_mem>>) src(%arg9 : memref<128x128xf32, #tpu.memory_space<vmem>>) dst(%dma_wait3A_194 : memref<10240x128xf32, #tpu.memory_space<vmem_shared>>)
        tpu.yield
      }) : () -> ()
    }
    %while3A_56 = arith.constant 1 : i32
    scf.for %while3A_58 = %while3A_54 to %while3A_50 step %while3A_56  : i32 {
      %add3A_59 = arith.addi %add3A_23, %while3A_58 : i32
      %mul3A_60 = arith.constant 8 : i32
      %mul3A_61 = arith.muli %add3A_59, %mul3A_60 : i32
      "tpu.region"() ({
        %run_scoped3A_182 = tpu.sem_alloc : memref<!tpu.dma_semaphore, #tpu.memory_space<semaphore_mem>>
        %dma_start3A_183 = arith.constant 0 : i32
        %dma_start3A_184 = tpu.memref_slice %arg3[%mul3A_61, %dma_start3A_183] : memref<2560x128xi32, #tpu.memory_space<hbm>> -> memref<8x128xi32, #tpu.memory_space<hbm>>
        %dma_start3A_185 = arith.constant 0 : i32
        %dma_start3A_186 = tpu.memref_slice %arg3[%mul3A_61, %dma_start3A_185] : memref<2560x128xi32, #tpu.memory_space<hbm>> -> memref<8x128xi32, #tpu.memory_space<hbm>>
        tpu.enqueue_dma source(%dma_start3A_186 : memref<8x128xi32, #tpu.memory_space<hbm>>) target(%arg6 : memref<8x128xi32, #tpu.memory_space<vmem>>) target_semaphore(%run_scoped3A_182 : memref<!tpu.dma_semaphore, #tpu.memory_space<semaphore_mem>>)
        %dma_wait3A_187 = arith.constant 0 : i32
        %dma_wait3A_188 = tpu.memref_slice %arg3[%mul3A_61, %dma_wait3A_187] : memref<2560x128xi32, #tpu.memory_space<hbm>> -> memref<8x128xi32, #tpu.memory_space<hbm>>
        %dma_wait3A_189 = arith.constant 0 : i32
        %dma_wait3A_190 = tpu.memref_slice %arg3[%mul3A_61, %dma_wait3A_189] : memref<2560x128xi32, #tpu.memory_space<hbm>> -> memref<8x128xi32, #tpu.memory_space<hbm>>
        tpu.wait_dma2 semaphore(%run_scoped3A_182 : memref<!tpu.dma_semaphore, #tpu.memory_space<semaphore_mem>>) src(%dma_wait3A_190 : memref<8x128xi32, #tpu.memory_space<hbm>>) dst(%arg6 : memref<8x128xi32, #tpu.memory_space<vmem>>)
        tpu.yield
      }) : () -> ()
      %add3A_62 = arith.addi %add3A_23, %while3A_58 : i32
      %mul3A_63 = arith.constant 8 : i32
      %mul3A_64 = arith.muli %add3A_62, %mul3A_63 : i32
      "tpu.region"() ({
        %run_scoped3A_182 = tpu.sem_alloc : memref<!tpu.dma_semaphore, #tpu.memory_space<semaphore_mem>>
        %dma_start3A_183 = arith.constant 0 : i32
        %dma_start3A_184 = tpu.memref_slice %arg4[%mul3A_64, %dma_start3A_183] : memref<2560x128xi32, #tpu.memory_space<hbm>> -> memref<8x128xi32, #tpu.memory_space<hbm>>
        %dma_start3A_185 = arith.constant 0 : i32
        %dma_start3A_186 = tpu.memref_slice %arg4[%mul3A_64, %dma_start3A_185] : memref<2560x128xi32, #tpu.memory_space<hbm>> -> memref<8x128xi32, #tpu.memory_space<hbm>>
        tpu.enqueue_dma source(%dma_start3A_186 : memref<8x128xi32, #tpu.memory_space<hbm>>) target(%arg7 : memref<8x128xi32, #tpu.memory_space<vmem>>) target_semaphore(%run_scoped3A_182 : memref<!tpu.dma_semaphore, #tpu.memory_space<semaphore_mem>>)
        %dma_wait3A_187 = arith.constant 0 : i32
        %dma_wait3A_188 = tpu.memref_slice %arg4[%mul3A_64, %dma_wait3A_187] : memref<2560x128xi32, #tpu.memory_space<hbm>> -> memref<8x128xi32, #tpu.memory_space<hbm>>
        %dma_wait3A_189 = arith.constant 0 : i32
        %dma_wait3A_190 = tpu.memref_slice %arg4[%mul3A_64, %dma_wait3A_189] : memref<2560x128xi32, #tpu.memory_space<hbm>> -> memref<8x128xi32, #tpu.memory_space<hbm>>
        tpu.wait_dma2 semaphore(%run_scoped3A_182 : memref<!tpu.dma_semaphore, #tpu.memory_space<semaphore_mem>>) src(%dma_wait3A_190 : memref<8x128xi32, #tpu.memory_space<hbm>>) dst(%arg7 : memref<8x128xi32, #tpu.memory_space<vmem>>)
        tpu.yield
      }) : () -> ()
      %dma_start3A = arith.constant 0 : i32
      %dma_start3A_65 = arith.constant 0 : i32
      %dma_start3A_66 = tpu.memref_slice %arg6[%dma_start3A, %dma_start3A_65] : memref<8x128xi32, #tpu.memory_space<vmem>> -> memref<1x128xi32, #tpu.memory_space<vmem>>
      %dma_start3A_67 = tpu.memref_squeeze %dma_start3A_66 : memref<1x128xi32, #tpu.memory_space<vmem>> -> memref<128xi32, #tpu.memory_space<vmem>>
      %dma_start3A_68 = arith.constant 0 : i32
      %dma_start3A_69 = arith.constant 0 : i32
      %dma_start3A_70 = tpu.memref_slice %arg2[%dma_start3A_68, %dma_start3A_69] : memref<10240x128xf32, #tpu.memory_space<hbm>> -> memref<10240x128xf32, #tpu.memory_space<hbm>>
      tpu.enqueue_indirect_dma source(%dma_start3A_70 : memref<10240x128xf32, #tpu.memory_space<hbm>>) target(%arg8 : memref<128x128xf32, #tpu.memory_space<vmem>>) offsets(%dma_start3A_67 : memref<128xi32, #tpu.memory_space<vmem>>) semaphore(%arg11 : memref<!tpu.dma_semaphore, #tpu.memory_space<semaphore_mem>>)
      %dma_start3A_71 = arith.constant 1 : i32
      %dma_start3A_72 = arith.constant 0 : i32
      %dma_start3A_73 = tpu.memref_slice %arg6[%dma_start3A_71, %dma_start3A_72] : memref<8x128xi32, #tpu.memory_space<vmem>> -> memref<1x128xi32, #tpu.memory_space<vmem>>
      %dma_start3A_74 = tpu.memref_squeeze %dma_start3A_73 : memref<1x128xi32, #tpu.memory_space<vmem>> -> memref<128xi32, #tpu.memory_space<vmem>>
      %dma_start3A_75 = arith.constant 0 : i32
      %dma_start3A_76 = arith.constant 0 : i32
      %dma_start3A_77 = tpu.memref_slice %arg2[%dma_start3A_75, %dma_start3A_76] : memref<10240x128xf32, #tpu.memory_space<hbm>> -> memref<10240x128xf32, #tpu.memory_space<hbm>>
      tpu.enqueue_indirect_dma source(%dma_start3A_77 : memref<10240x128xf32, #tpu.memory_space<hbm>>) target(%arg9 : memref<128x128xf32, #tpu.memory_space<vmem>>) offsets(%dma_start3A_74 : memref<128xi32, #tpu.memory_space<vmem>>) semaphore(%arg12 : memref<!tpu.dma_semaphore, #tpu.memory_space<semaphore_mem>>)
      %dma_wait3A = arith.constant 0 : i32
      %dma_wait3A_78 = arith.constant 0 : i32
      %dma_wait3A_79 = tpu.memref_slice %arg6[%dma_wait3A, %dma_wait3A_78] : memref<8x128xi32, #tpu.memory_space<vmem>> -> memref<1x128xi32, #tpu.memory_space<vmem>>
      %dma_wait3A_80 = tpu.memref_squeeze %dma_wait3A_79 : memref<1x128xi32, #tpu.memory_space<vmem>> -> memref<128xi32, #tpu.memory_space<vmem>>
      %dma_wait3A_81 = arith.constant 0 : i32
      %dma_wait3A_82 = arith.constant 0 : i32
      %dma_wait3A_83 = tpu.memref_slice %arg2[%dma_wait3A_81, %dma_wait3A_82] : memref<10240x128xf32, #tpu.memory_space<hbm>> -> memref<10240x128xf32, #tpu.memory_space<hbm>>
      tpu.wait_indirect_dma semaphore(%arg11 : memref<!tpu.dma_semaphore, #tpu.memory_space<semaphore_mem>>) src(%dma_wait3A_83 : memref<10240x128xf32, #tpu.memory_space<hbm>>) dst(%arg8 : memref<128x128xf32, #tpu.memory_space<vmem>>)
      %run_scoped3A = arith.constant 0 : i32
      "tpu.region"() ({
        %run_scoped3A_182 = tpu.sem_alloc : memref<!tpu.dma_semaphore, #tpu.memory_space<semaphore_mem>>
        %dma_start3A_183 = arith.constant 0 : i32
        %dma_start3A_184 = tpu.memref_slice %arg7[%run_scoped3A, %dma_start3A_183] : memref<8x128xi32, #tpu.memory_space<vmem>> -> memref<1x128xi32, #tpu.memory_space<vmem>>
        %dma_start3A_185 = tpu.memref_squeeze %dma_start3A_184 : memref<1x128xi32, #tpu.memory_space<vmem>> -> memref<128xi32, #tpu.memory_space<vmem>>
        %dma_start3A_186 = arith.constant 0 : i32
        %dma_start3A_187 = arith.constant 0 : i32
        %dma_start3A_188 = tpu.memref_slice %arg10[%dma_start3A_186, %dma_start3A_187] : memref<10240x128xf32, #tpu.memory_space<vmem_shared>> -> memref<10240x128xf32, #tpu.memory_space<vmem_shared>>
        tpu.enqueue_indirect_dma source(%arg8 : memref<128x128xf32, #tpu.memory_space<vmem>>) target(%dma_start3A_188 : memref<10240x128xf32, #tpu.memory_space<vmem_shared>>) offsets(%dma_start3A_185 : memref<128xi32, #tpu.memory_space<vmem>>) semaphore(%run_scoped3A_182 : memref<!tpu.dma_semaphore, #tpu.memory_space<semaphore_mem>>) {add = true}
        %dma_wait3A_189 = arith.constant 0 : i32
        %dma_wait3A_190 = tpu.memref_slice %arg7[%run_scoped3A, %dma_wait3A_189] : memref<8x128xi32, #tpu.memory_space<vmem>> -> memref<1x128xi32, #tpu.memory_space<vmem>>
        %dma_wait3A_191 = tpu.memref_squeeze %dma_wait3A_190 : memref<1x128xi32, #tpu.memory_space<vmem>> -> memref<128xi32, #tpu.memory_space<vmem>>
        %dma_wait3A_192 = arith.constant 0 : i32
        %dma_wait3A_193 = arith.constant 0 : i32
        %dma_wait3A_194 = tpu.memref_slice %arg10[%dma_wait3A_192, %dma_wait3A_193] : memref<10240x128xf32, #tpu.memory_space<vmem_shared>> -> memref<10240x128xf32, #tpu.memory_space<vmem_shared>>
        tpu.wait_indirect_dma semaphore(%run_scoped3A_182 : memref<!tpu.dma_semaphore, #tpu.memory_space<semaphore_mem>>) src(%arg8 : memref<128x128xf32, #tpu.memory_space<vmem>>) dst(%dma_wait3A_194 : memref<10240x128xf32, #tpu.memory_space<vmem_shared>>)
        tpu.yield
      }) : () -> ()
      %dma_start3A_84 = arith.constant 2 : i32
      %dma_start3A_85 = arith.constant 0 : i32
      %dma_start3A_86 = tpu.memref_slice %arg6[%dma_start3A_84, %dma_start3A_85] : memref<8x128xi32, #tpu.memory_space<vmem>> -> memref<1x128xi32, #tpu.memory_space<vmem>>
      %dma_start3A_87 = tpu.memref_squeeze %dma_start3A_86 : memref<1x128xi32, #tpu.memory_space<vmem>> -> memref<128xi32, #tpu.memory_space<vmem>>
      %dma_start3A_88 = arith.constant 0 : i32
      %dma_start3A_89 = arith.constant 0 : i32
      %dma_start3A_90 = tpu.memref_slice %arg2[%dma_start3A_88, %dma_start3A_89] : memref<10240x128xf32, #tpu.memory_space<hbm>> -> memref<10240x128xf32, #tpu.memory_space<hbm>>
      tpu.enqueue_indirect_dma source(%dma_start3A_90 : memref<10240x128xf32, #tpu.memory_space<hbm>>) target(%arg8 : memref<128x128xf32, #tpu.memory_space<vmem>>) offsets(%dma_start3A_87 : memref<128xi32, #tpu.memory_space<vmem>>) semaphore(%arg11 : memref<!tpu.dma_semaphore, #tpu.memory_space<semaphore_mem>>)
      %dma_wait3A_91 = arith.constant 1 : i32
      %dma_wait3A_92 = arith.constant 0 : i32
      %dma_wait3A_93 = tpu.memref_slice %arg6[%dma_wait3A_91, %dma_wait3A_92] : memref<8x128xi32, #tpu.memory_space<vmem>> -> memref<1x128xi32, #tpu.memory_space<vmem>>
      %dma_wait3A_94 = tpu.memref_squeeze %dma_wait3A_93 : memref<1x128xi32, #tpu.memory_space<vmem>> -> memref<128xi32, #tpu.memory_space<vmem>>
      %dma_wait3A_95 = arith.constant 0 : i32
      %dma_wait3A_96 = arith.constant 0 : i32
      %dma_wait3A_97 = tpu.memref_slice %arg2[%dma_wait3A_95, %dma_wait3A_96] : memref<10240x128xf32, #tpu.memory_space<hbm>> -> memref<10240x128xf32, #tpu.memory_space<hbm>>
      tpu.wait_indirect_dma semaphore(%arg12 : memref<!tpu.dma_semaphore, #tpu.memory_space<semaphore_mem>>) src(%dma_wait3A_97 : memref<10240x128xf32, #tpu.memory_space<hbm>>) dst(%arg9 : memref<128x128xf32, #tpu.memory_space<vmem>>)
      %run_scoped3A_98 = arith.constant 1 : i32
      "tpu.region"() ({
        %run_scoped3A_182 = tpu.sem_alloc : memref<!tpu.dma_semaphore, #tpu.memory_space<semaphore_mem>>
        %dma_start3A_183 = arith.constant 0 : i32
        %dma_start3A_184 = tpu.memref_slice %arg7[%run_scoped3A_98, %dma_start3A_183] : memref<8x128xi32, #tpu.memory_space<vmem>> -> memref<1x128xi32, #tpu.memory_space<vmem>>
        %dma_start3A_185 = tpu.memref_squeeze %dma_start3A_184 : memref<1x128xi32, #tpu.memory_space<vmem>> -> memref<128xi32, #tpu.memory_space<vmem>>
        %dma_start3A_186 = arith.constant 0 : i32
        %dma_start3A_187 = arith.constant 0 : i32
        %dma_start3A_188 = tpu.memref_slice %arg10[%dma_start3A_186, %dma_start3A_187] : memref<10240x128xf32, #tpu.memory_space<vmem_shared>> -> memref<10240x128xf32, #tpu.memory_space<vmem_shared>>
        tpu.enqueue_indirect_dma source(%arg9 : memref<128x128xf32, #tpu.memory_space<vmem>>) target(%dma_start3A_188 : memref<10240x128xf32, #tpu.memory_space<vmem_shared>>) offsets(%dma_start3A_185 : memref<128xi32, #tpu.memory_space<vmem>>) semaphore(%run_scoped3A_182 : memref<!tpu.dma_semaphore, #tpu.memory_space<semaphore_mem>>) {add = true}
        %dma_wait3A_189 = arith.constant 0 : i32
        %dma_wait3A_190 = tpu.memref_slice %arg7[%run_scoped3A_98, %dma_wait3A_189] : memref<8x128xi32, #tpu.memory_space<vmem>> -> memref<1x128xi32, #tpu.memory_space<vmem>>
        %dma_wait3A_191 = tpu.memref_squeeze %dma_wait3A_190 : memref<1x128xi32, #tpu.memory_space<vmem>> -> memref<128xi32, #tpu.memory_space<vmem>>
        %dma_wait3A_192 = arith.constant 0 : i32
        %dma_wait3A_193 = arith.constant 0 : i32
        %dma_wait3A_194 = tpu.memref_slice %arg10[%dma_wait3A_192, %dma_wait3A_193] : memref<10240x128xf32, #tpu.memory_space<vmem_shared>> -> memref<10240x128xf32, #tpu.memory_space<vmem_shared>>
        tpu.wait_indirect_dma semaphore(%run_scoped3A_182 : memref<!tpu.dma_semaphore, #tpu.memory_space<semaphore_mem>>) src(%arg9 : memref<128x128xf32, #tpu.memory_space<vmem>>) dst(%dma_wait3A_194 : memref<10240x128xf32, #tpu.memory_space<vmem_shared>>)
        tpu.yield
      }) : () -> ()
      %dma_start3A_99 = arith.constant 3 : i32
      %dma_start3A_100 = arith.constant 0 : i32
      %dma_start3A_101 = tpu.memref_slice %arg6[%dma_start3A_99, %dma_start3A_100] : memref<8x128xi32, #tpu.memory_space<vmem>> -> memref<1x128xi32, #tpu.memory_space<vmem>>
      %dma_start3A_102 = tpu.memref_squeeze %dma_start3A_101 : memref<1x128xi32, #tpu.memory_space<vmem>> -> memref<128xi32, #tpu.memory_space<vmem>>
      %dma_start3A_103 = arith.constant 0 : i32
      %dma_start3A_104 = arith.constant 0 : i32
      %dma_start3A_105 = tpu.memref_slice %arg2[%dma_start3A_103, %dma_start3A_104] : memref<10240x128xf32, #tpu.memory_space<hbm>> -> memref<10240x128xf32, #tpu.memory_space<hbm>>
      tpu.enqueue_indirect_dma source(%dma_start3A_105 : memref<10240x128xf32, #tpu.memory_space<hbm>>) target(%arg9 : memref<128x128xf32, #tpu.memory_space<vmem>>) offsets(%dma_start3A_102 : memref<128xi32, #tpu.memory_space<vmem>>) semaphore(%arg12 : memref<!tpu.dma_semaphore, #tpu.memory_space<semaphore_mem>>)
      %dma_wait3A_106 = arith.constant 2 : i32
      %dma_wait3A_107 = arith.constant 0 : i32
      %dma_wait3A_108 = tpu.memref_slice %arg6[%dma_wait3A_106, %dma_wait3A_107] : memref<8x128xi32, #tpu.memory_space<vmem>> -> memref<1x128xi32, #tpu.memory_space<vmem>>
      %dma_wait3A_109 = tpu.memref_squeeze %dma_wait3A_108 : memref<1x128xi32, #tpu.memory_space<vmem>> -> memref<128xi32, #tpu.memory_space<vmem>>
      %dma_wait3A_110 = arith.constant 0 : i32
      %dma_wait3A_111 = arith.constant 0 : i32
      %dma_wait3A_112 = tpu.memref_slice %arg2[%dma_wait3A_110, %dma_wait3A_111] : memref<10240x128xf32, #tpu.memory_space<hbm>> -> memref<10240x128xf32, #tpu.memory_space<hbm>>
      tpu.wait_indirect_dma semaphore(%arg11 : memref<!tpu.dma_semaphore, #tpu.memory_space<semaphore_mem>>) src(%dma_wait3A_112 : memref<10240x128xf32, #tpu.memory_space<hbm>>) dst(%arg8 : memref<128x128xf32, #tpu.memory_space<vmem>>)
      %run_scoped3A_113 = arith.constant 2 : i32
      "tpu.region"() ({
        %run_scoped3A_182 = tpu.sem_alloc : memref<!tpu.dma_semaphore, #tpu.memory_space<semaphore_mem>>
        %dma_start3A_183 = arith.constant 0 : i32
        %dma_start3A_184 = tpu.memref_slice %arg7[%run_scoped3A_113, %dma_start3A_183] : memref<8x128xi32, #tpu.memory_space<vmem>> -> memref<1x128xi32, #tpu.memory_space<vmem>>
        %dma_start3A_185 = tpu.memref_squeeze %dma_start3A_184 : memref<1x128xi32, #tpu.memory_space<vmem>> -> memref<128xi32, #tpu.memory_space<vmem>>
        %dma_start3A_186 = arith.constant 0 : i32
        %dma_start3A_187 = arith.constant 0 : i32
        %dma_start3A_188 = tpu.memref_slice %arg10[%dma_start3A_186, %dma_start3A_187] : memref<10240x128xf32, #tpu.memory_space<vmem_shared>> -> memref<10240x128xf32, #tpu.memory_space<vmem_shared>>
        tpu.enqueue_indirect_dma source(%arg8 : memref<128x128xf32, #tpu.memory_space<vmem>>) target(%dma_start3A_188 : memref<10240x128xf32, #tpu.memory_space<vmem_shared>>) offsets(%dma_start3A_185 : memref<128xi32, #tpu.memory_space<vmem>>) semaphore(%run_scoped3A_182 : memref<!tpu.dma_semaphore, #tpu.memory_space<semaphore_mem>>) {add = true}
        %dma_wait3A_189 = arith.constant 0 : i32
        %dma_wait3A_190 = tpu.memref_slice %arg7[%run_scoped3A_113, %dma_wait3A_189] : memref<8x128xi32, #tpu.memory_space<vmem>> -> memref<1x128xi32, #tpu.memory_space<vmem>>
        %dma_wait3A_191 = tpu.memref_squeeze %dma_wait3A_190 : memref<1x128xi32, #tpu.memory_space<vmem>> -> memref<128xi32, #tpu.memory_space<vmem>>
        %dma_wait3A_192 = arith.constant 0 : i32
        %dma_wait3A_193 = arith.constant 0 : i32
        %dma_wait3A_194 = tpu.memref_slice %arg10[%dma_wait3A_192, %dma_wait3A_193] : memref<10240x128xf32, #tpu.memory_space<vmem_shared>> -> memref<10240x128xf32, #tpu.memory_space<vmem_shared>>
        tpu.wait_indirect_dma semaphore(%run_scoped3A_182 : memref<!tpu.dma_semaphore, #tpu.memory_space<semaphore_mem>>) src(%arg8 : memref<128x128xf32, #tpu.memory_space<vmem>>) dst(%dma_wait3A_194 : memref<10240x128xf32, #tpu.memory_space<vmem_shared>>)
        tpu.yield
      }) : () -> ()
      %dma_start3A_114 = arith.constant 4 : i32
      %dma_start3A_115 = arith.constant 0 : i32
      %dma_start3A_116 = tpu.memref_slice %arg6[%dma_start3A_114, %dma_start3A_115] : memref<8x128xi32, #tpu.memory_space<vmem>> -> memref<1x128xi32, #tpu.memory_space<vmem>>
      %dma_start3A_117 = tpu.memref_squeeze %dma_start3A_116 : memref<1x128xi32, #tpu.memory_space<vmem>> -> memref<128xi32, #tpu.memory_space<vmem>>
      %dma_start3A_118 = arith.constant 0 : i32
      %dma_start3A_119 = arith.constant 0 : i32
      %dma_start3A_120 = tpu.memref_slice %arg2[%dma_start3A_118, %dma_start3A_119] : memref<10240x128xf32, #tpu.memory_space<hbm>> -> memref<10240x128xf32, #tpu.memory_space<hbm>>
      tpu.enqueue_indirect_dma source(%dma_start3A_120 : memref<10240x128xf32, #tpu.memory_space<hbm>>) target(%arg8 : memref<128x128xf32, #tpu.memory_space<vmem>>) offsets(%dma_start3A_117 : memref<128xi32, #tpu.memory_space<vmem>>) semaphore(%arg11 : memref<!tpu.dma_semaphore, #tpu.memory_space<semaphore_mem>>)
      %dma_wait3A_121 = arith.constant 3 : i32
      %dma_wait3A_122 = arith.constant 0 : i32
      %dma_wait3A_123 = tpu.memref_slice %arg6[%dma_wait3A_121, %dma_wait3A_122] : memref<8x128xi32, #tpu.memory_space<vmem>> -> memref<1x128xi32, #tpu.memory_space<vmem>>
      %dma_wait3A_124 = tpu.memref_squeeze %dma_wait3A_123 : memref<1x128xi32, #tpu.memory_space<vmem>> -> memref<128xi32, #tpu.memory_space<vmem>>
      %dma_wait3A_125 = arith.constant 0 : i32
      %dma_wait3A_126 = arith.constant 0 : i32
      %dma_wait3A_127 = tpu.memref_slice %arg2[%dma_wait3A_125, %dma_wait3A_126] : memref<10240x128xf32, #tpu.memory_space<hbm>> -> memref<10240x128xf32, #tpu.memory_space<hbm>>
      tpu.wait_indirect_dma semaphore(%arg12 : memref<!tpu.dma_semaphore, #tpu.memory_space<semaphore_mem>>) src(%dma_wait3A_127 : memref<10240x128xf32, #tpu.memory_space<hbm>>) dst(%arg9 : memref<128x128xf32, #tpu.memory_space<vmem>>)
      %run_scoped3A_128 = arith.constant 3 : i32
      "tpu.region"() ({
        %run_scoped3A_182 = tpu.sem_alloc : memref<!tpu.dma_semaphore, #tpu.memory_space<semaphore_mem>>
        %dma_start3A_183 = arith.constant 0 : i32
        %dma_start3A_184 = tpu.memref_slice %arg7[%run_scoped3A_128, %dma_start3A_183] : memref<8x128xi32, #tpu.memory_space<vmem>> -> memref<1x128xi32, #tpu.memory_space<vmem>>
        %dma_start3A_185 = tpu.memref_squeeze %dma_start3A_184 : memref<1x128xi32, #tpu.memory_space<vmem>> -> memref<128xi32, #tpu.memory_space<vmem>>
        %dma_start3A_186 = arith.constant 0 : i32
        %dma_start3A_187 = arith.constant 0 : i32
        %dma_start3A_188 = tpu.memref_slice %arg10[%dma_start3A_186, %dma_start3A_187] : memref<10240x128xf32, #tpu.memory_space<vmem_shared>> -> memref<10240x128xf32, #tpu.memory_space<vmem_shared>>
        tpu.enqueue_indirect_dma source(%arg9 : memref<128x128xf32, #tpu.memory_space<vmem>>) target(%dma_start3A_188 : memref<10240x128xf32, #tpu.memory_space<vmem_shared>>) offsets(%dma_start3A_185 : memref<128xi32, #tpu.memory_space<vmem>>) semaphore(%run_scoped3A_182 : memref<!tpu.dma_semaphore, #tpu.memory_space<semaphore_mem>>) {add = true}
        %dma_wait3A_189 = arith.constant 0 : i32
        %dma_wait3A_190 = tpu.memref_slice %arg7[%run_scoped3A_128, %dma_wait3A_189] : memref<8x128xi32, #tpu.memory_space<vmem>> -> memref<1x128xi32, #tpu.memory_space<vmem>>
        %dma_wait3A_191 = tpu.memref_squeeze %dma_wait3A_190 : memref<1x128xi32, #tpu.memory_space<vmem>> -> memref<128xi32, #tpu.memory_space<vmem>>
        %dma_wait3A_192 = arith.constant 0 : i32
        %dma_wait3A_193 = arith.constant 0 : i32
        %dma_wait3A_194 = tpu.memref_slice %arg10[%dma_wait3A_192, %dma_wait3A_193] : memref<10240x128xf32, #tpu.memory_space<vmem_shared>> -> memref<10240x128xf32, #tpu.memory_space<vmem_shared>>
        tpu.wait_indirect_dma semaphore(%run_scoped3A_182 : memref<!tpu.dma_semaphore, #tpu.memory_space<semaphore_mem>>) src(%arg9 : memref<128x128xf32, #tpu.memory_space<vmem>>) dst(%dma_wait3A_194 : memref<10240x128xf32, #tpu.memory_space<vmem_shared>>)
        tpu.yield
      }) : () -> ()
      %dma_start3A_129 = arith.constant 5 : i32
      %dma_start3A_130 = arith.constant 0 : i32
      %dma_start3A_131 = tpu.memref_slice %arg6[%dma_start3A_129, %dma_start3A_130] : memref<8x128xi32, #tpu.memory_space<vmem>> -> memref<1x128xi32, #tpu.memory_space<vmem>>
      %dma_start3A_132 = tpu.memref_squeeze %dma_start3A_131 : memref<1x128xi32, #tpu.memory_space<vmem>> -> memref<128xi32, #tpu.memory_space<vmem>>
      %dma_start3A_133 = arith.constant 0 : i32
      %dma_start3A_134 = arith.constant 0 : i32
      %dma_start3A_135 = tpu.memref_slice %arg2[%dma_start3A_133, %dma_start3A_134] : memref<10240x128xf32, #tpu.memory_space<hbm>> -> memref<10240x128xf32, #tpu.memory_space<hbm>>
      tpu.enqueue_indirect_dma source(%dma_start3A_135 : memref<10240x128xf32, #tpu.memory_space<hbm>>) target(%arg9 : memref<128x128xf32, #tpu.memory_space<vmem>>) offsets(%dma_start3A_132 : memref<128xi32, #tpu.memory_space<vmem>>) semaphore(%arg12 : memref<!tpu.dma_semaphore, #tpu.memory_space<semaphore_mem>>)
      %dma_wait3A_136 = arith.constant 4 : i32
      %dma_wait3A_137 = arith.constant 0 : i32
      %dma_wait3A_138 = tpu.memref_slice %arg6[%dma_wait3A_136, %dma_wait3A_137] : memref<8x128xi32, #tpu.memory_space<vmem>> -> memref<1x128xi32, #tpu.memory_space<vmem>>
      %dma_wait3A_139 = tpu.memref_squeeze %dma_wait3A_138 : memref<1x128xi32, #tpu.memory_space<vmem>> -> memref<128xi32, #tpu.memory_space<vmem>>
      %dma_wait3A_140 = arith.constant 0 : i32
      %dma_wait3A_141 = arith.constant 0 : i32
      %dma_wait3A_142 = tpu.memref_slice %arg2[%dma_wait3A_140, %dma_wait3A_141] : memref<10240x128xf32, #tpu.memory_space<hbm>> -> memref<10240x128xf32, #tpu.memory_space<hbm>>
      tpu.wait_indirect_dma semaphore(%arg11 : memref<!tpu.dma_semaphore, #tpu.memory_space<semaphore_mem>>) src(%dma_wait3A_142 : memref<10240x128xf32, #tpu.memory_space<hbm>>) dst(%arg8 : memref<128x128xf32, #tpu.memory_space<vmem>>)
      %run_scoped3A_143 = arith.constant 4 : i32
      "tpu.region"() ({
        %run_scoped3A_182 = tpu.sem_alloc : memref<!tpu.dma_semaphore, #tpu.memory_space<semaphore_mem>>
        %dma_start3A_183 = arith.constant 0 : i32
        %dma_start3A_184 = tpu.memref_slice %arg7[%run_scoped3A_143, %dma_start3A_183] : memref<8x128xi32, #tpu.memory_space<vmem>> -> memref<1x128xi32, #tpu.memory_space<vmem>>
        %dma_start3A_185 = tpu.memref_squeeze %dma_start3A_184 : memref<1x128xi32, #tpu.memory_space<vmem>> -> memref<128xi32, #tpu.memory_space<vmem>>
        %dma_start3A_186 = arith.constant 0 : i32
        %dma_start3A_187 = arith.constant 0 : i32
        %dma_start3A_188 = tpu.memref_slice %arg10[%dma_start3A_186, %dma_start3A_187] : memref<10240x128xf32, #tpu.memory_space<vmem_shared>> -> memref<10240x128xf32, #tpu.memory_space<vmem_shared>>
        tpu.enqueue_indirect_dma source(%arg8 : memref<128x128xf32, #tpu.memory_space<vmem>>) target(%dma_start3A_188 : memref<10240x128xf32, #tpu.memory_space<vmem_shared>>) offsets(%dma_start3A_185 : memref<128xi32, #tpu.memory_space<vmem>>) semaphore(%run_scoped3A_182 : memref<!tpu.dma_semaphore, #tpu.memory_space<semaphore_mem>>) {add = true}
        %dma_wait3A_189 = arith.constant 0 : i32
        %dma_wait3A_190 = tpu.memref_slice %arg7[%run_scoped3A_143, %dma_wait3A_189] : memref<8x128xi32, #tpu.memory_space<vmem>> -> memref<1x128xi32, #tpu.memory_space<vmem>>
        %dma_wait3A_191 = tpu.memref_squeeze %dma_wait3A_190 : memref<1x128xi32, #tpu.memory_space<vmem>> -> memref<128xi32, #tpu.memory_space<vmem>>
        %dma_wait3A_192 = arith.constant 0 : i32
        %dma_wait3A_193 = arith.constant 0 : i32
        %dma_wait3A_194 = tpu.memref_slice %arg10[%dma_wait3A_192, %dma_wait3A_193] : memref<10240x128xf32, #tpu.memory_space<vmem_shared>> -> memref<10240x128xf32, #tpu.memory_space<vmem_shared>>
        tpu.wait_indirect_dma semaphore(%run_scoped3A_182 : memref<!tpu.dma_semaphore, #tpu.memory_space<semaphore_mem>>) src(%arg8 : memref<128x128xf32, #tpu.memory_space<vmem>>) dst(%dma_wait3A_194 : memref<10240x128xf32, #tpu.memory_space<vmem_shared>>)
        tpu.yield
      }) : () -> ()
      %dma_start3A_144 = arith.constant 6 : i32
      %dma_start3A_145 = arith.constant 0 : i32
      %dma_start3A_146 = tpu.memref_slice %arg6[%dma_start3A_144, %dma_start3A_145] : memref<8x128xi32, #tpu.memory_space<vmem>> -> memref<1x128xi32, #tpu.memory_space<vmem>>
      %dma_start3A_147 = tpu.memref_squeeze %dma_start3A_146 : memref<1x128xi32, #tpu.memory_space<vmem>> -> memref<128xi32, #tpu.memory_space<vmem>>
      %dma_start3A_148 = arith.constant 0 : i32
      %dma_start3A_149 = arith.constant 0 : i32
      %dma_start3A_150 = tpu.memref_slice %arg2[%dma_start3A_148, %dma_start3A_149] : memref<10240x128xf32, #tpu.memory_space<hbm>> -> memref<10240x128xf32, #tpu.memory_space<hbm>>
      tpu.enqueue_indirect_dma source(%dma_start3A_150 : memref<10240x128xf32, #tpu.memory_space<hbm>>) target(%arg8 : memref<128x128xf32, #tpu.memory_space<vmem>>) offsets(%dma_start3A_147 : memref<128xi32, #tpu.memory_space<vmem>>) semaphore(%arg11 : memref<!tpu.dma_semaphore, #tpu.memory_space<semaphore_mem>>)
      %dma_wait3A_151 = arith.constant 5 : i32
      %dma_wait3A_152 = arith.constant 0 : i32
      %dma_wait3A_153 = tpu.memref_slice %arg6[%dma_wait3A_151, %dma_wait3A_152] : memref<8x128xi32, #tpu.memory_space<vmem>> -> memref<1x128xi32, #tpu.memory_space<vmem>>
      %dma_wait3A_154 = tpu.memref_squeeze %dma_wait3A_153 : memref<1x128xi32, #tpu.memory_space<vmem>> -> memref<128xi32, #tpu.memory_space<vmem>>
      %dma_wait3A_155 = arith.constant 0 : i32
      %dma_wait3A_156 = arith.constant 0 : i32
      %dma_wait3A_157 = tpu.memref_slice %arg2[%dma_wait3A_155, %dma_wait3A_156] : memref<10240x128xf32, #tpu.memory_space<hbm>> -> memref<10240x128xf32, #tpu.memory_space<hbm>>
      tpu.wait_indirect_dma semaphore(%arg12 : memref<!tpu.dma_semaphore, #tpu.memory_space<semaphore_mem>>) src(%dma_wait3A_157 : memref<10240x128xf32, #tpu.memory_space<hbm>>) dst(%arg9 : memref<128x128xf32, #tpu.memory_space<vmem>>)
      %run_scoped3A_158 = arith.constant 5 : i32
      "tpu.region"() ({
        %run_scoped3A_182 = tpu.sem_alloc : memref<!tpu.dma_semaphore, #tpu.memory_space<semaphore_mem>>
        %dma_start3A_183 = arith.constant 0 : i32
        %dma_start3A_184 = tpu.memref_slice %arg7[%run_scoped3A_158, %dma_start3A_183] : memref<8x128xi32, #tpu.memory_space<vmem>> -> memref<1x128xi32, #tpu.memory_space<vmem>>
        %dma_start3A_185 = tpu.memref_squeeze %dma_start3A_184 : memref<1x128xi32, #tpu.memory_space<vmem>> -> memref<128xi32, #tpu.memory_space<vmem>>
        %dma_start3A_186 = arith.constant 0 : i32
        %dma_start3A_187 = arith.constant 0 : i32
        %dma_start3A_188 = tpu.memref_slice %arg10[%dma_start3A_186, %dma_start3A_187] : memref<10240x128xf32, #tpu.memory_space<vmem_shared>> -> memref<10240x128xf32, #tpu.memory_space<vmem_shared>>
        tpu.enqueue_indirect_dma source(%arg9 : memref<128x128xf32, #tpu.memory_space<vmem>>) target(%dma_start3A_188 : memref<10240x128xf32, #tpu.memory_space<vmem_shared>>) offsets(%dma_start3A_185 : memref<128xi32, #tpu.memory_space<vmem>>) semaphore(%run_scoped3A_182 : memref<!tpu.dma_semaphore, #tpu.memory_space<semaphore_mem>>) {add = true}
        %dma_wait3A_189 = arith.constant 0 : i32
        %dma_wait3A_190 = tpu.memref_slice %arg7[%run_scoped3A_158, %dma_wait3A_189] : memref<8x128xi32, #tpu.memory_space<vmem>> -> memref<1x128xi32, #tpu.memory_space<vmem>>
        %dma_wait3A_191 = tpu.memref_squeeze %dma_wait3A_190 : memref<1x128xi32, #tpu.memory_space<vmem>> -> memref<128xi32, #tpu.memory_space<vmem>>
        %dma_wait3A_192 = arith.constant 0 : i32
        %dma_wait3A_193 = arith.constant 0 : i32
        %dma_wait3A_194 = tpu.memref_slice %arg10[%dma_wait3A_192, %dma_wait3A_193] : memref<10240x128xf32, #tpu.memory_space<vmem_shared>> -> memref<10240x128xf32, #tpu.memory_space<vmem_shared>>
        tpu.wait_indirect_dma semaphore(%run_scoped3A_182 : memref<!tpu.dma_semaphore, #tpu.memory_space<semaphore_mem>>) src(%arg9 : memref<128x128xf32, #tpu.memory_space<vmem>>) dst(%dma_wait3A_194 : memref<10240x128xf32, #tpu.memory_space<vmem_shared>>)
        tpu.yield
      }) : () -> ()
      %dma_start3A_159 = arith.constant 7 : i32
      %dma_start3A_160 = arith.constant 0 : i32
      %dma_start3A_161 = tpu.memref_slice %arg6[%dma_start3A_159, %dma_start3A_160] : memref<8x128xi32, #tpu.memory_space<vmem>> -> memref<1x128xi32, #tpu.memory_space<vmem>>
      %dma_start3A_162 = tpu.memref_squeeze %dma_start3A_161 : memref<1x128xi32, #tpu.memory_space<vmem>> -> memref<128xi32, #tpu.memory_space<vmem>>
      %dma_start3A_163 = arith.constant 0 : i32
      %dma_start3A_164 = arith.constant 0 : i32
      %dma_start3A_165 = tpu.memref_slice %arg2[%dma_start3A_163, %dma_start3A_164] : memref<10240x128xf32, #tpu.memory_space<hbm>> -> memref<10240x128xf32, #tpu.memory_space<hbm>>
      tpu.enqueue_indirect_dma source(%dma_start3A_165 : memref<10240x128xf32, #tpu.memory_space<hbm>>) target(%arg9 : memref<128x128xf32, #tpu.memory_space<vmem>>) offsets(%dma_start3A_162 : memref<128xi32, #tpu.memory_space<vmem>>) semaphore(%arg12 : memref<!tpu.dma_semaphore, #tpu.memory_space<semaphore_mem>>)
      %dma_wait3A_166 = arith.constant 6 : i32
      %dma_wait3A_167 = arith.constant 0 : i32
      %dma_wait3A_168 = tpu.memref_slice %arg6[%dma_wait3A_166, %dma_wait3A_167] : memref<8x128xi32, #tpu.memory_space<vmem>> -> memref<1x128xi32, #tpu.memory_space<vmem>>
      %dma_wait3A_169 = tpu.memref_squeeze %dma_wait3A_168 : memref<1x128xi32, #tpu.memory_space<vmem>> -> memref<128xi32, #tpu.memory_space<vmem>>
      %dma_wait3A_170 = arith.constant 0 : i32
      %dma_wait3A_171 = arith.constant 0 : i32
      %dma_wait3A_172 = tpu.memref_slice %arg2[%dma_wait3A_170, %dma_wait3A_171] : memref<10240x128xf32, #tpu.memory_space<hbm>> -> memref<10240x128xf32, #tpu.memory_space<hbm>>
      tpu.wait_indirect_dma semaphore(%arg11 : memref<!tpu.dma_semaphore, #tpu.memory_space<semaphore_mem>>) src(%dma_wait3A_172 : memref<10240x128xf32, #tpu.memory_space<hbm>>) dst(%arg8 : memref<128x128xf32, #tpu.memory_space<vmem>>)
      %run_scoped3A_173 = arith.constant 6 : i32
      "tpu.region"() ({
        %run_scoped3A_182 = tpu.sem_alloc : memref<!tpu.dma_semaphore, #tpu.memory_space<semaphore_mem>>
        %dma_start3A_183 = arith.constant 0 : i32
        %dma_start3A_184 = tpu.memref_slice %arg7[%run_scoped3A_173, %dma_start3A_183] : memref<8x128xi32, #tpu.memory_space<vmem>> -> memref<1x128xi32, #tpu.memory_space<vmem>>
        %dma_start3A_185 = tpu.memref_squeeze %dma_start3A_184 : memref<1x128xi32, #tpu.memory_space<vmem>> -> memref<128xi32, #tpu.memory_space<vmem>>
        %dma_start3A_186 = arith.constant 0 : i32
        %dma_start3A_187 = arith.constant 0 : i32
        %dma_start3A_188 = tpu.memref_slice %arg10[%dma_start3A_186, %dma_start3A_187] : memref<10240x128xf32, #tpu.memory_space<vmem_shared>> -> memref<10240x128xf32, #tpu.memory_space<vmem_shared>>
        tpu.enqueue_indirect_dma source(%arg8 : memref<128x128xf32, #tpu.memory_space<vmem>>) target(%dma_start3A_188 : memref<10240x128xf32, #tpu.memory_space<vmem_shared>>) offsets(%dma_start3A_185 : memref<128xi32, #tpu.memory_space<vmem>>) semaphore(%run_scoped3A_182 : memref<!tpu.dma_semaphore, #tpu.memory_space<semaphore_mem>>) {add = true}
        %dma_wait3A_189 = arith.constant 0 : i32
        %dma_wait3A_190 = tpu.memref_slice %arg7[%run_scoped3A_173, %dma_wait3A_189] : memref<8x128xi32, #tpu.memory_space<vmem>> -> memref<1x128xi32, #tpu.memory_space<vmem>>
        %dma_wait3A_191 = tpu.memref_squeeze %dma_wait3A_190 : memref<1x128xi32, #tpu.memory_space<vmem>> -> memref<128xi32, #tpu.memory_space<vmem>>
        %dma_wait3A_192 = arith.constant 0 : i32
        %dma_wait3A_193 = arith.constant 0 : i32
        %dma_wait3A_194 = tpu.memref_slice %arg10[%dma_wait3A_192, %dma_wait3A_193] : memref<10240x128xf32, #tpu.memory_space<vmem_shared>> -> memref<10240x128xf32, #tpu.memory_space<vmem_shared>>
        tpu.wait_indirect_dma semaphore(%run_scoped3A_182 : memref<!tpu.dma_semaphore, #tpu.memory_space<semaphore_mem>>) src(%arg8 : memref<128x128xf32, #tpu.memory_space<vmem>>) dst(%dma_wait3A_194 : memref<10240x128xf32, #tpu.memory_space<vmem_shared>>)
        tpu.yield
      }) : () -> ()
      %dma_wait3A_174 = arith.constant 7 : i32
      %dma_wait3A_175 = arith.constant 0 : i32
      %dma_wait3A_176 = tpu.memref_slice %arg6[%dma_wait3A_174, %dma_wait3A_175] : memref<8x128xi32, #tpu.memory_space<vmem>> -> memref<1x128xi32, #tpu.memory_space<vmem>>
      %dma_wait3A_177 = tpu.memref_squeeze %dma_wait3A_176 : memref<1x128xi32, #tpu.memory_space<vmem>> -> memref<128xi32, #tpu.memory_space<vmem>>
      %dma_wait3A_178 = arith.constant 0 : i32
      %dma_wait3A_179 = arith.constant 0 : i32
      %dma_wait3A_180 = tpu.memref_slice %arg2[%dma_wait3A_178, %dma_wait3A_179] : memref<10240x128xf32, #tpu.memory_space<hbm>> -> memref<10240x128xf32, #tpu.memory_space<hbm>>
      tpu.wait_indirect_dma semaphore(%arg12 : memref<!tpu.dma_semaphore, #tpu.memory_space<semaphore_mem>>) src(%dma_wait3A_180 : memref<10240x128xf32, #tpu.memory_space<hbm>>) dst(%arg9 : memref<128x128xf32, #tpu.memory_space<vmem>>)
      %run_scoped3A_181 = arith.constant 7 : i32
      "tpu.region"() ({
        %run_scoped3A_182 = tpu.sem_alloc : memref<!tpu.dma_semaphore, #tpu.memory_space<semaphore_mem>>
        %dma_start3A_183 = arith.constant 0 : i32
        %dma_start3A_184 = tpu.memref_slice %arg7[%run_scoped3A_181, %dma_start3A_183] : memref<8x128xi32, #tpu.memory_space<vmem>> -> memref<1x128xi32, #tpu.memory_space<vmem>>
        %dma_start3A_185 = tpu.memref_squeeze %dma_start3A_184 : memref<1x128xi32, #tpu.memory_space<vmem>> -> memref<128xi32, #tpu.memory_space<vmem>>
        %dma_start3A_186 = arith.constant 0 : i32
        %dma_start3A_187 = arith.constant 0 : i32
        %dma_start3A_188 = tpu.memref_slice %arg10[%dma_start3A_186, %dma_start3A_187] : memref<10240x128xf32, #tpu.memory_space<vmem_shared>> -> memref<10240x128xf32, #tpu.memory_space<vmem_shared>>
        tpu.enqueue_indirect_dma source(%arg9 : memref<128x128xf32, #tpu.memory_space<vmem>>) target(%dma_start3A_188 : memref<10240x128xf32, #tpu.memory_space<vmem_shared>>) offsets(%dma_start3A_185 : memref<128xi32, #tpu.memory_space<vmem>>) semaphore(%run_scoped3A_182 : memref<!tpu.dma_semaphore, #tpu.memory_space<semaphore_mem>>) {add = true}
        %dma_wait3A_189 = arith.constant 0 : i32
        %dma_wait3A_190 = tpu.memref_slice %arg7[%run_scoped3A_181, %dma_wait3A_189] : memref<8x128xi32, #tpu.memory_space<vmem>> -> memref<1x128xi32, #tpu.memory_space<vmem>>
        %dma_wait3A_191 = tpu.memref_squeeze %dma_wait3A_190 : memref<1x128xi32, #tpu.memory_space<vmem>> -> memref<128xi32, #tpu.memory_space<vmem>>
        %dma_wait3A_192 = arith.constant 0 : i32
        %dma_wait3A_193 = arith.constant 0 : i32
        %dma_wait3A_194 = tpu.memref_slice %arg10[%dma_wait3A_192, %dma_wait3A_193] : memref<10240x128xf32, #tpu.memory_space<vmem_shared>> -> memref<10240x128xf32, #tpu.memory_space<vmem_shared>>
        tpu.wait_indirect_dma semaphore(%run_scoped3A_182 : memref<!tpu.dma_semaphore, #tpu.memory_space<semaphore_mem>>) src(%arg9 : memref<128x128xf32, #tpu.memory_space<vmem>>) dst(%dma_wait3A_194 : memref<10240x128xf32, #tpu.memory_space<vmem_shared>>)
        tpu.yield
      }) : () -> ()
    }
    %barrier3A_57 = arith.constant 0 : index
    tpu.barrier barrier_id(%barrier3A_57)
    "tpu.region"() ({
      %run_scoped3A = tpu.sem_alloc : memref<!tpu.dma_semaphore, #tpu.memory_space<semaphore_mem>>
      %dma_start3A = arith.constant 0 : i32
      %dma_start3A_58 = tpu.memref_slice %arg5[%arg0, %mul3A_0, %dma_start3A] : memref<2x10240x128xf32, #tpu.memory_space<hbm>> -> memref<1x640x128xf32, #tpu.memory_space<hbm>>
      %dma_start3A_59 = tpu.memref_squeeze %dma_start3A_58 : memref<1x640x128xf32, #tpu.memory_space<hbm>> -> memref<640x128xf32, #tpu.memory_space<hbm>>
      %dma_start3A_60 = arith.constant 0 : i32
      %dma_start3A_61 = tpu.memref_slice %arg10[%mul3A_0, %dma_start3A_60] : memref<10240x128xf32, #tpu.memory_space<vmem_shared>> -> memref<640x128xf32, #tpu.memory_space<vmem_shared>>
      tpu.enqueue_dma source(%dma_start3A_61 : memref<640x128xf32, #tpu.memory_space<vmem_shared>>) target(%dma_start3A_59 : memref<640x128xf32, #tpu.memory_space<hbm>>) target_semaphore(%run_scoped3A : memref<!tpu.dma_semaphore, #tpu.memory_space<semaphore_mem>>)
      %dma_wait3A = arith.constant 0 : i32
      %dma_wait3A_62 = tpu.memref_slice %arg5[%arg0, %mul3A_0, %dma_wait3A] : memref<2x10240x128xf32, #tpu.memory_space<hbm>> -> memref<1x640x128xf32, #tpu.memory_space<hbm>>
      %dma_wait3A_63 = tpu.memref_squeeze %dma_wait3A_62 : memref<1x640x128xf32, #tpu.memory_space<hbm>> -> memref<640x128xf32, #tpu.memory_space<hbm>>
      %dma_wait3A_64 = arith.constant 0 : i32
      %dma_wait3A_65 = tpu.memref_slice %arg10[%mul3A_0, %dma_wait3A_64] : memref<10240x128xf32, #tpu.memory_space<vmem_shared>> -> memref<640x128xf32, #tpu.memory_space<vmem_shared>>
      tpu.wait_dma2 semaphore(%run_scoped3A : memref<!tpu.dma_semaphore, #tpu.memory_space<semaphore_mem>>) src(%dma_wait3A_65 : memref<640x128xf32, #tpu.memory_space<vmem_shared>>) dst(%dma_wait3A_63 : memref<640x128xf32, #tpu.memory_space<hbm>>)
      tpu.yield
    }) : () -> ()
    return
  }
}

#map = affine_map<(d0, d1) -> (0, 0)>
#map1 = affine_map<(d0, d1) -> (0, 0, 0)>
module attributes {stable_mosaic.version = 14 : i64} {
  func.func @_prop_call(%arg0: i32, %arg1: i32, %arg2: memref<10240x128xf32, #tpu.memory_space<hbm>>, %arg3: memref<2560x128xi32, #tpu.memory_space<hbm>>, %arg4: memref<2560x128xi32, #tpu.memory_space<hbm>>, %arg5: memref<2x10240x128xf32, #tpu.memory_space<hbm>>, %arg6: memref<8x128xi32, #tpu.memory_space<vmem>>, %arg7: memref<8x128xi32, #tpu.memory_space<vmem>>, %arg8: memref<128x128xf32, #tpu.memory_space<vmem>>, %arg9: memref<128x128xf32, #tpu.memory_space<vmem>>, %arg10: memref<10240x128xf32, #tpu.memory_space<vmem_shared>>, %arg11: memref<!tpu.dma_semaphore, #tpu.memory_space<semaphore_mem>>, %arg12: memref<!tpu.dma_semaphore, #tpu.memory_space<semaphore_mem>>) attributes {dimension_semantics = [#tpu.dimension_semantics<core_parallel>, #tpu.dimension_semantics<subcore_parallel>], iteration_bounds = array<i64: 2, 16>, scalar_prefetch = 0 : i64, scratch_operands = 7 : i64, tpu.core_type = #tpu.core_type<sc_vector_subcore>, window_params = [{transform_indices = #map}, {transform_indices = #map}, {transform_indices = #map}, {transform_indices = #map1}]} {
    %mul3A = arith.constant 640 : i32
    %mul3A_0 = arith.muli %arg1, %mul3A : i32
    "tpu.region"() ({
      %run_scoped3A = tpu.sem_alloc : memref<!tpu.dma_semaphore, #tpu.memory_space<semaphore_mem>>
      %dma_start3A = arith.constant 0 : i32
      %dma_start3A_58 = tpu.memref_slice %arg10[%mul3A_0, %dma_start3A] : memref<10240x128xf32, #tpu.memory_space<vmem_shared>> -> memref<640x128xf32, #tpu.memory_space<vmem_shared>>
      %dma_start3A_59 = arith.constant 0 : i32
      %dma_start3A_60 = tpu.memref_slice %arg2[%mul3A_0, %dma_start3A_59] : memref<10240x128xf32, #tpu.memory_space<hbm>> -> memref<640x128xf32, #tpu.memory_space<hbm>>
      tpu.enqueue_dma source(%dma_start3A_60 : memref<640x128xf32, #tpu.memory_space<hbm>>) target(%dma_start3A_58 : memref<640x128xf32, #tpu.memory_space<vmem_shared>>) target_semaphore(%run_scoped3A : memref<!tpu.dma_semaphore, #tpu.memory_space<semaphore_mem>>)
      %dma_wait3A = arith.constant 0 : i32
      %dma_wait3A_61 = tpu.memref_slice %arg10[%mul3A_0, %dma_wait3A] : memref<10240x128xf32, #tpu.memory_space<vmem_shared>> -> memref<640x128xf32, #tpu.memory_space<vmem_shared>>
      %dma_wait3A_62 = arith.constant 0 : i32
      %dma_wait3A_63 = tpu.memref_slice %arg2[%mul3A_0, %dma_wait3A_62] : memref<10240x128xf32, #tpu.memory_space<hbm>> -> memref<640x128xf32, #tpu.memory_space<hbm>>
      tpu.wait_dma2 semaphore(%run_scoped3A : memref<!tpu.dma_semaphore, #tpu.memory_space<semaphore_mem>>) src(%dma_wait3A_63 : memref<640x128xf32, #tpu.memory_space<hbm>>) dst(%dma_wait3A_61 : memref<640x128xf32, #tpu.memory_space<vmem_shared>>)
      tpu.yield
    }) : () -> ()
    %barrier3A = arith.constant 0 : index
    tpu.barrier barrier_id(%barrier3A)
    %mul3A_1 = arith.constant 0 : i32
    %mul3A_2 = arith.muli %arg0, %mul3A_1 : i32
    %add3A = arith.constant 10240 : i32
    %add3A_3 = arith.addi %add3A, %mul3A_2 : i32
    %mul3A_4 = arith.constant 160 : i32
    %mul3A_5 = arith.muli %arg0, %mul3A_4 : i32
    %jit3A = arith.constant 1024 : i32
    %div3A = arith.divsi %add3A_3, %jit3A : i32
    %sign3A = arith.constant 0 : i32
    %sign3A_6 = arith.cmpi sgt, %add3A_3, %sign3A : i32
    %sign3A_7 = arith.extui %sign3A_6 : i1 to i32
    %sign3A_8 = arith.constant 0 : i32
    %sign3A_9 = arith.cmpi slt, %add3A_3, %sign3A_8 : i32
    %sign3A_10 = arith.extui %sign3A_9 : i1 to i32
    %sign3A_11 = arith.subi %sign3A_7, %sign3A_10 : i32
    %sign3A_12 = arith.constant 0 : i32
    %sign3A_13 = arith.cmpi sgt, %jit3A, %sign3A_12 : i32
    %sign3A_14 = arith.extui %sign3A_13 : i1 to i32
    %sign3A_15 = arith.constant 0 : i32
    %sign3A_16 = arith.cmpi slt, %jit3A, %sign3A_15 : i32
    %sign3A_17 = arith.extui %sign3A_16 : i1 to i32
    %sign3A_18 = arith.subi %sign3A_14, %sign3A_17 : i32
    %ne3A = arith.cmpi ne, %sign3A_11, %sign3A_18 : i32
    %rem3A = arith.remsi %add3A_3, %jit3A : i32
    %ne3A_19 = arith.constant 0 : i32
    %ne3A_20 = arith.cmpi ne, %rem3A, %ne3A_19 : i32
    %and3A = arith.andi %ne3A, %ne3A_20 : i1
    %sub3A = arith.constant 1 : i32
    %sub3A_21 = arith.subi %div3A, %sub3A : i32
    %select_n3A = arith.select %and3A, %sub3A_21, %div3A : i32
    %mul3A_22 = arith.muli %arg1, %select_n3A : i32
    %add3A_23 = arith.addi %mul3A_5, %mul3A_22 : i32
    %jit3A_24 = arith.constant 1024 : i32
    %div3A_25 = arith.divsi %add3A_3, %jit3A_24 : i32
    %sign3A_26 = arith.constant 0 : i32
    %sign3A_27 = arith.cmpi sgt, %add3A_3, %sign3A_26 : i32
    %sign3A_28 = arith.extui %sign3A_27 : i1 to i32
    %sign3A_29 = arith.constant 0 : i32
    %sign3A_30 = arith.cmpi slt, %add3A_3, %sign3A_29 : i32
    %sign3A_31 = arith.extui %sign3A_30 : i1 to i32
    %sign3A_32 = arith.subi %sign3A_28, %sign3A_31 : i32
    %sign3A_33 = arith.constant 0 : i32
    %sign3A_34 = arith.cmpi sgt, %jit3A_24, %sign3A_33 : i32
    %sign3A_35 = arith.extui %sign3A_34 : i1 to i32
    %sign3A_36 = arith.constant 0 : i32
    %sign3A_37 = arith.cmpi slt, %jit3A_24, %sign3A_36 : i32
    %sign3A_38 = arith.extui %sign3A_37 : i1 to i32
    %sign3A_39 = arith.subi %sign3A_35, %sign3A_38 : i32
    %ne3A_40 = arith.cmpi ne, %sign3A_32, %sign3A_39 : i32
    %rem3A_41 = arith.remsi %add3A_3, %jit3A_24 : i32
    %ne3A_42 = arith.constant 0 : i32
    %ne3A_43 = arith.cmpi ne, %rem3A_41, %ne3A_42 : i32
    %and3A_44 = arith.andi %ne3A_40, %ne3A_43 : i1
    %sub3A_45 = arith.constant 1 : i32
    %sub3A_46 = arith.subi %div3A_25, %sub3A_45 : i32
    %select_n3A_47 = arith.select %and3A_44, %sub3A_46, %div3A_25 : i32
    %while3A = arith.constant 0 : i32
    %while3A_48 = arith.constant 0 : i32
    %while3A_49 = arith.subi %select_n3A_47, %while3A_48 : i32
    %while3A_50 = arith.addi %while3A_48, %while3A_49 : i32
    %while3A_51 = arith.constant 1 : i32
    %while3A_52 = arith.divsi %while3A_49, %while3A_51 : i32
    %while3A_53 = arith.muli %while3A_52, %while3A_51 : i32
    %while3A_54 = arith.addi %while3A_48, %while3A_53 : i32
    %while3A_55 = arith.constant 1 : i32
    scf.for %while3A_58 = %while3A_48 to %while3A_54 step %while3A_55  : i32 {
      %add3A_59 = arith.addi %add3A_23, %while3A_58 : i32
      %mul3A_60 = arith.constant 8 : i32
      %mul3A_61 = arith.muli %add3A_59, %mul3A_60 : i32
      "tpu.region"() ({
        %run_scoped3A_182 = tpu.sem_alloc : memref<!tpu.dma_semaphore, #tpu.memory_space<semaphore_mem>>
        %dma_start3A_183 = arith.constant 0 : i32
        %dma_start3A_184 = tpu.memref_slice %arg3[%mul3A_61, %dma_start3A_183] : memref<2560x128xi32, #tpu.memory_space<hbm>> -> memref<8x128xi32, #tpu.memory_space<hbm>>
        %dma_start3A_185 = arith.constant 0 : i32
        %dma_start3A_186 = tpu.memref_slice %arg3[%mul3A_61, %dma_start3A_185] : memref<2560x128xi32, #tpu.memory_space<hbm>> -> memref<8x128xi32, #tpu.memory_space<hbm>>
        tpu.enqueue_dma source(%dma_start3A_186 : memref<8x128xi32, #tpu.memory_space<hbm>>) target(%arg6 : memref<8x128xi32, #tpu.memory_space<vmem>>) target_semaphore(%run_scoped3A_182 : memref<!tpu.dma_semaphore, #tpu.memory_space<semaphore_mem>>)
        %dma_wait3A_187 = arith.constant 0 : i32
        %dma_wait3A_188 = tpu.memref_slice %arg3[%mul3A_61, %dma_wait3A_187] : memref<2560x128xi32, #tpu.memory_space<hbm>> -> memref<8x128xi32, #tpu.memory_space<hbm>>
        %dma_wait3A_189 = arith.constant 0 : i32
        %dma_wait3A_190 = tpu.memref_slice %arg3[%mul3A_61, %dma_wait3A_189] : memref<2560x128xi32, #tpu.memory_space<hbm>> -> memref<8x128xi32, #tpu.memory_space<hbm>>
        tpu.wait_dma2 semaphore(%run_scoped3A_182 : memref<!tpu.dma_semaphore, #tpu.memory_space<semaphore_mem>>) src(%dma_wait3A_190 : memref<8x128xi32, #tpu.memory_space<hbm>>) dst(%arg6 : memref<8x128xi32, #tpu.memory_space<vmem>>)
        tpu.yield
      }) : () -> ()
      %add3A_62 = arith.addi %add3A_23, %while3A_58 : i32
      %mul3A_63 = arith.constant 8 : i32
      %mul3A_64 = arith.muli %add3A_62, %mul3A_63 : i32
      "tpu.region"() ({
        %run_scoped3A_182 = tpu.sem_alloc : memref<!tpu.dma_semaphore, #tpu.memory_space<semaphore_mem>>
        %dma_start3A_183 = arith.constant 0 : i32
        %dma_start3A_184 = tpu.memref_slice %arg4[%mul3A_64, %dma_start3A_183] : memref<2560x128xi32, #tpu.memory_space<hbm>> -> memref<8x128xi32, #tpu.memory_space<hbm>>
        %dma_start3A_185 = arith.constant 0 : i32
        %dma_start3A_186 = tpu.memref_slice %arg4[%mul3A_64, %dma_start3A_185] : memref<2560x128xi32, #tpu.memory_space<hbm>> -> memref<8x128xi32, #tpu.memory_space<hbm>>
        tpu.enqueue_dma source(%dma_start3A_186 : memref<8x128xi32, #tpu.memory_space<hbm>>) target(%arg7 : memref<8x128xi32, #tpu.memory_space<vmem>>) target_semaphore(%run_scoped3A_182 : memref<!tpu.dma_semaphore, #tpu.memory_space<semaphore_mem>>)
        %dma_wait3A_187 = arith.constant 0 : i32
        %dma_wait3A_188 = tpu.memref_slice %arg4[%mul3A_64, %dma_wait3A_187] : memref<2560x128xi32, #tpu.memory_space<hbm>> -> memref<8x128xi32, #tpu.memory_space<hbm>>
        %dma_wait3A_189 = arith.constant 0 : i32
        %dma_wait3A_190 = tpu.memref_slice %arg4[%mul3A_64, %dma_wait3A_189] : memref<2560x128xi32, #tpu.memory_space<hbm>> -> memref<8x128xi32, #tpu.memory_space<hbm>>
        tpu.wait_dma2 semaphore(%run_scoped3A_182 : memref<!tpu.dma_semaphore, #tpu.memory_space<semaphore_mem>>) src(%dma_wait3A_190 : memref<8x128xi32, #tpu.memory_space<hbm>>) dst(%arg7 : memref<8x128xi32, #tpu.memory_space<vmem>>)
        tpu.yield
      }) : () -> ()
      %dma_start3A = arith.constant 0 : i32
      %dma_start3A_65 = arith.constant 0 : i32
      %dma_start3A_66 = tpu.memref_slice %arg6[%dma_start3A, %dma_start3A_65] : memref<8x128xi32, #tpu.memory_space<vmem>> -> memref<1x128xi32, #tpu.memory_space<vmem>>
      %dma_start3A_67 = tpu.memref_squeeze %dma_start3A_66 : memref<1x128xi32, #tpu.memory_space<vmem>> -> memref<128xi32, #tpu.memory_space<vmem>>
      %dma_start3A_68 = arith.constant 0 : i32
      %dma_start3A_69 = arith.constant 0 : i32
      %dma_start3A_70 = tpu.memref_slice %arg2[%dma_start3A_68, %dma_start3A_69] : memref<10240x128xf32, #tpu.memory_space<hbm>> -> memref<10240x128xf32, #tpu.memory_space<hbm>>
      tpu.enqueue_indirect_dma source(%dma_start3A_70 : memref<10240x128xf32, #tpu.memory_space<hbm>>) target(%arg8 : memref<128x128xf32, #tpu.memory_space<vmem>>) offsets(%dma_start3A_67 : memref<128xi32, #tpu.memory_space<vmem>>) semaphore(%arg11 : memref<!tpu.dma_semaphore, #tpu.memory_space<semaphore_mem>>)
      %dma_start3A_71 = arith.constant 1 : i32
      %dma_start3A_72 = arith.constant 0 : i32
      %dma_start3A_73 = tpu.memref_slice %arg6[%dma_start3A_71, %dma_start3A_72] : memref<8x128xi32, #tpu.memory_space<vmem>> -> memref<1x128xi32, #tpu.memory_space<vmem>>
      %dma_start3A_74 = tpu.memref_squeeze %dma_start3A_73 : memref<1x128xi32, #tpu.memory_space<vmem>> -> memref<128xi32, #tpu.memory_space<vmem>>
      %dma_start3A_75 = arith.constant 0 : i32
      %dma_start3A_76 = arith.constant 0 : i32
      %dma_start3A_77 = tpu.memref_slice %arg2[%dma_start3A_75, %dma_start3A_76] : memref<10240x128xf32, #tpu.memory_space<hbm>> -> memref<10240x128xf32, #tpu.memory_space<hbm>>
      tpu.enqueue_indirect_dma source(%dma_start3A_77 : memref<10240x128xf32, #tpu.memory_space<hbm>>) target(%arg9 : memref<128x128xf32, #tpu.memory_space<vmem>>) offsets(%dma_start3A_74 : memref<128xi32, #tpu.memory_space<vmem>>) semaphore(%arg12 : memref<!tpu.dma_semaphore, #tpu.memory_space<semaphore_mem>>)
      %dma_wait3A = arith.constant 0 : i32
      %dma_wait3A_78 = arith.constant 0 : i32
      %dma_wait3A_79 = tpu.memref_slice %arg6[%dma_wait3A, %dma_wait3A_78] : memref<8x128xi32, #tpu.memory_space<vmem>> -> memref<1x128xi32, #tpu.memory_space<vmem>>
      %dma_wait3A_80 = tpu.memref_squeeze %dma_wait3A_79 : memref<1x128xi32, #tpu.memory_space<vmem>> -> memref<128xi32, #tpu.memory_space<vmem>>
      %dma_wait3A_81 = arith.constant 0 : i32
      %dma_wait3A_82 = arith.constant 0 : i32
      %dma_wait3A_83 = tpu.memref_slice %arg2[%dma_wait3A_81, %dma_wait3A_82] : memref<10240x128xf32, #tpu.memory_space<hbm>> -> memref<10240x128xf32, #tpu.memory_space<hbm>>
      tpu.wait_indirect_dma semaphore(%arg11 : memref<!tpu.dma_semaphore, #tpu.memory_space<semaphore_mem>>) src(%dma_wait3A_83 : memref<10240x128xf32, #tpu.memory_space<hbm>>) dst(%arg8 : memref<128x128xf32, #tpu.memory_space<vmem>>)
      %run_scoped3A = arith.constant 0 : i32
      "tpu.region"() ({
        %run_scoped3A_182 = tpu.sem_alloc : memref<!tpu.dma_semaphore, #tpu.memory_space<semaphore_mem>>
        %dma_start3A_183 = arith.constant 0 : i32
        %dma_start3A_184 = tpu.memref_slice %arg7[%run_scoped3A, %dma_start3A_183] : memref<8x128xi32, #tpu.memory_space<vmem>> -> memref<1x128xi32, #tpu.memory_space<vmem>>
        %dma_start3A_185 = tpu.memref_squeeze %dma_start3A_184 : memref<1x128xi32, #tpu.memory_space<vmem>> -> memref<128xi32, #tpu.memory_space<vmem>>
        %dma_start3A_186 = arith.constant 0 : i32
        %dma_start3A_187 = arith.constant 0 : i32
        %dma_start3A_188 = tpu.memref_slice %arg10[%dma_start3A_186, %dma_start3A_187] : memref<10240x128xf32, #tpu.memory_space<vmem_shared>> -> memref<10240x128xf32, #tpu.memory_space<vmem_shared>>
        tpu.enqueue_indirect_dma source(%arg8 : memref<128x128xf32, #tpu.memory_space<vmem>>) target(%dma_start3A_188 : memref<10240x128xf32, #tpu.memory_space<vmem_shared>>) offsets(%dma_start3A_185 : memref<128xi32, #tpu.memory_space<vmem>>) semaphore(%run_scoped3A_182 : memref<!tpu.dma_semaphore, #tpu.memory_space<semaphore_mem>>) {add = true}
        %dma_wait3A_189 = arith.constant 0 : i32
        %dma_wait3A_190 = tpu.memref_slice %arg7[%run_scoped3A, %dma_wait3A_189] : memref<8x128xi32, #tpu.memory_space<vmem>> -> memref<1x128xi32, #tpu.memory_space<vmem>>
        %dma_wait3A_191 = tpu.memref_squeeze %dma_wait3A_190 : memref<1x128xi32, #tpu.memory_space<vmem>> -> memref<128xi32, #tpu.memory_space<vmem>>
        %dma_wait3A_192 = arith.constant 0 : i32
        %dma_wait3A_193 = arith.constant 0 : i32
        %dma_wait3A_194 = tpu.memref_slice %arg10[%dma_wait3A_192, %dma_wait3A_193] : memref<10240x128xf32, #tpu.memory_space<vmem_shared>> -> memref<10240x128xf32, #tpu.memory_space<vmem_shared>>
        tpu.wait_indirect_dma semaphore(%run_scoped3A_182 : memref<!tpu.dma_semaphore, #tpu.memory_space<semaphore_mem>>) src(%arg8 : memref<128x128xf32, #tpu.memory_space<vmem>>) dst(%dma_wait3A_194 : memref<10240x128xf32, #tpu.memory_space<vmem_shared>>)
        tpu.yield
      }) : () -> ()
      %dma_start3A_84 = arith.constant 2 : i32
      %dma_start3A_85 = arith.constant 0 : i32
      %dma_start3A_86 = tpu.memref_slice %arg6[%dma_start3A_84, %dma_start3A_85] : memref<8x128xi32, #tpu.memory_space<vmem>> -> memref<1x128xi32, #tpu.memory_space<vmem>>
      %dma_start3A_87 = tpu.memref_squeeze %dma_start3A_86 : memref<1x128xi32, #tpu.memory_space<vmem>> -> memref<128xi32, #tpu.memory_space<vmem>>
      %dma_start3A_88 = arith.constant 0 : i32
      %dma_start3A_89 = arith.constant 0 : i32
      %dma_start3A_90 = tpu.memref_slice %arg2[%dma_start3A_88, %dma_start3A_89] : memref<10240x128xf32, #tpu.memory_space<hbm>> -> memref<10240x128xf32, #tpu.memory_space<hbm>>
      tpu.enqueue_indirect_dma source(%dma_start3A_90 : memref<10240x128xf32, #tpu.memory_space<hbm>>) target(%arg8 : memref<128x128xf32, #tpu.memory_space<vmem>>) offsets(%dma_start3A_87 : memref<128xi32, #tpu.memory_space<vmem>>) semaphore(%arg11 : memref<!tpu.dma_semaphore, #tpu.memory_space<semaphore_mem>>)
      %dma_wait3A_91 = arith.constant 1 : i32
      %dma_wait3A_92 = arith.constant 0 : i32
      %dma_wait3A_93 = tpu.memref_slice %arg6[%dma_wait3A_91, %dma_wait3A_92] : memref<8x128xi32, #tpu.memory_space<vmem>> -> memref<1x128xi32, #tpu.memory_space<vmem>>
      %dma_wait3A_94 = tpu.memref_squeeze %dma_wait3A_93 : memref<1x128xi32, #tpu.memory_space<vmem>> -> memref<128xi32, #tpu.memory_space<vmem>>
      %dma_wait3A_95 = arith.constant 0 : i32
      %dma_wait3A_96 = arith.constant 0 : i32
      %dma_wait3A_97 = tpu.memref_slice %arg2[%dma_wait3A_95, %dma_wait3A_96] : memref<10240x128xf32, #tpu.memory_space<hbm>> -> memref<10240x128xf32, #tpu.memory_space<hbm>>
      tpu.wait_indirect_dma semaphore(%arg12 : memref<!tpu.dma_semaphore, #tpu.memory_space<semaphore_mem>>) src(%dma_wait3A_97 : memref<10240x128xf32, #tpu.memory_space<hbm>>) dst(%arg9 : memref<128x128xf32, #tpu.memory_space<vmem>>)
      %run_scoped3A_98 = arith.constant 1 : i32
      "tpu.region"() ({
        %run_scoped3A_182 = tpu.sem_alloc : memref<!tpu.dma_semaphore, #tpu.memory_space<semaphore_mem>>
        %dma_start3A_183 = arith.constant 0 : i32
        %dma_start3A_184 = tpu.memref_slice %arg7[%run_scoped3A_98, %dma_start3A_183] : memref<8x128xi32, #tpu.memory_space<vmem>> -> memref<1x128xi32, #tpu.memory_space<vmem>>
        %dma_start3A_185 = tpu.memref_squeeze %dma_start3A_184 : memref<1x128xi32, #tpu.memory_space<vmem>> -> memref<128xi32, #tpu.memory_space<vmem>>
        %dma_start3A_186 = arith.constant 0 : i32
        %dma_start3A_187 = arith.constant 0 : i32
        %dma_start3A_188 = tpu.memref_slice %arg10[%dma_start3A_186, %dma_start3A_187] : memref<10240x128xf32, #tpu.memory_space<vmem_shared>> -> memref<10240x128xf32, #tpu.memory_space<vmem_shared>>
        tpu.enqueue_indirect_dma source(%arg9 : memref<128x128xf32, #tpu.memory_space<vmem>>) target(%dma_start3A_188 : memref<10240x128xf32, #tpu.memory_space<vmem_shared>>) offsets(%dma_start3A_185 : memref<128xi32, #tpu.memory_space<vmem>>) semaphore(%run_scoped3A_182 : memref<!tpu.dma_semaphore, #tpu.memory_space<semaphore_mem>>) {add = true}
        %dma_wait3A_189 = arith.constant 0 : i32
        %dma_wait3A_190 = tpu.memref_slice %arg7[%run_scoped3A_98, %dma_wait3A_189] : memref<8x128xi32, #tpu.memory_space<vmem>> -> memref<1x128xi32, #tpu.memory_space<vmem>>
        %dma_wait3A_191 = tpu.memref_squeeze %dma_wait3A_190 : memref<1x128xi32, #tpu.memory_space<vmem>> -> memref<128xi32, #tpu.memory_space<vmem>>
        %dma_wait3A_192 = arith.constant 0 : i32
        %dma_wait3A_193 = arith.constant 0 : i32
        %dma_wait3A_194 = tpu.memref_slice %arg10[%dma_wait3A_192, %dma_wait3A_193] : memref<10240x128xf32, #tpu.memory_space<vmem_shared>> -> memref<10240x128xf32, #tpu.memory_space<vmem_shared>>
        tpu.wait_indirect_dma semaphore(%run_scoped3A_182 : memref<!tpu.dma_semaphore, #tpu.memory_space<semaphore_mem>>) src(%arg9 : memref<128x128xf32, #tpu.memory_space<vmem>>) dst(%dma_wait3A_194 : memref<10240x128xf32, #tpu.memory_space<vmem_shared>>)
        tpu.yield
      }) : () -> ()
      %dma_start3A_99 = arith.constant 3 : i32
      %dma_start3A_100 = arith.constant 0 : i32
      %dma_start3A_101 = tpu.memref_slice %arg6[%dma_start3A_99, %dma_start3A_100] : memref<8x128xi32, #tpu.memory_space<vmem>> -> memref<1x128xi32, #tpu.memory_space<vmem>>
      %dma_start3A_102 = tpu.memref_squeeze %dma_start3A_101 : memref<1x128xi32, #tpu.memory_space<vmem>> -> memref<128xi32, #tpu.memory_space<vmem>>
      %dma_start3A_103 = arith.constant 0 : i32
      %dma_start3A_104 = arith.constant 0 : i32
      %dma_start3A_105 = tpu.memref_slice %arg2[%dma_start3A_103, %dma_start3A_104] : memref<10240x128xf32, #tpu.memory_space<hbm>> -> memref<10240x128xf32, #tpu.memory_space<hbm>>
      tpu.enqueue_indirect_dma source(%dma_start3A_105 : memref<10240x128xf32, #tpu.memory_space<hbm>>) target(%arg9 : memref<128x128xf32, #tpu.memory_space<vmem>>) offsets(%dma_start3A_102 : memref<128xi32, #tpu.memory_space<vmem>>) semaphore(%arg12 : memref<!tpu.dma_semaphore, #tpu.memory_space<semaphore_mem>>)
      %dma_wait3A_106 = arith.constant 2 : i32
      %dma_wait3A_107 = arith.constant 0 : i32
      %dma_wait3A_108 = tpu.memref_slice %arg6[%dma_wait3A_106, %dma_wait3A_107] : memref<8x128xi32, #tpu.memory_space<vmem>> -> memref<1x128xi32, #tpu.memory_space<vmem>>
      %dma_wait3A_109 = tpu.memref_squeeze %dma_wait3A_108 : memref<1x128xi32, #tpu.memory_space<vmem>> -> memref<128xi32, #tpu.memory_space<vmem>>
      %dma_wait3A_110 = arith.constant 0 : i32
      %dma_wait3A_111 = arith.constant 0 : i32
      %dma_wait3A_112 = tpu.memref_slice %arg2[%dma_wait3A_110, %dma_wait3A_111] : memref<10240x128xf32, #tpu.memory_space<hbm>> -> memref<10240x128xf32, #tpu.memory_space<hbm>>
      tpu.wait_indirect_dma semaphore(%arg11 : memref<!tpu.dma_semaphore, #tpu.memory_space<semaphore_mem>>) src(%dma_wait3A_112 : memref<10240x128xf32, #tpu.memory_space<hbm>>) dst(%arg8 : memref<128x128xf32, #tpu.memory_space<vmem>>)
      %run_scoped3A_113 = arith.constant 2 : i32
      "tpu.region"() ({
        %run_scoped3A_182 = tpu.sem_alloc : memref<!tpu.dma_semaphore, #tpu.memory_space<semaphore_mem>>
        %dma_start3A_183 = arith.constant 0 : i32
        %dma_start3A_184 = tpu.memref_slice %arg7[%run_scoped3A_113, %dma_start3A_183] : memref<8x128xi32, #tpu.memory_space<vmem>> -> memref<1x128xi32, #tpu.memory_space<vmem>>
        %dma_start3A_185 = tpu.memref_squeeze %dma_start3A_184 : memref<1x128xi32, #tpu.memory_space<vmem>> -> memref<128xi32, #tpu.memory_space<vmem>>
        %dma_start3A_186 = arith.constant 0 : i32
        %dma_start3A_187 = arith.constant 0 : i32
        %dma_start3A_188 = tpu.memref_slice %arg10[%dma_start3A_186, %dma_start3A_187] : memref<10240x128xf32, #tpu.memory_space<vmem_shared>> -> memref<10240x128xf32, #tpu.memory_space<vmem_shared>>
        tpu.enqueue_indirect_dma source(%arg8 : memref<128x128xf32, #tpu.memory_space<vmem>>) target(%dma_start3A_188 : memref<10240x128xf32, #tpu.memory_space<vmem_shared>>) offsets(%dma_start3A_185 : memref<128xi32, #tpu.memory_space<vmem>>) semaphore(%run_scoped3A_182 : memref<!tpu.dma_semaphore, #tpu.memory_space<semaphore_mem>>) {add = true}
        %dma_wait3A_189 = arith.constant 0 : i32
        %dma_wait3A_190 = tpu.memref_slice %arg7[%run_scoped3A_113, %dma_wait3A_189] : memref<8x128xi32, #tpu.memory_space<vmem>> -> memref<1x128xi32, #tpu.memory_space<vmem>>
        %dma_wait3A_191 = tpu.memref_squeeze %dma_wait3A_190 : memref<1x128xi32, #tpu.memory_space<vmem>> -> memref<128xi32, #tpu.memory_space<vmem>>
        %dma_wait3A_192 = arith.constant 0 : i32
        %dma_wait3A_193 = arith.constant 0 : i32
        %dma_wait3A_194 = tpu.memref_slice %arg10[%dma_wait3A_192, %dma_wait3A_193] : memref<10240x128xf32, #tpu.memory_space<vmem_shared>> -> memref<10240x128xf32, #tpu.memory_space<vmem_shared>>
        tpu.wait_indirect_dma semaphore(%run_scoped3A_182 : memref<!tpu.dma_semaphore, #tpu.memory_space<semaphore_mem>>) src(%arg8 : memref<128x128xf32, #tpu.memory_space<vmem>>) dst(%dma_wait3A_194 : memref<10240x128xf32, #tpu.memory_space<vmem_shared>>)
        tpu.yield
      }) : () -> ()
      %dma_start3A_114 = arith.constant 4 : i32
      %dma_start3A_115 = arith.constant 0 : i32
      %dma_start3A_116 = tpu.memref_slice %arg6[%dma_start3A_114, %dma_start3A_115] : memref<8x128xi32, #tpu.memory_space<vmem>> -> memref<1x128xi32, #tpu.memory_space<vmem>>
      %dma_start3A_117 = tpu.memref_squeeze %dma_start3A_116 : memref<1x128xi32, #tpu.memory_space<vmem>> -> memref<128xi32, #tpu.memory_space<vmem>>
      %dma_start3A_118 = arith.constant 0 : i32
      %dma_start3A_119 = arith.constant 0 : i32
      %dma_start3A_120 = tpu.memref_slice %arg2[%dma_start3A_118, %dma_start3A_119] : memref<10240x128xf32, #tpu.memory_space<hbm>> -> memref<10240x128xf32, #tpu.memory_space<hbm>>
      tpu.enqueue_indirect_dma source(%dma_start3A_120 : memref<10240x128xf32, #tpu.memory_space<hbm>>) target(%arg8 : memref<128x128xf32, #tpu.memory_space<vmem>>) offsets(%dma_start3A_117 : memref<128xi32, #tpu.memory_space<vmem>>) semaphore(%arg11 : memref<!tpu.dma_semaphore, #tpu.memory_space<semaphore_mem>>)
      %dma_wait3A_121 = arith.constant 3 : i32
      %dma_wait3A_122 = arith.constant 0 : i32
      %dma_wait3A_123 = tpu.memref_slice %arg6[%dma_wait3A_121, %dma_wait3A_122] : memref<8x128xi32, #tpu.memory_space<vmem>> -> memref<1x128xi32, #tpu.memory_space<vmem>>
      %dma_wait3A_124 = tpu.memref_squeeze %dma_wait3A_123 : memref<1x128xi32, #tpu.memory_space<vmem>> -> memref<128xi32, #tpu.memory_space<vmem>>
      %dma_wait3A_125 = arith.constant 0 : i32
      %dma_wait3A_126 = arith.constant 0 : i32
      %dma_wait3A_127 = tpu.memref_slice %arg2[%dma_wait3A_125, %dma_wait3A_126] : memref<10240x128xf32, #tpu.memory_space<hbm>> -> memref<10240x128xf32, #tpu.memory_space<hbm>>
      tpu.wait_indirect_dma semaphore(%arg12 : memref<!tpu.dma_semaphore, #tpu.memory_space<semaphore_mem>>) src(%dma_wait3A_127 : memref<10240x128xf32, #tpu.memory_space<hbm>>) dst(%arg9 : memref<128x128xf32, #tpu.memory_space<vmem>>)
      %run_scoped3A_128 = arith.constant 3 : i32
      "tpu.region"() ({
        %run_scoped3A_182 = tpu.sem_alloc : memref<!tpu.dma_semaphore, #tpu.memory_space<semaphore_mem>>
        %dma_start3A_183 = arith.constant 0 : i32
        %dma_start3A_184 = tpu.memref_slice %arg7[%run_scoped3A_128, %dma_start3A_183] : memref<8x128xi32, #tpu.memory_space<vmem>> -> memref<1x128xi32, #tpu.memory_space<vmem>>
        %dma_start3A_185 = tpu.memref_squeeze %dma_start3A_184 : memref<1x128xi32, #tpu.memory_space<vmem>> -> memref<128xi32, #tpu.memory_space<vmem>>
        %dma_start3A_186 = arith.constant 0 : i32
        %dma_start3A_187 = arith.constant 0 : i32
        %dma_start3A_188 = tpu.memref_slice %arg10[%dma_start3A_186, %dma_start3A_187] : memref<10240x128xf32, #tpu.memory_space<vmem_shared>> -> memref<10240x128xf32, #tpu.memory_space<vmem_shared>>
        tpu.enqueue_indirect_dma source(%arg9 : memref<128x128xf32, #tpu.memory_space<vmem>>) target(%dma_start3A_188 : memref<10240x128xf32, #tpu.memory_space<vmem_shared>>) offsets(%dma_start3A_185 : memref<128xi32, #tpu.memory_space<vmem>>) semaphore(%run_scoped3A_182 : memref<!tpu.dma_semaphore, #tpu.memory_space<semaphore_mem>>) {add = true}
        %dma_wait3A_189 = arith.constant 0 : i32
        %dma_wait3A_190 = tpu.memref_slice %arg7[%run_scoped3A_128, %dma_wait3A_189] : memref<8x128xi32, #tpu.memory_space<vmem>> -> memref<1x128xi32, #tpu.memory_space<vmem>>
        %dma_wait3A_191 = tpu.memref_squeeze %dma_wait3A_190 : memref<1x128xi32, #tpu.memory_space<vmem>> -> memref<128xi32, #tpu.memory_space<vmem>>
        %dma_wait3A_192 = arith.constant 0 : i32
        %dma_wait3A_193 = arith.constant 0 : i32
        %dma_wait3A_194 = tpu.memref_slice %arg10[%dma_wait3A_192, %dma_wait3A_193] : memref<10240x128xf32, #tpu.memory_space<vmem_shared>> -> memref<10240x128xf32, #tpu.memory_space<vmem_shared>>
        tpu.wait_indirect_dma semaphore(%run_scoped3A_182 : memref<!tpu.dma_semaphore, #tpu.memory_space<semaphore_mem>>) src(%arg9 : memref<128x128xf32, #tpu.memory_space<vmem>>) dst(%dma_wait3A_194 : memref<10240x128xf32, #tpu.memory_space<vmem_shared>>)
        tpu.yield
      }) : () -> ()
      %dma_start3A_129 = arith.constant 5 : i32
      %dma_start3A_130 = arith.constant 0 : i32
      %dma_start3A_131 = tpu.memref_slice %arg6[%dma_start3A_129, %dma_start3A_130] : memref<8x128xi32, #tpu.memory_space<vmem>> -> memref<1x128xi32, #tpu.memory_space<vmem>>
      %dma_start3A_132 = tpu.memref_squeeze %dma_start3A_131 : memref<1x128xi32, #tpu.memory_space<vmem>> -> memref<128xi32, #tpu.memory_space<vmem>>
      %dma_start3A_133 = arith.constant 0 : i32
      %dma_start3A_134 = arith.constant 0 : i32
      %dma_start3A_135 = tpu.memref_slice %arg2[%dma_start3A_133, %dma_start3A_134] : memref<10240x128xf32, #tpu.memory_space<hbm>> -> memref<10240x128xf32, #tpu.memory_space<hbm>>
      tpu.enqueue_indirect_dma source(%dma_start3A_135 : memref<10240x128xf32, #tpu.memory_space<hbm>>) target(%arg9 : memref<128x128xf32, #tpu.memory_space<vmem>>) offsets(%dma_start3A_132 : memref<128xi32, #tpu.memory_space<vmem>>) semaphore(%arg12 : memref<!tpu.dma_semaphore, #tpu.memory_space<semaphore_mem>>)
      %dma_wait3A_136 = arith.constant 4 : i32
      %dma_wait3A_137 = arith.constant 0 : i32
      %dma_wait3A_138 = tpu.memref_slice %arg6[%dma_wait3A_136, %dma_wait3A_137] : memref<8x128xi32, #tpu.memory_space<vmem>> -> memref<1x128xi32, #tpu.memory_space<vmem>>
      %dma_wait3A_139 = tpu.memref_squeeze %dma_wait3A_138 : memref<1x128xi32, #tpu.memory_space<vmem>> -> memref<128xi32, #tpu.memory_space<vmem>>
      %dma_wait3A_140 = arith.constant 0 : i32
      %dma_wait3A_141 = arith.constant 0 : i32
      %dma_wait3A_142 = tpu.memref_slice %arg2[%dma_wait3A_140, %dma_wait3A_141] : memref<10240x128xf32, #tpu.memory_space<hbm>> -> memref<10240x128xf32, #tpu.memory_space<hbm>>
      tpu.wait_indirect_dma semaphore(%arg11 : memref<!tpu.dma_semaphore, #tpu.memory_space<semaphore_mem>>) src(%dma_wait3A_142 : memref<10240x128xf32, #tpu.memory_space<hbm>>) dst(%arg8 : memref<128x128xf32, #tpu.memory_space<vmem>>)
      %run_scoped3A_143 = arith.constant 4 : i32
      "tpu.region"() ({
        %run_scoped3A_182 = tpu.sem_alloc : memref<!tpu.dma_semaphore, #tpu.memory_space<semaphore_mem>>
        %dma_start3A_183 = arith.constant 0 : i32
        %dma_start3A_184 = tpu.memref_slice %arg7[%run_scoped3A_143, %dma_start3A_183] : memref<8x128xi32, #tpu.memory_space<vmem>> -> memref<1x128xi32, #tpu.memory_space<vmem>>
        %dma_start3A_185 = tpu.memref_squeeze %dma_start3A_184 : memref<1x128xi32, #tpu.memory_space<vmem>> -> memref<128xi32, #tpu.memory_space<vmem>>
        %dma_start3A_186 = arith.constant 0 : i32
        %dma_start3A_187 = arith.constant 0 : i32
        %dma_start3A_188 = tpu.memref_slice %arg10[%dma_start3A_186, %dma_start3A_187] : memref<10240x128xf32, #tpu.memory_space<vmem_shared>> -> memref<10240x128xf32, #tpu.memory_space<vmem_shared>>
        tpu.enqueue_indirect_dma source(%arg8 : memref<128x128xf32, #tpu.memory_space<vmem>>) target(%dma_start3A_188 : memref<10240x128xf32, #tpu.memory_space<vmem_shared>>) offsets(%dma_start3A_185 : memref<128xi32, #tpu.memory_space<vmem>>) semaphore(%run_scoped3A_182 : memref<!tpu.dma_semaphore, #tpu.memory_space<semaphore_mem>>) {add = true}
        %dma_wait3A_189 = arith.constant 0 : i32
        %dma_wait3A_190 = tpu.memref_slice %arg7[%run_scoped3A_143, %dma_wait3A_189] : memref<8x128xi32, #tpu.memory_space<vmem>> -> memref<1x128xi32, #tpu.memory_space<vmem>>
        %dma_wait3A_191 = tpu.memref_squeeze %dma_wait3A_190 : memref<1x128xi32, #tpu.memory_space<vmem>> -> memref<128xi32, #tpu.memory_space<vmem>>
        %dma_wait3A_192 = arith.constant 0 : i32
        %dma_wait3A_193 = arith.constant 0 : i32
        %dma_wait3A_194 = tpu.memref_slice %arg10[%dma_wait3A_192, %dma_wait3A_193] : memref<10240x128xf32, #tpu.memory_space<vmem_shared>> -> memref<10240x128xf32, #tpu.memory_space<vmem_shared>>
        tpu.wait_indirect_dma semaphore(%run_scoped3A_182 : memref<!tpu.dma_semaphore, #tpu.memory_space<semaphore_mem>>) src(%arg8 : memref<128x128xf32, #tpu.memory_space<vmem>>) dst(%dma_wait3A_194 : memref<10240x128xf32, #tpu.memory_space<vmem_shared>>)
        tpu.yield
      }) : () -> ()
      %dma_start3A_144 = arith.constant 6 : i32
      %dma_start3A_145 = arith.constant 0 : i32
      %dma_start3A_146 = tpu.memref_slice %arg6[%dma_start3A_144, %dma_start3A_145] : memref<8x128xi32, #tpu.memory_space<vmem>> -> memref<1x128xi32, #tpu.memory_space<vmem>>
      %dma_start3A_147 = tpu.memref_squeeze %dma_start3A_146 : memref<1x128xi32, #tpu.memory_space<vmem>> -> memref<128xi32, #tpu.memory_space<vmem>>
      %dma_start3A_148 = arith.constant 0 : i32
      %dma_start3A_149 = arith.constant 0 : i32
      %dma_start3A_150 = tpu.memref_slice %arg2[%dma_start3A_148, %dma_start3A_149] : memref<10240x128xf32, #tpu.memory_space<hbm>> -> memref<10240x128xf32, #tpu.memory_space<hbm>>
      tpu.enqueue_indirect_dma source(%dma_start3A_150 : memref<10240x128xf32, #tpu.memory_space<hbm>>) target(%arg8 : memref<128x128xf32, #tpu.memory_space<vmem>>) offsets(%dma_start3A_147 : memref<128xi32, #tpu.memory_space<vmem>>) semaphore(%arg11 : memref<!tpu.dma_semaphore, #tpu.memory_space<semaphore_mem>>)
      %dma_wait3A_151 = arith.constant 5 : i32
      %dma_wait3A_152 = arith.constant 0 : i32
      %dma_wait3A_153 = tpu.memref_slice %arg6[%dma_wait3A_151, %dma_wait3A_152] : memref<8x128xi32, #tpu.memory_space<vmem>> -> memref<1x128xi32, #tpu.memory_space<vmem>>
      %dma_wait3A_154 = tpu.memref_squeeze %dma_wait3A_153 : memref<1x128xi32, #tpu.memory_space<vmem>> -> memref<128xi32, #tpu.memory_space<vmem>>
      %dma_wait3A_155 = arith.constant 0 : i32
      %dma_wait3A_156 = arith.constant 0 : i32
      %dma_wait3A_157 = tpu.memref_slice %arg2[%dma_wait3A_155, %dma_wait3A_156] : memref<10240x128xf32, #tpu.memory_space<hbm>> -> memref<10240x128xf32, #tpu.memory_space<hbm>>
      tpu.wait_indirect_dma semaphore(%arg12 : memref<!tpu.dma_semaphore, #tpu.memory_space<semaphore_mem>>) src(%dma_wait3A_157 : memref<10240x128xf32, #tpu.memory_space<hbm>>) dst(%arg9 : memref<128x128xf32, #tpu.memory_space<vmem>>)
      %run_scoped3A_158 = arith.constant 5 : i32
      "tpu.region"() ({
        %run_scoped3A_182 = tpu.sem_alloc : memref<!tpu.dma_semaphore, #tpu.memory_space<semaphore_mem>>
        %dma_start3A_183 = arith.constant 0 : i32
        %dma_start3A_184 = tpu.memref_slice %arg7[%run_scoped3A_158, %dma_start3A_183] : memref<8x128xi32, #tpu.memory_space<vmem>> -> memref<1x128xi32, #tpu.memory_space<vmem>>
        %dma_start3A_185 = tpu.memref_squeeze %dma_start3A_184 : memref<1x128xi32, #tpu.memory_space<vmem>> -> memref<128xi32, #tpu.memory_space<vmem>>
        %dma_start3A_186 = arith.constant 0 : i32
        %dma_start3A_187 = arith.constant 0 : i32
        %dma_start3A_188 = tpu.memref_slice %arg10[%dma_start3A_186, %dma_start3A_187] : memref<10240x128xf32, #tpu.memory_space<vmem_shared>> -> memref<10240x128xf32, #tpu.memory_space<vmem_shared>>
        tpu.enqueue_indirect_dma source(%arg9 : memref<128x128xf32, #tpu.memory_space<vmem>>) target(%dma_start3A_188 : memref<10240x128xf32, #tpu.memory_space<vmem_shared>>) offsets(%dma_start3A_185 : memref<128xi32, #tpu.memory_space<vmem>>) semaphore(%run_scoped3A_182 : memref<!tpu.dma_semaphore, #tpu.memory_space<semaphore_mem>>) {add = true}
        %dma_wait3A_189 = arith.constant 0 : i32
        %dma_wait3A_190 = tpu.memref_slice %arg7[%run_scoped3A_158, %dma_wait3A_189] : memref<8x128xi32, #tpu.memory_space<vmem>> -> memref<1x128xi32, #tpu.memory_space<vmem>>
        %dma_wait3A_191 = tpu.memref_squeeze %dma_wait3A_190 : memref<1x128xi32, #tpu.memory_space<vmem>> -> memref<128xi32, #tpu.memory_space<vmem>>
        %dma_wait3A_192 = arith.constant 0 : i32
        %dma_wait3A_193 = arith.constant 0 : i32
        %dma_wait3A_194 = tpu.memref_slice %arg10[%dma_wait3A_192, %dma_wait3A_193] : memref<10240x128xf32, #tpu.memory_space<vmem_shared>> -> memref<10240x128xf32, #tpu.memory_space<vmem_shared>>
        tpu.wait_indirect_dma semaphore(%run_scoped3A_182 : memref<!tpu.dma_semaphore, #tpu.memory_space<semaphore_mem>>) src(%arg9 : memref<128x128xf32, #tpu.memory_space<vmem>>) dst(%dma_wait3A_194 : memref<10240x128xf32, #tpu.memory_space<vmem_shared>>)
        tpu.yield
      }) : () -> ()
      %dma_start3A_159 = arith.constant 7 : i32
      %dma_start3A_160 = arith.constant 0 : i32
      %dma_start3A_161 = tpu.memref_slice %arg6[%dma_start3A_159, %dma_start3A_160] : memref<8x128xi32, #tpu.memory_space<vmem>> -> memref<1x128xi32, #tpu.memory_space<vmem>>
      %dma_start3A_162 = tpu.memref_squeeze %dma_start3A_161 : memref<1x128xi32, #tpu.memory_space<vmem>> -> memref<128xi32, #tpu.memory_space<vmem>>
      %dma_start3A_163 = arith.constant 0 : i32
      %dma_start3A_164 = arith.constant 0 : i32
      %dma_start3A_165 = tpu.memref_slice %arg2[%dma_start3A_163, %dma_start3A_164] : memref<10240x128xf32, #tpu.memory_space<hbm>> -> memref<10240x128xf32, #tpu.memory_space<hbm>>
      tpu.enqueue_indirect_dma source(%dma_start3A_165 : memref<10240x128xf32, #tpu.memory_space<hbm>>) target(%arg9 : memref<128x128xf32, #tpu.memory_space<vmem>>) offsets(%dma_start3A_162 : memref<128xi32, #tpu.memory_space<vmem>>) semaphore(%arg12 : memref<!tpu.dma_semaphore, #tpu.memory_space<semaphore_mem>>)
      %dma_wait3A_166 = arith.constant 6 : i32
      %dma_wait3A_167 = arith.constant 0 : i32
      %dma_wait3A_168 = tpu.memref_slice %arg6[%dma_wait3A_166, %dma_wait3A_167] : memref<8x128xi32, #tpu.memory_space<vmem>> -> memref<1x128xi32, #tpu.memory_space<vmem>>
      %dma_wait3A_169 = tpu.memref_squeeze %dma_wait3A_168 : memref<1x128xi32, #tpu.memory_space<vmem>> -> memref<128xi32, #tpu.memory_space<vmem>>
      %dma_wait3A_170 = arith.constant 0 : i32
      %dma_wait3A_171 = arith.constant 0 : i32
      %dma_wait3A_172 = tpu.memref_slice %arg2[%dma_wait3A_170, %dma_wait3A_171] : memref<10240x128xf32, #tpu.memory_space<hbm>> -> memref<10240x128xf32, #tpu.memory_space<hbm>>
      tpu.wait_indirect_dma semaphore(%arg11 : memref<!tpu.dma_semaphore, #tpu.memory_space<semaphore_mem>>) src(%dma_wait3A_172 : memref<10240x128xf32, #tpu.memory_space<hbm>>) dst(%arg8 : memref<128x128xf32, #tpu.memory_space<vmem>>)
      %run_scoped3A_173 = arith.constant 6 : i32
      "tpu.region"() ({
        %run_scoped3A_182 = tpu.sem_alloc : memref<!tpu.dma_semaphore, #tpu.memory_space<semaphore_mem>>
        %dma_start3A_183 = arith.constant 0 : i32
        %dma_start3A_184 = tpu.memref_slice %arg7[%run_scoped3A_173, %dma_start3A_183] : memref<8x128xi32, #tpu.memory_space<vmem>> -> memref<1x128xi32, #tpu.memory_space<vmem>>
        %dma_start3A_185 = tpu.memref_squeeze %dma_start3A_184 : memref<1x128xi32, #tpu.memory_space<vmem>> -> memref<128xi32, #tpu.memory_space<vmem>>
        %dma_start3A_186 = arith.constant 0 : i32
        %dma_start3A_187 = arith.constant 0 : i32
        %dma_start3A_188 = tpu.memref_slice %arg10[%dma_start3A_186, %dma_start3A_187] : memref<10240x128xf32, #tpu.memory_space<vmem_shared>> -> memref<10240x128xf32, #tpu.memory_space<vmem_shared>>
        tpu.enqueue_indirect_dma source(%arg8 : memref<128x128xf32, #tpu.memory_space<vmem>>) target(%dma_start3A_188 : memref<10240x128xf32, #tpu.memory_space<vmem_shared>>) offsets(%dma_start3A_185 : memref<128xi32, #tpu.memory_space<vmem>>) semaphore(%run_scoped3A_182 : memref<!tpu.dma_semaphore, #tpu.memory_space<semaphore_mem>>) {add = true}
        %dma_wait3A_189 = arith.constant 0 : i32
        %dma_wait3A_190 = tpu.memref_slice %arg7[%run_scoped3A_173, %dma_wait3A_189] : memref<8x128xi32, #tpu.memory_space<vmem>> -> memref<1x128xi32, #tpu.memory_space<vmem>>
        %dma_wait3A_191 = tpu.memref_squeeze %dma_wait3A_190 : memref<1x128xi32, #tpu.memory_space<vmem>> -> memref<128xi32, #tpu.memory_space<vmem>>
        %dma_wait3A_192 = arith.constant 0 : i32
        %dma_wait3A_193 = arith.constant 0 : i32
        %dma_wait3A_194 = tpu.memref_slice %arg10[%dma_wait3A_192, %dma_wait3A_193] : memref<10240x128xf32, #tpu.memory_space<vmem_shared>> -> memref<10240x128xf32, #tpu.memory_space<vmem_shared>>
        tpu.wait_indirect_dma semaphore(%run_scoped3A_182 : memref<!tpu.dma_semaphore, #tpu.memory_space<semaphore_mem>>) src(%arg8 : memref<128x128xf32, #tpu.memory_space<vmem>>) dst(%dma_wait3A_194 : memref<10240x128xf32, #tpu.memory_space<vmem_shared>>)
        tpu.yield
      }) : () -> ()
      %dma_wait3A_174 = arith.constant 7 : i32
      %dma_wait3A_175 = arith.constant 0 : i32
      %dma_wait3A_176 = tpu.memref_slice %arg6[%dma_wait3A_174, %dma_wait3A_175] : memref<8x128xi32, #tpu.memory_space<vmem>> -> memref<1x128xi32, #tpu.memory_space<vmem>>
      %dma_wait3A_177 = tpu.memref_squeeze %dma_wait3A_176 : memref<1x128xi32, #tpu.memory_space<vmem>> -> memref<128xi32, #tpu.memory_space<vmem>>
      %dma_wait3A_178 = arith.constant 0 : i32
      %dma_wait3A_179 = arith.constant 0 : i32
      %dma_wait3A_180 = tpu.memref_slice %arg2[%dma_wait3A_178, %dma_wait3A_179] : memref<10240x128xf32, #tpu.memory_space<hbm>> -> memref<10240x128xf32, #tpu.memory_space<hbm>>
      tpu.wait_indirect_dma semaphore(%arg12 : memref<!tpu.dma_semaphore, #tpu.memory_space<semaphore_mem>>) src(%dma_wait3A_180 : memref<10240x128xf32, #tpu.memory_space<hbm>>) dst(%arg9 : memref<128x128xf32, #tpu.memory_space<vmem>>)
      %run_scoped3A_181 = arith.constant 7 : i32
      "tpu.region"() ({
        %run_scoped3A_182 = tpu.sem_alloc : memref<!tpu.dma_semaphore, #tpu.memory_space<semaphore_mem>>
        %dma_start3A_183 = arith.constant 0 : i32
        %dma_start3A_184 = tpu.memref_slice %arg7[%run_scoped3A_181, %dma_start3A_183] : memref<8x128xi32, #tpu.memory_space<vmem>> -> memref<1x128xi32, #tpu.memory_space<vmem>>
        %dma_start3A_185 = tpu.memref_squeeze %dma_start3A_184 : memref<1x128xi32, #tpu.memory_space<vmem>> -> memref<128xi32, #tpu.memory_space<vmem>>
        %dma_start3A_186 = arith.constant 0 : i32
        %dma_start3A_187 = arith.constant 0 : i32
        %dma_start3A_188 = tpu.memref_slice %arg10[%dma_start3A_186, %dma_start3A_187] : memref<10240x128xf32, #tpu.memory_space<vmem_shared>> -> memref<10240x128xf32, #tpu.memory_space<vmem_shared>>
        tpu.enqueue_indirect_dma source(%arg9 : memref<128x128xf32, #tpu.memory_space<vmem>>) target(%dma_start3A_188 : memref<10240x128xf32, #tpu.memory_space<vmem_shared>>) offsets(%dma_start3A_185 : memref<128xi32, #tpu.memory_space<vmem>>) semaphore(%run_scoped3A_182 : memref<!tpu.dma_semaphore, #tpu.memory_space<semaphore_mem>>) {add = true}
        %dma_wait3A_189 = arith.constant 0 : i32
        %dma_wait3A_190 = tpu.memref_slice %arg7[%run_scoped3A_181, %dma_wait3A_189] : memref<8x128xi32, #tpu.memory_space<vmem>> -> memref<1x128xi32, #tpu.memory_space<vmem>>
        %dma_wait3A_191 = tpu.memref_squeeze %dma_wait3A_190 : memref<1x128xi32, #tpu.memory_space<vmem>> -> memref<128xi32, #tpu.memory_space<vmem>>
        %dma_wait3A_192 = arith.constant 0 : i32
        %dma_wait3A_193 = arith.constant 0 : i32
        %dma_wait3A_194 = tpu.memref_slice %arg10[%dma_wait3A_192, %dma_wait3A_193] : memref<10240x128xf32, #tpu.memory_space<vmem_shared>> -> memref<10240x128xf32, #tpu.memory_space<vmem_shared>>
        tpu.wait_indirect_dma semaphore(%run_scoped3A_182 : memref<!tpu.dma_semaphore, #tpu.memory_space<semaphore_mem>>) src(%arg9 : memref<128x128xf32, #tpu.memory_space<vmem>>) dst(%dma_wait3A_194 : memref<10240x128xf32, #tpu.memory_space<vmem_shared>>)
        tpu.yield
      }) : () -> ()
    }
    %while3A_56 = arith.constant 1 : i32
    scf.for %while3A_58 = %while3A_54 to %while3A_50 step %while3A_56  : i32 {
      %add3A_59 = arith.addi %add3A_23, %while3A_58 : i32
      %mul3A_60 = arith.constant 8 : i32
      %mul3A_61 = arith.muli %add3A_59, %mul3A_60 : i32
      "tpu.region"() ({
        %run_scoped3A_182 = tpu.sem_alloc : memref<!tpu.dma_semaphore, #tpu.memory_space<semaphore_mem>>
        %dma_start3A_183 = arith.constant 0 : i32
        %dma_start3A_184 = tpu.memref_slice %arg3[%mul3A_61, %dma_start3A_183] : memref<2560x128xi32, #tpu.memory_space<hbm>> -> memref<8x128xi32, #tpu.memory_space<hbm>>
        %dma_start3A_185 = arith.constant 0 : i32
        %dma_start3A_186 = tpu.memref_slice %arg3[%mul3A_61, %dma_start3A_185] : memref<2560x128xi32, #tpu.memory_space<hbm>> -> memref<8x128xi32, #tpu.memory_space<hbm>>
        tpu.enqueue_dma source(%dma_start3A_186 : memref<8x128xi32, #tpu.memory_space<hbm>>) target(%arg6 : memref<8x128xi32, #tpu.memory_space<vmem>>) target_semaphore(%run_scoped3A_182 : memref<!tpu.dma_semaphore, #tpu.memory_space<semaphore_mem>>)
        %dma_wait3A_187 = arith.constant 0 : i32
        %dma_wait3A_188 = tpu.memref_slice %arg3[%mul3A_61, %dma_wait3A_187] : memref<2560x128xi32, #tpu.memory_space<hbm>> -> memref<8x128xi32, #tpu.memory_space<hbm>>
        %dma_wait3A_189 = arith.constant 0 : i32
        %dma_wait3A_190 = tpu.memref_slice %arg3[%mul3A_61, %dma_wait3A_189] : memref<2560x128xi32, #tpu.memory_space<hbm>> -> memref<8x128xi32, #tpu.memory_space<hbm>>
        tpu.wait_dma2 semaphore(%run_scoped3A_182 : memref<!tpu.dma_semaphore, #tpu.memory_space<semaphore_mem>>) src(%dma_wait3A_190 : memref<8x128xi32, #tpu.memory_space<hbm>>) dst(%arg6 : memref<8x128xi32, #tpu.memory_space<vmem>>)
        tpu.yield
      }) : () -> ()
      %add3A_62 = arith.addi %add3A_23, %while3A_58 : i32
      %mul3A_63 = arith.constant 8 : i32
      %mul3A_64 = arith.muli %add3A_62, %mul3A_63 : i32
      "tpu.region"() ({
        %run_scoped3A_182 = tpu.sem_alloc : memref<!tpu.dma_semaphore, #tpu.memory_space<semaphore_mem>>
        %dma_start3A_183 = arith.constant 0 : i32
        %dma_start3A_184 = tpu.memref_slice %arg4[%mul3A_64, %dma_start3A_183] : memref<2560x128xi32, #tpu.memory_space<hbm>> -> memref<8x128xi32, #tpu.memory_space<hbm>>
        %dma_start3A_185 = arith.constant 0 : i32
        %dma_start3A_186 = tpu.memref_slice %arg4[%mul3A_64, %dma_start3A_185] : memref<2560x128xi32, #tpu.memory_space<hbm>> -> memref<8x128xi32, #tpu.memory_space<hbm>>
        tpu.enqueue_dma source(%dma_start3A_186 : memref<8x128xi32, #tpu.memory_space<hbm>>) target(%arg7 : memref<8x128xi32, #tpu.memory_space<vmem>>) target_semaphore(%run_scoped3A_182 : memref<!tpu.dma_semaphore, #tpu.memory_space<semaphore_mem>>)
        %dma_wait3A_187 = arith.constant 0 : i32
        %dma_wait3A_188 = tpu.memref_slice %arg4[%mul3A_64, %dma_wait3A_187] : memref<2560x128xi32, #tpu.memory_space<hbm>> -> memref<8x128xi32, #tpu.memory_space<hbm>>
        %dma_wait3A_189 = arith.constant 0 : i32
        %dma_wait3A_190 = tpu.memref_slice %arg4[%mul3A_64, %dma_wait3A_189] : memref<2560x128xi32, #tpu.memory_space<hbm>> -> memref<8x128xi32, #tpu.memory_space<hbm>>
        tpu.wait_dma2 semaphore(%run_scoped3A_182 : memref<!tpu.dma_semaphore, #tpu.memory_space<semaphore_mem>>) src(%dma_wait3A_190 : memref<8x128xi32, #tpu.memory_space<hbm>>) dst(%arg7 : memref<8x128xi32, #tpu.memory_space<vmem>>)
        tpu.yield
      }) : () -> ()
      %dma_start3A = arith.constant 0 : i32
      %dma_start3A_65 = arith.constant 0 : i32
      %dma_start3A_66 = tpu.memref_slice %arg6[%dma_start3A, %dma_start3A_65] : memref<8x128xi32, #tpu.memory_space<vmem>> -> memref<1x128xi32, #tpu.memory_space<vmem>>
      %dma_start3A_67 = tpu.memref_squeeze %dma_start3A_66 : memref<1x128xi32, #tpu.memory_space<vmem>> -> memref<128xi32, #tpu.memory_space<vmem>>
      %dma_start3A_68 = arith.constant 0 : i32
      %dma_start3A_69 = arith.constant 0 : i32
      %dma_start3A_70 = tpu.memref_slice %arg2[%dma_start3A_68, %dma_start3A_69] : memref<10240x128xf32, #tpu.memory_space<hbm>> -> memref<10240x128xf32, #tpu.memory_space<hbm>>
      tpu.enqueue_indirect_dma source(%dma_start3A_70 : memref<10240x128xf32, #tpu.memory_space<hbm>>) target(%arg8 : memref<128x128xf32, #tpu.memory_space<vmem>>) offsets(%dma_start3A_67 : memref<128xi32, #tpu.memory_space<vmem>>) semaphore(%arg11 : memref<!tpu.dma_semaphore, #tpu.memory_space<semaphore_mem>>)
      %dma_start3A_71 = arith.constant 1 : i32
      %dma_start3A_72 = arith.constant 0 : i32
      %dma_start3A_73 = tpu.memref_slice %arg6[%dma_start3A_71, %dma_start3A_72] : memref<8x128xi32, #tpu.memory_space<vmem>> -> memref<1x128xi32, #tpu.memory_space<vmem>>
      %dma_start3A_74 = tpu.memref_squeeze %dma_start3A_73 : memref<1x128xi32, #tpu.memory_space<vmem>> -> memref<128xi32, #tpu.memory_space<vmem>>
      %dma_start3A_75 = arith.constant 0 : i32
      %dma_start3A_76 = arith.constant 0 : i32
      %dma_start3A_77 = tpu.memref_slice %arg2[%dma_start3A_75, %dma_start3A_76] : memref<10240x128xf32, #tpu.memory_space<hbm>> -> memref<10240x128xf32, #tpu.memory_space<hbm>>
      tpu.enqueue_indirect_dma source(%dma_start3A_77 : memref<10240x128xf32, #tpu.memory_space<hbm>>) target(%arg9 : memref<128x128xf32, #tpu.memory_space<vmem>>) offsets(%dma_start3A_74 : memref<128xi32, #tpu.memory_space<vmem>>) semaphore(%arg12 : memref<!tpu.dma_semaphore, #tpu.memory_space<semaphore_mem>>)
      %dma_wait3A = arith.constant 0 : i32
      %dma_wait3A_78 = arith.constant 0 : i32
      %dma_wait3A_79 = tpu.memref_slice %arg6[%dma_wait3A, %dma_wait3A_78] : memref<8x128xi32, #tpu.memory_space<vmem>> -> memref<1x128xi32, #tpu.memory_space<vmem>>
      %dma_wait3A_80 = tpu.memref_squeeze %dma_wait3A_79 : memref<1x128xi32, #tpu.memory_space<vmem>> -> memref<128xi32, #tpu.memory_space<vmem>>
      %dma_wait3A_81 = arith.constant 0 : i32
      %dma_wait3A_82 = arith.constant 0 : i32
      %dma_wait3A_83 = tpu.memref_slice %arg2[%dma_wait3A_81, %dma_wait3A_82] : memref<10240x128xf32, #tpu.memory_space<hbm>> -> memref<10240x128xf32, #tpu.memory_space<hbm>>
      tpu.wait_indirect_dma semaphore(%arg11 : memref<!tpu.dma_semaphore, #tpu.memory_space<semaphore_mem>>) src(%dma_wait3A_83 : memref<10240x128xf32, #tpu.memory_space<hbm>>) dst(%arg8 : memref<128x128xf32, #tpu.memory_space<vmem>>)
      %run_scoped3A = arith.constant 0 : i32
      "tpu.region"() ({
        %run_scoped3A_182 = tpu.sem_alloc : memref<!tpu.dma_semaphore, #tpu.memory_space<semaphore_mem>>
        %dma_start3A_183 = arith.constant 0 : i32
        %dma_start3A_184 = tpu.memref_slice %arg7[%run_scoped3A, %dma_start3A_183] : memref<8x128xi32, #tpu.memory_space<vmem>> -> memref<1x128xi32, #tpu.memory_space<vmem>>
        %dma_start3A_185 = tpu.memref_squeeze %dma_start3A_184 : memref<1x128xi32, #tpu.memory_space<vmem>> -> memref<128xi32, #tpu.memory_space<vmem>>
        %dma_start3A_186 = arith.constant 0 : i32
        %dma_start3A_187 = arith.constant 0 : i32
        %dma_start3A_188 = tpu.memref_slice %arg10[%dma_start3A_186, %dma_start3A_187] : memref<10240x128xf32, #tpu.memory_space<vmem_shared>> -> memref<10240x128xf32, #tpu.memory_space<vmem_shared>>
        tpu.enqueue_indirect_dma source(%arg8 : memref<128x128xf32, #tpu.memory_space<vmem>>) target(%dma_start3A_188 : memref<10240x128xf32, #tpu.memory_space<vmem_shared>>) offsets(%dma_start3A_185 : memref<128xi32, #tpu.memory_space<vmem>>) semaphore(%run_scoped3A_182 : memref<!tpu.dma_semaphore, #tpu.memory_space<semaphore_mem>>) {add = true}
        %dma_wait3A_189 = arith.constant 0 : i32
        %dma_wait3A_190 = tpu.memref_slice %arg7[%run_scoped3A, %dma_wait3A_189] : memref<8x128xi32, #tpu.memory_space<vmem>> -> memref<1x128xi32, #tpu.memory_space<vmem>>
        %dma_wait3A_191 = tpu.memref_squeeze %dma_wait3A_190 : memref<1x128xi32, #tpu.memory_space<vmem>> -> memref<128xi32, #tpu.memory_space<vmem>>
        %dma_wait3A_192 = arith.constant 0 : i32
        %dma_wait3A_193 = arith.constant 0 : i32
        %dma_wait3A_194 = tpu.memref_slice %arg10[%dma_wait3A_192, %dma_wait3A_193] : memref<10240x128xf32, #tpu.memory_space<vmem_shared>> -> memref<10240x128xf32, #tpu.memory_space<vmem_shared>>
        tpu.wait_indirect_dma semaphore(%run_scoped3A_182 : memref<!tpu.dma_semaphore, #tpu.memory_space<semaphore_mem>>) src(%arg8 : memref<128x128xf32, #tpu.memory_space<vmem>>) dst(%dma_wait3A_194 : memref<10240x128xf32, #tpu.memory_space<vmem_shared>>)
        tpu.yield
      }) : () -> ()
      %dma_start3A_84 = arith.constant 2 : i32
      %dma_start3A_85 = arith.constant 0 : i32
      %dma_start3A_86 = tpu.memref_slice %arg6[%dma_start3A_84, %dma_start3A_85] : memref<8x128xi32, #tpu.memory_space<vmem>> -> memref<1x128xi32, #tpu.memory_space<vmem>>
      %dma_start3A_87 = tpu.memref_squeeze %dma_start3A_86 : memref<1x128xi32, #tpu.memory_space<vmem>> -> memref<128xi32, #tpu.memory_space<vmem>>
      %dma_start3A_88 = arith.constant 0 : i32
      %dma_start3A_89 = arith.constant 0 : i32
      %dma_start3A_90 = tpu.memref_slice %arg2[%dma_start3A_88, %dma_start3A_89] : memref<10240x128xf32, #tpu.memory_space<hbm>> -> memref<10240x128xf32, #tpu.memory_space<hbm>>
      tpu.enqueue_indirect_dma source(%dma_start3A_90 : memref<10240x128xf32, #tpu.memory_space<hbm>>) target(%arg8 : memref<128x128xf32, #tpu.memory_space<vmem>>) offsets(%dma_start3A_87 : memref<128xi32, #tpu.memory_space<vmem>>) semaphore(%arg11 : memref<!tpu.dma_semaphore, #tpu.memory_space<semaphore_mem>>)
      %dma_wait3A_91 = arith.constant 1 : i32
      %dma_wait3A_92 = arith.constant 0 : i32
      %dma_wait3A_93 = tpu.memref_slice %arg6[%dma_wait3A_91, %dma_wait3A_92] : memref<8x128xi32, #tpu.memory_space<vmem>> -> memref<1x128xi32, #tpu.memory_space<vmem>>
      %dma_wait3A_94 = tpu.memref_squeeze %dma_wait3A_93 : memref<1x128xi32, #tpu.memory_space<vmem>> -> memref<128xi32, #tpu.memory_space<vmem>>
      %dma_wait3A_95 = arith.constant 0 : i32
      %dma_wait3A_96 = arith.constant 0 : i32
      %dma_wait3A_97 = tpu.memref_slice %arg2[%dma_wait3A_95, %dma_wait3A_96] : memref<10240x128xf32, #tpu.memory_space<hbm>> -> memref<10240x128xf32, #tpu.memory_space<hbm>>
      tpu.wait_indirect_dma semaphore(%arg12 : memref<!tpu.dma_semaphore, #tpu.memory_space<semaphore_mem>>) src(%dma_wait3A_97 : memref<10240x128xf32, #tpu.memory_space<hbm>>) dst(%arg9 : memref<128x128xf32, #tpu.memory_space<vmem>>)
      %run_scoped3A_98 = arith.constant 1 : i32
      "tpu.region"() ({
        %run_scoped3A_182 = tpu.sem_alloc : memref<!tpu.dma_semaphore, #tpu.memory_space<semaphore_mem>>
        %dma_start3A_183 = arith.constant 0 : i32
        %dma_start3A_184 = tpu.memref_slice %arg7[%run_scoped3A_98, %dma_start3A_183] : memref<8x128xi32, #tpu.memory_space<vmem>> -> memref<1x128xi32, #tpu.memory_space<vmem>>
        %dma_start3A_185 = tpu.memref_squeeze %dma_start3A_184 : memref<1x128xi32, #tpu.memory_space<vmem>> -> memref<128xi32, #tpu.memory_space<vmem>>
        %dma_start3A_186 = arith.constant 0 : i32
        %dma_start3A_187 = arith.constant 0 : i32
        %dma_start3A_188 = tpu.memref_slice %arg10[%dma_start3A_186, %dma_start3A_187] : memref<10240x128xf32, #tpu.memory_space<vmem_shared>> -> memref<10240x128xf32, #tpu.memory_space<vmem_shared>>
        tpu.enqueue_indirect_dma source(%arg9 : memref<128x128xf32, #tpu.memory_space<vmem>>) target(%dma_start3A_188 : memref<10240x128xf32, #tpu.memory_space<vmem_shared>>) offsets(%dma_start3A_185 : memref<128xi32, #tpu.memory_space<vmem>>) semaphore(%run_scoped3A_182 : memref<!tpu.dma_semaphore, #tpu.memory_space<semaphore_mem>>) {add = true}
        %dma_wait3A_189 = arith.constant 0 : i32
        %dma_wait3A_190 = tpu.memref_slice %arg7[%run_scoped3A_98, %dma_wait3A_189] : memref<8x128xi32, #tpu.memory_space<vmem>> -> memref<1x128xi32, #tpu.memory_space<vmem>>
        %dma_wait3A_191 = tpu.memref_squeeze %dma_wait3A_190 : memref<1x128xi32, #tpu.memory_space<vmem>> -> memref<128xi32, #tpu.memory_space<vmem>>
        %dma_wait3A_192 = arith.constant 0 : i32
        %dma_wait3A_193 = arith.constant 0 : i32
        %dma_wait3A_194 = tpu.memref_slice %arg10[%dma_wait3A_192, %dma_wait3A_193] : memref<10240x128xf32, #tpu.memory_space<vmem_shared>> -> memref<10240x128xf32, #tpu.memory_space<vmem_shared>>
        tpu.wait_indirect_dma semaphore(%run_scoped3A_182 : memref<!tpu.dma_semaphore, #tpu.memory_space<semaphore_mem>>) src(%arg9 : memref<128x128xf32, #tpu.memory_space<vmem>>) dst(%dma_wait3A_194 : memref<10240x128xf32, #tpu.memory_space<vmem_shared>>)
        tpu.yield
      }) : () -> ()
      %dma_start3A_99 = arith.constant 3 : i32
      %dma_start3A_100 = arith.constant 0 : i32
      %dma_start3A_101 = tpu.memref_slice %arg6[%dma_start3A_99, %dma_start3A_100] : memref<8x128xi32, #tpu.memory_space<vmem>> -> memref<1x128xi32, #tpu.memory_space<vmem>>
      %dma_start3A_102 = tpu.memref_squeeze %dma_start3A_101 : memref<1x128xi32, #tpu.memory_space<vmem>> -> memref<128xi32, #tpu.memory_space<vmem>>
      %dma_start3A_103 = arith.constant 0 : i32
      %dma_start3A_104 = arith.constant 0 : i32
      %dma_start3A_105 = tpu.memref_slice %arg2[%dma_start3A_103, %dma_start3A_104] : memref<10240x128xf32, #tpu.memory_space<hbm>> -> memref<10240x128xf32, #tpu.memory_space<hbm>>
      tpu.enqueue_indirect_dma source(%dma_start3A_105 : memref<10240x128xf32, #tpu.memory_space<hbm>>) target(%arg9 : memref<128x128xf32, #tpu.memory_space<vmem>>) offsets(%dma_start3A_102 : memref<128xi32, #tpu.memory_space<vmem>>) semaphore(%arg12 : memref<!tpu.dma_semaphore, #tpu.memory_space<semaphore_mem>>)
      %dma_wait3A_106 = arith.constant 2 : i32
      %dma_wait3A_107 = arith.constant 0 : i32
      %dma_wait3A_108 = tpu.memref_slice %arg6[%dma_wait3A_106, %dma_wait3A_107] : memref<8x128xi32, #tpu.memory_space<vmem>> -> memref<1x128xi32, #tpu.memory_space<vmem>>
      %dma_wait3A_109 = tpu.memref_squeeze %dma_wait3A_108 : memref<1x128xi32, #tpu.memory_space<vmem>> -> memref<128xi32, #tpu.memory_space<vmem>>
      %dma_wait3A_110 = arith.constant 0 : i32
      %dma_wait3A_111 = arith.constant 0 : i32
      %dma_wait3A_112 = tpu.memref_slice %arg2[%dma_wait3A_110, %dma_wait3A_111] : memref<10240x128xf32, #tpu.memory_space<hbm>> -> memref<10240x128xf32, #tpu.memory_space<hbm>>
      tpu.wait_indirect_dma semaphore(%arg11 : memref<!tpu.dma_semaphore, #tpu.memory_space<semaphore_mem>>) src(%dma_wait3A_112 : memref<10240x128xf32, #tpu.memory_space<hbm>>) dst(%arg8 : memref<128x128xf32, #tpu.memory_space<vmem>>)
      %run_scoped3A_113 = arith.constant 2 : i32
      "tpu.region"() ({
        %run_scoped3A_182 = tpu.sem_alloc : memref<!tpu.dma_semaphore, #tpu.memory_space<semaphore_mem>>
        %dma_start3A_183 = arith.constant 0 : i32
        %dma_start3A_184 = tpu.memref_slice %arg7[%run_scoped3A_113, %dma_start3A_183] : memref<8x128xi32, #tpu.memory_space<vmem>> -> memref<1x128xi32, #tpu.memory_space<vmem>>
        %dma_start3A_185 = tpu.memref_squeeze %dma_start3A_184 : memref<1x128xi32, #tpu.memory_space<vmem>> -> memref<128xi32, #tpu.memory_space<vmem>>
        %dma_start3A_186 = arith.constant 0 : i32
        %dma_start3A_187 = arith.constant 0 : i32
        %dma_start3A_188 = tpu.memref_slice %arg10[%dma_start3A_186, %dma_start3A_187] : memref<10240x128xf32, #tpu.memory_space<vmem_shared>> -> memref<10240x128xf32, #tpu.memory_space<vmem_shared>>
        tpu.enqueue_indirect_dma source(%arg8 : memref<128x128xf32, #tpu.memory_space<vmem>>) target(%dma_start3A_188 : memref<10240x128xf32, #tpu.memory_space<vmem_shared>>) offsets(%dma_start3A_185 : memref<128xi32, #tpu.memory_space<vmem>>) semaphore(%run_scoped3A_182 : memref<!tpu.dma_semaphore, #tpu.memory_space<semaphore_mem>>) {add = true}
        %dma_wait3A_189 = arith.constant 0 : i32
        %dma_wait3A_190 = tpu.memref_slice %arg7[%run_scoped3A_113, %dma_wait3A_189] : memref<8x128xi32, #tpu.memory_space<vmem>> -> memref<1x128xi32, #tpu.memory_space<vmem>>
        %dma_wait3A_191 = tpu.memref_squeeze %dma_wait3A_190 : memref<1x128xi32, #tpu.memory_space<vmem>> -> memref<128xi32, #tpu.memory_space<vmem>>
        %dma_wait3A_192 = arith.constant 0 : i32
        %dma_wait3A_193 = arith.constant 0 : i32
        %dma_wait3A_194 = tpu.memref_slice %arg10[%dma_wait3A_192, %dma_wait3A_193] : memref<10240x128xf32, #tpu.memory_space<vmem_shared>> -> memref<10240x128xf32, #tpu.memory_space<vmem_shared>>
        tpu.wait_indirect_dma semaphore(%run_scoped3A_182 : memref<!tpu.dma_semaphore, #tpu.memory_space<semaphore_mem>>) src(%arg8 : memref<128x128xf32, #tpu.memory_space<vmem>>) dst(%dma_wait3A_194 : memref<10240x128xf32, #tpu.memory_space<vmem_shared>>)
        tpu.yield
      }) : () -> ()
      %dma_start3A_114 = arith.constant 4 : i32
      %dma_start3A_115 = arith.constant 0 : i32
      %dma_start3A_116 = tpu.memref_slice %arg6[%dma_start3A_114, %dma_start3A_115] : memref<8x128xi32, #tpu.memory_space<vmem>> -> memref<1x128xi32, #tpu.memory_space<vmem>>
      %dma_start3A_117 = tpu.memref_squeeze %dma_start3A_116 : memref<1x128xi32, #tpu.memory_space<vmem>> -> memref<128xi32, #tpu.memory_space<vmem>>
      %dma_start3A_118 = arith.constant 0 : i32
      %dma_start3A_119 = arith.constant 0 : i32
      %dma_start3A_120 = tpu.memref_slice %arg2[%dma_start3A_118, %dma_start3A_119] : memref<10240x128xf32, #tpu.memory_space<hbm>> -> memref<10240x128xf32, #tpu.memory_space<hbm>>
      tpu.enqueue_indirect_dma source(%dma_start3A_120 : memref<10240x128xf32, #tpu.memory_space<hbm>>) target(%arg8 : memref<128x128xf32, #tpu.memory_space<vmem>>) offsets(%dma_start3A_117 : memref<128xi32, #tpu.memory_space<vmem>>) semaphore(%arg11 : memref<!tpu.dma_semaphore, #tpu.memory_space<semaphore_mem>>)
      %dma_wait3A_121 = arith.constant 3 : i32
      %dma_wait3A_122 = arith.constant 0 : i32
      %dma_wait3A_123 = tpu.memref_slice %arg6[%dma_wait3A_121, %dma_wait3A_122] : memref<8x128xi32, #tpu.memory_space<vmem>> -> memref<1x128xi32, #tpu.memory_space<vmem>>
      %dma_wait3A_124 = tpu.memref_squeeze %dma_wait3A_123 : memref<1x128xi32, #tpu.memory_space<vmem>> -> memref<128xi32, #tpu.memory_space<vmem>>
      %dma_wait3A_125 = arith.constant 0 : i32
      %dma_wait3A_126 = arith.constant 0 : i32
      %dma_wait3A_127 = tpu.memref_slice %arg2[%dma_wait3A_125, %dma_wait3A_126] : memref<10240x128xf32, #tpu.memory_space<hbm>> -> memref<10240x128xf32, #tpu.memory_space<hbm>>
      tpu.wait_indirect_dma semaphore(%arg12 : memref<!tpu.dma_semaphore, #tpu.memory_space<semaphore_mem>>) src(%dma_wait3A_127 : memref<10240x128xf32, #tpu.memory_space<hbm>>) dst(%arg9 : memref<128x128xf32, #tpu.memory_space<vmem>>)
      %run_scoped3A_128 = arith.constant 3 : i32
      "tpu.region"() ({
        %run_scoped3A_182 = tpu.sem_alloc : memref<!tpu.dma_semaphore, #tpu.memory_space<semaphore_mem>>
        %dma_start3A_183 = arith.constant 0 : i32
        %dma_start3A_184 = tpu.memref_slice %arg7[%run_scoped3A_128, %dma_start3A_183] : memref<8x128xi32, #tpu.memory_space<vmem>> -> memref<1x128xi32, #tpu.memory_space<vmem>>
        %dma_start3A_185 = tpu.memref_squeeze %dma_start3A_184 : memref<1x128xi32, #tpu.memory_space<vmem>> -> memref<128xi32, #tpu.memory_space<vmem>>
        %dma_start3A_186 = arith.constant 0 : i32
        %dma_start3A_187 = arith.constant 0 : i32
        %dma_start3A_188 = tpu.memref_slice %arg10[%dma_start3A_186, %dma_start3A_187] : memref<10240x128xf32, #tpu.memory_space<vmem_shared>> -> memref<10240x128xf32, #tpu.memory_space<vmem_shared>>
        tpu.enqueue_indirect_dma source(%arg9 : memref<128x128xf32, #tpu.memory_space<vmem>>) target(%dma_start3A_188 : memref<10240x128xf32, #tpu.memory_space<vmem_shared>>) offsets(%dma_start3A_185 : memref<128xi32, #tpu.memory_space<vmem>>) semaphore(%run_scoped3A_182 : memref<!tpu.dma_semaphore, #tpu.memory_space<semaphore_mem>>) {add = true}
        %dma_wait3A_189 = arith.constant 0 : i32
        %dma_wait3A_190 = tpu.memref_slice %arg7[%run_scoped3A_128, %dma_wait3A_189] : memref<8x128xi32, #tpu.memory_space<vmem>> -> memref<1x128xi32, #tpu.memory_space<vmem>>
        %dma_wait3A_191 = tpu.memref_squeeze %dma_wait3A_190 : memref<1x128xi32, #tpu.memory_space<vmem>> -> memref<128xi32, #tpu.memory_space<vmem>>
        %dma_wait3A_192 = arith.constant 0 : i32
        %dma_wait3A_193 = arith.constant 0 : i32
        %dma_wait3A_194 = tpu.memref_slice %arg10[%dma_wait3A_192, %dma_wait3A_193] : memref<10240x128xf32, #tpu.memory_space<vmem_shared>> -> memref<10240x128xf32, #tpu.memory_space<vmem_shared>>
        tpu.wait_indirect_dma semaphore(%run_scoped3A_182 : memref<!tpu.dma_semaphore, #tpu.memory_space<semaphore_mem>>) src(%arg9 : memref<128x128xf32, #tpu.memory_space<vmem>>) dst(%dma_wait3A_194 : memref<10240x128xf32, #tpu.memory_space<vmem_shared>>)
        tpu.yield
      }) : () -> ()
      %dma_start3A_129 = arith.constant 5 : i32
      %dma_start3A_130 = arith.constant 0 : i32
      %dma_start3A_131 = tpu.memref_slice %arg6[%dma_start3A_129, %dma_start3A_130] : memref<8x128xi32, #tpu.memory_space<vmem>> -> memref<1x128xi32, #tpu.memory_space<vmem>>
      %dma_start3A_132 = tpu.memref_squeeze %dma_start3A_131 : memref<1x128xi32, #tpu.memory_space<vmem>> -> memref<128xi32, #tpu.memory_space<vmem>>
      %dma_start3A_133 = arith.constant 0 : i32
      %dma_start3A_134 = arith.constant 0 : i32
      %dma_start3A_135 = tpu.memref_slice %arg2[%dma_start3A_133, %dma_start3A_134] : memref<10240x128xf32, #tpu.memory_space<hbm>> -> memref<10240x128xf32, #tpu.memory_space<hbm>>
      tpu.enqueue_indirect_dma source(%dma_start3A_135 : memref<10240x128xf32, #tpu.memory_space<hbm>>) target(%arg9 : memref<128x128xf32, #tpu.memory_space<vmem>>) offsets(%dma_start3A_132 : memref<128xi32, #tpu.memory_space<vmem>>) semaphore(%arg12 : memref<!tpu.dma_semaphore, #tpu.memory_space<semaphore_mem>>)
      %dma_wait3A_136 = arith.constant 4 : i32
      %dma_wait3A_137 = arith.constant 0 : i32
      %dma_wait3A_138 = tpu.memref_slice %arg6[%dma_wait3A_136, %dma_wait3A_137] : memref<8x128xi32, #tpu.memory_space<vmem>> -> memref<1x128xi32, #tpu.memory_space<vmem>>
      %dma_wait3A_139 = tpu.memref_squeeze %dma_wait3A_138 : memref<1x128xi32, #tpu.memory_space<vmem>> -> memref<128xi32, #tpu.memory_space<vmem>>
      %dma_wait3A_140 = arith.constant 0 : i32
      %dma_wait3A_141 = arith.constant 0 : i32
      %dma_wait3A_142 = tpu.memref_slice %arg2[%dma_wait3A_140, %dma_wait3A_141] : memref<10240x128xf32, #tpu.memory_space<hbm>> -> memref<10240x128xf32, #tpu.memory_space<hbm>>
      tpu.wait_indirect_dma semaphore(%arg11 : memref<!tpu.dma_semaphore, #tpu.memory_space<semaphore_mem>>) src(%dma_wait3A_142 : memref<10240x128xf32, #tpu.memory_space<hbm>>) dst(%arg8 : memref<128x128xf32, #tpu.memory_space<vmem>>)
      %run_scoped3A_143 = arith.constant 4 : i32
      "tpu.region"() ({
        %run_scoped3A_182 = tpu.sem_alloc : memref<!tpu.dma_semaphore, #tpu.memory_space<semaphore_mem>>
        %dma_start3A_183 = arith.constant 0 : i32
        %dma_start3A_184 = tpu.memref_slice %arg7[%run_scoped3A_143, %dma_start3A_183] : memref<8x128xi32, #tpu.memory_space<vmem>> -> memref<1x128xi32, #tpu.memory_space<vmem>>
        %dma_start3A_185 = tpu.memref_squeeze %dma_start3A_184 : memref<1x128xi32, #tpu.memory_space<vmem>> -> memref<128xi32, #tpu.memory_space<vmem>>
        %dma_start3A_186 = arith.constant 0 : i32
        %dma_start3A_187 = arith.constant 0 : i32
        %dma_start3A_188 = tpu.memref_slice %arg10[%dma_start3A_186, %dma_start3A_187] : memref<10240x128xf32, #tpu.memory_space<vmem_shared>> -> memref<10240x128xf32, #tpu.memory_space<vmem_shared>>
        tpu.enqueue_indirect_dma source(%arg8 : memref<128x128xf32, #tpu.memory_space<vmem>>) target(%dma_start3A_188 : memref<10240x128xf32, #tpu.memory_space<vmem_shared>>) offsets(%dma_start3A_185 : memref<128xi32, #tpu.memory_space<vmem>>) semaphore(%run_scoped3A_182 : memref<!tpu.dma_semaphore, #tpu.memory_space<semaphore_mem>>) {add = true}
        %dma_wait3A_189 = arith.constant 0 : i32
        %dma_wait3A_190 = tpu.memref_slice %arg7[%run_scoped3A_143, %dma_wait3A_189] : memref<8x128xi32, #tpu.memory_space<vmem>> -> memref<1x128xi32, #tpu.memory_space<vmem>>
        %dma_wait3A_191 = tpu.memref_squeeze %dma_wait3A_190 : memref<1x128xi32, #tpu.memory_space<vmem>> -> memref<128xi32, #tpu.memory_space<vmem>>
        %dma_wait3A_192 = arith.constant 0 : i32
        %dma_wait3A_193 = arith.constant 0 : i32
        %dma_wait3A_194 = tpu.memref_slice %arg10[%dma_wait3A_192, %dma_wait3A_193] : memref<10240x128xf32, #tpu.memory_space<vmem_shared>> -> memref<10240x128xf32, #tpu.memory_space<vmem_shared>>
        tpu.wait_indirect_dma semaphore(%run_scoped3A_182 : memref<!tpu.dma_semaphore, #tpu.memory_space<semaphore_mem>>) src(%arg8 : memref<128x128xf32, #tpu.memory_space<vmem>>) dst(%dma_wait3A_194 : memref<10240x128xf32, #tpu.memory_space<vmem_shared>>)
        tpu.yield
      }) : () -> ()
      %dma_start3A_144 = arith.constant 6 : i32
      %dma_start3A_145 = arith.constant 0 : i32
      %dma_start3A_146 = tpu.memref_slice %arg6[%dma_start3A_144, %dma_start3A_145] : memref<8x128xi32, #tpu.memory_space<vmem>> -> memref<1x128xi32, #tpu.memory_space<vmem>>
      %dma_start3A_147 = tpu.memref_squeeze %dma_start3A_146 : memref<1x128xi32, #tpu.memory_space<vmem>> -> memref<128xi32, #tpu.memory_space<vmem>>
      %dma_start3A_148 = arith.constant 0 : i32
      %dma_start3A_149 = arith.constant 0 : i32
      %dma_start3A_150 = tpu.memref_slice %arg2[%dma_start3A_148, %dma_start3A_149] : memref<10240x128xf32, #tpu.memory_space<hbm>> -> memref<10240x128xf32, #tpu.memory_space<hbm>>
      tpu.enqueue_indirect_dma source(%dma_start3A_150 : memref<10240x128xf32, #tpu.memory_space<hbm>>) target(%arg8 : memref<128x128xf32, #tpu.memory_space<vmem>>) offsets(%dma_start3A_147 : memref<128xi32, #tpu.memory_space<vmem>>) semaphore(%arg11 : memref<!tpu.dma_semaphore, #tpu.memory_space<semaphore_mem>>)
      %dma_wait3A_151 = arith.constant 5 : i32
      %dma_wait3A_152 = arith.constant 0 : i32
      %dma_wait3A_153 = tpu.memref_slice %arg6[%dma_wait3A_151, %dma_wait3A_152] : memref<8x128xi32, #tpu.memory_space<vmem>> -> memref<1x128xi32, #tpu.memory_space<vmem>>
      %dma_wait3A_154 = tpu.memref_squeeze %dma_wait3A_153 : memref<1x128xi32, #tpu.memory_space<vmem>> -> memref<128xi32, #tpu.memory_space<vmem>>
      %dma_wait3A_155 = arith.constant 0 : i32
      %dma_wait3A_156 = arith.constant 0 : i32
      %dma_wait3A_157 = tpu.memref_slice %arg2[%dma_wait3A_155, %dma_wait3A_156] : memref<10240x128xf32, #tpu.memory_space<hbm>> -> memref<10240x128xf32, #tpu.memory_space<hbm>>
      tpu.wait_indirect_dma semaphore(%arg12 : memref<!tpu.dma_semaphore, #tpu.memory_space<semaphore_mem>>) src(%dma_wait3A_157 : memref<10240x128xf32, #tpu.memory_space<hbm>>) dst(%arg9 : memref<128x128xf32, #tpu.memory_space<vmem>>)
      %run_scoped3A_158 = arith.constant 5 : i32
      "tpu.region"() ({
        %run_scoped3A_182 = tpu.sem_alloc : memref<!tpu.dma_semaphore, #tpu.memory_space<semaphore_mem>>
        %dma_start3A_183 = arith.constant 0 : i32
        %dma_start3A_184 = tpu.memref_slice %arg7[%run_scoped3A_158, %dma_start3A_183] : memref<8x128xi32, #tpu.memory_space<vmem>> -> memref<1x128xi32, #tpu.memory_space<vmem>>
        %dma_start3A_185 = tpu.memref_squeeze %dma_start3A_184 : memref<1x128xi32, #tpu.memory_space<vmem>> -> memref<128xi32, #tpu.memory_space<vmem>>
        %dma_start3A_186 = arith.constant 0 : i32
        %dma_start3A_187 = arith.constant 0 : i32
        %dma_start3A_188 = tpu.memref_slice %arg10[%dma_start3A_186, %dma_start3A_187] : memref<10240x128xf32, #tpu.memory_space<vmem_shared>> -> memref<10240x128xf32, #tpu.memory_space<vmem_shared>>
        tpu.enqueue_indirect_dma source(%arg9 : memref<128x128xf32, #tpu.memory_space<vmem>>) target(%dma_start3A_188 : memref<10240x128xf32, #tpu.memory_space<vmem_shared>>) offsets(%dma_start3A_185 : memref<128xi32, #tpu.memory_space<vmem>>) semaphore(%run_scoped3A_182 : memref<!tpu.dma_semaphore, #tpu.memory_space<semaphore_mem>>) {add = true}
        %dma_wait3A_189 = arith.constant 0 : i32
        %dma_wait3A_190 = tpu.memref_slice %arg7[%run_scoped3A_158, %dma_wait3A_189] : memref<8x128xi32, #tpu.memory_space<vmem>> -> memref<1x128xi32, #tpu.memory_space<vmem>>
        %dma_wait3A_191 = tpu.memref_squeeze %dma_wait3A_190 : memref<1x128xi32, #tpu.memory_space<vmem>> -> memref<128xi32, #tpu.memory_space<vmem>>
        %dma_wait3A_192 = arith.constant 0 : i32
        %dma_wait3A_193 = arith.constant 0 : i32
        %dma_wait3A_194 = tpu.memref_slice %arg10[%dma_wait3A_192, %dma_wait3A_193] : memref<10240x128xf32, #tpu.memory_space<vmem_shared>> -> memref<10240x128xf32, #tpu.memory_space<vmem_shared>>
        tpu.wait_indirect_dma semaphore(%run_scoped3A_182 : memref<!tpu.dma_semaphore, #tpu.memory_space<semaphore_mem>>) src(%arg9 : memref<128x128xf32, #tpu.memory_space<vmem>>) dst(%dma_wait3A_194 : memref<10240x128xf32, #tpu.memory_space<vmem_shared>>)
        tpu.yield
      }) : () -> ()
      %dma_start3A_159 = arith.constant 7 : i32
      %dma_start3A_160 = arith.constant 0 : i32
      %dma_start3A_161 = tpu.memref_slice %arg6[%dma_start3A_159, %dma_start3A_160] : memref<8x128xi32, #tpu.memory_space<vmem>> -> memref<1x128xi32, #tpu.memory_space<vmem>>
      %dma_start3A_162 = tpu.memref_squeeze %dma_start3A_161 : memref<1x128xi32, #tpu.memory_space<vmem>> -> memref<128xi32, #tpu.memory_space<vmem>>
      %dma_start3A_163 = arith.constant 0 : i32
      %dma_start3A_164 = arith.constant 0 : i32
      %dma_start3A_165 = tpu.memref_slice %arg2[%dma_start3A_163, %dma_start3A_164] : memref<10240x128xf32, #tpu.memory_space<hbm>> -> memref<10240x128xf32, #tpu.memory_space<hbm>>
      tpu.enqueue_indirect_dma source(%dma_start3A_165 : memref<10240x128xf32, #tpu.memory_space<hbm>>) target(%arg9 : memref<128x128xf32, #tpu.memory_space<vmem>>) offsets(%dma_start3A_162 : memref<128xi32, #tpu.memory_space<vmem>>) semaphore(%arg12 : memref<!tpu.dma_semaphore, #tpu.memory_space<semaphore_mem>>)
      %dma_wait3A_166 = arith.constant 6 : i32
      %dma_wait3A_167 = arith.constant 0 : i32
      %dma_wait3A_168 = tpu.memref_slice %arg6[%dma_wait3A_166, %dma_wait3A_167] : memref<8x128xi32, #tpu.memory_space<vmem>> -> memref<1x128xi32, #tpu.memory_space<vmem>>
      %dma_wait3A_169 = tpu.memref_squeeze %dma_wait3A_168 : memref<1x128xi32, #tpu.memory_space<vmem>> -> memref<128xi32, #tpu.memory_space<vmem>>
      %dma_wait3A_170 = arith.constant 0 : i32
      %dma_wait3A_171 = arith.constant 0 : i32
      %dma_wait3A_172 = tpu.memref_slice %arg2[%dma_wait3A_170, %dma_wait3A_171] : memref<10240x128xf32, #tpu.memory_space<hbm>> -> memref<10240x128xf32, #tpu.memory_space<hbm>>
      tpu.wait_indirect_dma semaphore(%arg11 : memref<!tpu.dma_semaphore, #tpu.memory_space<semaphore_mem>>) src(%dma_wait3A_172 : memref<10240x128xf32, #tpu.memory_space<hbm>>) dst(%arg8 : memref<128x128xf32, #tpu.memory_space<vmem>>)
      %run_scoped3A_173 = arith.constant 6 : i32
      "tpu.region"() ({
        %run_scoped3A_182 = tpu.sem_alloc : memref<!tpu.dma_semaphore, #tpu.memory_space<semaphore_mem>>
        %dma_start3A_183 = arith.constant 0 : i32
        %dma_start3A_184 = tpu.memref_slice %arg7[%run_scoped3A_173, %dma_start3A_183] : memref<8x128xi32, #tpu.memory_space<vmem>> -> memref<1x128xi32, #tpu.memory_space<vmem>>
        %dma_start3A_185 = tpu.memref_squeeze %dma_start3A_184 : memref<1x128xi32, #tpu.memory_space<vmem>> -> memref<128xi32, #tpu.memory_space<vmem>>
        %dma_start3A_186 = arith.constant 0 : i32
        %dma_start3A_187 = arith.constant 0 : i32
        %dma_start3A_188 = tpu.memref_slice %arg10[%dma_start3A_186, %dma_start3A_187] : memref<10240x128xf32, #tpu.memory_space<vmem_shared>> -> memref<10240x128xf32, #tpu.memory_space<vmem_shared>>
        tpu.enqueue_indirect_dma source(%arg8 : memref<128x128xf32, #tpu.memory_space<vmem>>) target(%dma_start3A_188 : memref<10240x128xf32, #tpu.memory_space<vmem_shared>>) offsets(%dma_start3A_185 : memref<128xi32, #tpu.memory_space<vmem>>) semaphore(%run_scoped3A_182 : memref<!tpu.dma_semaphore, #tpu.memory_space<semaphore_mem>>) {add = true}
        %dma_wait3A_189 = arith.constant 0 : i32
        %dma_wait3A_190 = tpu.memref_slice %arg7[%run_scoped3A_173, %dma_wait3A_189] : memref<8x128xi32, #tpu.memory_space<vmem>> -> memref<1x128xi32, #tpu.memory_space<vmem>>
        %dma_wait3A_191 = tpu.memref_squeeze %dma_wait3A_190 : memref<1x128xi32, #tpu.memory_space<vmem>> -> memref<128xi32, #tpu.memory_space<vmem>>
        %dma_wait3A_192 = arith.constant 0 : i32
        %dma_wait3A_193 = arith.constant 0 : i32
        %dma_wait3A_194 = tpu.memref_slice %arg10[%dma_wait3A_192, %dma_wait3A_193] : memref<10240x128xf32, #tpu.memory_space<vmem_shared>> -> memref<10240x128xf32, #tpu.memory_space<vmem_shared>>
        tpu.wait_indirect_dma semaphore(%run_scoped3A_182 : memref<!tpu.dma_semaphore, #tpu.memory_space<semaphore_mem>>) src(%arg8 : memref<128x128xf32, #tpu.memory_space<vmem>>) dst(%dma_wait3A_194 : memref<10240x128xf32, #tpu.memory_space<vmem_shared>>)
        tpu.yield
      }) : () -> ()
      %dma_wait3A_174 = arith.constant 7 : i32
      %dma_wait3A_175 = arith.constant 0 : i32
      %dma_wait3A_176 = tpu.memref_slice %arg6[%dma_wait3A_174, %dma_wait3A_175] : memref<8x128xi32, #tpu.memory_space<vmem>> -> memref<1x128xi32, #tpu.memory_space<vmem>>
      %dma_wait3A_177 = tpu.memref_squeeze %dma_wait3A_176 : memref<1x128xi32, #tpu.memory_space<vmem>> -> memref<128xi32, #tpu.memory_space<vmem>>
      %dma_wait3A_178 = arith.constant 0 : i32
      %dma_wait3A_179 = arith.constant 0 : i32
      %dma_wait3A_180 = tpu.memref_slice %arg2[%dma_wait3A_178, %dma_wait3A_179] : memref<10240x128xf32, #tpu.memory_space<hbm>> -> memref<10240x128xf32, #tpu.memory_space<hbm>>
      tpu.wait_indirect_dma semaphore(%arg12 : memref<!tpu.dma_semaphore, #tpu.memory_space<semaphore_mem>>) src(%dma_wait3A_180 : memref<10240x128xf32, #tpu.memory_space<hbm>>) dst(%arg9 : memref<128x128xf32, #tpu.memory_space<vmem>>)
      %run_scoped3A_181 = arith.constant 7 : i32
      "tpu.region"() ({
        %run_scoped3A_182 = tpu.sem_alloc : memref<!tpu.dma_semaphore, #tpu.memory_space<semaphore_mem>>
        %dma_start3A_183 = arith.constant 0 : i32
        %dma_start3A_184 = tpu.memref_slice %arg7[%run_scoped3A_181, %dma_start3A_183] : memref<8x128xi32, #tpu.memory_space<vmem>> -> memref<1x128xi32, #tpu.memory_space<vmem>>
        %dma_start3A_185 = tpu.memref_squeeze %dma_start3A_184 : memref<1x128xi32, #tpu.memory_space<vmem>> -> memref<128xi32, #tpu.memory_space<vmem>>
        %dma_start3A_186 = arith.constant 0 : i32
        %dma_start3A_187 = arith.constant 0 : i32
        %dma_start3A_188 = tpu.memref_slice %arg10[%dma_start3A_186, %dma_start3A_187] : memref<10240x128xf32, #tpu.memory_space<vmem_shared>> -> memref<10240x128xf32, #tpu.memory_space<vmem_shared>>
        tpu.enqueue_indirect_dma source(%arg9 : memref<128x128xf32, #tpu.memory_space<vmem>>) target(%dma_start3A_188 : memref<10240x128xf32, #tpu.memory_space<vmem_shared>>) offsets(%dma_start3A_185 : memref<128xi32, #tpu.memory_space<vmem>>) semaphore(%run_scoped3A_182 : memref<!tpu.dma_semaphore, #tpu.memory_space<semaphore_mem>>) {add = true}
        %dma_wait3A_189 = arith.constant 0 : i32
        %dma_wait3A_190 = tpu.memref_slice %arg7[%run_scoped3A_181, %dma_wait3A_189] : memref<8x128xi32, #tpu.memory_space<vmem>> -> memref<1x128xi32, #tpu.memory_space<vmem>>
        %dma_wait3A_191 = tpu.memref_squeeze %dma_wait3A_190 : memref<1x128xi32, #tpu.memory_space<vmem>> -> memref<128xi32, #tpu.memory_space<vmem>>
        %dma_wait3A_192 = arith.constant 0 : i32
        %dma_wait3A_193 = arith.constant 0 : i32
        %dma_wait3A_194 = tpu.memref_slice %arg10[%dma_wait3A_192, %dma_wait3A_193] : memref<10240x128xf32, #tpu.memory_space<vmem_shared>> -> memref<10240x128xf32, #tpu.memory_space<vmem_shared>>
        tpu.wait_indirect_dma semaphore(%run_scoped3A_182 : memref<!tpu.dma_semaphore, #tpu.memory_space<semaphore_mem>>) src(%arg9 : memref<128x128xf32, #tpu.memory_space<vmem>>) dst(%dma_wait3A_194 : memref<10240x128xf32, #tpu.memory_space<vmem_shared>>)
        tpu.yield
      }) : () -> ()
    }
    %barrier3A_57 = arith.constant 0 : index
    tpu.barrier barrier_id(%barrier3A_57)
    "tpu.region"() ({
      %run_scoped3A = tpu.sem_alloc : memref<!tpu.dma_semaphore, #tpu.memory_space<semaphore_mem>>
      %dma_start3A = arith.constant 0 : i32
      %dma_start3A_58 = tpu.memref_slice %arg5[%arg0, %mul3A_0, %dma_start3A] : memref<2x10240x128xf32, #tpu.memory_space<hbm>> -> memref<1x640x128xf32, #tpu.memory_space<hbm>>
      %dma_start3A_59 = tpu.memref_squeeze %dma_start3A_58 : memref<1x640x128xf32, #tpu.memory_space<hbm>> -> memref<640x128xf32, #tpu.memory_space<hbm>>
      %dma_start3A_60 = arith.constant 0 : i32
      %dma_start3A_61 = tpu.memref_slice %arg10[%mul3A_0, %dma_start3A_60] : memref<10240x128xf32, #tpu.memory_space<vmem_shared>> -> memref<640x128xf32, #tpu.memory_space<vmem_shared>>
      tpu.enqueue_dma source(%dma_start3A_61 : memref<640x128xf32, #tpu.memory_space<vmem_shared>>) target(%dma_start3A_59 : memref<640x128xf32, #tpu.memory_space<hbm>>) target_semaphore(%run_scoped3A : memref<!tpu.dma_semaphore, #tpu.memory_space<semaphore_mem>>)
      %dma_wait3A = arith.constant 0 : i32
      %dma_wait3A_62 = tpu.memref_slice %arg5[%arg0, %mul3A_0, %dma_wait3A] : memref<2x10240x128xf32, #tpu.memory_space<hbm>> -> memref<1x640x128xf32, #tpu.memory_space<hbm>>
      %dma_wait3A_63 = tpu.memref_squeeze %dma_wait3A_62 : memref<1x640x128xf32, #tpu.memory_space<hbm>> -> memref<640x128xf32, #tpu.memory_space<hbm>>
      %dma_wait3A_64 = arith.constant 0 : i32
      %dma_wait3A_65 = tpu.memref_slice %arg10[%mul3A_0, %dma_wait3A_64] : memref<10240x128xf32, #tpu.memory_space<vmem_shared>> -> memref<640x128xf32, #tpu.memory_space<vmem_shared>>
      tpu.wait_dma2 semaphore(%run_scoped3A : memref<!tpu.dma_semaphore, #tpu.memory_space<semaphore_mem>>) src(%dma_wait3A_65 : memref<640x128xf32, #tpu.memory_space<vmem_shared>>) dst(%dma_wait3A_63 : memref<640x128xf32, #tpu.memory_space<hbm>>)
      tpu.yield
    }) : () -> ()
    return
  }
}

#map = affine_map<(d0, d1) -> (0, 0)>
#map1 = affine_map<(d0, d1) -> (0, 0, 0)>
module attributes {stable_mosaic.version = 14 : i64} {
  func.func @_prop_call(%arg0: i32, %arg1: i32, %arg2: memref<10240x128xf32, #tpu.memory_space<hbm>>, %arg3: memref<2560x128xi32, #tpu.memory_space<hbm>>, %arg4: memref<2560x128xi32, #tpu.memory_space<hbm>>, %arg5: memref<2x10240x128xf32, #tpu.memory_space<hbm>>, %arg6: memref<8x128xi32, #tpu.memory_space<vmem>>, %arg7: memref<8x128xi32, #tpu.memory_space<vmem>>, %arg8: memref<128x128xf32, #tpu.memory_space<vmem>>, %arg9: memref<128x128xf32, #tpu.memory_space<vmem>>, %arg10: memref<10240x128xf32, #tpu.memory_space<vmem_shared>>, %arg11: memref<!tpu.dma_semaphore, #tpu.memory_space<semaphore_mem>>, %arg12: memref<!tpu.dma_semaphore, #tpu.memory_space<semaphore_mem>>) attributes {dimension_semantics = [#tpu.dimension_semantics<core_parallel>, #tpu.dimension_semantics<subcore_parallel>], iteration_bounds = array<i64: 2, 16>, scalar_prefetch = 0 : i64, scratch_operands = 7 : i64, tpu.core_type = #tpu.core_type<sc_vector_subcore>, window_params = [{transform_indices = #map}, {transform_indices = #map}, {transform_indices = #map}, {transform_indices = #map1}]} {
    %mul3A = arith.constant 640 : i32
    %mul3A_0 = arith.muli %arg1, %mul3A : i32
    "tpu.region"() ({
      %run_scoped3A = tpu.sem_alloc : memref<!tpu.dma_semaphore, #tpu.memory_space<semaphore_mem>>
      %dma_start3A = arith.constant 0 : i32
      %dma_start3A_58 = tpu.memref_slice %arg10[%mul3A_0, %dma_start3A] : memref<10240x128xf32, #tpu.memory_space<vmem_shared>> -> memref<640x128xf32, #tpu.memory_space<vmem_shared>>
      %dma_start3A_59 = arith.constant 0 : i32
      %dma_start3A_60 = tpu.memref_slice %arg2[%mul3A_0, %dma_start3A_59] : memref<10240x128xf32, #tpu.memory_space<hbm>> -> memref<640x128xf32, #tpu.memory_space<hbm>>
      tpu.enqueue_dma source(%dma_start3A_60 : memref<640x128xf32, #tpu.memory_space<hbm>>) target(%dma_start3A_58 : memref<640x128xf32, #tpu.memory_space<vmem_shared>>) target_semaphore(%run_scoped3A : memref<!tpu.dma_semaphore, #tpu.memory_space<semaphore_mem>>)
      %dma_wait3A = arith.constant 0 : i32
      %dma_wait3A_61 = tpu.memref_slice %arg10[%mul3A_0, %dma_wait3A] : memref<10240x128xf32, #tpu.memory_space<vmem_shared>> -> memref<640x128xf32, #tpu.memory_space<vmem_shared>>
      %dma_wait3A_62 = arith.constant 0 : i32
      %dma_wait3A_63 = tpu.memref_slice %arg2[%mul3A_0, %dma_wait3A_62] : memref<10240x128xf32, #tpu.memory_space<hbm>> -> memref<640x128xf32, #tpu.memory_space<hbm>>
      tpu.wait_dma2 semaphore(%run_scoped3A : memref<!tpu.dma_semaphore, #tpu.memory_space<semaphore_mem>>) src(%dma_wait3A_63 : memref<640x128xf32, #tpu.memory_space<hbm>>) dst(%dma_wait3A_61 : memref<640x128xf32, #tpu.memory_space<vmem_shared>>)
      tpu.yield
    }) : () -> ()
    %barrier3A = arith.constant 0 : index
    tpu.barrier barrier_id(%barrier3A)
    %mul3A_1 = arith.constant 0 : i32
    %mul3A_2 = arith.muli %arg0, %mul3A_1 : i32
    %add3A = arith.constant 10240 : i32
    %add3A_3 = arith.addi %add3A, %mul3A_2 : i32
    %mul3A_4 = arith.constant 160 : i32
    %mul3A_5 = arith.muli %arg0, %mul3A_4 : i32
    %jit3A = arith.constant 1024 : i32
    %div3A = arith.divsi %add3A_3, %jit3A : i32
    %sign3A = arith.constant 0 : i32
    %sign3A_6 = arith.cmpi sgt, %add3A_3, %sign3A : i32
    %sign3A_7 = arith.extui %sign3A_6 : i1 to i32
    %sign3A_8 = arith.constant 0 : i32
    %sign3A_9 = arith.cmpi slt, %add3A_3, %sign3A_8 : i32
    %sign3A_10 = arith.extui %sign3A_9 : i1 to i32
    %sign3A_11 = arith.subi %sign3A_7, %sign3A_10 : i32
    %sign3A_12 = arith.constant 0 : i32
    %sign3A_13 = arith.cmpi sgt, %jit3A, %sign3A_12 : i32
    %sign3A_14 = arith.extui %sign3A_13 : i1 to i32
    %sign3A_15 = arith.constant 0 : i32
    %sign3A_16 = arith.cmpi slt, %jit3A, %sign3A_15 : i32
    %sign3A_17 = arith.extui %sign3A_16 : i1 to i32
    %sign3A_18 = arith.subi %sign3A_14, %sign3A_17 : i32
    %ne3A = arith.cmpi ne, %sign3A_11, %sign3A_18 : i32
    %rem3A = arith.remsi %add3A_3, %jit3A : i32
    %ne3A_19 = arith.constant 0 : i32
    %ne3A_20 = arith.cmpi ne, %rem3A, %ne3A_19 : i32
    %and3A = arith.andi %ne3A, %ne3A_20 : i1
    %sub3A = arith.constant 1 : i32
    %sub3A_21 = arith.subi %div3A, %sub3A : i32
    %select_n3A = arith.select %and3A, %sub3A_21, %div3A : i32
    %mul3A_22 = arith.muli %arg1, %select_n3A : i32
    %add3A_23 = arith.addi %mul3A_5, %mul3A_22 : i32
    %jit3A_24 = arith.constant 1024 : i32
    %div3A_25 = arith.divsi %add3A_3, %jit3A_24 : i32
    %sign3A_26 = arith.constant 0 : i32
    %sign3A_27 = arith.cmpi sgt, %add3A_3, %sign3A_26 : i32
    %sign3A_28 = arith.extui %sign3A_27 : i1 to i32
    %sign3A_29 = arith.constant 0 : i32
    %sign3A_30 = arith.cmpi slt, %add3A_3, %sign3A_29 : i32
    %sign3A_31 = arith.extui %sign3A_30 : i1 to i32
    %sign3A_32 = arith.subi %sign3A_28, %sign3A_31 : i32
    %sign3A_33 = arith.constant 0 : i32
    %sign3A_34 = arith.cmpi sgt, %jit3A_24, %sign3A_33 : i32
    %sign3A_35 = arith.extui %sign3A_34 : i1 to i32
    %sign3A_36 = arith.constant 0 : i32
    %sign3A_37 = arith.cmpi slt, %jit3A_24, %sign3A_36 : i32
    %sign3A_38 = arith.extui %sign3A_37 : i1 to i32
    %sign3A_39 = arith.subi %sign3A_35, %sign3A_38 : i32
    %ne3A_40 = arith.cmpi ne, %sign3A_32, %sign3A_39 : i32
    %rem3A_41 = arith.remsi %add3A_3, %jit3A_24 : i32
    %ne3A_42 = arith.constant 0 : i32
    %ne3A_43 = arith.cmpi ne, %rem3A_41, %ne3A_42 : i32
    %and3A_44 = arith.andi %ne3A_40, %ne3A_43 : i1
    %sub3A_45 = arith.constant 1 : i32
    %sub3A_46 = arith.subi %div3A_25, %sub3A_45 : i32
    %select_n3A_47 = arith.select %and3A_44, %sub3A_46, %div3A_25 : i32
    %while3A = arith.constant 0 : i32
    %while3A_48 = arith.constant 0 : i32
    %while3A_49 = arith.subi %select_n3A_47, %while3A_48 : i32
    %while3A_50 = arith.addi %while3A_48, %while3A_49 : i32
    %while3A_51 = arith.constant 1 : i32
    %while3A_52 = arith.divsi %while3A_49, %while3A_51 : i32
    %while3A_53 = arith.muli %while3A_52, %while3A_51 : i32
    %while3A_54 = arith.addi %while3A_48, %while3A_53 : i32
    %while3A_55 = arith.constant 1 : i32
    scf.for %while3A_58 = %while3A_48 to %while3A_54 step %while3A_55  : i32 {
      %add3A_59 = arith.addi %add3A_23, %while3A_58 : i32
      %mul3A_60 = arith.constant 8 : i32
      %mul3A_61 = arith.muli %add3A_59, %mul3A_60 : i32
      "tpu.region"() ({
        %run_scoped3A_182 = tpu.sem_alloc : memref<!tpu.dma_semaphore, #tpu.memory_space<semaphore_mem>>
        %dma_start3A_183 = arith.constant 0 : i32
        %dma_start3A_184 = tpu.memref_slice %arg3[%mul3A_61, %dma_start3A_183] : memref<2560x128xi32, #tpu.memory_space<hbm>> -> memref<8x128xi32, #tpu.memory_space<hbm>>
        %dma_start3A_185 = arith.constant 0 : i32
        %dma_start3A_186 = tpu.memref_slice %arg3[%mul3A_61, %dma_start3A_185] : memref<2560x128xi32, #tpu.memory_space<hbm>> -> memref<8x128xi32, #tpu.memory_space<hbm>>
        tpu.enqueue_dma source(%dma_start3A_186 : memref<8x128xi32, #tpu.memory_space<hbm>>) target(%arg6 : memref<8x128xi32, #tpu.memory_space<vmem>>) target_semaphore(%run_scoped3A_182 : memref<!tpu.dma_semaphore, #tpu.memory_space<semaphore_mem>>)
        %dma_wait3A_187 = arith.constant 0 : i32
        %dma_wait3A_188 = tpu.memref_slice %arg3[%mul3A_61, %dma_wait3A_187] : memref<2560x128xi32, #tpu.memory_space<hbm>> -> memref<8x128xi32, #tpu.memory_space<hbm>>
        %dma_wait3A_189 = arith.constant 0 : i32
        %dma_wait3A_190 = tpu.memref_slice %arg3[%mul3A_61, %dma_wait3A_189] : memref<2560x128xi32, #tpu.memory_space<hbm>> -> memref<8x128xi32, #tpu.memory_space<hbm>>
        tpu.wait_dma2 semaphore(%run_scoped3A_182 : memref<!tpu.dma_semaphore, #tpu.memory_space<semaphore_mem>>) src(%dma_wait3A_190 : memref<8x128xi32, #tpu.memory_space<hbm>>) dst(%arg6 : memref<8x128xi32, #tpu.memory_space<vmem>>)
        tpu.yield
      }) : () -> ()
      %add3A_62 = arith.addi %add3A_23, %while3A_58 : i32
      %mul3A_63 = arith.constant 8 : i32
      %mul3A_64 = arith.muli %add3A_62, %mul3A_63 : i32
      "tpu.region"() ({
        %run_scoped3A_182 = tpu.sem_alloc : memref<!tpu.dma_semaphore, #tpu.memory_space<semaphore_mem>>
        %dma_start3A_183 = arith.constant 0 : i32
        %dma_start3A_184 = tpu.memref_slice %arg4[%mul3A_64, %dma_start3A_183] : memref<2560x128xi32, #tpu.memory_space<hbm>> -> memref<8x128xi32, #tpu.memory_space<hbm>>
        %dma_start3A_185 = arith.constant 0 : i32
        %dma_start3A_186 = tpu.memref_slice %arg4[%mul3A_64, %dma_start3A_185] : memref<2560x128xi32, #tpu.memory_space<hbm>> -> memref<8x128xi32, #tpu.memory_space<hbm>>
        tpu.enqueue_dma source(%dma_start3A_186 : memref<8x128xi32, #tpu.memory_space<hbm>>) target(%arg7 : memref<8x128xi32, #tpu.memory_space<vmem>>) target_semaphore(%run_scoped3A_182 : memref<!tpu.dma_semaphore, #tpu.memory_space<semaphore_mem>>)
        %dma_wait3A_187 = arith.constant 0 : i32
        %dma_wait3A_188 = tpu.memref_slice %arg4[%mul3A_64, %dma_wait3A_187] : memref<2560x128xi32, #tpu.memory_space<hbm>> -> memref<8x128xi32, #tpu.memory_space<hbm>>
        %dma_wait3A_189 = arith.constant 0 : i32
        %dma_wait3A_190 = tpu.memref_slice %arg4[%mul3A_64, %dma_wait3A_189] : memref<2560x128xi32, #tpu.memory_space<hbm>> -> memref<8x128xi32, #tpu.memory_space<hbm>>
        tpu.wait_dma2 semaphore(%run_scoped3A_182 : memref<!tpu.dma_semaphore, #tpu.memory_space<semaphore_mem>>) src(%dma_wait3A_190 : memref<8x128xi32, #tpu.memory_space<hbm>>) dst(%arg7 : memref<8x128xi32, #tpu.memory_space<vmem>>)
        tpu.yield
      }) : () -> ()
      %dma_start3A = arith.constant 0 : i32
      %dma_start3A_65 = arith.constant 0 : i32
      %dma_start3A_66 = tpu.memref_slice %arg6[%dma_start3A, %dma_start3A_65] : memref<8x128xi32, #tpu.memory_space<vmem>> -> memref<1x128xi32, #tpu.memory_space<vmem>>
      %dma_start3A_67 = tpu.memref_squeeze %dma_start3A_66 : memref<1x128xi32, #tpu.memory_space<vmem>> -> memref<128xi32, #tpu.memory_space<vmem>>
      %dma_start3A_68 = arith.constant 0 : i32
      %dma_start3A_69 = arith.constant 0 : i32
      %dma_start3A_70 = tpu.memref_slice %arg2[%dma_start3A_68, %dma_start3A_69] : memref<10240x128xf32, #tpu.memory_space<hbm>> -> memref<10240x128xf32, #tpu.memory_space<hbm>>
      tpu.enqueue_indirect_dma source(%dma_start3A_70 : memref<10240x128xf32, #tpu.memory_space<hbm>>) target(%arg8 : memref<128x128xf32, #tpu.memory_space<vmem>>) offsets(%dma_start3A_67 : memref<128xi32, #tpu.memory_space<vmem>>) semaphore(%arg11 : memref<!tpu.dma_semaphore, #tpu.memory_space<semaphore_mem>>)
      %dma_start3A_71 = arith.constant 1 : i32
      %dma_start3A_72 = arith.constant 0 : i32
      %dma_start3A_73 = tpu.memref_slice %arg6[%dma_start3A_71, %dma_start3A_72] : memref<8x128xi32, #tpu.memory_space<vmem>> -> memref<1x128xi32, #tpu.memory_space<vmem>>
      %dma_start3A_74 = tpu.memref_squeeze %dma_start3A_73 : memref<1x128xi32, #tpu.memory_space<vmem>> -> memref<128xi32, #tpu.memory_space<vmem>>
      %dma_start3A_75 = arith.constant 0 : i32
      %dma_start3A_76 = arith.constant 0 : i32
      %dma_start3A_77 = tpu.memref_slice %arg2[%dma_start3A_75, %dma_start3A_76] : memref<10240x128xf32, #tpu.memory_space<hbm>> -> memref<10240x128xf32, #tpu.memory_space<hbm>>
      tpu.enqueue_indirect_dma source(%dma_start3A_77 : memref<10240x128xf32, #tpu.memory_space<hbm>>) target(%arg9 : memref<128x128xf32, #tpu.memory_space<vmem>>) offsets(%dma_start3A_74 : memref<128xi32, #tpu.memory_space<vmem>>) semaphore(%arg12 : memref<!tpu.dma_semaphore, #tpu.memory_space<semaphore_mem>>)
      %dma_wait3A = arith.constant 0 : i32
      %dma_wait3A_78 = arith.constant 0 : i32
      %dma_wait3A_79 = tpu.memref_slice %arg6[%dma_wait3A, %dma_wait3A_78] : memref<8x128xi32, #tpu.memory_space<vmem>> -> memref<1x128xi32, #tpu.memory_space<vmem>>
      %dma_wait3A_80 = tpu.memref_squeeze %dma_wait3A_79 : memref<1x128xi32, #tpu.memory_space<vmem>> -> memref<128xi32, #tpu.memory_space<vmem>>
      %dma_wait3A_81 = arith.constant 0 : i32
      %dma_wait3A_82 = arith.constant 0 : i32
      %dma_wait3A_83 = tpu.memref_slice %arg2[%dma_wait3A_81, %dma_wait3A_82] : memref<10240x128xf32, #tpu.memory_space<hbm>> -> memref<10240x128xf32, #tpu.memory_space<hbm>>
      tpu.wait_indirect_dma semaphore(%arg11 : memref<!tpu.dma_semaphore, #tpu.memory_space<semaphore_mem>>) src(%dma_wait3A_83 : memref<10240x128xf32, #tpu.memory_space<hbm>>) dst(%arg8 : memref<128x128xf32, #tpu.memory_space<vmem>>)
      %run_scoped3A = arith.constant 0 : i32
      "tpu.region"() ({
        %run_scoped3A_182 = tpu.sem_alloc : memref<!tpu.dma_semaphore, #tpu.memory_space<semaphore_mem>>
        %dma_start3A_183 = arith.constant 0 : i32
        %dma_start3A_184 = tpu.memref_slice %arg7[%run_scoped3A, %dma_start3A_183] : memref<8x128xi32, #tpu.memory_space<vmem>> -> memref<1x128xi32, #tpu.memory_space<vmem>>
        %dma_start3A_185 = tpu.memref_squeeze %dma_start3A_184 : memref<1x128xi32, #tpu.memory_space<vmem>> -> memref<128xi32, #tpu.memory_space<vmem>>
        %dma_start3A_186 = arith.constant 0 : i32
        %dma_start3A_187 = arith.constant 0 : i32
        %dma_start3A_188 = tpu.memref_slice %arg10[%dma_start3A_186, %dma_start3A_187] : memref<10240x128xf32, #tpu.memory_space<vmem_shared>> -> memref<10240x128xf32, #tpu.memory_space<vmem_shared>>
        tpu.enqueue_indirect_dma source(%arg8 : memref<128x128xf32, #tpu.memory_space<vmem>>) target(%dma_start3A_188 : memref<10240x128xf32, #tpu.memory_space<vmem_shared>>) offsets(%dma_start3A_185 : memref<128xi32, #tpu.memory_space<vmem>>) semaphore(%run_scoped3A_182 : memref<!tpu.dma_semaphore, #tpu.memory_space<semaphore_mem>>) {add = true}
        %dma_wait3A_189 = arith.constant 0 : i32
        %dma_wait3A_190 = tpu.memref_slice %arg7[%run_scoped3A, %dma_wait3A_189] : memref<8x128xi32, #tpu.memory_space<vmem>> -> memref<1x128xi32, #tpu.memory_space<vmem>>
        %dma_wait3A_191 = tpu.memref_squeeze %dma_wait3A_190 : memref<1x128xi32, #tpu.memory_space<vmem>> -> memref<128xi32, #tpu.memory_space<vmem>>
        %dma_wait3A_192 = arith.constant 0 : i32
        %dma_wait3A_193 = arith.constant 0 : i32
        %dma_wait3A_194 = tpu.memref_slice %arg10[%dma_wait3A_192, %dma_wait3A_193] : memref<10240x128xf32, #tpu.memory_space<vmem_shared>> -> memref<10240x128xf32, #tpu.memory_space<vmem_shared>>
        tpu.wait_indirect_dma semaphore(%run_scoped3A_182 : memref<!tpu.dma_semaphore, #tpu.memory_space<semaphore_mem>>) src(%arg8 : memref<128x128xf32, #tpu.memory_space<vmem>>) dst(%dma_wait3A_194 : memref<10240x128xf32, #tpu.memory_space<vmem_shared>>)
        tpu.yield
      }) : () -> ()
      %dma_start3A_84 = arith.constant 2 : i32
      %dma_start3A_85 = arith.constant 0 : i32
      %dma_start3A_86 = tpu.memref_slice %arg6[%dma_start3A_84, %dma_start3A_85] : memref<8x128xi32, #tpu.memory_space<vmem>> -> memref<1x128xi32, #tpu.memory_space<vmem>>
      %dma_start3A_87 = tpu.memref_squeeze %dma_start3A_86 : memref<1x128xi32, #tpu.memory_space<vmem>> -> memref<128xi32, #tpu.memory_space<vmem>>
      %dma_start3A_88 = arith.constant 0 : i32
      %dma_start3A_89 = arith.constant 0 : i32
      %dma_start3A_90 = tpu.memref_slice %arg2[%dma_start3A_88, %dma_start3A_89] : memref<10240x128xf32, #tpu.memory_space<hbm>> -> memref<10240x128xf32, #tpu.memory_space<hbm>>
      tpu.enqueue_indirect_dma source(%dma_start3A_90 : memref<10240x128xf32, #tpu.memory_space<hbm>>) target(%arg8 : memref<128x128xf32, #tpu.memory_space<vmem>>) offsets(%dma_start3A_87 : memref<128xi32, #tpu.memory_space<vmem>>) semaphore(%arg11 : memref<!tpu.dma_semaphore, #tpu.memory_space<semaphore_mem>>)
      %dma_wait3A_91 = arith.constant 1 : i32
      %dma_wait3A_92 = arith.constant 0 : i32
      %dma_wait3A_93 = tpu.memref_slice %arg6[%dma_wait3A_91, %dma_wait3A_92] : memref<8x128xi32, #tpu.memory_space<vmem>> -> memref<1x128xi32, #tpu.memory_space<vmem>>
      %dma_wait3A_94 = tpu.memref_squeeze %dma_wait3A_93 : memref<1x128xi32, #tpu.memory_space<vmem>> -> memref<128xi32, #tpu.memory_space<vmem>>
      %dma_wait3A_95 = arith.constant 0 : i32
      %dma_wait3A_96 = arith.constant 0 : i32
      %dma_wait3A_97 = tpu.memref_slice %arg2[%dma_wait3A_95, %dma_wait3A_96] : memref<10240x128xf32, #tpu.memory_space<hbm>> -> memref<10240x128xf32, #tpu.memory_space<hbm>>
      tpu.wait_indirect_dma semaphore(%arg12 : memref<!tpu.dma_semaphore, #tpu.memory_space<semaphore_mem>>) src(%dma_wait3A_97 : memref<10240x128xf32, #tpu.memory_space<hbm>>) dst(%arg9 : memref<128x128xf32, #tpu.memory_space<vmem>>)
      %run_scoped3A_98 = arith.constant 1 : i32
      "tpu.region"() ({
        %run_scoped3A_182 = tpu.sem_alloc : memref<!tpu.dma_semaphore, #tpu.memory_space<semaphore_mem>>
        %dma_start3A_183 = arith.constant 0 : i32
        %dma_start3A_184 = tpu.memref_slice %arg7[%run_scoped3A_98, %dma_start3A_183] : memref<8x128xi32, #tpu.memory_space<vmem>> -> memref<1x128xi32, #tpu.memory_space<vmem>>
        %dma_start3A_185 = tpu.memref_squeeze %dma_start3A_184 : memref<1x128xi32, #tpu.memory_space<vmem>> -> memref<128xi32, #tpu.memory_space<vmem>>
        %dma_start3A_186 = arith.constant 0 : i32
        %dma_start3A_187 = arith.constant 0 : i32
        %dma_start3A_188 = tpu.memref_slice %arg10[%dma_start3A_186, %dma_start3A_187] : memref<10240x128xf32, #tpu.memory_space<vmem_shared>> -> memref<10240x128xf32, #tpu.memory_space<vmem_shared>>
        tpu.enqueue_indirect_dma source(%arg9 : memref<128x128xf32, #tpu.memory_space<vmem>>) target(%dma_start3A_188 : memref<10240x128xf32, #tpu.memory_space<vmem_shared>>) offsets(%dma_start3A_185 : memref<128xi32, #tpu.memory_space<vmem>>) semaphore(%run_scoped3A_182 : memref<!tpu.dma_semaphore, #tpu.memory_space<semaphore_mem>>) {add = true}
        %dma_wait3A_189 = arith.constant 0 : i32
        %dma_wait3A_190 = tpu.memref_slice %arg7[%run_scoped3A_98, %dma_wait3A_189] : memref<8x128xi32, #tpu.memory_space<vmem>> -> memref<1x128xi32, #tpu.memory_space<vmem>>
        %dma_wait3A_191 = tpu.memref_squeeze %dma_wait3A_190 : memref<1x128xi32, #tpu.memory_space<vmem>> -> memref<128xi32, #tpu.memory_space<vmem>>
        %dma_wait3A_192 = arith.constant 0 : i32
        %dma_wait3A_193 = arith.constant 0 : i32
        %dma_wait3A_194 = tpu.memref_slice %arg10[%dma_wait3A_192, %dma_wait3A_193] : memref<10240x128xf32, #tpu.memory_space<vmem_shared>> -> memref<10240x128xf32, #tpu.memory_space<vmem_shared>>
        tpu.wait_indirect_dma semaphore(%run_scoped3A_182 : memref<!tpu.dma_semaphore, #tpu.memory_space<semaphore_mem>>) src(%arg9 : memref<128x128xf32, #tpu.memory_space<vmem>>) dst(%dma_wait3A_194 : memref<10240x128xf32, #tpu.memory_space<vmem_shared>>)
        tpu.yield
      }) : () -> ()
      %dma_start3A_99 = arith.constant 3 : i32
      %dma_start3A_100 = arith.constant 0 : i32
      %dma_start3A_101 = tpu.memref_slice %arg6[%dma_start3A_99, %dma_start3A_100] : memref<8x128xi32, #tpu.memory_space<vmem>> -> memref<1x128xi32, #tpu.memory_space<vmem>>
      %dma_start3A_102 = tpu.memref_squeeze %dma_start3A_101 : memref<1x128xi32, #tpu.memory_space<vmem>> -> memref<128xi32, #tpu.memory_space<vmem>>
      %dma_start3A_103 = arith.constant 0 : i32
      %dma_start3A_104 = arith.constant 0 : i32
      %dma_start3A_105 = tpu.memref_slice %arg2[%dma_start3A_103, %dma_start3A_104] : memref<10240x128xf32, #tpu.memory_space<hbm>> -> memref<10240x128xf32, #tpu.memory_space<hbm>>
      tpu.enqueue_indirect_dma source(%dma_start3A_105 : memref<10240x128xf32, #tpu.memory_space<hbm>>) target(%arg9 : memref<128x128xf32, #tpu.memory_space<vmem>>) offsets(%dma_start3A_102 : memref<128xi32, #tpu.memory_space<vmem>>) semaphore(%arg12 : memref<!tpu.dma_semaphore, #tpu.memory_space<semaphore_mem>>)
      %dma_wait3A_106 = arith.constant 2 : i32
      %dma_wait3A_107 = arith.constant 0 : i32
      %dma_wait3A_108 = tpu.memref_slice %arg6[%dma_wait3A_106, %dma_wait3A_107] : memref<8x128xi32, #tpu.memory_space<vmem>> -> memref<1x128xi32, #tpu.memory_space<vmem>>
      %dma_wait3A_109 = tpu.memref_squeeze %dma_wait3A_108 : memref<1x128xi32, #tpu.memory_space<vmem>> -> memref<128xi32, #tpu.memory_space<vmem>>
      %dma_wait3A_110 = arith.constant 0 : i32
      %dma_wait3A_111 = arith.constant 0 : i32
      %dma_wait3A_112 = tpu.memref_slice %arg2[%dma_wait3A_110, %dma_wait3A_111] : memref<10240x128xf32, #tpu.memory_space<hbm>> -> memref<10240x128xf32, #tpu.memory_space<hbm>>
      tpu.wait_indirect_dma semaphore(%arg11 : memref<!tpu.dma_semaphore, #tpu.memory_space<semaphore_mem>>) src(%dma_wait3A_112 : memref<10240x128xf32, #tpu.memory_space<hbm>>) dst(%arg8 : memref<128x128xf32, #tpu.memory_space<vmem>>)
      %run_scoped3A_113 = arith.constant 2 : i32
      "tpu.region"() ({
        %run_scoped3A_182 = tpu.sem_alloc : memref<!tpu.dma_semaphore, #tpu.memory_space<semaphore_mem>>
        %dma_start3A_183 = arith.constant 0 : i32
        %dma_start3A_184 = tpu.memref_slice %arg7[%run_scoped3A_113, %dma_start3A_183] : memref<8x128xi32, #tpu.memory_space<vmem>> -> memref<1x128xi32, #tpu.memory_space<vmem>>
        %dma_start3A_185 = tpu.memref_squeeze %dma_start3A_184 : memref<1x128xi32, #tpu.memory_space<vmem>> -> memref<128xi32, #tpu.memory_space<vmem>>
        %dma_start3A_186 = arith.constant 0 : i32
        %dma_start3A_187 = arith.constant 0 : i32
        %dma_start3A_188 = tpu.memref_slice %arg10[%dma_start3A_186, %dma_start3A_187] : memref<10240x128xf32, #tpu.memory_space<vmem_shared>> -> memref<10240x128xf32, #tpu.memory_space<vmem_shared>>
        tpu.enqueue_indirect_dma source(%arg8 : memref<128x128xf32, #tpu.memory_space<vmem>>) target(%dma_start3A_188 : memref<10240x128xf32, #tpu.memory_space<vmem_shared>>) offsets(%dma_start3A_185 : memref<128xi32, #tpu.memory_space<vmem>>) semaphore(%run_scoped3A_182 : memref<!tpu.dma_semaphore, #tpu.memory_space<semaphore_mem>>) {add = true}
        %dma_wait3A_189 = arith.constant 0 : i32
        %dma_wait3A_190 = tpu.memref_slice %arg7[%run_scoped3A_113, %dma_wait3A_189] : memref<8x128xi32, #tpu.memory_space<vmem>> -> memref<1x128xi32, #tpu.memory_space<vmem>>
        %dma_wait3A_191 = tpu.memref_squeeze %dma_wait3A_190 : memref<1x128xi32, #tpu.memory_space<vmem>> -> memref<128xi32, #tpu.memory_space<vmem>>
        %dma_wait3A_192 = arith.constant 0 : i32
        %dma_wait3A_193 = arith.constant 0 : i32
        %dma_wait3A_194 = tpu.memref_slice %arg10[%dma_wait3A_192, %dma_wait3A_193] : memref<10240x128xf32, #tpu.memory_space<vmem_shared>> -> memref<10240x128xf32, #tpu.memory_space<vmem_shared>>
        tpu.wait_indirect_dma semaphore(%run_scoped3A_182 : memref<!tpu.dma_semaphore, #tpu.memory_space<semaphore_mem>>) src(%arg8 : memref<128x128xf32, #tpu.memory_space<vmem>>) dst(%dma_wait3A_194 : memref<10240x128xf32, #tpu.memory_space<vmem_shared>>)
        tpu.yield
      }) : () -> ()
      %dma_start3A_114 = arith.constant 4 : i32
      %dma_start3A_115 = arith.constant 0 : i32
      %dma_start3A_116 = tpu.memref_slice %arg6[%dma_start3A_114, %dma_start3A_115] : memref<8x128xi32, #tpu.memory_space<vmem>> -> memref<1x128xi32, #tpu.memory_space<vmem>>
      %dma_start3A_117 = tpu.memref_squeeze %dma_start3A_116 : memref<1x128xi32, #tpu.memory_space<vmem>> -> memref<128xi32, #tpu.memory_space<vmem>>
      %dma_start3A_118 = arith.constant 0 : i32
      %dma_start3A_119 = arith.constant 0 : i32
      %dma_start3A_120 = tpu.memref_slice %arg2[%dma_start3A_118, %dma_start3A_119] : memref<10240x128xf32, #tpu.memory_space<hbm>> -> memref<10240x128xf32, #tpu.memory_space<hbm>>
      tpu.enqueue_indirect_dma source(%dma_start3A_120 : memref<10240x128xf32, #tpu.memory_space<hbm>>) target(%arg8 : memref<128x128xf32, #tpu.memory_space<vmem>>) offsets(%dma_start3A_117 : memref<128xi32, #tpu.memory_space<vmem>>) semaphore(%arg11 : memref<!tpu.dma_semaphore, #tpu.memory_space<semaphore_mem>>)
      %dma_wait3A_121 = arith.constant 3 : i32
      %dma_wait3A_122 = arith.constant 0 : i32
      %dma_wait3A_123 = tpu.memref_slice %arg6[%dma_wait3A_121, %dma_wait3A_122] : memref<8x128xi32, #tpu.memory_space<vmem>> -> memref<1x128xi32, #tpu.memory_space<vmem>>
      %dma_wait3A_124 = tpu.memref_squeeze %dma_wait3A_123 : memref<1x128xi32, #tpu.memory_space<vmem>> -> memref<128xi32, #tpu.memory_space<vmem>>
      %dma_wait3A_125 = arith.constant 0 : i32
      %dma_wait3A_126 = arith.constant 0 : i32
      %dma_wait3A_127 = tpu.memref_slice %arg2[%dma_wait3A_125, %dma_wait3A_126] : memref<10240x128xf32, #tpu.memory_space<hbm>> -> memref<10240x128xf32, #tpu.memory_space<hbm>>
      tpu.wait_indirect_dma semaphore(%arg12 : memref<!tpu.dma_semaphore, #tpu.memory_space<semaphore_mem>>) src(%dma_wait3A_127 : memref<10240x128xf32, #tpu.memory_space<hbm>>) dst(%arg9 : memref<128x128xf32, #tpu.memory_space<vmem>>)
      %run_scoped3A_128 = arith.constant 3 : i32
      "tpu.region"() ({
        %run_scoped3A_182 = tpu.sem_alloc : memref<!tpu.dma_semaphore, #tpu.memory_space<semaphore_mem>>
        %dma_start3A_183 = arith.constant 0 : i32
        %dma_start3A_184 = tpu.memref_slice %arg7[%run_scoped3A_128, %dma_start3A_183] : memref<8x128xi32, #tpu.memory_space<vmem>> -> memref<1x128xi32, #tpu.memory_space<vmem>>
        %dma_start3A_185 = tpu.memref_squeeze %dma_start3A_184 : memref<1x128xi32, #tpu.memory_space<vmem>> -> memref<128xi32, #tpu.memory_space<vmem>>
        %dma_start3A_186 = arith.constant 0 : i32
        %dma_start3A_187 = arith.constant 0 : i32
        %dma_start3A_188 = tpu.memref_slice %arg10[%dma_start3A_186, %dma_start3A_187] : memref<10240x128xf32, #tpu.memory_space<vmem_shared>> -> memref<10240x128xf32, #tpu.memory_space<vmem_shared>>
        tpu.enqueue_indirect_dma source(%arg9 : memref<128x128xf32, #tpu.memory_space<vmem>>) target(%dma_start3A_188 : memref<10240x128xf32, #tpu.memory_space<vmem_shared>>) offsets(%dma_start3A_185 : memref<128xi32, #tpu.memory_space<vmem>>) semaphore(%run_scoped3A_182 : memref<!tpu.dma_semaphore, #tpu.memory_space<semaphore_mem>>) {add = true}
        %dma_wait3A_189 = arith.constant 0 : i32
        %dma_wait3A_190 = tpu.memref_slice %arg7[%run_scoped3A_128, %dma_wait3A_189] : memref<8x128xi32, #tpu.memory_space<vmem>> -> memref<1x128xi32, #tpu.memory_space<vmem>>
        %dma_wait3A_191 = tpu.memref_squeeze %dma_wait3A_190 : memref<1x128xi32, #tpu.memory_space<vmem>> -> memref<128xi32, #tpu.memory_space<vmem>>
        %dma_wait3A_192 = arith.constant 0 : i32
        %dma_wait3A_193 = arith.constant 0 : i32
        %dma_wait3A_194 = tpu.memref_slice %arg10[%dma_wait3A_192, %dma_wait3A_193] : memref<10240x128xf32, #tpu.memory_space<vmem_shared>> -> memref<10240x128xf32, #tpu.memory_space<vmem_shared>>
        tpu.wait_indirect_dma semaphore(%run_scoped3A_182 : memref<!tpu.dma_semaphore, #tpu.memory_space<semaphore_mem>>) src(%arg9 : memref<128x128xf32, #tpu.memory_space<vmem>>) dst(%dma_wait3A_194 : memref<10240x128xf32, #tpu.memory_space<vmem_shared>>)
        tpu.yield
      }) : () -> ()
      %dma_start3A_129 = arith.constant 5 : i32
      %dma_start3A_130 = arith.constant 0 : i32
      %dma_start3A_131 = tpu.memref_slice %arg6[%dma_start3A_129, %dma_start3A_130] : memref<8x128xi32, #tpu.memory_space<vmem>> -> memref<1x128xi32, #tpu.memory_space<vmem>>
      %dma_start3A_132 = tpu.memref_squeeze %dma_start3A_131 : memref<1x128xi32, #tpu.memory_space<vmem>> -> memref<128xi32, #tpu.memory_space<vmem>>
      %dma_start3A_133 = arith.constant 0 : i32
      %dma_start3A_134 = arith.constant 0 : i32
      %dma_start3A_135 = tpu.memref_slice %arg2[%dma_start3A_133, %dma_start3A_134] : memref<10240x128xf32, #tpu.memory_space<hbm>> -> memref<10240x128xf32, #tpu.memory_space<hbm>>
      tpu.enqueue_indirect_dma source(%dma_start3A_135 : memref<10240x128xf32, #tpu.memory_space<hbm>>) target(%arg9 : memref<128x128xf32, #tpu.memory_space<vmem>>) offsets(%dma_start3A_132 : memref<128xi32, #tpu.memory_space<vmem>>) semaphore(%arg12 : memref<!tpu.dma_semaphore, #tpu.memory_space<semaphore_mem>>)
      %dma_wait3A_136 = arith.constant 4 : i32
      %dma_wait3A_137 = arith.constant 0 : i32
      %dma_wait3A_138 = tpu.memref_slice %arg6[%dma_wait3A_136, %dma_wait3A_137] : memref<8x128xi32, #tpu.memory_space<vmem>> -> memref<1x128xi32, #tpu.memory_space<vmem>>
      %dma_wait3A_139 = tpu.memref_squeeze %dma_wait3A_138 : memref<1x128xi32, #tpu.memory_space<vmem>> -> memref<128xi32, #tpu.memory_space<vmem>>
      %dma_wait3A_140 = arith.constant 0 : i32
      %dma_wait3A_141 = arith.constant 0 : i32
      %dma_wait3A_142 = tpu.memref_slice %arg2[%dma_wait3A_140, %dma_wait3A_141] : memref<10240x128xf32, #tpu.memory_space<hbm>> -> memref<10240x128xf32, #tpu.memory_space<hbm>>
      tpu.wait_indirect_dma semaphore(%arg11 : memref<!tpu.dma_semaphore, #tpu.memory_space<semaphore_mem>>) src(%dma_wait3A_142 : memref<10240x128xf32, #tpu.memory_space<hbm>>) dst(%arg8 : memref<128x128xf32, #tpu.memory_space<vmem>>)
      %run_scoped3A_143 = arith.constant 4 : i32
      "tpu.region"() ({
        %run_scoped3A_182 = tpu.sem_alloc : memref<!tpu.dma_semaphore, #tpu.memory_space<semaphore_mem>>
        %dma_start3A_183 = arith.constant 0 : i32
        %dma_start3A_184 = tpu.memref_slice %arg7[%run_scoped3A_143, %dma_start3A_183] : memref<8x128xi32, #tpu.memory_space<vmem>> -> memref<1x128xi32, #tpu.memory_space<vmem>>
        %dma_start3A_185 = tpu.memref_squeeze %dma_start3A_184 : memref<1x128xi32, #tpu.memory_space<vmem>> -> memref<128xi32, #tpu.memory_space<vmem>>
        %dma_start3A_186 = arith.constant 0 : i32
        %dma_start3A_187 = arith.constant 0 : i32
        %dma_start3A_188 = tpu.memref_slice %arg10[%dma_start3A_186, %dma_start3A_187] : memref<10240x128xf32, #tpu.memory_space<vmem_shared>> -> memref<10240x128xf32, #tpu.memory_space<vmem_shared>>
        tpu.enqueue_indirect_dma source(%arg8 : memref<128x128xf32, #tpu.memory_space<vmem>>) target(%dma_start3A_188 : memref<10240x128xf32, #tpu.memory_space<vmem_shared>>) offsets(%dma_start3A_185 : memref<128xi32, #tpu.memory_space<vmem>>) semaphore(%run_scoped3A_182 : memref<!tpu.dma_semaphore, #tpu.memory_space<semaphore_mem>>) {add = true}
        %dma_wait3A_189 = arith.constant 0 : i32
        %dma_wait3A_190 = tpu.memref_slice %arg7[%run_scoped3A_143, %dma_wait3A_189] : memref<8x128xi32, #tpu.memory_space<vmem>> -> memref<1x128xi32, #tpu.memory_space<vmem>>
        %dma_wait3A_191 = tpu.memref_squeeze %dma_wait3A_190 : memref<1x128xi32, #tpu.memory_space<vmem>> -> memref<128xi32, #tpu.memory_space<vmem>>
        %dma_wait3A_192 = arith.constant 0 : i32
        %dma_wait3A_193 = arith.constant 0 : i32
        %dma_wait3A_194 = tpu.memref_slice %arg10[%dma_wait3A_192, %dma_wait3A_193] : memref<10240x128xf32, #tpu.memory_space<vmem_shared>> -> memref<10240x128xf32, #tpu.memory_space<vmem_shared>>
        tpu.wait_indirect_dma semaphore(%run_scoped3A_182 : memref<!tpu.dma_semaphore, #tpu.memory_space<semaphore_mem>>) src(%arg8 : memref<128x128xf32, #tpu.memory_space<vmem>>) dst(%dma_wait3A_194 : memref<10240x128xf32, #tpu.memory_space<vmem_shared>>)
        tpu.yield
      }) : () -> ()
      %dma_start3A_144 = arith.constant 6 : i32
      %dma_start3A_145 = arith.constant 0 : i32
      %dma_start3A_146 = tpu.memref_slice %arg6[%dma_start3A_144, %dma_start3A_145] : memref<8x128xi32, #tpu.memory_space<vmem>> -> memref<1x128xi32, #tpu.memory_space<vmem>>
      %dma_start3A_147 = tpu.memref_squeeze %dma_start3A_146 : memref<1x128xi32, #tpu.memory_space<vmem>> -> memref<128xi32, #tpu.memory_space<vmem>>
      %dma_start3A_148 = arith.constant 0 : i32
      %dma_start3A_149 = arith.constant 0 : i32
      %dma_start3A_150 = tpu.memref_slice %arg2[%dma_start3A_148, %dma_start3A_149] : memref<10240x128xf32, #tpu.memory_space<hbm>> -> memref<10240x128xf32, #tpu.memory_space<hbm>>
      tpu.enqueue_indirect_dma source(%dma_start3A_150 : memref<10240x128xf32, #tpu.memory_space<hbm>>) target(%arg8 : memref<128x128xf32, #tpu.memory_space<vmem>>) offsets(%dma_start3A_147 : memref<128xi32, #tpu.memory_space<vmem>>) semaphore(%arg11 : memref<!tpu.dma_semaphore, #tpu.memory_space<semaphore_mem>>)
      %dma_wait3A_151 = arith.constant 5 : i32
      %dma_wait3A_152 = arith.constant 0 : i32
      %dma_wait3A_153 = tpu.memref_slice %arg6[%dma_wait3A_151, %dma_wait3A_152] : memref<8x128xi32, #tpu.memory_space<vmem>> -> memref<1x128xi32, #tpu.memory_space<vmem>>
      %dma_wait3A_154 = tpu.memref_squeeze %dma_wait3A_153 : memref<1x128xi32, #tpu.memory_space<vmem>> -> memref<128xi32, #tpu.memory_space<vmem>>
      %dma_wait3A_155 = arith.constant 0 : i32
      %dma_wait3A_156 = arith.constant 0 : i32
      %dma_wait3A_157 = tpu.memref_slice %arg2[%dma_wait3A_155, %dma_wait3A_156] : memref<10240x128xf32, #tpu.memory_space<hbm>> -> memref<10240x128xf32, #tpu.memory_space<hbm>>
      tpu.wait_indirect_dma semaphore(%arg12 : memref<!tpu.dma_semaphore, #tpu.memory_space<semaphore_mem>>) src(%dma_wait3A_157 : memref<10240x128xf32, #tpu.memory_space<hbm>>) dst(%arg9 : memref<128x128xf32, #tpu.memory_space<vmem>>)
      %run_scoped3A_158 = arith.constant 5 : i32
      "tpu.region"() ({
        %run_scoped3A_182 = tpu.sem_alloc : memref<!tpu.dma_semaphore, #tpu.memory_space<semaphore_mem>>
        %dma_start3A_183 = arith.constant 0 : i32
        %dma_start3A_184 = tpu.memref_slice %arg7[%run_scoped3A_158, %dma_start3A_183] : memref<8x128xi32, #tpu.memory_space<vmem>> -> memref<1x128xi32, #tpu.memory_space<vmem>>
        %dma_start3A_185 = tpu.memref_squeeze %dma_start3A_184 : memref<1x128xi32, #tpu.memory_space<vmem>> -> memref<128xi32, #tpu.memory_space<vmem>>
        %dma_start3A_186 = arith.constant 0 : i32
        %dma_start3A_187 = arith.constant 0 : i32
        %dma_start3A_188 = tpu.memref_slice %arg10[%dma_start3A_186, %dma_start3A_187] : memref<10240x128xf32, #tpu.memory_space<vmem_shared>> -> memref<10240x128xf32, #tpu.memory_space<vmem_shared>>
        tpu.enqueue_indirect_dma source(%arg9 : memref<128x128xf32, #tpu.memory_space<vmem>>) target(%dma_start3A_188 : memref<10240x128xf32, #tpu.memory_space<vmem_shared>>) offsets(%dma_start3A_185 : memref<128xi32, #tpu.memory_space<vmem>>) semaphore(%run_scoped3A_182 : memref<!tpu.dma_semaphore, #tpu.memory_space<semaphore_mem>>) {add = true}
        %dma_wait3A_189 = arith.constant 0 : i32
        %dma_wait3A_190 = tpu.memref_slice %arg7[%run_scoped3A_158, %dma_wait3A_189] : memref<8x128xi32, #tpu.memory_space<vmem>> -> memref<1x128xi32, #tpu.memory_space<vmem>>
        %dma_wait3A_191 = tpu.memref_squeeze %dma_wait3A_190 : memref<1x128xi32, #tpu.memory_space<vmem>> -> memref<128xi32, #tpu.memory_space<vmem>>
        %dma_wait3A_192 = arith.constant 0 : i32
        %dma_wait3A_193 = arith.constant 0 : i32
        %dma_wait3A_194 = tpu.memref_slice %arg10[%dma_wait3A_192, %dma_wait3A_193] : memref<10240x128xf32, #tpu.memory_space<vmem_shared>> -> memref<10240x128xf32, #tpu.memory_space<vmem_shared>>
        tpu.wait_indirect_dma semaphore(%run_scoped3A_182 : memref<!tpu.dma_semaphore, #tpu.memory_space<semaphore_mem>>) src(%arg9 : memref<128x128xf32, #tpu.memory_space<vmem>>) dst(%dma_wait3A_194 : memref<10240x128xf32, #tpu.memory_space<vmem_shared>>)
        tpu.yield
      }) : () -> ()
      %dma_start3A_159 = arith.constant 7 : i32
      %dma_start3A_160 = arith.constant 0 : i32
      %dma_start3A_161 = tpu.memref_slice %arg6[%dma_start3A_159, %dma_start3A_160] : memref<8x128xi32, #tpu.memory_space<vmem>> -> memref<1x128xi32, #tpu.memory_space<vmem>>
      %dma_start3A_162 = tpu.memref_squeeze %dma_start3A_161 : memref<1x128xi32, #tpu.memory_space<vmem>> -> memref<128xi32, #tpu.memory_space<vmem>>
      %dma_start3A_163 = arith.constant 0 : i32
      %dma_start3A_164 = arith.constant 0 : i32
      %dma_start3A_165 = tpu.memref_slice %arg2[%dma_start3A_163, %dma_start3A_164] : memref<10240x128xf32, #tpu.memory_space<hbm>> -> memref<10240x128xf32, #tpu.memory_space<hbm>>
      tpu.enqueue_indirect_dma source(%dma_start3A_165 : memref<10240x128xf32, #tpu.memory_space<hbm>>) target(%arg9 : memref<128x128xf32, #tpu.memory_space<vmem>>) offsets(%dma_start3A_162 : memref<128xi32, #tpu.memory_space<vmem>>) semaphore(%arg12 : memref<!tpu.dma_semaphore, #tpu.memory_space<semaphore_mem>>)
      %dma_wait3A_166 = arith.constant 6 : i32
      %dma_wait3A_167 = arith.constant 0 : i32
      %dma_wait3A_168 = tpu.memref_slice %arg6[%dma_wait3A_166, %dma_wait3A_167] : memref<8x128xi32, #tpu.memory_space<vmem>> -> memref<1x128xi32, #tpu.memory_space<vmem>>
      %dma_wait3A_169 = tpu.memref_squeeze %dma_wait3A_168 : memref<1x128xi32, #tpu.memory_space<vmem>> -> memref<128xi32, #tpu.memory_space<vmem>>
      %dma_wait3A_170 = arith.constant 0 : i32
      %dma_wait3A_171 = arith.constant 0 : i32
      %dma_wait3A_172 = tpu.memref_slice %arg2[%dma_wait3A_170, %dma_wait3A_171] : memref<10240x128xf32, #tpu.memory_space<hbm>> -> memref<10240x128xf32, #tpu.memory_space<hbm>>
      tpu.wait_indirect_dma semaphore(%arg11 : memref<!tpu.dma_semaphore, #tpu.memory_space<semaphore_mem>>) src(%dma_wait3A_172 : memref<10240x128xf32, #tpu.memory_space<hbm>>) dst(%arg8 : memref<128x128xf32, #tpu.memory_space<vmem>>)
      %run_scoped3A_173 = arith.constant 6 : i32
      "tpu.region"() ({
        %run_scoped3A_182 = tpu.sem_alloc : memref<!tpu.dma_semaphore, #tpu.memory_space<semaphore_mem>>
        %dma_start3A_183 = arith.constant 0 : i32
        %dma_start3A_184 = tpu.memref_slice %arg7[%run_scoped3A_173, %dma_start3A_183] : memref<8x128xi32, #tpu.memory_space<vmem>> -> memref<1x128xi32, #tpu.memory_space<vmem>>
        %dma_start3A_185 = tpu.memref_squeeze %dma_start3A_184 : memref<1x128xi32, #tpu.memory_space<vmem>> -> memref<128xi32, #tpu.memory_space<vmem>>
        %dma_start3A_186 = arith.constant 0 : i32
        %dma_start3A_187 = arith.constant 0 : i32
        %dma_start3A_188 = tpu.memref_slice %arg10[%dma_start3A_186, %dma_start3A_187] : memref<10240x128xf32, #tpu.memory_space<vmem_shared>> -> memref<10240x128xf32, #tpu.memory_space<vmem_shared>>
        tpu.enqueue_indirect_dma source(%arg8 : memref<128x128xf32, #tpu.memory_space<vmem>>) target(%dma_start3A_188 : memref<10240x128xf32, #tpu.memory_space<vmem_shared>>) offsets(%dma_start3A_185 : memref<128xi32, #tpu.memory_space<vmem>>) semaphore(%run_scoped3A_182 : memref<!tpu.dma_semaphore, #tpu.memory_space<semaphore_mem>>) {add = true}
        %dma_wait3A_189 = arith.constant 0 : i32
        %dma_wait3A_190 = tpu.memref_slice %arg7[%run_scoped3A_173, %dma_wait3A_189] : memref<8x128xi32, #tpu.memory_space<vmem>> -> memref<1x128xi32, #tpu.memory_space<vmem>>
        %dma_wait3A_191 = tpu.memref_squeeze %dma_wait3A_190 : memref<1x128xi32, #tpu.memory_space<vmem>> -> memref<128xi32, #tpu.memory_space<vmem>>
        %dma_wait3A_192 = arith.constant 0 : i32
        %dma_wait3A_193 = arith.constant 0 : i32
        %dma_wait3A_194 = tpu.memref_slice %arg10[%dma_wait3A_192, %dma_wait3A_193] : memref<10240x128xf32, #tpu.memory_space<vmem_shared>> -> memref<10240x128xf32, #tpu.memory_space<vmem_shared>>
        tpu.wait_indirect_dma semaphore(%run_scoped3A_182 : memref<!tpu.dma_semaphore, #tpu.memory_space<semaphore_mem>>) src(%arg8 : memref<128x128xf32, #tpu.memory_space<vmem>>) dst(%dma_wait3A_194 : memref<10240x128xf32, #tpu.memory_space<vmem_shared>>)
        tpu.yield
      }) : () -> ()
      %dma_wait3A_174 = arith.constant 7 : i32
      %dma_wait3A_175 = arith.constant 0 : i32
      %dma_wait3A_176 = tpu.memref_slice %arg6[%dma_wait3A_174, %dma_wait3A_175] : memref<8x128xi32, #tpu.memory_space<vmem>> -> memref<1x128xi32, #tpu.memory_space<vmem>>
      %dma_wait3A_177 = tpu.memref_squeeze %dma_wait3A_176 : memref<1x128xi32, #tpu.memory_space<vmem>> -> memref<128xi32, #tpu.memory_space<vmem>>
      %dma_wait3A_178 = arith.constant 0 : i32
      %dma_wait3A_179 = arith.constant 0 : i32
      %dma_wait3A_180 = tpu.memref_slice %arg2[%dma_wait3A_178, %dma_wait3A_179] : memref<10240x128xf32, #tpu.memory_space<hbm>> -> memref<10240x128xf32, #tpu.memory_space<hbm>>
      tpu.wait_indirect_dma semaphore(%arg12 : memref<!tpu.dma_semaphore, #tpu.memory_space<semaphore_mem>>) src(%dma_wait3A_180 : memref<10240x128xf32, #tpu.memory_space<hbm>>) dst(%arg9 : memref<128x128xf32, #tpu.memory_space<vmem>>)
      %run_scoped3A_181 = arith.constant 7 : i32
      "tpu.region"() ({
        %run_scoped3A_182 = tpu.sem_alloc : memref<!tpu.dma_semaphore, #tpu.memory_space<semaphore_mem>>
        %dma_start3A_183 = arith.constant 0 : i32
        %dma_start3A_184 = tpu.memref_slice %arg7[%run_scoped3A_181, %dma_start3A_183] : memref<8x128xi32, #tpu.memory_space<vmem>> -> memref<1x128xi32, #tpu.memory_space<vmem>>
        %dma_start3A_185 = tpu.memref_squeeze %dma_start3A_184 : memref<1x128xi32, #tpu.memory_space<vmem>> -> memref<128xi32, #tpu.memory_space<vmem>>
        %dma_start3A_186 = arith.constant 0 : i32
        %dma_start3A_187 = arith.constant 0 : i32
        %dma_start3A_188 = tpu.memref_slice %arg10[%dma_start3A_186, %dma_start3A_187] : memref<10240x128xf32, #tpu.memory_space<vmem_shared>> -> memref<10240x128xf32, #tpu.memory_space<vmem_shared>>
        tpu.enqueue_indirect_dma source(%arg9 : memref<128x128xf32, #tpu.memory_space<vmem>>) target(%dma_start3A_188 : memref<10240x128xf32, #tpu.memory_space<vmem_shared>>) offsets(%dma_start3A_185 : memref<128xi32, #tpu.memory_space<vmem>>) semaphore(%run_scoped3A_182 : memref<!tpu.dma_semaphore, #tpu.memory_space<semaphore_mem>>) {add = true}
        %dma_wait3A_189 = arith.constant 0 : i32
        %dma_wait3A_190 = tpu.memref_slice %arg7[%run_scoped3A_181, %dma_wait3A_189] : memref<8x128xi32, #tpu.memory_space<vmem>> -> memref<1x128xi32, #tpu.memory_space<vmem>>
        %dma_wait3A_191 = tpu.memref_squeeze %dma_wait3A_190 : memref<1x128xi32, #tpu.memory_space<vmem>> -> memref<128xi32, #tpu.memory_space<vmem>>
        %dma_wait3A_192 = arith.constant 0 : i32
        %dma_wait3A_193 = arith.constant 0 : i32
        %dma_wait3A_194 = tpu.memref_slice %arg10[%dma_wait3A_192, %dma_wait3A_193] : memref<10240x128xf32, #tpu.memory_space<vmem_shared>> -> memref<10240x128xf32, #tpu.memory_space<vmem_shared>>
        tpu.wait_indirect_dma semaphore(%run_scoped3A_182 : memref<!tpu.dma_semaphore, #tpu.memory_space<semaphore_mem>>) src(%arg9 : memref<128x128xf32, #tpu.memory_space<vmem>>) dst(%dma_wait3A_194 : memref<10240x128xf32, #tpu.memory_space<vmem_shared>>)
        tpu.yield
      }) : () -> ()
    }
    %while3A_56 = arith.constant 1 : i32
    scf.for %while3A_58 = %while3A_54 to %while3A_50 step %while3A_56  : i32 {
      %add3A_59 = arith.addi %add3A_23, %while3A_58 : i32
      %mul3A_60 = arith.constant 8 : i32
      %mul3A_61 = arith.muli %add3A_59, %mul3A_60 : i32
      "tpu.region"() ({
        %run_scoped3A_182 = tpu.sem_alloc : memref<!tpu.dma_semaphore, #tpu.memory_space<semaphore_mem>>
        %dma_start3A_183 = arith.constant 0 : i32
        %dma_start3A_184 = tpu.memref_slice %arg3[%mul3A_61, %dma_start3A_183] : memref<2560x128xi32, #tpu.memory_space<hbm>> -> memref<8x128xi32, #tpu.memory_space<hbm>>
        %dma_start3A_185 = arith.constant 0 : i32
        %dma_start3A_186 = tpu.memref_slice %arg3[%mul3A_61, %dma_start3A_185] : memref<2560x128xi32, #tpu.memory_space<hbm>> -> memref<8x128xi32, #tpu.memory_space<hbm>>
        tpu.enqueue_dma source(%dma_start3A_186 : memref<8x128xi32, #tpu.memory_space<hbm>>) target(%arg6 : memref<8x128xi32, #tpu.memory_space<vmem>>) target_semaphore(%run_scoped3A_182 : memref<!tpu.dma_semaphore, #tpu.memory_space<semaphore_mem>>)
        %dma_wait3A_187 = arith.constant 0 : i32
        %dma_wait3A_188 = tpu.memref_slice %arg3[%mul3A_61, %dma_wait3A_187] : memref<2560x128xi32, #tpu.memory_space<hbm>> -> memref<8x128xi32, #tpu.memory_space<hbm>>
        %dma_wait3A_189 = arith.constant 0 : i32
        %dma_wait3A_190 = tpu.memref_slice %arg3[%mul3A_61, %dma_wait3A_189] : memref<2560x128xi32, #tpu.memory_space<hbm>> -> memref<8x128xi32, #tpu.memory_space<hbm>>
        tpu.wait_dma2 semaphore(%run_scoped3A_182 : memref<!tpu.dma_semaphore, #tpu.memory_space<semaphore_mem>>) src(%dma_wait3A_190 : memref<8x128xi32, #tpu.memory_space<hbm>>) dst(%arg6 : memref<8x128xi32, #tpu.memory_space<vmem>>)
        tpu.yield
      }) : () -> ()
      %add3A_62 = arith.addi %add3A_23, %while3A_58 : i32
      %mul3A_63 = arith.constant 8 : i32
      %mul3A_64 = arith.muli %add3A_62, %mul3A_63 : i32
      "tpu.region"() ({
        %run_scoped3A_182 = tpu.sem_alloc : memref<!tpu.dma_semaphore, #tpu.memory_space<semaphore_mem>>
        %dma_start3A_183 = arith.constant 0 : i32
        %dma_start3A_184 = tpu.memref_slice %arg4[%mul3A_64, %dma_start3A_183] : memref<2560x128xi32, #tpu.memory_space<hbm>> -> memref<8x128xi32, #tpu.memory_space<hbm>>
        %dma_start3A_185 = arith.constant 0 : i32
        %dma_start3A_186 = tpu.memref_slice %arg4[%mul3A_64, %dma_start3A_185] : memref<2560x128xi32, #tpu.memory_space<hbm>> -> memref<8x128xi32, #tpu.memory_space<hbm>>
        tpu.enqueue_dma source(%dma_start3A_186 : memref<8x128xi32, #tpu.memory_space<hbm>>) target(%arg7 : memref<8x128xi32, #tpu.memory_space<vmem>>) target_semaphore(%run_scoped3A_182 : memref<!tpu.dma_semaphore, #tpu.memory_space<semaphore_mem>>)
        %dma_wait3A_187 = arith.constant 0 : i32
        %dma_wait3A_188 = tpu.memref_slice %arg4[%mul3A_64, %dma_wait3A_187] : memref<2560x128xi32, #tpu.memory_space<hbm>> -> memref<8x128xi32, #tpu.memory_space<hbm>>
        %dma_wait3A_189 = arith.constant 0 : i32
        %dma_wait3A_190 = tpu.memref_slice %arg4[%mul3A_64, %dma_wait3A_189] : memref<2560x128xi32, #tpu.memory_space<hbm>> -> memref<8x128xi32, #tpu.memory_space<hbm>>
        tpu.wait_dma2 semaphore(%run_scoped3A_182 : memref<!tpu.dma_semaphore, #tpu.memory_space<semaphore_mem>>) src(%dma_wait3A_190 : memref<8x128xi32, #tpu.memory_space<hbm>>) dst(%arg7 : memref<8x128xi32, #tpu.memory_space<vmem>>)
        tpu.yield
      }) : () -> ()
      %dma_start3A = arith.constant 0 : i32
      %dma_start3A_65 = arith.constant 0 : i32
      %dma_start3A_66 = tpu.memref_slice %arg6[%dma_start3A, %dma_start3A_65] : memref<8x128xi32, #tpu.memory_space<vmem>> -> memref<1x128xi32, #tpu.memory_space<vmem>>
      %dma_start3A_67 = tpu.memref_squeeze %dma_start3A_66 : memref<1x128xi32, #tpu.memory_space<vmem>> -> memref<128xi32, #tpu.memory_space<vmem>>
      %dma_start3A_68 = arith.constant 0 : i32
      %dma_start3A_69 = arith.constant 0 : i32
      %dma_start3A_70 = tpu.memref_slice %arg2[%dma_start3A_68, %dma_start3A_69] : memref<10240x128xf32, #tpu.memory_space<hbm>> -> memref<10240x128xf32, #tpu.memory_space<hbm>>
      tpu.enqueue_indirect_dma source(%dma_start3A_70 : memref<10240x128xf32, #tpu.memory_space<hbm>>) target(%arg8 : memref<128x128xf32, #tpu.memory_space<vmem>>) offsets(%dma_start3A_67 : memref<128xi32, #tpu.memory_space<vmem>>) semaphore(%arg11 : memref<!tpu.dma_semaphore, #tpu.memory_space<semaphore_mem>>)
      %dma_start3A_71 = arith.constant 1 : i32
      %dma_start3A_72 = arith.constant 0 : i32
      %dma_start3A_73 = tpu.memref_slice %arg6[%dma_start3A_71, %dma_start3A_72] : memref<8x128xi32, #tpu.memory_space<vmem>> -> memref<1x128xi32, #tpu.memory_space<vmem>>
      %dma_start3A_74 = tpu.memref_squeeze %dma_start3A_73 : memref<1x128xi32, #tpu.memory_space<vmem>> -> memref<128xi32, #tpu.memory_space<vmem>>
      %dma_start3A_75 = arith.constant 0 : i32
      %dma_start3A_76 = arith.constant 0 : i32
      %dma_start3A_77 = tpu.memref_slice %arg2[%dma_start3A_75, %dma_start3A_76] : memref<10240x128xf32, #tpu.memory_space<hbm>> -> memref<10240x128xf32, #tpu.memory_space<hbm>>
      tpu.enqueue_indirect_dma source(%dma_start3A_77 : memref<10240x128xf32, #tpu.memory_space<hbm>>) target(%arg9 : memref<128x128xf32, #tpu.memory_space<vmem>>) offsets(%dma_start3A_74 : memref<128xi32, #tpu.memory_space<vmem>>) semaphore(%arg12 : memref<!tpu.dma_semaphore, #tpu.memory_space<semaphore_mem>>)
      %dma_wait3A = arith.constant 0 : i32
      %dma_wait3A_78 = arith.constant 0 : i32
      %dma_wait3A_79 = tpu.memref_slice %arg6[%dma_wait3A, %dma_wait3A_78] : memref<8x128xi32, #tpu.memory_space<vmem>> -> memref<1x128xi32, #tpu.memory_space<vmem>>
      %dma_wait3A_80 = tpu.memref_squeeze %dma_wait3A_79 : memref<1x128xi32, #tpu.memory_space<vmem>> -> memref<128xi32, #tpu.memory_space<vmem>>
      %dma_wait3A_81 = arith.constant 0 : i32
      %dma_wait3A_82 = arith.constant 0 : i32
      %dma_wait3A_83 = tpu.memref_slice %arg2[%dma_wait3A_81, %dma_wait3A_82] : memref<10240x128xf32, #tpu.memory_space<hbm>> -> memref<10240x128xf32, #tpu.memory_space<hbm>>
      tpu.wait_indirect_dma semaphore(%arg11 : memref<!tpu.dma_semaphore, #tpu.memory_space<semaphore_mem>>) src(%dma_wait3A_83 : memref<10240x128xf32, #tpu.memory_space<hbm>>) dst(%arg8 : memref<128x128xf32, #tpu.memory_space<vmem>>)
      %run_scoped3A = arith.constant 0 : i32
      "tpu.region"() ({
        %run_scoped3A_182 = tpu.sem_alloc : memref<!tpu.dma_semaphore, #tpu.memory_space<semaphore_mem>>
        %dma_start3A_183 = arith.constant 0 : i32
        %dma_start3A_184 = tpu.memref_slice %arg7[%run_scoped3A, %dma_start3A_183] : memref<8x128xi32, #tpu.memory_space<vmem>> -> memref<1x128xi32, #tpu.memory_space<vmem>>
        %dma_start3A_185 = tpu.memref_squeeze %dma_start3A_184 : memref<1x128xi32, #tpu.memory_space<vmem>> -> memref<128xi32, #tpu.memory_space<vmem>>
        %dma_start3A_186 = arith.constant 0 : i32
        %dma_start3A_187 = arith.constant 0 : i32
        %dma_start3A_188 = tpu.memref_slice %arg10[%dma_start3A_186, %dma_start3A_187] : memref<10240x128xf32, #tpu.memory_space<vmem_shared>> -> memref<10240x128xf32, #tpu.memory_space<vmem_shared>>
        tpu.enqueue_indirect_dma source(%arg8 : memref<128x128xf32, #tpu.memory_space<vmem>>) target(%dma_start3A_188 : memref<10240x128xf32, #tpu.memory_space<vmem_shared>>) offsets(%dma_start3A_185 : memref<128xi32, #tpu.memory_space<vmem>>) semaphore(%run_scoped3A_182 : memref<!tpu.dma_semaphore, #tpu.memory_space<semaphore_mem>>) {add = true}
        %dma_wait3A_189 = arith.constant 0 : i32
        %dma_wait3A_190 = tpu.memref_slice %arg7[%run_scoped3A, %dma_wait3A_189] : memref<8x128xi32, #tpu.memory_space<vmem>> -> memref<1x128xi32, #tpu.memory_space<vmem>>
        %dma_wait3A_191 = tpu.memref_squeeze %dma_wait3A_190 : memref<1x128xi32, #tpu.memory_space<vmem>> -> memref<128xi32, #tpu.memory_space<vmem>>
        %dma_wait3A_192 = arith.constant 0 : i32
        %dma_wait3A_193 = arith.constant 0 : i32
        %dma_wait3A_194 = tpu.memref_slice %arg10[%dma_wait3A_192, %dma_wait3A_193] : memref<10240x128xf32, #tpu.memory_space<vmem_shared>> -> memref<10240x128xf32, #tpu.memory_space<vmem_shared>>
        tpu.wait_indirect_dma semaphore(%run_scoped3A_182 : memref<!tpu.dma_semaphore, #tpu.memory_space<semaphore_mem>>) src(%arg8 : memref<128x128xf32, #tpu.memory_space<vmem>>) dst(%dma_wait3A_194 : memref<10240x128xf32, #tpu.memory_space<vmem_shared>>)
        tpu.yield
      }) : () -> ()
      %dma_start3A_84 = arith.constant 2 : i32
      %dma_start3A_85 = arith.constant 0 : i32
      %dma_start3A_86 = tpu.memref_slice %arg6[%dma_start3A_84, %dma_start3A_85] : memref<8x128xi32, #tpu.memory_space<vmem>> -> memref<1x128xi32, #tpu.memory_space<vmem>>
      %dma_start3A_87 = tpu.memref_squeeze %dma_start3A_86 : memref<1x128xi32, #tpu.memory_space<vmem>> -> memref<128xi32, #tpu.memory_space<vmem>>
      %dma_start3A_88 = arith.constant 0 : i32
      %dma_start3A_89 = arith.constant 0 : i32
      %dma_start3A_90 = tpu.memref_slice %arg2[%dma_start3A_88, %dma_start3A_89] : memref<10240x128xf32, #tpu.memory_space<hbm>> -> memref<10240x128xf32, #tpu.memory_space<hbm>>
      tpu.enqueue_indirect_dma source(%dma_start3A_90 : memref<10240x128xf32, #tpu.memory_space<hbm>>) target(%arg8 : memref<128x128xf32, #tpu.memory_space<vmem>>) offsets(%dma_start3A_87 : memref<128xi32, #tpu.memory_space<vmem>>) semaphore(%arg11 : memref<!tpu.dma_semaphore, #tpu.memory_space<semaphore_mem>>)
      %dma_wait3A_91 = arith.constant 1 : i32
      %dma_wait3A_92 = arith.constant 0 : i32
      %dma_wait3A_93 = tpu.memref_slice %arg6[%dma_wait3A_91, %dma_wait3A_92] : memref<8x128xi32, #tpu.memory_space<vmem>> -> memref<1x128xi32, #tpu.memory_space<vmem>>
      %dma_wait3A_94 = tpu.memref_squeeze %dma_wait3A_93 : memref<1x128xi32, #tpu.memory_space<vmem>> -> memref<128xi32, #tpu.memory_space<vmem>>
      %dma_wait3A_95 = arith.constant 0 : i32
      %dma_wait3A_96 = arith.constant 0 : i32
      %dma_wait3A_97 = tpu.memref_slice %arg2[%dma_wait3A_95, %dma_wait3A_96] : memref<10240x128xf32, #tpu.memory_space<hbm>> -> memref<10240x128xf32, #tpu.memory_space<hbm>>
      tpu.wait_indirect_dma semaphore(%arg12 : memref<!tpu.dma_semaphore, #tpu.memory_space<semaphore_mem>>) src(%dma_wait3A_97 : memref<10240x128xf32, #tpu.memory_space<hbm>>) dst(%arg9 : memref<128x128xf32, #tpu.memory_space<vmem>>)
      %run_scoped3A_98 = arith.constant 1 : i32
      "tpu.region"() ({
        %run_scoped3A_182 = tpu.sem_alloc : memref<!tpu.dma_semaphore, #tpu.memory_space<semaphore_mem>>
        %dma_start3A_183 = arith.constant 0 : i32
        %dma_start3A_184 = tpu.memref_slice %arg7[%run_scoped3A_98, %dma_start3A_183] : memref<8x128xi32, #tpu.memory_space<vmem>> -> memref<1x128xi32, #tpu.memory_space<vmem>>
        %dma_start3A_185 = tpu.memref_squeeze %dma_start3A_184 : memref<1x128xi32, #tpu.memory_space<vmem>> -> memref<128xi32, #tpu.memory_space<vmem>>
        %dma_start3A_186 = arith.constant 0 : i32
        %dma_start3A_187 = arith.constant 0 : i32
        %dma_start3A_188 = tpu.memref_slice %arg10[%dma_start3A_186, %dma_start3A_187] : memref<10240x128xf32, #tpu.memory_space<vmem_shared>> -> memref<10240x128xf32, #tpu.memory_space<vmem_shared>>
        tpu.enqueue_indirect_dma source(%arg9 : memref<128x128xf32, #tpu.memory_space<vmem>>) target(%dma_start3A_188 : memref<10240x128xf32, #tpu.memory_space<vmem_shared>>) offsets(%dma_start3A_185 : memref<128xi32, #tpu.memory_space<vmem>>) semaphore(%run_scoped3A_182 : memref<!tpu.dma_semaphore, #tpu.memory_space<semaphore_mem>>) {add = true}
        %dma_wait3A_189 = arith.constant 0 : i32
        %dma_wait3A_190 = tpu.memref_slice %arg7[%run_scoped3A_98, %dma_wait3A_189] : memref<8x128xi32, #tpu.memory_space<vmem>> -> memref<1x128xi32, #tpu.memory_space<vmem>>
        %dma_wait3A_191 = tpu.memref_squeeze %dma_wait3A_190 : memref<1x128xi32, #tpu.memory_space<vmem>> -> memref<128xi32, #tpu.memory_space<vmem>>
        %dma_wait3A_192 = arith.constant 0 : i32
        %dma_wait3A_193 = arith.constant 0 : i32
        %dma_wait3A_194 = tpu.memref_slice %arg10[%dma_wait3A_192, %dma_wait3A_193] : memref<10240x128xf32, #tpu.memory_space<vmem_shared>> -> memref<10240x128xf32, #tpu.memory_space<vmem_shared>>
        tpu.wait_indirect_dma semaphore(%run_scoped3A_182 : memref<!tpu.dma_semaphore, #tpu.memory_space<semaphore_mem>>) src(%arg9 : memref<128x128xf32, #tpu.memory_space<vmem>>) dst(%dma_wait3A_194 : memref<10240x128xf32, #tpu.memory_space<vmem_shared>>)
        tpu.yield
      }) : () -> ()
      %dma_start3A_99 = arith.constant 3 : i32
      %dma_start3A_100 = arith.constant 0 : i32
      %dma_start3A_101 = tpu.memref_slice %arg6[%dma_start3A_99, %dma_start3A_100] : memref<8x128xi32, #tpu.memory_space<vmem>> -> memref<1x128xi32, #tpu.memory_space<vmem>>
      %dma_start3A_102 = tpu.memref_squeeze %dma_start3A_101 : memref<1x128xi32, #tpu.memory_space<vmem>> -> memref<128xi32, #tpu.memory_space<vmem>>
      %dma_start3A_103 = arith.constant 0 : i32
      %dma_start3A_104 = arith.constant 0 : i32
      %dma_start3A_105 = tpu.memref_slice %arg2[%dma_start3A_103, %dma_start3A_104] : memref<10240x128xf32, #tpu.memory_space<hbm>> -> memref<10240x128xf32, #tpu.memory_space<hbm>>
      tpu.enqueue_indirect_dma source(%dma_start3A_105 : memref<10240x128xf32, #tpu.memory_space<hbm>>) target(%arg9 : memref<128x128xf32, #tpu.memory_space<vmem>>) offsets(%dma_start3A_102 : memref<128xi32, #tpu.memory_space<vmem>>) semaphore(%arg12 : memref<!tpu.dma_semaphore, #tpu.memory_space<semaphore_mem>>)
      %dma_wait3A_106 = arith.constant 2 : i32
      %dma_wait3A_107 = arith.constant 0 : i32
      %dma_wait3A_108 = tpu.memref_slice %arg6[%dma_wait3A_106, %dma_wait3A_107] : memref<8x128xi32, #tpu.memory_space<vmem>> -> memref<1x128xi32, #tpu.memory_space<vmem>>
      %dma_wait3A_109 = tpu.memref_squeeze %dma_wait3A_108 : memref<1x128xi32, #tpu.memory_space<vmem>> -> memref<128xi32, #tpu.memory_space<vmem>>
      %dma_wait3A_110 = arith.constant 0 : i32
      %dma_wait3A_111 = arith.constant 0 : i32
      %dma_wait3A_112 = tpu.memref_slice %arg2[%dma_wait3A_110, %dma_wait3A_111] : memref<10240x128xf32, #tpu.memory_space<hbm>> -> memref<10240x128xf32, #tpu.memory_space<hbm>>
      tpu.wait_indirect_dma semaphore(%arg11 : memref<!tpu.dma_semaphore, #tpu.memory_space<semaphore_mem>>) src(%dma_wait3A_112 : memref<10240x128xf32, #tpu.memory_space<hbm>>) dst(%arg8 : memref<128x128xf32, #tpu.memory_space<vmem>>)
      %run_scoped3A_113 = arith.constant 2 : i32
      "tpu.region"() ({
        %run_scoped3A_182 = tpu.sem_alloc : memref<!tpu.dma_semaphore, #tpu.memory_space<semaphore_mem>>
        %dma_start3A_183 = arith.constant 0 : i32
        %dma_start3A_184 = tpu.memref_slice %arg7[%run_scoped3A_113, %dma_start3A_183] : memref<8x128xi32, #tpu.memory_space<vmem>> -> memref<1x128xi32, #tpu.memory_space<vmem>>
        %dma_start3A_185 = tpu.memref_squeeze %dma_start3A_184 : memref<1x128xi32, #tpu.memory_space<vmem>> -> memref<128xi32, #tpu.memory_space<vmem>>
        %dma_start3A_186 = arith.constant 0 : i32
        %dma_start3A_187 = arith.constant 0 : i32
        %dma_start3A_188 = tpu.memref_slice %arg10[%dma_start3A_186, %dma_start3A_187] : memref<10240x128xf32, #tpu.memory_space<vmem_shared>> -> memref<10240x128xf32, #tpu.memory_space<vmem_shared>>
        tpu.enqueue_indirect_dma source(%arg8 : memref<128x128xf32, #tpu.memory_space<vmem>>) target(%dma_start3A_188 : memref<10240x128xf32, #tpu.memory_space<vmem_shared>>) offsets(%dma_start3A_185 : memref<128xi32, #tpu.memory_space<vmem>>) semaphore(%run_scoped3A_182 : memref<!tpu.dma_semaphore, #tpu.memory_space<semaphore_mem>>) {add = true}
        %dma_wait3A_189 = arith.constant 0 : i32
        %dma_wait3A_190 = tpu.memref_slice %arg7[%run_scoped3A_113, %dma_wait3A_189] : memref<8x128xi32, #tpu.memory_space<vmem>> -> memref<1x128xi32, #tpu.memory_space<vmem>>
        %dma_wait3A_191 = tpu.memref_squeeze %dma_wait3A_190 : memref<1x128xi32, #tpu.memory_space<vmem>> -> memref<128xi32, #tpu.memory_space<vmem>>
        %dma_wait3A_192 = arith.constant 0 : i32
        %dma_wait3A_193 = arith.constant 0 : i32
        %dma_wait3A_194 = tpu.memref_slice %arg10[%dma_wait3A_192, %dma_wait3A_193] : memref<10240x128xf32, #tpu.memory_space<vmem_shared>> -> memref<10240x128xf32, #tpu.memory_space<vmem_shared>>
        tpu.wait_indirect_dma semaphore(%run_scoped3A_182 : memref<!tpu.dma_semaphore, #tpu.memory_space<semaphore_mem>>) src(%arg8 : memref<128x128xf32, #tpu.memory_space<vmem>>) dst(%dma_wait3A_194 : memref<10240x128xf32, #tpu.memory_space<vmem_shared>>)
        tpu.yield
      }) : () -> ()
      %dma_start3A_114 = arith.constant 4 : i32
      %dma_start3A_115 = arith.constant 0 : i32
      %dma_start3A_116 = tpu.memref_slice %arg6[%dma_start3A_114, %dma_start3A_115] : memref<8x128xi32, #tpu.memory_space<vmem>> -> memref<1x128xi32, #tpu.memory_space<vmem>>
      %dma_start3A_117 = tpu.memref_squeeze %dma_start3A_116 : memref<1x128xi32, #tpu.memory_space<vmem>> -> memref<128xi32, #tpu.memory_space<vmem>>
      %dma_start3A_118 = arith.constant 0 : i32
      %dma_start3A_119 = arith.constant 0 : i32
      %dma_start3A_120 = tpu.memref_slice %arg2[%dma_start3A_118, %dma_start3A_119] : memref<10240x128xf32, #tpu.memory_space<hbm>> -> memref<10240x128xf32, #tpu.memory_space<hbm>>
      tpu.enqueue_indirect_dma source(%dma_start3A_120 : memref<10240x128xf32, #tpu.memory_space<hbm>>) target(%arg8 : memref<128x128xf32, #tpu.memory_space<vmem>>) offsets(%dma_start3A_117 : memref<128xi32, #tpu.memory_space<vmem>>) semaphore(%arg11 : memref<!tpu.dma_semaphore, #tpu.memory_space<semaphore_mem>>)
      %dma_wait3A_121 = arith.constant 3 : i32
      %dma_wait3A_122 = arith.constant 0 : i32
      %dma_wait3A_123 = tpu.memref_slice %arg6[%dma_wait3A_121, %dma_wait3A_122] : memref<8x128xi32, #tpu.memory_space<vmem>> -> memref<1x128xi32, #tpu.memory_space<vmem>>
      %dma_wait3A_124 = tpu.memref_squeeze %dma_wait3A_123 : memref<1x128xi32, #tpu.memory_space<vmem>> -> memref<128xi32, #tpu.memory_space<vmem>>
      %dma_wait3A_125 = arith.constant 0 : i32
      %dma_wait3A_126 = arith.constant 0 : i32
      %dma_wait3A_127 = tpu.memref_slice %arg2[%dma_wait3A_125, %dma_wait3A_126] : memref<10240x128xf32, #tpu.memory_space<hbm>> -> memref<10240x128xf32, #tpu.memory_space<hbm>>
      tpu.wait_indirect_dma semaphore(%arg12 : memref<!tpu.dma_semaphore, #tpu.memory_space<semaphore_mem>>) src(%dma_wait3A_127 : memref<10240x128xf32, #tpu.memory_space<hbm>>) dst(%arg9 : memref<128x128xf32, #tpu.memory_space<vmem>>)
      %run_scoped3A_128 = arith.constant 3 : i32
      "tpu.region"() ({
        %run_scoped3A_182 = tpu.sem_alloc : memref<!tpu.dma_semaphore, #tpu.memory_space<semaphore_mem>>
        %dma_start3A_183 = arith.constant 0 : i32
        %dma_start3A_184 = tpu.memref_slice %arg7[%run_scoped3A_128, %dma_start3A_183] : memref<8x128xi32, #tpu.memory_space<vmem>> -> memref<1x128xi32, #tpu.memory_space<vmem>>
        %dma_start3A_185 = tpu.memref_squeeze %dma_start3A_184 : memref<1x128xi32, #tpu.memory_space<vmem>> -> memref<128xi32, #tpu.memory_space<vmem>>
        %dma_start3A_186 = arith.constant 0 : i32
        %dma_start3A_187 = arith.constant 0 : i32
        %dma_start3A_188 = tpu.memref_slice %arg10[%dma_start3A_186, %dma_start3A_187] : memref<10240x128xf32, #tpu.memory_space<vmem_shared>> -> memref<10240x128xf32, #tpu.memory_space<vmem_shared>>
        tpu.enqueue_indirect_dma source(%arg9 : memref<128x128xf32, #tpu.memory_space<vmem>>) target(%dma_start3A_188 : memref<10240x128xf32, #tpu.memory_space<vmem_shared>>) offsets(%dma_start3A_185 : memref<128xi32, #tpu.memory_space<vmem>>) semaphore(%run_scoped3A_182 : memref<!tpu.dma_semaphore, #tpu.memory_space<semaphore_mem>>) {add = true}
        %dma_wait3A_189 = arith.constant 0 : i32
        %dma_wait3A_190 = tpu.memref_slice %arg7[%run_scoped3A_128, %dma_wait3A_189] : memref<8x128xi32, #tpu.memory_space<vmem>> -> memref<1x128xi32, #tpu.memory_space<vmem>>
        %dma_wait3A_191 = tpu.memref_squeeze %dma_wait3A_190 : memref<1x128xi32, #tpu.memory_space<vmem>> -> memref<128xi32, #tpu.memory_space<vmem>>
        %dma_wait3A_192 = arith.constant 0 : i32
        %dma_wait3A_193 = arith.constant 0 : i32
        %dma_wait3A_194 = tpu.memref_slice %arg10[%dma_wait3A_192, %dma_wait3A_193] : memref<10240x128xf32, #tpu.memory_space<vmem_shared>> -> memref<10240x128xf32, #tpu.memory_space<vmem_shared>>
        tpu.wait_indirect_dma semaphore(%run_scoped3A_182 : memref<!tpu.dma_semaphore, #tpu.memory_space<semaphore_mem>>) src(%arg9 : memref<128x128xf32, #tpu.memory_space<vmem>>) dst(%dma_wait3A_194 : memref<10240x128xf32, #tpu.memory_space<vmem_shared>>)
        tpu.yield
      }) : () -> ()
      %dma_start3A_129 = arith.constant 5 : i32
      %dma_start3A_130 = arith.constant 0 : i32
      %dma_start3A_131 = tpu.memref_slice %arg6[%dma_start3A_129, %dma_start3A_130] : memref<8x128xi32, #tpu.memory_space<vmem>> -> memref<1x128xi32, #tpu.memory_space<vmem>>
      %dma_start3A_132 = tpu.memref_squeeze %dma_start3A_131 : memref<1x128xi32, #tpu.memory_space<vmem>> -> memref<128xi32, #tpu.memory_space<vmem>>
      %dma_start3A_133 = arith.constant 0 : i32
      %dma_start3A_134 = arith.constant 0 : i32
      %dma_start3A_135 = tpu.memref_slice %arg2[%dma_start3A_133, %dma_start3A_134] : memref<10240x128xf32, #tpu.memory_space<hbm>> -> memref<10240x128xf32, #tpu.memory_space<hbm>>
      tpu.enqueue_indirect_dma source(%dma_start3A_135 : memref<10240x128xf32, #tpu.memory_space<hbm>>) target(%arg9 : memref<128x128xf32, #tpu.memory_space<vmem>>) offsets(%dma_start3A_132 : memref<128xi32, #tpu.memory_space<vmem>>) semaphore(%arg12 : memref<!tpu.dma_semaphore, #tpu.memory_space<semaphore_mem>>)
      %dma_wait3A_136 = arith.constant 4 : i32
      %dma_wait3A_137 = arith.constant 0 : i32
      %dma_wait3A_138 = tpu.memref_slice %arg6[%dma_wait3A_136, %dma_wait3A_137] : memref<8x128xi32, #tpu.memory_space<vmem>> -> memref<1x128xi32, #tpu.memory_space<vmem>>
      %dma_wait3A_139 = tpu.memref_squeeze %dma_wait3A_138 : memref<1x128xi32, #tpu.memory_space<vmem>> -> memref<128xi32, #tpu.memory_space<vmem>>
      %dma_wait3A_140 = arith.constant 0 : i32
      %dma_wait3A_141 = arith.constant 0 : i32
      %dma_wait3A_142 = tpu.memref_slice %arg2[%dma_wait3A_140, %dma_wait3A_141] : memref<10240x128xf32, #tpu.memory_space<hbm>> -> memref<10240x128xf32, #tpu.memory_space<hbm>>
      tpu.wait_indirect_dma semaphore(%arg11 : memref<!tpu.dma_semaphore, #tpu.memory_space<semaphore_mem>>) src(%dma_wait3A_142 : memref<10240x128xf32, #tpu.memory_space<hbm>>) dst(%arg8 : memref<128x128xf32, #tpu.memory_space<vmem>>)
      %run_scoped3A_143 = arith.constant 4 : i32
      "tpu.region"() ({
        %run_scoped3A_182 = tpu.sem_alloc : memref<!tpu.dma_semaphore, #tpu.memory_space<semaphore_mem>>
        %dma_start3A_183 = arith.constant 0 : i32
        %dma_start3A_184 = tpu.memref_slice %arg7[%run_scoped3A_143, %dma_start3A_183] : memref<8x128xi32, #tpu.memory_space<vmem>> -> memref<1x128xi32, #tpu.memory_space<vmem>>
        %dma_start3A_185 = tpu.memref_squeeze %dma_start3A_184 : memref<1x128xi32, #tpu.memory_space<vmem>> -> memref<128xi32, #tpu.memory_space<vmem>>
        %dma_start3A_186 = arith.constant 0 : i32
        %dma_start3A_187 = arith.constant 0 : i32
        %dma_start3A_188 = tpu.memref_slice %arg10[%dma_start3A_186, %dma_start3A_187] : memref<10240x128xf32, #tpu.memory_space<vmem_shared>> -> memref<10240x128xf32, #tpu.memory_space<vmem_shared>>
        tpu.enqueue_indirect_dma source(%arg8 : memref<128x128xf32, #tpu.memory_space<vmem>>) target(%dma_start3A_188 : memref<10240x128xf32, #tpu.memory_space<vmem_shared>>) offsets(%dma_start3A_185 : memref<128xi32, #tpu.memory_space<vmem>>) semaphore(%run_scoped3A_182 : memref<!tpu.dma_semaphore, #tpu.memory_space<semaphore_mem>>) {add = true}
        %dma_wait3A_189 = arith.constant 0 : i32
        %dma_wait3A_190 = tpu.memref_slice %arg7[%run_scoped3A_143, %dma_wait3A_189] : memref<8x128xi32, #tpu.memory_space<vmem>> -> memref<1x128xi32, #tpu.memory_space<vmem>>
        %dma_wait3A_191 = tpu.memref_squeeze %dma_wait3A_190 : memref<1x128xi32, #tpu.memory_space<vmem>> -> memref<128xi32, #tpu.memory_space<vmem>>
        %dma_wait3A_192 = arith.constant 0 : i32
        %dma_wait3A_193 = arith.constant 0 : i32
        %dma_wait3A_194 = tpu.memref_slice %arg10[%dma_wait3A_192, %dma_wait3A_193] : memref<10240x128xf32, #tpu.memory_space<vmem_shared>> -> memref<10240x128xf32, #tpu.memory_space<vmem_shared>>
        tpu.wait_indirect_dma semaphore(%run_scoped3A_182 : memref<!tpu.dma_semaphore, #tpu.memory_space<semaphore_mem>>) src(%arg8 : memref<128x128xf32, #tpu.memory_space<vmem>>) dst(%dma_wait3A_194 : memref<10240x128xf32, #tpu.memory_space<vmem_shared>>)
        tpu.yield
      }) : () -> ()
      %dma_start3A_144 = arith.constant 6 : i32
      %dma_start3A_145 = arith.constant 0 : i32
      %dma_start3A_146 = tpu.memref_slice %arg6[%dma_start3A_144, %dma_start3A_145] : memref<8x128xi32, #tpu.memory_space<vmem>> -> memref<1x128xi32, #tpu.memory_space<vmem>>
      %dma_start3A_147 = tpu.memref_squeeze %dma_start3A_146 : memref<1x128xi32, #tpu.memory_space<vmem>> -> memref<128xi32, #tpu.memory_space<vmem>>
      %dma_start3A_148 = arith.constant 0 : i32
      %dma_start3A_149 = arith.constant 0 : i32
      %dma_start3A_150 = tpu.memref_slice %arg2[%dma_start3A_148, %dma_start3A_149] : memref<10240x128xf32, #tpu.memory_space<hbm>> -> memref<10240x128xf32, #tpu.memory_space<hbm>>
      tpu.enqueue_indirect_dma source(%dma_start3A_150 : memref<10240x128xf32, #tpu.memory_space<hbm>>) target(%arg8 : memref<128x128xf32, #tpu.memory_space<vmem>>) offsets(%dma_start3A_147 : memref<128xi32, #tpu.memory_space<vmem>>) semaphore(%arg11 : memref<!tpu.dma_semaphore, #tpu.memory_space<semaphore_mem>>)
      %dma_wait3A_151 = arith.constant 5 : i32
      %dma_wait3A_152 = arith.constant 0 : i32
      %dma_wait3A_153 = tpu.memref_slice %arg6[%dma_wait3A_151, %dma_wait3A_152] : memref<8x128xi32, #tpu.memory_space<vmem>> -> memref<1x128xi32, #tpu.memory_space<vmem>>
      %dma_wait3A_154 = tpu.memref_squeeze %dma_wait3A_153 : memref<1x128xi32, #tpu.memory_space<vmem>> -> memref<128xi32, #tpu.memory_space<vmem>>
      %dma_wait3A_155 = arith.constant 0 : i32
      %dma_wait3A_156 = arith.constant 0 : i32
      %dma_wait3A_157 = tpu.memref_slice %arg2[%dma_wait3A_155, %dma_wait3A_156] : memref<10240x128xf32, #tpu.memory_space<hbm>> -> memref<10240x128xf32, #tpu.memory_space<hbm>>
      tpu.wait_indirect_dma semaphore(%arg12 : memref<!tpu.dma_semaphore, #tpu.memory_space<semaphore_mem>>) src(%dma_wait3A_157 : memref<10240x128xf32, #tpu.memory_space<hbm>>) dst(%arg9 : memref<128x128xf32, #tpu.memory_space<vmem>>)
      %run_scoped3A_158 = arith.constant 5 : i32
      "tpu.region"() ({
        %run_scoped3A_182 = tpu.sem_alloc : memref<!tpu.dma_semaphore, #tpu.memory_space<semaphore_mem>>
        %dma_start3A_183 = arith.constant 0 : i32
        %dma_start3A_184 = tpu.memref_slice %arg7[%run_scoped3A_158, %dma_start3A_183] : memref<8x128xi32, #tpu.memory_space<vmem>> -> memref<1x128xi32, #tpu.memory_space<vmem>>
        %dma_start3A_185 = tpu.memref_squeeze %dma_start3A_184 : memref<1x128xi32, #tpu.memory_space<vmem>> -> memref<128xi32, #tpu.memory_space<vmem>>
        %dma_start3A_186 = arith.constant 0 : i32
        %dma_start3A_187 = arith.constant 0 : i32
        %dma_start3A_188 = tpu.memref_slice %arg10[%dma_start3A_186, %dma_start3A_187] : memref<10240x128xf32, #tpu.memory_space<vmem_shared>> -> memref<10240x128xf32, #tpu.memory_space<vmem_shared>>
        tpu.enqueue_indirect_dma source(%arg9 : memref<128x128xf32, #tpu.memory_space<vmem>>) target(%dma_start3A_188 : memref<10240x128xf32, #tpu.memory_space<vmem_shared>>) offsets(%dma_start3A_185 : memref<128xi32, #tpu.memory_space<vmem>>) semaphore(%run_scoped3A_182 : memref<!tpu.dma_semaphore, #tpu.memory_space<semaphore_mem>>) {add = true}
        %dma_wait3A_189 = arith.constant 0 : i32
        %dma_wait3A_190 = tpu.memref_slice %arg7[%run_scoped3A_158, %dma_wait3A_189] : memref<8x128xi32, #tpu.memory_space<vmem>> -> memref<1x128xi32, #tpu.memory_space<vmem>>
        %dma_wait3A_191 = tpu.memref_squeeze %dma_wait3A_190 : memref<1x128xi32, #tpu.memory_space<vmem>> -> memref<128xi32, #tpu.memory_space<vmem>>
        %dma_wait3A_192 = arith.constant 0 : i32
        %dma_wait3A_193 = arith.constant 0 : i32
        %dma_wait3A_194 = tpu.memref_slice %arg10[%dma_wait3A_192, %dma_wait3A_193] : memref<10240x128xf32, #tpu.memory_space<vmem_shared>> -> memref<10240x128xf32, #tpu.memory_space<vmem_shared>>
        tpu.wait_indirect_dma semaphore(%run_scoped3A_182 : memref<!tpu.dma_semaphore, #tpu.memory_space<semaphore_mem>>) src(%arg9 : memref<128x128xf32, #tpu.memory_space<vmem>>) dst(%dma_wait3A_194 : memref<10240x128xf32, #tpu.memory_space<vmem_shared>>)
        tpu.yield
      }) : () -> ()
      %dma_start3A_159 = arith.constant 7 : i32
      %dma_start3A_160 = arith.constant 0 : i32
      %dma_start3A_161 = tpu.memref_slice %arg6[%dma_start3A_159, %dma_start3A_160] : memref<8x128xi32, #tpu.memory_space<vmem>> -> memref<1x128xi32, #tpu.memory_space<vmem>>
      %dma_start3A_162 = tpu.memref_squeeze %dma_start3A_161 : memref<1x128xi32, #tpu.memory_space<vmem>> -> memref<128xi32, #tpu.memory_space<vmem>>
      %dma_start3A_163 = arith.constant 0 : i32
      %dma_start3A_164 = arith.constant 0 : i32
      %dma_start3A_165 = tpu.memref_slice %arg2[%dma_start3A_163, %dma_start3A_164] : memref<10240x128xf32, #tpu.memory_space<hbm>> -> memref<10240x128xf32, #tpu.memory_space<hbm>>
      tpu.enqueue_indirect_dma source(%dma_start3A_165 : memref<10240x128xf32, #tpu.memory_space<hbm>>) target(%arg9 : memref<128x128xf32, #tpu.memory_space<vmem>>) offsets(%dma_start3A_162 : memref<128xi32, #tpu.memory_space<vmem>>) semaphore(%arg12 : memref<!tpu.dma_semaphore, #tpu.memory_space<semaphore_mem>>)
      %dma_wait3A_166 = arith.constant 6 : i32
      %dma_wait3A_167 = arith.constant 0 : i32
      %dma_wait3A_168 = tpu.memref_slice %arg6[%dma_wait3A_166, %dma_wait3A_167] : memref<8x128xi32, #tpu.memory_space<vmem>> -> memref<1x128xi32, #tpu.memory_space<vmem>>
      %dma_wait3A_169 = tpu.memref_squeeze %dma_wait3A_168 : memref<1x128xi32, #tpu.memory_space<vmem>> -> memref<128xi32, #tpu.memory_space<vmem>>
      %dma_wait3A_170 = arith.constant 0 : i32
      %dma_wait3A_171 = arith.constant 0 : i32
      %dma_wait3A_172 = tpu.memref_slice %arg2[%dma_wait3A_170, %dma_wait3A_171] : memref<10240x128xf32, #tpu.memory_space<hbm>> -> memref<10240x128xf32, #tpu.memory_space<hbm>>
      tpu.wait_indirect_dma semaphore(%arg11 : memref<!tpu.dma_semaphore, #tpu.memory_space<semaphore_mem>>) src(%dma_wait3A_172 : memref<10240x128xf32, #tpu.memory_space<hbm>>) dst(%arg8 : memref<128x128xf32, #tpu.memory_space<vmem>>)
      %run_scoped3A_173 = arith.constant 6 : i32
      "tpu.region"() ({
        %run_scoped3A_182 = tpu.sem_alloc : memref<!tpu.dma_semaphore, #tpu.memory_space<semaphore_mem>>
        %dma_start3A_183 = arith.constant 0 : i32
        %dma_start3A_184 = tpu.memref_slice %arg7[%run_scoped3A_173, %dma_start3A_183] : memref<8x128xi32, #tpu.memory_space<vmem>> -> memref<1x128xi32, #tpu.memory_space<vmem>>
        %dma_start3A_185 = tpu.memref_squeeze %dma_start3A_184 : memref<1x128xi32, #tpu.memory_space<vmem>> -> memref<128xi32, #tpu.memory_space<vmem>>
        %dma_start3A_186 = arith.constant 0 : i32
        %dma_start3A_187 = arith.constant 0 : i32
        %dma_start3A_188 = tpu.memref_slice %arg10[%dma_start3A_186, %dma_start3A_187] : memref<10240x128xf32, #tpu.memory_space<vmem_shared>> -> memref<10240x128xf32, #tpu.memory_space<vmem_shared>>
        tpu.enqueue_indirect_dma source(%arg8 : memref<128x128xf32, #tpu.memory_space<vmem>>) target(%dma_start3A_188 : memref<10240x128xf32, #tpu.memory_space<vmem_shared>>) offsets(%dma_start3A_185 : memref<128xi32, #tpu.memory_space<vmem>>) semaphore(%run_scoped3A_182 : memref<!tpu.dma_semaphore, #tpu.memory_space<semaphore_mem>>) {add = true}
        %dma_wait3A_189 = arith.constant 0 : i32
        %dma_wait3A_190 = tpu.memref_slice %arg7[%run_scoped3A_173, %dma_wait3A_189] : memref<8x128xi32, #tpu.memory_space<vmem>> -> memref<1x128xi32, #tpu.memory_space<vmem>>
        %dma_wait3A_191 = tpu.memref_squeeze %dma_wait3A_190 : memref<1x128xi32, #tpu.memory_space<vmem>> -> memref<128xi32, #tpu.memory_space<vmem>>
        %dma_wait3A_192 = arith.constant 0 : i32
        %dma_wait3A_193 = arith.constant 0 : i32
        %dma_wait3A_194 = tpu.memref_slice %arg10[%dma_wait3A_192, %dma_wait3A_193] : memref<10240x128xf32, #tpu.memory_space<vmem_shared>> -> memref<10240x128xf32, #tpu.memory_space<vmem_shared>>
        tpu.wait_indirect_dma semaphore(%run_scoped3A_182 : memref<!tpu.dma_semaphore, #tpu.memory_space<semaphore_mem>>) src(%arg8 : memref<128x128xf32, #tpu.memory_space<vmem>>) dst(%dma_wait3A_194 : memref<10240x128xf32, #tpu.memory_space<vmem_shared>>)
        tpu.yield
      }) : () -> ()
      %dma_wait3A_174 = arith.constant 7 : i32
      %dma_wait3A_175 = arith.constant 0 : i32
      %dma_wait3A_176 = tpu.memref_slice %arg6[%dma_wait3A_174, %dma_wait3A_175] : memref<8x128xi32, #tpu.memory_space<vmem>> -> memref<1x128xi32, #tpu.memory_space<vmem>>
      %dma_wait3A_177 = tpu.memref_squeeze %dma_wait3A_176 : memref<1x128xi32, #tpu.memory_space<vmem>> -> memref<128xi32, #tpu.memory_space<vmem>>
      %dma_wait3A_178 = arith.constant 0 : i32
      %dma_wait3A_179 = arith.constant 0 : i32
      %dma_wait3A_180 = tpu.memref_slice %arg2[%dma_wait3A_178, %dma_wait3A_179] : memref<10240x128xf32, #tpu.memory_space<hbm>> -> memref<10240x128xf32, #tpu.memory_space<hbm>>
      tpu.wait_indirect_dma semaphore(%arg12 : memref<!tpu.dma_semaphore, #tpu.memory_space<semaphore_mem>>) src(%dma_wait3A_180 : memref<10240x128xf32, #tpu.memory_space<hbm>>) dst(%arg9 : memref<128x128xf32, #tpu.memory_space<vmem>>)
      %run_scoped3A_181 = arith.constant 7 : i32
      "tpu.region"() ({
        %run_scoped3A_182 = tpu.sem_alloc : memref<!tpu.dma_semaphore, #tpu.memory_space<semaphore_mem>>
        %dma_start3A_183 = arith.constant 0 : i32
        %dma_start3A_184 = tpu.memref_slice %arg7[%run_scoped3A_181, %dma_start3A_183] : memref<8x128xi32, #tpu.memory_space<vmem>> -> memref<1x128xi32, #tpu.memory_space<vmem>>
        %dma_start3A_185 = tpu.memref_squeeze %dma_start3A_184 : memref<1x128xi32, #tpu.memory_space<vmem>> -> memref<128xi32, #tpu.memory_space<vmem>>
        %dma_start3A_186 = arith.constant 0 : i32
        %dma_start3A_187 = arith.constant 0 : i32
        %dma_start3A_188 = tpu.memref_slice %arg10[%dma_start3A_186, %dma_start3A_187] : memref<10240x128xf32, #tpu.memory_space<vmem_shared>> -> memref<10240x128xf32, #tpu.memory_space<vmem_shared>>
        tpu.enqueue_indirect_dma source(%arg9 : memref<128x128xf32, #tpu.memory_space<vmem>>) target(%dma_start3A_188 : memref<10240x128xf32, #tpu.memory_space<vmem_shared>>) offsets(%dma_start3A_185 : memref<128xi32, #tpu.memory_space<vmem>>) semaphore(%run_scoped3A_182 : memref<!tpu.dma_semaphore, #tpu.memory_space<semaphore_mem>>) {add = true}
        %dma_wait3A_189 = arith.constant 0 : i32
        %dma_wait3A_190 = tpu.memref_slice %arg7[%run_scoped3A_181, %dma_wait3A_189] : memref<8x128xi32, #tpu.memory_space<vmem>> -> memref<1x128xi32, #tpu.memory_space<vmem>>
        %dma_wait3A_191 = tpu.memref_squeeze %dma_wait3A_190 : memref<1x128xi32, #tpu.memory_space<vmem>> -> memref<128xi32, #tpu.memory_space<vmem>>
        %dma_wait3A_192 = arith.constant 0 : i32
        %dma_wait3A_193 = arith.constant 0 : i32
        %dma_wait3A_194 = tpu.memref_slice %arg10[%dma_wait3A_192, %dma_wait3A_193] : memref<10240x128xf32, #tpu.memory_space<vmem_shared>> -> memref<10240x128xf32, #tpu.memory_space<vmem_shared>>
        tpu.wait_indirect_dma semaphore(%run_scoped3A_182 : memref<!tpu.dma_semaphore, #tpu.memory_space<semaphore_mem>>) src(%arg9 : memref<128x128xf32, #tpu.memory_space<vmem>>) dst(%dma_wait3A_194 : memref<10240x128xf32, #tpu.memory_space<vmem_shared>>)
        tpu.yield
      }) : () -> ()
    }
    %barrier3A_57 = arith.constant 0 : index
    tpu.barrier barrier_id(%barrier3A_57)
    "tpu.region"() ({
      %run_scoped3A = tpu.sem_alloc : memref<!tpu.dma_semaphore, #tpu.memory_space<semaphore_mem>>
      %dma_start3A = arith.constant 0 : i32
      %dma_start3A_58 = tpu.memref_slice %arg5[%arg0, %mul3A_0, %dma_start3A] : memref<2x10240x128xf32, #tpu.memory_space<hbm>> -> memref<1x640x128xf32, #tpu.memory_space<hbm>>
      %dma_start3A_59 = tpu.memref_squeeze %dma_start3A_58 : memref<1x640x128xf32, #tpu.memory_space<hbm>> -> memref<640x128xf32, #tpu.memory_space<hbm>>
      %dma_start3A_60 = arith.constant 0 : i32
      %dma_start3A_61 = tpu.memref_slice %arg10[%mul3A_0, %dma_start3A_60] : memref<10240x128xf32, #tpu.memory_space<vmem_shared>> -> memref<640x128xf32, #tpu.memory_space<vmem_shared>>
      tpu.enqueue_dma source(%dma_start3A_61 : memref<640x128xf32, #tpu.memory_space<vmem_shared>>) target(%dma_start3A_59 : memref<640x128xf32, #tpu.memory_space<hbm>>) target_semaphore(%run_scoped3A : memref<!tpu.dma_semaphore, #tpu.memory_space<semaphore_mem>>)
      %dma_wait3A = arith.constant 0 : i32
      %dma_wait3A_62 = tpu.memref_slice %arg5[%arg0, %mul3A_0, %dma_wait3A] : memref<2x10240x128xf32, #tpu.memory_space<hbm>> -> memref<1x640x128xf32, #tpu.memory_space<hbm>>
      %dma_wait3A_63 = tpu.memref_squeeze %dma_wait3A_62 : memref<1x640x128xf32, #tpu.memory_space<hbm>> -> memref<640x128xf32, #tpu.memory_space<hbm>>
      %dma_wait3A_64 = arith.constant 0 : i32
      %dma_wait3A_65 = tpu.memref_slice %arg10[%mul3A_0, %dma_wait3A_64] : memref<10240x128xf32, #tpu.memory_space<vmem_shared>> -> memref<640x128xf32, #tpu.memory_space<vmem_shared>>
      tpu.wait_dma2 semaphore(%run_scoped3A : memref<!tpu.dma_semaphore, #tpu.memory_space<semaphore_mem>>) src(%dma_wait3A_65 : memref<640x128xf32, #tpu.memory_space<vmem_shared>>) dst(%dma_wait3A_63 : memref<640x128xf32, #tpu.memory_space<hbm>>)
      tpu.yield
    }) : () -> ()
    return
  }
}

module attributes {stable_mosaic.version = 14 : i64} {
  func.func @_tc_first_body(%arg0: i32, %arg1: memref<2048x128xf32, #tpu.memory_space<vmem>>, %arg2: memref<128x128xf32, #tpu.memory_space<vmem>>, %arg3: memref<1x2048x128xf32, #tpu.memory_space<vmem>>, %arg4: memref<1x2048x128xf32, #tpu.memory_space<vmem>>, %arg5: memref<2048x128xf32, #tpu.memory_space<vmem>>) attributes {dimension_semantics = [#tpu.dimension_semantics<arbitrary>], iteration_bounds = array<i64: 5>, scalar_prefetch = 0 : i64, scratch_operands = 0 : i64, tpu.core_type = #tpu.core_type<tc>, window_params = [{transform_indices = @transform_0, window_bounds = array<i64: 2048, 128>}, {pipeline_mode = #tpu.pipeline_mode<synchronous>, transform_indices = @transform_1, window_bounds = array<i64: 128, 128>}, {transform_indices = @transform_2, window_bounds = array<i64: 1, 2048, 128>}, {transform_indices = @transform_3, window_bounds = array<i64: 1, 2048, 128>}, {transform_indices = @transform_4, window_bounds = array<i64: 2048, 128>}]} {
    %get3A = arith.constant 0 : index
    %get3A_0 = arith.constant 0 : index
    %get3A_1 = arith.constant 0 : index
    %get3A_2 = vector.load %arg3[%get3A, %get3A_0, %get3A_1] : memref<1x2048x128xf32, #tpu.memory_space<vmem>>, vector<1x2048x128xf32>
    %get3A_3 = vector.shape_cast %get3A_2 : vector<1x2048x128xf32> to vector<2048x128xf32>
    %get3A_4 = arith.constant 0 : index
    %get3A_5 = arith.constant 0 : index
    %get3A_6 = arith.constant 0 : index
    %get3A_7 = vector.load %arg4[%get3A_4, %get3A_5, %get3A_6] : memref<1x2048x128xf32, #tpu.memory_space<vmem>>, vector<1x2048x128xf32>
    %get3A_8 = vector.shape_cast %get3A_7 : vector<1x2048x128xf32> to vector<2048x128xf32>
    %slice3A = vector.extract_strided_slice %get3A_3 {offsets = [0, 0], sizes = [2048, 1], strides = [1, 1]} : vector<2048x128xf32> to vector<2048x1xf32>
    %slice3A_9 = vector.extract_strided_slice %get3A_8 {offsets = [0, 0], sizes = [2048, 1], strides = [1, 1]} : vector<2048x128xf32> to vector<2048x1xf32>
    %add3A = arith.addf %slice3A, %slice3A_9 : vector<2048x1xf32>
    %sub3A = arith.constant 1.000000e+00 : f32
    %sub3A_10 = vector.broadcast %sub3A : f32 to vector<2048x1xf32>
    %sub3A_11 = arith.subf %add3A, %sub3A_10 : vector<2048x1xf32>
    %max3A = arith.constant 1.000000e+00 : f32
    %max3A_12 = vector.broadcast %max3A : f32 to vector<2048x1xf32>
    %max3A_13 = arith.maximumf %sub3A_11, %max3A_12 : vector<2048x1xf32>
    %rsqrt3A = math.rsqrt %max3A_13 : vector<2048x1xf32>
    %get3A_14 = arith.constant 0 : index
    %get3A_15 = arith.constant 0 : index
    %get3A_16 = vector.load %arg1[%get3A_14, %get3A_15] : memref<2048x128xf32, #tpu.memory_space<vmem>>, vector<2048x128xf32>
    %get3A_17 = arith.constant 0 : index
    %get3A_18 = arith.constant 0 : index
    %get3A_19 = vector.load %arg2[%get3A_17, %get3A_18] : memref<128x128xf32, #tpu.memory_space<vmem>>, vector<128x128xf32>
    %dot_general3A = arith.constant dense<0.000000e+00> : vector<2048x128xf32>
    %dot_general3A_20 = tpu.matmul %get3A_16, %get3A_19, %dot_general3A {dimension_numbers = #tpu.dot_dimension_numbers<[1], [0], [0], [1], [0, 0, 1, 1], [], []>, transpose_lhs_hint = false} : vector<2048x128xf32>, vector<128x128xf32>, vector<2048x128xf32> -> vector<2048x128xf32>
    %mul3A = vector.broadcast %rsqrt3A : vector<2048x1xf32> to vector<2048x128xf32>
    %mul3A_21 = arith.mulf %dot_general3A_20, %mul3A : vector<2048x128xf32>
    %swap3A = arith.constant 0 : index
    %swap3A_22 = arith.constant 0 : index
    %swap3A_23 = vector.load %arg5[%swap3A, %swap3A_22] : memref<2048x128xf32, #tpu.memory_space<vmem>>, vector<2048x128xf32>
    tpu.vector_store %arg5[%swap3A, %swap3A_22], %mul3A_21 {strides = array<i32>} : memref<2048x128xf32, #tpu.memory_space<vmem>>, vector<2048x128xf32>,
    return
  }
  func.func @transform_0(%arg0: i32) -> (i32, i32) {
    %c0_i32 = arith.constant 0 : i32
    %c0_i32_0 = arith.constant 0 : i32
    return %arg0, %c0_i32 : i32, i32
  }
  func.func @transform_1(%arg0: i32) -> (i32, i32) {
    %c0_i32 = arith.constant 0 : i32
    %c0_i32_0 = arith.constant 0 : i32
    %c0_i32_1 = arith.constant 0 : i32
    return %c0_i32, %c0_i32_0 : i32, i32
  }
  func.func @transform_2(%arg0: i32) -> (i32, i32, i32) {
    %c0_i32 = arith.constant 0 : i32
    %c0_i32_0 = arith.constant 0 : i32
    %c0_i32_1 = arith.constant 0 : i32
    return %c0_i32, %arg0, %c0_i32_0 : i32, i32, i32
  }
  func.func @transform_3(%arg0: i32) -> (i32, i32, i32) {
    %c1_i32 = arith.constant 1 : i32
    %c0_i32 = arith.constant 0 : i32
    %c0_i32_0 = arith.constant 0 : i32
    return %c1_i32, %arg0, %c0_i32 : i32, i32, i32
  }
  func.func @transform_4(%arg0: i32) -> (i32, i32) {
    %c0_i32 = arith.constant 0 : i32
    %c0_i32_0 = arith.constant 0 : i32
    return %arg0, %c0_i32 : i32, i32
  }
}

module attributes {stable_mosaic.version = 14 : i64} {
  func.func @_tc_mid_body(%arg0: i32, %arg1: memref<1x2048x128xf32, #tpu.memory_space<vmem>>, %arg2: memref<1x2048x128xf32, #tpu.memory_space<vmem>>, %arg3: memref<2048x128xf32, #tpu.memory_space<vmem>>, %arg4: memref<1x2048x128xf32, #tpu.memory_space<vmem>>, %arg5: memref<1x2048x128xf32, #tpu.memory_space<vmem>>, %arg6: memref<1x128xf32, #tpu.memory_space<vmem>>, %arg7: memref<128x128xf32, #tpu.memory_space<vmem>>, %arg8: memref<2048x128xf32, #tpu.memory_space<vmem>>) attributes {dimension_semantics = [#tpu.dimension_semantics<arbitrary>], iteration_bounds = array<i64: 5>, scalar_prefetch = 0 : i64, scratch_operands = 0 : i64, tpu.core_type = #tpu.core_type<tc>, window_params = [{transform_indices = @transform_0, window_bounds = array<i64: 1, 2048, 128>}, {transform_indices = @transform_1, window_bounds = array<i64: 1, 2048, 128>}, {transform_indices = @transform_2, window_bounds = array<i64: 2048, 128>}, {transform_indices = @transform_3, window_bounds = array<i64: 1, 2048, 128>}, {transform_indices = @transform_4, window_bounds = array<i64: 1, 2048, 128>}, {pipeline_mode = #tpu.pipeline_mode<synchronous>, transform_indices = @transform_5, window_bounds = array<i64: 1, 128>}, {pipeline_mode = #tpu.pipeline_mode<synchronous>, transform_indices = @transform_6, window_bounds = array<i64: 128, 128>}, {transform_indices = @transform_7, window_bounds = array<i64: 2048, 128>}]} {
    %get3A = arith.constant 0 : index
    %get3A_0 = arith.constant 0 : index
    %get3A_1 = arith.constant 0 : index
    %get3A_2 = vector.load %arg4[%get3A, %get3A_0, %get3A_1] : memref<1x2048x128xf32, #tpu.memory_space<vmem>>, vector<1x2048x128xf32>
    %get3A_3 = vector.shape_cast %get3A_2 : vector<1x2048x128xf32> to vector<2048x128xf32>
    %get3A_4 = arith.constant 0 : index
    %get3A_5 = arith.constant 0 : index
    %get3A_6 = arith.constant 0 : index
    %get3A_7 = vector.load %arg5[%get3A_4, %get3A_5, %get3A_6] : memref<1x2048x128xf32, #tpu.memory_space<vmem>>, vector<1x2048x128xf32>
    %get3A_8 = vector.shape_cast %get3A_7 : vector<1x2048x128xf32> to vector<2048x128xf32>
    %slice3A = vector.extract_strided_slice %get3A_3 {offsets = [0, 0], sizes = [2048, 1], strides = [1, 1]} : vector<2048x128xf32> to vector<2048x1xf32>
    %slice3A_9 = vector.extract_strided_slice %get3A_8 {offsets = [0, 0], sizes = [2048, 1], strides = [1, 1]} : vector<2048x128xf32> to vector<2048x1xf32>
    %add3A = arith.addf %slice3A, %slice3A_9 : vector<2048x1xf32>
    %sub3A = arith.constant 1.000000e+00 : f32
    %sub3A_10 = vector.broadcast %sub3A : f32 to vector<2048x1xf32>
    %sub3A_11 = arith.subf %add3A, %sub3A_10 : vector<2048x1xf32>
    %max3A = arith.constant 1.000000e+00 : f32
    %max3A_12 = vector.broadcast %max3A : f32 to vector<2048x1xf32>
    %max3A_13 = arith.maximumf %sub3A_11, %max3A_12 : vector<2048x1xf32>
    %rsqrt3A = math.rsqrt %max3A_13 : vector<2048x1xf32>
    %get3A_14 = arith.constant 0 : index
    %get3A_15 = arith.constant 0 : index
    %get3A_16 = arith.constant 0 : index
    %get3A_17 = vector.load %arg1[%get3A_14, %get3A_15, %get3A_16] : memref<1x2048x128xf32, #tpu.memory_space<vmem>>, vector<1x2048x128xf32>
    %get3A_18 = vector.shape_cast %get3A_17 : vector<1x2048x128xf32> to vector<2048x128xf32>
    %get3A_19 = arith.constant 0 : index
    %get3A_20 = arith.constant 0 : index
    %get3A_21 = arith.constant 0 : index
    %get3A_22 = vector.load %arg2[%get3A_19, %get3A_20, %get3A_21] : memref<1x2048x128xf32, #tpu.memory_space<vmem>>, vector<1x2048x128xf32>
    %get3A_23 = vector.shape_cast %get3A_22 : vector<1x2048x128xf32> to vector<2048x128xf32>
    %add3A_24 = arith.addf %get3A_18, %get3A_23 : vector<2048x128xf32>
    %get3A_25 = arith.constant 0 : index
    %get3A_26 = arith.constant 0 : index
    %get3A_27 = vector.load %arg3[%get3A_25, %get3A_26] : memref<2048x128xf32, #tpu.memory_space<vmem>>, vector<2048x128xf32>
    %sub3A_28 = arith.subf %add3A_24, %get3A_27 : vector<2048x128xf32>
    %mul3A = vector.broadcast %rsqrt3A : vector<2048x1xf32> to vector<2048x128xf32>
    %mul3A_29 = arith.mulf %sub3A_28, %mul3A : vector<2048x128xf32>
    %get3A_30 = arith.constant 0 : index
    %get3A_31 = arith.constant 0 : index
    %get3A_32 = vector.load %arg6[%get3A_30, %get3A_31] : memref<1x128xf32, #tpu.memory_space<vmem>>, vector<1x128xf32>
    %add3A_33 = vector.broadcast %get3A_32 : vector<1x128xf32> to vector<2048x128xf32>
    %add3A_34 = arith.addf %mul3A_29, %add3A_33 : vector<2048x128xf32>
    %max3A_35 = arith.constant 0.000000e+00 : f32
    %max3A_36 = vector.broadcast %max3A_35 : f32 to vector<2048x128xf32>
    %max3A_37 = arith.maximumf %add3A_34, %max3A_36 : vector<2048x128xf32>
    %get3A_38 = arith.constant 0 : index
    %get3A_39 = arith.constant 0 : index
    %get3A_40 = vector.load %arg7[%get3A_38, %get3A_39] : memref<128x128xf32, #tpu.memory_space<vmem>>, vector<128x128xf32>
    %dot_general3A = arith.constant dense<0.000000e+00> : vector<2048x128xf32>
    %dot_general3A_41 = tpu.matmul %max3A_37, %get3A_40, %dot_general3A {dimension_numbers = #tpu.dot_dimension_numbers<[1], [0], [0], [1], [0, 0, 1, 1], [], []>, transpose_lhs_hint = false} : vector<2048x128xf32>, vector<128x128xf32>, vector<2048x128xf32> -> vector<2048x128xf32>
    %mul3A_42 = vector.broadcast %rsqrt3A : vector<2048x1xf32> to vector<2048x128xf32>
    %mul3A_43 = arith.mulf %dot_general3A_41, %mul3A_42 : vector<2048x128xf32>
    %swap3A = arith.constant 0 : index
    %swap3A_44 = arith.constant 0 : index
    %swap3A_45 = vector.load %arg8[%swap3A, %swap3A_44] : memref<2048x128xf32, #tpu.memory_space<vmem>>, vector<2048x128xf32>
    tpu.vector_store %arg8[%swap3A, %swap3A_44], %mul3A_43 {strides = array<i32>} : memref<2048x128xf32, #tpu.memory_space<vmem>>, vector<2048x128xf32>,
    return
  }
  func.func @transform_0(%arg0: i32) -> (i32, i32, i32) {
    %c0_i32 = arith.constant 0 : i32
    %c0_i32_0 = arith.constant 0 : i32
    %c0_i32_1 = arith.constant 0 : i32
    return %c0_i32, %arg0, %c0_i32_0 : i32, i32, i32
  }
  func.func @transform_1(%arg0: i32) -> (i32, i32, i32) {
    %c1_i32 = arith.constant 1 : i32
    %c0_i32 = arith.constant 0 : i32
    %c0_i32_0 = arith.constant 0 : i32
    return %c1_i32, %arg0, %c0_i32 : i32, i32, i32
  }
  func.func @transform_2(%arg0: i32) -> (i32, i32) {
    %c0_i32 = arith.constant 0 : i32
    %c0_i32_0 = arith.constant 0 : i32
    return %arg0, %c0_i32 : i32, i32
  }
  func.func @transform_3(%arg0: i32) -> (i32, i32, i32) {
    %c0_i32 = arith.constant 0 : i32
    %c0_i32_0 = arith.constant 0 : i32
    %c0_i32_1 = arith.constant 0 : i32
    return %c0_i32, %arg0, %c0_i32_0 : i32, i32, i32
  }
  func.func @transform_4(%arg0: i32) -> (i32, i32, i32) {
    %c1_i32 = arith.constant 1 : i32
    %c0_i32 = arith.constant 0 : i32
    %c0_i32_0 = arith.constant 0 : i32
    return %c1_i32, %arg0, %c0_i32 : i32, i32, i32
  }
  func.func @transform_5(%arg0: i32) -> (i32, i32) {
    %c0_i32 = arith.constant 0 : i32
    %c0_i32_0 = arith.constant 0 : i32
    %c0_i32_1 = arith.constant 0 : i32
    return %c0_i32, %c0_i32_0 : i32, i32
  }
  func.func @transform_6(%arg0: i32) -> (i32, i32) {
    %c0_i32 = arith.constant 0 : i32
    %c0_i32_0 = arith.constant 0 : i32
    %c0_i32_1 = arith.constant 0 : i32
    return %c0_i32, %c0_i32_0 : i32, i32
  }
  func.func @transform_7(%arg0: i32) -> (i32, i32) {
    %c0_i32 = arith.constant 0 : i32
    %c0_i32_0 = arith.constant 0 : i32
    return %arg0, %c0_i32 : i32, i32
  }
}

module attributes {stable_mosaic.version = 14 : i64} {
  func.func @_tc_last_body(%arg0: i32, %arg1: memref<1x2048x128xf32, #tpu.memory_space<vmem>>, %arg2: memref<1x2048x128xf32, #tpu.memory_space<vmem>>, %arg3: memref<2048x128xf32, #tpu.memory_space<vmem>>, %arg4: memref<1x2048x128xf32, #tpu.memory_space<vmem>>, %arg5: memref<1x2048x128xf32, #tpu.memory_space<vmem>>, %arg6: memref<1x128xf32, #tpu.memory_space<vmem>>, %arg7: memref<2048x128xf32, #tpu.memory_space<vmem>>) attributes {dimension_semantics = [#tpu.dimension_semantics<arbitrary>], iteration_bounds = array<i64: 5>, scalar_prefetch = 0 : i64, scratch_operands = 0 : i64, tpu.core_type = #tpu.core_type<tc>, window_params = [{transform_indices = @transform_0, window_bounds = array<i64: 1, 2048, 128>}, {transform_indices = @transform_1, window_bounds = array<i64: 1, 2048, 128>}, {transform_indices = @transform_2, window_bounds = array<i64: 2048, 128>}, {transform_indices = @transform_3, window_bounds = array<i64: 1, 2048, 128>}, {transform_indices = @transform_4, window_bounds = array<i64: 1, 2048, 128>}, {pipeline_mode = #tpu.pipeline_mode<synchronous>, transform_indices = @transform_5, window_bounds = array<i64: 1, 128>}, {transform_indices = @transform_6, window_bounds = array<i64: 2048, 128>}]} {
    %get3A = arith.constant 0 : index
    %get3A_0 = arith.constant 0 : index
    %get3A_1 = arith.constant 0 : index
    %get3A_2 = vector.load %arg4[%get3A, %get3A_0, %get3A_1] : memref<1x2048x128xf32, #tpu.memory_space<vmem>>, vector<1x2048x128xf32>
    %get3A_3 = vector.shape_cast %get3A_2 : vector<1x2048x128xf32> to vector<2048x128xf32>
    %get3A_4 = arith.constant 0 : index
    %get3A_5 = arith.constant 0 : index
    %get3A_6 = arith.constant 0 : index
    %get3A_7 = vector.load %arg5[%get3A_4, %get3A_5, %get3A_6] : memref<1x2048x128xf32, #tpu.memory_space<vmem>>, vector<1x2048x128xf32>
    %get3A_8 = vector.shape_cast %get3A_7 : vector<1x2048x128xf32> to vector<2048x128xf32>
    %slice3A = vector.extract_strided_slice %get3A_3 {offsets = [0, 0], sizes = [2048, 1], strides = [1, 1]} : vector<2048x128xf32> to vector<2048x1xf32>
    %slice3A_9 = vector.extract_strided_slice %get3A_8 {offsets = [0, 0], sizes = [2048, 1], strides = [1, 1]} : vector<2048x128xf32> to vector<2048x1xf32>
    %add3A = arith.addf %slice3A, %slice3A_9 : vector<2048x1xf32>
    %sub3A = arith.constant 1.000000e+00 : f32
    %sub3A_10 = vector.broadcast %sub3A : f32 to vector<2048x1xf32>
    %sub3A_11 = arith.subf %add3A, %sub3A_10 : vector<2048x1xf32>
    %max3A = arith.constant 1.000000e+00 : f32
    %max3A_12 = vector.broadcast %max3A : f32 to vector<2048x1xf32>
    %max3A_13 = arith.maximumf %sub3A_11, %max3A_12 : vector<2048x1xf32>
    %rsqrt3A = math.rsqrt %max3A_13 : vector<2048x1xf32>
    %get3A_14 = arith.constant 0 : index
    %get3A_15 = arith.constant 0 : index
    %get3A_16 = arith.constant 0 : index
    %get3A_17 = vector.load %arg1[%get3A_14, %get3A_15, %get3A_16] : memref<1x2048x128xf32, #tpu.memory_space<vmem>>, vector<1x2048x128xf32>
    %get3A_18 = vector.shape_cast %get3A_17 : vector<1x2048x128xf32> to vector<2048x128xf32>
    %get3A_19 = arith.constant 0 : index
    %get3A_20 = arith.constant 0 : index
    %get3A_21 = arith.constant 0 : index
    %get3A_22 = vector.load %arg2[%get3A_19, %get3A_20, %get3A_21] : memref<1x2048x128xf32, #tpu.memory_space<vmem>>, vector<1x2048x128xf32>
    %get3A_23 = vector.shape_cast %get3A_22 : vector<1x2048x128xf32> to vector<2048x128xf32>
    %add3A_24 = arith.addf %get3A_18, %get3A_23 : vector<2048x128xf32>
    %get3A_25 = arith.constant 0 : index
    %get3A_26 = arith.constant 0 : index
    %get3A_27 = vector.load %arg3[%get3A_25, %get3A_26] : memref<2048x128xf32, #tpu.memory_space<vmem>>, vector<2048x128xf32>
    %sub3A_28 = arith.subf %add3A_24, %get3A_27 : vector<2048x128xf32>
    %mul3A = vector.broadcast %rsqrt3A : vector<2048x1xf32> to vector<2048x128xf32>
    %mul3A_29 = arith.mulf %sub3A_28, %mul3A : vector<2048x128xf32>
    %get3A_30 = arith.constant 0 : index
    %get3A_31 = arith.constant 0 : index
    %get3A_32 = vector.load %arg6[%get3A_30, %get3A_31] : memref<1x128xf32, #tpu.memory_space<vmem>>, vector<1x128xf32>
    %add3A_33 = vector.broadcast %get3A_32 : vector<1x128xf32> to vector<2048x128xf32>
    %add3A_34 = arith.addf %mul3A_29, %add3A_33 : vector<2048x128xf32>
    %swap3A = arith.constant 0 : index
    %swap3A_35 = arith.constant 0 : index
    %swap3A_36 = vector.load %arg7[%swap3A, %swap3A_35] : memref<2048x128xf32, #tpu.memory_space<vmem>>, vector<2048x128xf32>
    tpu.vector_store %arg7[%swap3A, %swap3A_35], %add3A_34 {strides = array<i32>} : memref<2048x128xf32, #tpu.memory_space<vmem>>, vector<2048x128xf32>,
    return
  }
  func.func @transform_0(%arg0: i32) -> (i32, i32, i32) {
    %c0_i32 = arith.constant 0 : i32
    %c0_i32_0 = arith.constant 0 : i32
    %c0_i32_1 = arith.constant 0 : i32
    return %c0_i32, %arg0, %c0_i32_0 : i32, i32, i32
  }
  func.func @transform_1(%arg0: i32) -> (i32, i32, i32) {
    %c1_i32 = arith.constant 1 : i32
    %c0_i32 = arith.constant 0 : i32
    %c0_i32_0 = arith.constant 0 : i32
    return %c1_i32, %arg0, %c0_i32 : i32, i32, i32
  }
  func.func @transform_2(%arg0: i32) -> (i32, i32) {
    %c0_i32 = arith.constant 0 : i32
    %c0_i32_0 = arith.constant 0 : i32
    return %arg0, %c0_i32 : i32, i32
  }
  func.func @transform_3(%arg0: i32) -> (i32, i32, i32) {
    %c0_i32 = arith.constant 0 : i32
    %c0_i32_0 = arith.constant 0 : i32
    %c0_i32_1 = arith.constant 0 : i32
    return %c0_i32, %arg0, %c0_i32_0 : i32, i32, i32
  }
  func.func @transform_4(%arg0: i32) -> (i32, i32, i32) {
    %c1_i32 = arith.constant 1 : i32
    %c0_i32 = arith.constant 0 : i32
    %c0_i32_0 = arith.constant 0 : i32
    return %c1_i32, %arg0, %c0_i32 : i32, i32, i32
  }
  func.func @transform_5(%arg0: i32) -> (i32, i32) {
    %c0_i32 = arith.constant 0 : i32
    %c0_i32_0 = arith.constant 0 : i32
    %c0_i32_1 = arith.constant 0 : i32
    return %c0_i32, %c0_i32_0 : i32, i32
  }
  func.func @transform_6(%arg0: i32) -> (i32, i32) {
    %c0_i32 = arith.constant 0 : i32
    %c0_i32_0 = arith.constant 0 : i32
    return %arg0, %c0_i32 : i32, i32
  }
}

</mosaic_0001>

<sc_bundles>
// kernel: kernel.12.cloned.1.call-start
scs
__scs_entry_jumppad:
0x0: {  	(pc) =	sbr.rel $0x88, $3  }
0x1: {  	(tag) =	ssettag $0x0;
	lr =	simm.s32 $0x1  }
0x2: {  	[smem:$0x3F97] =	sst lr;
	_ =	strace $0xD0000000  }
0x3: {  	_ = 	snop  }
0x4: {  	_ = 	snop  }
0x5: {  	_ = 	snop  }
0x6: {  	_ = 	snop  }
0x7: {  	_ = 	snop  }
__scs_overlays_trampoline_lowered:
0x8: {  	[smem:$0x3FA6] =	sst s0  }
0x9: {  	[smem:$0x3FA7] =	sst s1  }
0xa: {  	[smem:$0x3FA8] =	sst s2  }
0xb: {  	[smem:$0x3FA9] =	sst s3  }
0xc: {  	[smem:$0x3FAA] =	sst s4  }
0xd: {  	[smem:$0x3FAB] =	sst s5  }
0xe: {  	[smem:$0x3FAC] =	sst s6  }
0xf: {  	[smem:$0x3FAD] =	sst s7  }
0x10: {  	[smem:$0x3FAE] =	sst s8  }
0x11: {  	[smem:$0x3FAF] =	sst s9;
	s0 =	simm.s32 @!p0 $0x0  }
0x12: {  	s1 =	sld [smem:$0x3F95];
	s0 =	simm.s32 @p0 $0x1  }
0x13: {  	[smem:$0x3FB0] =	sst s0;
	s0 =	simm.s32 @!p1 $0x0  }
0x14: {  	s2 =	sld [smem:$0x3F94];
	s0 =	simm.s32 @p1 $0x1  }
0x15: {  	[smem:$0x3FB1] =	sst s0;
	s0 =	simm.s32 @!p2 $0x0  }
0x16: {  	s3 =	sld [smem:$0x3FDB];
	s0 =	simm.s32 @p2 $0x1  }
0x17: {  	s4 =	simm.s32 $0x1BF5;
	[smem:$0x3FB3] =	sst s0  }
0x18: {  	s0 =	sld [smem:$0x3F96];
	_ =	swait.ge [sflag:s4], $0x0  }
0x19: {  	s7 =	sld [smem:$0x3F97]  }
0x1a: {  	s8 =	sadd.s32 $0xFFFFE003, lr  }
0x1b: {  	s9 =	sadd.s32 $0xFFFFFEF7, lr;
	s5 =	simm.s32 $0xFFFFFFFF;
	p2 =	slt.u32 s8, $0xFFFFF086  }
0x1c: {  	p1 =	slt.u32 s9, $0xF7A;
	s5 =	simm.s32 @!p2 $0x0  }
0x1d: {  	s5 =	simm.s32 @p1 $0x1;
	p0 =	seq.s32 s7, s2  }
0x1e: {  	s7 =	smul.u32 @!p0 $0xF7A, s2;
	p2 =	seq.s32 @!p0 s5, $0x0  }
0x1f: {  	s9 =	smul.u32 $0xF7A, s1;
	s8 =	simm.s32 @!p0 $0x1BF5;
	p2 =	por !p2, p0  }
0x20: {  	[sflag:s8] =	ssyncset.s32 @!p0 $0xFFFFF086;
	s6 =	sadd.s32 @!p0 s3, s7;
	s7 =	simm.s32 @!p0 $0x108  }
0x21: {  	s3 =	sadd.s32 s3, s9;
	s6 =	sadd.s32 @!p0 $0x88, s6;
	s7 =	simm.s32 @p2 $0x1082  }
0x22: {  	[simem:s7], [sflag:s8] =	dma.local @!p0 [hbm:s6], $0xF7A  }
0x23: {  	s9 =	sor.u32 $0xD0000000, s2;
	s6 =	simm.s32 $0x108;
	_ =	swait.ge @!p0 [sflag:s8], $0x0  }
0x24: {  	s3 =	sadd.s32 $0x88, s3;
	s6 =	simm.s32 @!p1 $0x1082;
	[sflag:s4] =	ssyncset.s32 $0xFFFFF086  }
0x25: {  	[simem:s6], [sflag:s4] =	dma.local [hbm:s3], $0xF7A  }
0x26: {  	[smem:$0x3F97] =	sst s1;
	(tag) =	ssettag s2;
	_ =	strace s9  }
0x27: {  	s1 =	sld [smem:$0x3FA7]  }
0x28: {  	s2 =	sld [smem:$0x3FA8]  }
0x29: {  	s4 =	sld [smem:$0x3FAA]  }
0x2a: {  	p0 =	seq.s32 s5, $0x0;
	s5 =	sld [smem:$0x3FAB]  }
0x2b: {  	s6 =	sld [smem:$0x3FAC]  }
0x2c: {  	s7 =	sld [smem:$0x3FAD]  }
0x2d: {  	s3 =	simm.s32 $0x108;
	s8 =	sld [smem:$0x3FAE]  }
0x2e: {  	s3 =	simm.s32 @!p0 $0x1082;
	s9 =	sld [smem:$0x3FAF]  }
0x2f: {  	lr =	sadd.s32 s0, s3;
	s0 =	sld [smem:$0x3FA6]  }
0x30: {  	s3 =	sld [smem:$0x3FA9]  }
0x31: {  	[smem:$0x3FB2] =	sst s10  }
0x32: {  	s10 =	sld [smem:$0x3FB0];
	_ =	sdelay $0x3  }
0x33: {  	p0 =	seq.s32 s10, $0x1;
	s10 =	sld [smem:$0x3FB2];
	_ =	sdelay $0x3  }
0x34: {  	[smem:$0x3FB2] =	sst s10  }
0x35: {  	s10 =	sld [smem:$0x3FB1];
	_ =	sdelay $0x3  }
0x36: {  	p1 =	seq.s32 s10, $0x1;
	s10 =	sld [smem:$0x3FB2];
	_ =	sdelay $0x3  }
0x37: {  	[smem:$0x3FB2] =	sst s10  }
0x38: {  	s10 =	sld [smem:$0x3FB3]  }
0x39: {  	_ = 	snop;
	(pc) =	sbr.ind lr, $3  }
0x3a: {  	_ = 	snop  }
0x3b: {  	_ = 	snop  }
0x3c: {  	p2 =	seq.s32 s10, $0x1;
	s10 =	sld [smem:$0x3FB2]  }
0x3d: {  	_ =	shalt  }
0x3e: {  	_ =	shalt  }
0x3f: {  	_ =	shalt  }
0x40: {  	_ =	shalt  }
0x41: {  	_ =	shalt  }
0x42: {  	_ =	shalt  }
0x43: {  	_ =	shalt  }
0x44: {  	_ =	shalt  }
0x45: {  	_ =	shalt  }
0x46: {  	_ =	shalt  }
0x47: {  	_ =	shalt  }
0x48: {  	_ =	shalt  }
0x49: {  	_ =	shalt  }
0x4a: {  	_ =	shalt  }
0x4b: {  	_ =	shalt  }
0x4c: {  	_ =	shalt  }
0x4d: {  	_ =	shalt  }
0x4e: {  	_ =	shalt  }
0x4f: {  	_ =	shalt  }
0x50: {  	_ =	shalt  }
0x51: {  	_ =	shalt  }
0x52: {  	_ =	shalt  }
0x53: {  	_ =	shalt  }
0x54: {  	_ =	shalt  }
0x55: {  	_ =	shalt  }
0x56: {  	_ =	shalt  }
0x57: {  	_ =	shalt  }
0x58: {  	_ =	shalt  }
0x59: {  	_ =	shalt  }
0x5a: {  	_ =	shalt  }
0x5b: {  	_ =	shalt  }
0x5c: {  	_ =	shalt  }
0x5d: {  	_ =	shalt  }
0x5e: {  	_ =	shalt  }
0x5f: {  	_ =	shalt  }
0x60: {  	_ =	shalt  }
0x61: {  	_ =	shalt  }
0x62: {  	_ =	shalt  }
0x63: {  	_ =	shalt  }
0x64: {  	_ =	shalt  }
0x65: {  	_ =	shalt  }
0x66: {  	_ =	shalt  }
0x67: {  	_ =	shalt  }
0x68: {  	_ =	shalt  }
0x69: {  	_ =	shalt  }
0x6a: {  	_ =	shalt  }
0x6b: {  	_ =	shalt  }
0x6c: {  	_ =	shalt  }
0x6d: {  	_ =	shalt  }
0x6e: {  	_ =	shalt  }
0x6f: {  	_ =	shalt  }
0x70: {  	_ =	shalt  }
0x71: {  	_ =	shalt  }
0x72: {  	_ =	shalt  }
0x73: {  	_ =	shalt  }
0x74: {  	_ =	shalt  }
0x75: {  	_ =	shalt  }
0x76: {  	_ =	shalt  }
0x77: {  	_ =	shalt  }
0x78: {  	_ =	shalt  }
0x79: {  	_ =	shalt  }
0x7a: {  	_ =	shalt  }
0x7b: {  	_ =	shalt  }
0x7c: {  	_ =	shalt  }
0x7d: {  	_ =	shalt  }
0x7e: {  	_ =	shalt  }
0x7f: {  	_ =	shalt  }
0x80: {  	_ =	shalt  }
0x81: {  	_ =	shalt  }
0x82: {  	_ =	shalt  }
0x83: {  	_ =	shalt  }
0x84: {  	_ =	shalt  }
0x85: {  	_ =	shalt  }
0x86: {  	_ =	shalt  }
0x87: {  	_ =	shalt  }
.Lfunc_end0:
.L_simem_size_0:
called_computation_lowered:
.L_overlay_start_0:
0x88: {  	s2 =	sld [smem:$0x3FD9]  }
0x89: {  	s3 =	sld [smem:$0x3FFE];
	_ =	sdelay $0x1  }
0x8a: {  	s1 =	srdreg.scid  }
0x8b: {  	s0 =	sand.u32 $0x1, s1  }
0x8c: {  	s17 =	sshll.u32 s0, $0xA;
	s2 =	sadd.s32 s3, s2  }
0x8d: {  	s2 =	sadd.s32 s2, s17  }
0x8e: {  	[smem:$0x3FBE] =	sst s2  }
0x8f: {  	_ = 	snop  }
0x90: {  	s2 =	sld [smem:$0x3FD0];
	(tm) =	ssettm $0x1  }
0x91: {  	s18 =	sld [smem:$0x3FFB];
	_ =	sdelay $0x3  }
0x92: {  	_ =	strace s18  }
0x93: {  	s3 =	sld [smem:$0x3FFC];
	_ =	sdelay $0x3  }
0x94: {  	_ =	strace s3  }
0x95: {  	s3 =	sld [smem:$0x3FFD];
	_ =	sdelay $0x3  }
0x96: {  	_ =	strace s3  }
0x97: {  	_ =	strace $0x8FFFFFFF  }
0x98: {  	s19 =	sld [smem:$0x3FDB];
	_ =	sdelay $0x1  }
0x99: {  	s4 =	simm.s32 $_scs_section_size  }
0x9a: {  	s5 =	simm.s32 $_size__tile_overlayer_lowered;
	s6 =	simm.s32 $_tile_overlayer_lowered  }
0x9b: {  	s22 =	simm.s32 $0x1BFF;
	s21 =	sshll.u32 s6, $0x1;
	s3 =	sadd.s32 s4, s19  }
0x9c: {  	s7 =	simm.s32 $0x0;
	s20 =	sshll.u32 s5, $0x1;
	s5 =	sadd.s32 s21, s3  }
0x9d: {  	[timem:s7], [sflag:s22] =	dma.local [hbm:s5], s20  }
0x9e: {  	_ =	swait.ge [sflag:s22], s20  }
0x9f: {  	s4 =	ssub.s32 $0x0, s20;
	[sflag:s22] =	ssyncset.done $0x0  }
0xa0: {  	[sflag:s22] =	ssyncadd.s32 s4;
	_ =	sdelay $0x1  }
0xa1: {  	s23 =	simm.s32 $0x1B8B  }
0xa2: {  	_ =	swait.ge [sflag:s23], $0x1  }
0xa3: {  	[sflag:s23] =	ssyncset.done $0x0  }
0xa4: {  	s25 =	simm.s32 $0x1B8E;
	s24 =	sld [smem:$0x3FFE];
	[sflag:s23] =	ssyncadd.s32 $0xFFFFFFFF  }
0xa5: {  	s26 =	simm.s32 $execute0_lowered;
	[smem:$0x3FD2] =	sst s25  }
0xa6: {  	s5 =	sshll.u32 s26, $0x1;
	_ =	strace $0x80000046;
	[dreg:$0x1] =	wrdreg $0xFFFFFFFF  }
0xa7: {  	s28 =	simm.s32 $_size_execute0_lowered;
	s3 =	sadd.s32 s3, s5;
	[dreg:$0x0] =	wrdreg $0x0  }
0xa8: {  	s5 =	sshll.u32 s28, $0x1;
	[dreg:$0x2] =	wrdreg s3  }
0xa9: {  	[dreg:$0x3] =	wrdreg s5  }
0xaa: {  	[dreg:$0x4] =	wrdreg $0xC0  }
0xab: {  	_ =	task [dreg:s7], $0x5FFFF  }
0xac: {  	[dreg:$0x1] =	wrdreg $0xFFFFFFFF  }
0xad: {  	[dreg:$0x0] =	wrdreg $0x60  }
0xae: {  	[dreg:$0x2] =	wrdreg s24  }
0xaf: {  	[dreg:$0x3] =	wrdreg s2  }
0xb0: {  	[dreg:$0x4] =	wrdreg $0x44000  }
0xb1: {  	[dreg:$0x5] =	wrdreg $0x9  }
0xb2: {  	_ =	task.clear_ibuf [dreg:s7], $0x6FFFF;
	_ =	strace $0x90000046  }
0xb3: {  	s29 =	simm.s32 $0x9;
	_ =	strace $0x80000048  }
0xb4: {  	_ =	swait.ge [sflag:s29], $0x1  }
0xb5: {  	[sflag:s29] =	ssyncadd.s32 $0xFFFFFFFF  }
0xb6: {  	_ =	strace $0x90000048  }
0xb7: {  	_ =	sfence  }
0xb8: {  	s30 =	sld [smem:$0x0];
	_ =	sdelay $0x2  }
0xb9: {  	s31 =	sshll.u32 s1, $0xD;
	s1 =	sshrl.u32 s1, $0x2  }
0xba: {  	s3 =	sand.u32 $0x4000, s31;
	s1 =	sadd.s32 s1, s30  }
0xbb: {  	s0 =	sor.u32 s3, s0;
	s1 =	sshll.u32 s1, $0x11  }
0xbc: {  	s0 =	sor.u32 s1, s0  }
0xbd: {  	s0 =	sadd.s32 $0x8F2B, s0  }
0xbe: {  	[sflag:s0] =	ssyncadd.remote.s32 $0x1  }
0xbf: {  	_ =	sfence.sel $0xFFFF  }
0xc0: {  	[dreg:$0x0] =	wrdreg $0xFFFFFFFF;
	(pc) =	sbr.abs _section_cstart, $3  }
0xc1: {  	[dreg:$0x1] =	wrdreg $0xFFFFFFFF  }
0xc2: {  	_ =	task.clear_ibuf [dreg:s7], $0x2FFFF;
	_ =	strace $0x9FFFFFFF  }
0xc3: {  	(tm) =	ssettm $0x7FFFFFFF  }
tec
execute0_lowered:
.L_overlay_start_1:
0x0: {  	(tag) =	ssettag $0x1  }
0x1: {  	s5 =	rddreg [dreg:$0x0]  }
0x2: {  	s9 =	rddreg [dreg:$0x1]  }
0x3: {  	s2 =	rddreg [dreg:$0x2]  }
0x4: {  	s0 =	stileid.u32;
	s6 =	srdreg.scid  }
0x5: {  	s1 =	rddreg [dreg:$0x3];
	s3 =	simm.s32 $0x0;
	s14 =	simm.s32 $0x100  }
0x6: {  	s15 =	simm.s32 $0x180;
	s16 =	simm.s32 $0x200;
	s17 =	simm.s32 $0x280  }
0x7: {  	s18 =	simm.s32 $0x300;
	s19 =	simm.s32 $0x380;
	s4 =	smul.u32 $0x14000, s0  }
0x8: {  	s20 =	simm.s32 $0x0;
	s6 =	sand.u32 $0x1, s6;
	s11 =	smul.u32 $0x50000, s0  }
0x9: {  	[smem:$0x7FF] =	sst s3;
	s30 =	sshll.u32 s0, $0x6;
	s31 =	smul.u32 $0x500, s0  }
0xa: {  	s8 =	smul.u32 $0x140000, s6;
	_ =	strace $0x80000047;
	s10 =	ssub.s32 $0x2, s6  }
0xb: {  	s13 =	smul.u32 $0x5000, s6;
	s6 =	sor.u32 $0x1C01, s30;
	s7 =	sshrl.u32 s4, $0x3  }
0xc: {  	s12 =	sshrl.u32 s10, $0x1;
	s29 =	sshrl.u32 s11, $0x2;
	s7 =	sadd.s32 s7, s5  }
0xd: {  	s8 =	sadd.s32 s4, s8;
	s4 =	sadd.s32 $0xE600, s5;
	s10 =	ssub.s32 s10, s12  }
0xe: {  	s11 =	sadd.s32 s29, s2;
	s9 =	sadd.s32 s13, s9;
	s8 =	sshrl.u32 s8, $0x3  }
0xf: {  	s12 =	simm.s32 $0x400;
	s13 =	simm.s32 $0x80;
	s8 =	sadd.s32 s8, s5  }
0x10: {  	s9 =	sadd.s32 s31, s9;
	s5 =	sadd.s32 $0xEE00, s7;
	s7 =	sadd.s32 $0x36E00, s8  }
0x11: {  	s8 =	smax.u32 s10, $0x1;
	s10 =	sshrl.u32 s11, $0x3;
	s11 =	simm.s32 $0x1  }
.LBB2_1:
0x12: {  	[spmem:s10], [sflag:s6] =	dma.local [hbm:s5], $0x2800  }
0x13: {  	_ =	swait.ge [sflag:s11], $0x2800  }
0x14: {  	[sflag:s11] =	ssyncset.done $0x0  }
0x15: {  	[sflag:s11] =	ssyncadd.s32 $0xFFFFD800  }
0x16: {  	[tilespmem:s12], [sflag:$0x1] =	stream.linear.gather [hbm4b:s4+s3], $0x4000, $0x38;
	[tilespmem:$0x18400] =	vst v63  }
0x17: {  	_ =	swait.ge [sflag:s11], $0x4000  }
0x18: {  	[sflag:s11] =	ssyncset.done $0x0  }
0x19: {  	[sflag:s11] =	ssyncadd.s32 $0xFFFFC000  }
0x1a: {  	s21 =	sadd.s32 $0x0, s9;
	[bflag:$0x0] =	sbarrier.arrive $0xFFFF  }
0x1b: {  	[tilespmem:s3], [sflag:$0x1] =	stream.linear.gather [hbm4b:s21+s3], $0x400, $0x38;
	[tilespmem:$0x18400] =	vst v63  }
0x1c: {  	_ =	swait.ge [sflag:s11], $0x400  }
0x1d: {  	[sflag:s11] =	ssyncset.done $0x0  }
0x1e: {  	[sflag:s11] =	ssyncadd.s32 $0xFFFFFC00  }
0x1f: {  	[spmem:s2] =	stream.indirect.scatter.add.f32 [tilespmem:s12], [sflag:$0x1], $0x80, s3, s13, $0xb8;
	[tilespmem:$0x18400] =	vst v63  }
0x20: {  	_ =	swait.ge [sflag:s11], $0x4000  }
0x21: {  	[sflag:s11] =	ssyncset.done $0x0  }
0x22: {  	[sflag:s11] =	ssyncadd.s32 $0xFFFFC000  }
0x23: {  	[spmem:s2] =	stream.indirect.scatter.add.f32 [tilespmem:s12], [sflag:$0x1], $0x80, s13, s13, $0xb8;
	[tilespmem:$0x18400] =	vst v63  }
0x24: {  	_ =	swait.ge [sflag:s11], $0x4000  }
0x25: {  	[sflag:s11] =	ssyncset.done $0x0  }
0x26: {  	[sflag:s11] =	ssyncadd.s32 $0xFFFFC000  }
0x27: {  	[spmem:s2] =	stream.indirect.scatter.add.f32 [tilespmem:s12], [sflag:$0x1], $0x80, s14, s13, $0xb8;
	[tilespmem:$0x18400] =	vst v63  }
0x28: {  	_ =	swait.ge [sflag:s11], $0x4000  }
0x29: {  	[sflag:s11] =	ssyncset.done $0x0  }
0x2a: {  	[sflag:s11] =	ssyncadd.s32 $0xFFFFC000  }
0x2b: {  	[spmem:s2] =	stream.indirect.scatter.add.f32 [tilespmem:s12], [sflag:$0x1], $0x80, s15, s13, $0xb8;
	[tilespmem:$0x18400] =	vst v63  }
0x2c: {  	_ =	swait.ge [sflag:s11], $0x4000  }
0x2d: {  	[sflag:s11] =	ssyncset.done $0x0  }
0x2e: {  	[sflag:s11] =	ssyncadd.s32 $0xFFFFC000  }
0x2f: {  	[spmem:s2] =	stream.indirect.scatter.add.f32 [tilespmem:s12], [sflag:$0x1], $0x80, s16, s13, $0xb8;
	[tilespmem:$0x18400] =	vst v63  }
0x30: {  	_ =	swait.ge [sflag:s11], $0x4000  }
0x31: {  	[sflag:s11] =	ssyncset.done $0x0  }
0x32: {  	[sflag:s11] =	ssyncadd.s32 $0xFFFFC000  }
0x33: {  	[spmem:s2] =	stream.indirect.scatter.add.f32 [tilespmem:s12], [sflag:$0x1], $0x80, s17, s13, $0xb8;
	[tilespmem:$0x18400] =	vst v63  }
0x34: {  	_ =	swait.ge [sflag:s11], $0x4000  }
0x35: {  	[sflag:s11] =	ssyncset.done $0x0  }
0x36: {  	[sflag:s11] =	ssyncadd.s32 $0xFFFFC000  }
0x37: {  	[spmem:s2] =	stream.indirect.scatter.add.f32 [tilespmem:s12], [sflag:$0x1], $0x80, s18, s13, $0xb8;
	[tilespmem:$0x18400] =	vst v63  }
0x38: {  	_ =	swait.ge [sflag:s11], $0x4000  }
0x39: {  	[sflag:s11] =	ssyncset.done $0x0  }
0x3a: {  	[sflag:s11] =	ssyncadd.s32 $0xFFFFC000  }
0x3b: {  	[spmem:s2] =	stream.indirect.scatter.add.f32 [tilespmem:s12], [sflag:$0x1], $0x80, s19, s13, $0xb8;
	[tilespmem:$0x18400] =	vst v63  }
0x3c: {  	_ =	swait.ge [sflag:s11], $0x4000  }
0x3d: {  	s23 =	simm.s32 $0x100;
	s21 =	simm.s32 $0x80;
	[sflag:s11] =	ssyncset.done $0x0  }
.LBB2_2:
0x3e: {  	s24 =	sadd.s32 s21, s9  }
0x3f: {  	[sflag:s11] =	ssyncadd.s32 $0xFFFFC000;
	s21 =	smov.u32 s23;
	s22 =	sadd.s32 $0x80, s23  }
0x40: {  	[tilespmem:s3], [sflag:$0x1] =	stream.linear.gather [hbm4b:s24+s3], $0x400, $0x38;
	[tilespmem:$0x18400] =	vst v63  }
0x41: {  	p0 =	sne.s32 s23, $0x480;
	_ =	swait.ge [sflag:s11], $0x400  }
0x42: {  	[sflag:s11] =	ssyncset.done $0x0  }
0x43: {  	[sflag:s11] =	ssyncadd.s32 $0xFFFFFC00  }
0x44: {  	[spmem:s2] =	stream.indirect.scatter.add.f32 [tilespmem:s12], [sflag:$0x1], $0x80, s3, s13, $0xb8;
	[tilespmem:$0x18400] =	vst v63  }
0x45: {  	_ =	swait.ge [sflag:s11], $0x4000  }
0x46: {  	[sflag:s11] =	ssyncset.done $0x0  }
0x47: {  	[sflag:s11] =	ssyncadd.s32 $0xFFFFC000  }
0x48: {  	[spmem:s2] =	stream.indirect.scatter.add.f32 [tilespmem:s12], [sflag:$0x1], $0x80, s13, s13, $0xb8;
	[tilespmem:$0x18400] =	vst v63  }
0x49: {  	_ =	swait.ge [sflag:s11], $0x4000  }
0x4a: {  	[sflag:s11] =	ssyncset.done $0x0  }
0x4b: {  	[sflag:s11] =	ssyncadd.s32 $0xFFFFC000  }
0x4c: {  	[spmem:s2] =	stream.indirect.scatter.add.f32 [tilespmem:s12], [sflag:$0x1], $0x80, s14, s13, $0xb8;
	[tilespmem:$0x18400] =	vst v63  }
0x4d: {  	_ =	swait.ge [sflag:s11], $0x4000  }
0x4e: {  	[sflag:s11] =	ssyncset.done $0x0  }
0x4f: {  	[sflag:s11] =	ssyncadd.s32 $0xFFFFC000  }
0x50: {  	[spmem:s2] =	stream.indirect.scatter.add.f32 [tilespmem:s12], [sflag:$0x1], $0x80, s15, s13, $0xb8;
	[tilespmem:$0x18400] =	vst v63  }
0x51: {  	_ =	swait.ge [sflag:s11], $0x4000  }
0x52: {  	[sflag:s11] =	ssyncset.done $0x0  }
0x53: {  	[sflag:s11] =	ssyncadd.s32 $0xFFFFC000  }
0x54: {  	[spmem:s2] =	stream.indirect.scatter.add.f32 [tilespmem:s12], [sflag:$0x1], $0x80, s16, s13, $0xb8;
	[tilespmem:$0x18400] =	vst v63  }
0x55: {  	_ =	swait.ge [sflag:s11], $0x4000  }
0x56: {  	[sflag:s11] =	ssyncset.done $0x0  }
0x57: {  	[sflag:s11] =	ssyncadd.s32 $0xFFFFC000  }
0x58: {  	[spmem:s2] =	stream.indirect.scatter.add.f32 [tilespmem:s12], [sflag:$0x1], $0x80, s17, s13, $0xb8;
	[tilespmem:$0x18400] =	vst v63  }
0x59: {  	_ =	swait.ge [sflag:s11], $0x4000  }
0x5a: {  	[sflag:s11] =	ssyncset.done $0x0  }
0x5b: {  	[sflag:s11] =	ssyncadd.s32 $0xFFFFC000  }
0x5c: {  	[spmem:s2] =	stream.indirect.scatter.add.f32 [tilespmem:s12], [sflag:$0x1], $0x80, s18, s13, $0xb8;
	[tilespmem:$0x18400] =	vst v63  }
0x5d: {  	_ =	swait.ge [sflag:s11], $0x4000  }
.Ltmp0:
0x5e: {  	[sflag:s11] =	ssyncset.done $0x0;
	(pc) =	sbr.rel @p0 .LBB2_2-.Ltmp0, $4  }
0x5f: {  	[sflag:s11] =	ssyncadd.s32 $0xFFFFC000  }
0x60: {  	[spmem:s2] =	stream.indirect.scatter.add.f32 [tilespmem:s12], [sflag:$0x1], $0x80, s19, s13, $0xb8;
	[tilespmem:$0x18400] =	vst v63  }
0x61: {  	_ =	swait.ge [sflag:s11], $0x4000  }
0x62: {  	s23 =	smov.u32 s22;
	[sflag:s11] =	ssyncset.done $0x0  }
0x63: {  	s21 =	sadd.s32 s21, s9;
	[sflag:s11] =	ssyncadd.s32 $0xFFFFC000  }
0x64: {  	[tilespmem:s3], [sflag:$0x1] =	stream.linear.gather [hbm4b:s21+s3], $0x400, $0x38;
	[tilespmem:$0x18400] =	vst v63  }
0x65: {  	_ =	swait.ge [sflag:s11], $0x400  }
0x66: {  	[sflag:s11] =	ssyncset.done $0x0  }
0x67: {  	[sflag:s11] =	ssyncadd.s32 $0xFFFFFC00  }
0x68: {  	[spmem:s2] =	stream.indirect.scatter.add.f32 [tilespmem:s12], [sflag:$0x1], $0x80, s3, s13, $0xb8;
	[tilespmem:$0x18400] =	vst v63  }
0x69: {  	_ =	swait.ge [sflag:s11], $0x4000  }
0x6a: {  	[sflag:s11] =	ssyncset.done $0x0  }
0x6b: {  	[sflag:s11] =	ssyncadd.s32 $0xFFFFC000  }
0x6c: {  	[spmem:s2] =	stream.indirect.scatter.add.f32 [tilespmem:s12], [sflag:$0x1], $0x80, s13, s13, $0xb8;
	[tilespmem:$0x18400] =	vst v63  }
0x6d: {  	_ =	swait.ge [sflag:s11], $0x4000  }
0x6e: {  	[sflag:s11] =	ssyncset.done $0x0  }
0x6f: {  	[sflag:s11] =	ssyncadd.s32 $0xFFFFC000  }
0x70: {  	[spmem:s2] =	stream.indirect.scatter.add.f32 [tilespmem:s12], [sflag:$0x1], $0x80, s14, s13, $0xb8;
	[tilespmem:$0x18400] =	vst v63  }
0x71: {  	_ =	swait.ge [sflag:s11], $0x4000  }
0x72: {  	[sflag:s11] =	ssyncset.done $0x0  }
0x73: {  	[sflag:s11] =	ssyncadd.s32 $0xFFFFC000  }
0x74: {  	[spmem:s2] =	stream.indirect.scatter.add.f32 [tilespmem:s12], [sflag:$0x1], $0x80, s15, s13, $0xb8;
	[tilespmem:$0x18400] =	vst v63  }
0x75: {  	_ =	swait.ge [sflag:s11], $0x4000  }
0x76: {  	[sflag:s11] =	ssyncset.done $0x0  }
0x77: {  	[sflag:s11] =	ssyncadd.s32 $0xFFFFC000  }
0x78: {  	[spmem:s2] =	stream.indirect.scatter.add.f32 [tilespmem:s12], [sflag:$0x1], $0x80, s16, s13, $0xb8;
	[tilespmem:$0x18400] =	vst v63  }
0x79: {  	_ =	swait.ge [sflag:s11], $0x4000  }
0x7a: {  	[sflag:s11] =	ssyncset.done $0x0  }
0x7b: {  	[sflag:s11] =	ssyncadd.s32 $0xFFFFC000  }
0x7c: {  	[spmem:s2] =	stream.indirect.scatter.add.f32 [tilespmem:s12], [sflag:$0x1], $0x80, s17, s13, $0xb8;
	[tilespmem:$0x18400] =	vst v63  }
0x7d: {  	_ =	swait.ge [sflag:s11], $0x4000  }
0x7e: {  	[sflag:s11] =	ssyncset.done $0x0  }
0x7f: {  	[sflag:s11] =	ssyncadd.s32 $0xFFFFC000  }
0x80: {  	[spmem:s2] =	stream.indirect.scatter.add.f32 [tilespmem:s12], [sflag:$0x1], $0x80, s18, s13, $0xb8;
	[tilespmem:$0x18400] =	vst v63  }
0x81: {  	_ =	swait.ge [sflag:s11], $0x4000  }
0x82: {  	[sflag:s11] =	ssyncset.done $0x0  }
0x83: {  	[sflag:s11] =	ssyncadd.s32 $0xFFFFC000  }
0x84: {  	[spmem:s2] =	stream.indirect.scatter.add.f32 [tilespmem:s12], [sflag:$0x1], $0x80, s19, s13, $0xb8;
	[tilespmem:$0x18400] =	vst v63  }
0x85: {  	_ =	swait.ge [sflag:s11], $0x4000  }
0x86: {  	s20 =	sadd.s32 $0x1, s20;
	[sflag:s11] =	ssyncset.done $0x0  }
0x87: {  	p0 =	sne.s32 s20, s8;
	[sflag:s11] =	ssyncadd.s32 $0xFFFFC000  }
.Ltmp1:
0x88: {  	[bflag:$0x0] =	sbarrier.arrive $0xFFFF;
	(pc) =	sbr.rel @p0 .LBB2_1-.Ltmp1, $4  }
0x89: {  	[hbm:s7], [sflag:s6] =	dma.local [spmem:s10], $0x2800  }
0x8a: {  	_ =	swait.ge [sflag:s11], $0x2800  }
0x8b: {  	[sflag:s11] =	ssyncset.done $0x0  }
0x8c: {  	[sflag:s11] =	ssyncadd.s32 $0xFFFFD800  }
0x8d: {  	_ =	sfence.sel $0x180000  }
0x8e: {  	[bflag:$0x0] =	sbarrier.arrive $0xFFFF  }
0x8f: {  	p0 =	sne.s32 s0, $0x0;
	_ =	strace $0x90000047  }
0x90: {  	s0 =	sadd.s32 @!p0 $0x100000, s1;
	[bflag:$0x2] =	sbarrier.arrive $0xFFFF  }
0x91: {  	[sflag:s0] =	ssyncadd.tile.s32 @!p0 $0x1;
	_ =	shalt  }
.Lfunc_end2:
_tile_overlayer_lowered:
.L_overlay_start_2:
0x92: {  	(tag) =	ssettag $0x2  }
0x93: {  	s0 =	rddreg [dreg:$0x0];
	s2 =	stileid.u32  }
0x94: {  	s1 =	rddreg [dreg:$0x1];
	p0 =	sne.s32 s2, $0x0  }
0x95: {  	s3 =	rddreg [dreg:$0x2];
	[bflag:$0x3] =	sbarrier.arrive $0xFFFF;
	s2 =	simm.s32 @!p0 $0x1C01  }
0x96: {  	[timem:s3], [sflag:s2] =	dma.local @!p0 [hbm:s0], s1  }
0x97: {  	s0 =	simm.s32 @!p0 $0x1  }
0x98: {  	_ =	swait.ge @!p0 [sflag:s0], s1  }
0x99: {  	s1 =	ssub.s32 @!p0 $0x0, s1;
	[sflag:s0] =	ssyncset.done @!p0 $0x0  }
0x9a: {  	[sflag:s0] =	ssyncadd.s32 @!p0 s1  }
0x9b: {  	[bflag:$0x3] =	sbarrier.arrive $0xFFFF  }
0x9c: {  	_ =	shalt  }

// kernel: kernel.15.cloned.1.call-start
scs
__scs_entry_jumppad:
0x0: {  	(pc) =	sbr.rel $0x88, $3  }
0x1: {  	(tag) =	ssettag $0x0;
	lr =	simm.s32 $0x1  }
0x2: {  	[smem:$0x3F97] =	sst lr;
	_ =	strace $0xD0000000  }
0x3: {  	_ = 	snop  }
0x4: {  	_ = 	snop  }
0x5: {  	_ = 	snop  }
0x6: {  	_ = 	snop  }
0x7: {  	_ = 	snop  }
__scs_overlays_trampoline_lowered:
0x8: {  	[smem:$0x3FA6] =	sst s0  }
0x9: {  	[smem:$0x3FA7] =	sst s1  }
0xa: {  	[smem:$0x3FA8] =	sst s2  }
0xb: {  	[smem:$0x3FA9] =	sst s3  }
0xc: {  	[smem:$0x3FAA] =	sst s4  }
0xd: {  	[smem:$0x3FAB] =	sst s5  }
0xe: {  	[smem:$0x3FAC] =	sst s6  }
0xf: {  	[smem:$0x3FAD] =	sst s7  }
0x10: {  	[smem:$0x3FAE] =	sst s8  }
0x11: {  	[smem:$0x3FAF] =	sst s9;
	s0 =	simm.s32 @!p0 $0x0  }
0x12: {  	s1 =	sld [smem:$0x3F95];
	s0 =	simm.s32 @p0 $0x1  }
0x13: {  	[smem:$0x3FB0] =	sst s0;
	s0 =	simm.s32 @!p1 $0x0  }
0x14: {  	s2 =	sld [smem:$0x3F94];
	s0 =	simm.s32 @p1 $0x1  }
0x15: {  	[smem:$0x3FB1] =	sst s0;
	s0 =	simm.s32 @!p2 $0x0  }
0x16: {  	s3 =	sld [smem:$0x3FDB];
	s0 =	simm.s32 @p2 $0x1  }
0x17: {  	s4 =	simm.s32 $0x1BF5;
	[smem:$0x3FB3] =	sst s0  }
0x18: {  	s0 =	sld [smem:$0x3F96];
	_ =	swait.ge [sflag:s4], $0x0  }
0x19: {  	s7 =	sld [smem:$0x3F97]  }
0x1a: {  	s8 =	sadd.s32 $0xFFFFE003, lr  }
0x1b: {  	s9 =	sadd.s32 $0xFFFFFEF7, lr;
	s5 =	simm.s32 $0xFFFFFFFF;
	p2 =	slt.u32 s8, $0xFFFFF086  }
0x1c: {  	p1 =	slt.u32 s9, $0xF7A;
	s5 =	simm.s32 @!p2 $0x0  }
0x1d: {  	s5 =	simm.s32 @p1 $0x1;
	p0 =	seq.s32 s7, s2  }
0x1e: {  	s7 =	smul.u32 @!p0 $0xF7A, s2;
	p2 =	seq.s32 @!p0 s5, $0x0  }
0x1f: {  	s9 =	smul.u32 $0xF7A, s1;
	s8 =	simm.s32 @!p0 $0x1BF5;
	p2 =	por !p2, p0  }
0x20: {  	[sflag:s8] =	ssyncset.s32 @!p0 $0xFFFFF086;
	s6 =	sadd.s32 @!p0 s3, s7;
	s7 =	simm.s32 @!p0 $0x108  }
0x21: {  	s3 =	sadd.s32 s3, s9;
	s6 =	sadd.s32 @!p0 $0x88, s6;
	s7 =	simm.s32 @p2 $0x1082  }
0x22: {  	[simem:s7], [sflag:s8] =	dma.local @!p0 [hbm:s6], $0xF7A  }
0x23: {  	s9 =	sor.u32 $0xD0000000, s2;
	s6 =	simm.s32 $0x108;
	_ =	swait.ge @!p0 [sflag:s8], $0x0  }
0x24: {  	s3 =	sadd.s32 $0x88, s3;
	s6 =	simm.s32 @!p1 $0x1082;
	[sflag:s4] =	ssyncset.s32 $0xFFFFF086  }
0x25: {  	[simem:s6], [sflag:s4] =	dma.local [hbm:s3], $0xF7A  }
0x26: {  	[smem:$0x3F97] =	sst s1;
	(tag) =	ssettag s2;
	_ =	strace s9  }
0x27: {  	s1 =	sld [smem:$0x3FA7]  }
0x28: {  	s2 =	sld [smem:$0x3FA8]  }
0x29: {  	s4 =	sld [smem:$0x3FAA]  }
0x2a: {  	p0 =	seq.s32 s5, $0x0;
	s5 =	sld [smem:$0x3FAB]  }
0x2b: {  	s6 =	sld [smem:$0x3FAC]  }
0x2c: {  	s7 =	sld [smem:$0x3FAD]  }
0x2d: {  	s3 =	simm.s32 $0x108;
	s8 =	sld [smem:$0x3FAE]  }
0x2e: {  	s3 =	simm.s32 @!p0 $0x1082;
	s9 =	sld [smem:$0x3FAF]  }
0x2f: {  	lr =	sadd.s32 s0, s3;
	s0 =	sld [smem:$0x3FA6]  }
0x30: {  	s3 =	sld [smem:$0x3FA9]  }
0x31: {  	[smem:$0x3FB2] =	sst s10  }
0x32: {  	s10 =	sld [smem:$0x3FB0];
	_ =	sdelay $0x3  }
0x33: {  	p0 =	seq.s32 s10, $0x1;
	s10 =	sld [smem:$0x3FB2];
	_ =	sdelay $0x3  }
0x34: {  	[smem:$0x3FB2] =	sst s10  }
0x35: {  	s10 =	sld [smem:$0x3FB1];
	_ =	sdelay $0x3  }
0x36: {  	p1 =	seq.s32 s10, $0x1;
	s10 =	sld [smem:$0x3FB2];
	_ =	sdelay $0x3  }
0x37: {  	[smem:$0x3FB2] =	sst s10  }
0x38: {  	s10 =	sld [smem:$0x3FB3]  }
0x39: {  	_ = 	snop;
	(pc) =	sbr.ind lr, $3  }
0x3a: {  	_ = 	snop  }
0x3b: {  	_ = 	snop  }
0x3c: {  	p2 =	seq.s32 s10, $0x1;
	s10 =	sld [smem:$0x3FB2]  }
0x3d: {  	_ =	shalt  }
0x3e: {  	_ =	shalt  }
0x3f: {  	_ =	shalt  }
0x40: {  	_ =	shalt  }
0x41: {  	_ =	shalt  }
0x42: {  	_ =	shalt  }
0x43: {  	_ =	shalt  }
0x44: {  	_ =	shalt  }
0x45: {  	_ =	shalt  }
0x46: {  	_ =	shalt  }
0x47: {  	_ =	shalt  }
0x48: {  	_ =	shalt  }
0x49: {  	_ =	shalt  }
0x4a: {  	_ =	shalt  }
0x4b: {  	_ =	shalt  }
0x4c: {  	_ =	shalt  }
0x4d: {  	_ =	shalt  }
0x4e: {  	_ =	shalt  }
0x4f: {  	_ =	shalt  }
0x50: {  	_ =	shalt  }
0x51: {  	_ =	shalt  }
0x52: {  	_ =	shalt  }
0x53: {  	_ =	shalt  }
0x54: {  	_ =	shalt  }
0x55: {  	_ =	shalt  }
0x56: {  	_ =	shalt  }
0x57: {  	_ =	shalt  }
0x58: {  	_ =	shalt  }
0x59: {  	_ =	shalt  }
0x5a: {  	_ =	shalt  }
0x5b: {  	_ =	shalt  }
0x5c: {  	_ =	shalt  }
0x5d: {  	_ =	shalt  }
0x5e: {  	_ =	shalt  }
0x5f: {  	_ =	shalt  }
0x60: {  	_ =	shalt  }
0x61: {  	_ =	shalt  }
0x62: {  	_ =	shalt  }
0x63: {  	_ =	shalt  }
0x64: {  	_ =	shalt  }
0x65: {  	_ =	shalt  }
0x66: {  	_ =	shalt  }
0x67: {  	_ =	shalt  }
0x68: {  	_ =	shalt  }
0x69: {  	_ =	shalt  }
0x6a: {  	_ =	shalt  }
0x6b: {  	_ =	shalt  }
0x6c: {  	_ =	shalt  }
0x6d: {  	_ =	shalt  }
0x6e: {  	_ =	shalt  }
0x6f: {  	_ =	shalt  }
0x70: {  	_ =	shalt  }
0x71: {  	_ =	shalt  }
0x72: {  	_ =	shalt  }
0x73: {  	_ =	shalt  }
0x74: {  	_ =	shalt  }
0x75: {  	_ =	shalt  }
0x76: {  	_ =	shalt  }
0x77: {  	_ =	shalt  }
0x78: {  	_ =	shalt  }
0x79: {  	_ =	shalt  }
0x7a: {  	_ =	shalt  }
0x7b: {  	_ =	shalt  }
0x7c: {  	_ =	shalt  }
0x7d: {  	_ =	shalt  }
0x7e: {  	_ =	shalt  }
0x7f: {  	_ =	shalt  }
0x80: {  	_ =	shalt  }
0x81: {  	_ =	shalt  }
0x82: {  	_ =	shalt  }
0x83: {  	_ =	shalt  }
0x84: {  	_ =	shalt  }
0x85: {  	_ =	shalt  }
0x86: {  	_ =	shalt  }
0x87: {  	_ =	shalt  }
.Lfunc_end0:
.L_simem_size_0:
called_computation.1_lowered:
.L_overlay_start_0:
0x88: {  	s2 =	sld [smem:$0x3FD9]  }
0x89: {  	s3 =	sld [smem:$0x3FFE];
	_ =	sdelay $0x1  }
0x8a: {  	s1 =	srdreg.scid  }
0x8b: {  	s0 =	sand.u32 $0x1, s1  }
0x8c: {  	s17 =	sshll.u32 s0, $0xA;
	s2 =	sadd.s32 s3, s2  }
0x8d: {  	s2 =	sadd.s32 s2, s17  }
0x8e: {  	[smem:$0x3FBE] =	sst s2  }
0x8f: {  	_ = 	snop  }
0x90: {  	s2 =	sld [smem:$0x3FD0];
	(tm) =	ssettm $0x1  }
0x91: {  	s18 =	sld [smem:$0x3FFB];
	_ =	sdelay $0x3  }
0x92: {  	_ =	strace s18  }
0x93: {  	s3 =	sld [smem:$0x3FFC];
	_ =	sdelay $0x3  }
0x94: {  	_ =	strace s3  }
0x95: {  	s3 =	sld [smem:$0x3FFD];
	_ =	sdelay $0x3  }
0x96: {  	_ =	strace s3  }
0x97: {  	_ =	strace $0x8FFFFFFF  }
0x98: {  	s19 =	sld [smem:$0x3FDB];
	_ =	sdelay $0x1  }
0x99: {  	s4 =	simm.s32 $_scs_section_size  }
0x9a: {  	s5 =	simm.s32 $_size__tile_overlayer_lowered;
	s6 =	simm.s32 $_tile_overlayer_lowered  }
0x9b: {  	s22 =	simm.s32 $0x1BFF;
	s21 =	sshll.u32 s6, $0x1;
	s3 =	sadd.s32 s4, s19  }
0x9c: {  	s7 =	simm.s32 $0x0;
	s20 =	sshll.u32 s5, $0x1;
	s5 =	sadd.s32 s21, s3  }
0x9d: {  	[timem:s7], [sflag:s22] =	dma.local [hbm:s5], s20  }
0x9e: {  	_ =	swait.ge [sflag:s22], s20  }
0x9f: {  	s4 =	ssub.s32 $0x0, s20;
	[sflag:s22] =	ssyncset.done $0x0  }
0xa0: {  	[sflag:s22] =	ssyncadd.s32 s4;
	_ =	sdelay $0x1  }
0xa1: {  	s23 =	simm.s32 $0x1B8B  }
0xa2: {  	_ =	swait.ge [sflag:s23], $0x1  }
0xa3: {  	[sflag:s23] =	ssyncset.done $0x0  }
0xa4: {  	s25 =	simm.s32 $0x1B8E;
	s24 =	sld [smem:$0x3FFE];
	[sflag:s23] =	ssyncadd.s32 $0xFFFFFFFF  }
0xa5: {  	s26 =	simm.s32 $execute0_lowered;
	[smem:$0x3FD2] =	sst s25  }
0xa6: {  	s5 =	sshll.u32 s26, $0x1;
	_ =	strace $0x80000049;
	[dreg:$0x1] =	wrdreg $0xFFFFFFFF  }
0xa7: {  	s28 =	simm.s32 $_size_execute0_lowered;
	s3 =	sadd.s32 s3, s5;
	[dreg:$0x0] =	wrdreg $0x0  }
0xa8: {  	s5 =	sshll.u32 s28, $0x1;
	[dreg:$0x2] =	wrdreg s3  }
0xa9: {  	[dreg:$0x3] =	wrdreg s5  }
0xaa: {  	[dreg:$0x4] =	wrdreg $0xC0  }
0xab: {  	_ =	task [dreg:s7], $0x5FFFF  }
0xac: {  	[dreg:$0x1] =	wrdreg $0xFFFFFFFF  }
0xad: {  	[dreg:$0x0] =	wrdreg $0x60  }
0xae: {  	[dreg:$0x2] =	wrdreg s24  }
0xaf: {  	[dreg:$0x3] =	wrdreg s2  }
0xb0: {  	[dreg:$0x4] =	wrdreg $0x88000  }
0xb1: {  	[dreg:$0x5] =	wrdreg $0x9  }
0xb2: {  	_ =	task.clear_ibuf [dreg:s7], $0x6FFFF;
	_ =	strace $0x90000049  }
0xb3: {  	s29 =	simm.s32 $0x9;
	_ =	strace $0x8000004B  }
0xb4: {  	_ =	swait.ge [sflag:s29], $0x1  }
0xb5: {  	[sflag:s29] =	ssyncadd.s32 $0xFFFFFFFF  }
0xb6: {  	_ =	strace $0x9000004B  }
0xb7: {  	_ =	sfence  }
0xb8: {  	s30 =	sld [smem:$0x0];
	_ =	sdelay $0x2  }
0xb9: {  	s31 =	sshll.u32 s1, $0xD;
	s1 =	sshrl.u32 s1, $0x2  }
0xba: {  	s3 =	sand.u32 $0x4000, s31;
	s1 =	sadd.s32 s1, s30  }
0xbb: {  	s0 =	sor.u32 s3, s0;
	s1 =	sshll.u32 s1, $0x11  }
0xbc: {  	s0 =	sor.u32 s1, s0  }
0xbd: {  	s0 =	sadd.s32 $0x8F2B, s0  }
0xbe: {  	[sflag:s0] =	ssyncadd.remote.s32 $0x1  }
0xbf: {  	_ =	sfence.sel $0xFFFF  }
0xc0: {  	[dreg:$0x0] =	wrdreg $0xFFFFFFFF;
	(pc) =	sbr.abs _section_cstart, $3  }
0xc1: {  	[dreg:$0x1] =	wrdreg $0xFFFFFFFF  }
0xc2: {  	_ =	task.clear_ibuf [dreg:s7], $0x2FFFF;
	_ =	strace $0x9FFFFFFF  }
0xc3: {  	(tm) =	ssettm $0x7FFFFFFF  }
tec
execute0_lowered:
.L_overlay_start_1:
0x0: {  	(tag) =	ssettag $0x1  }
0x1: {  	s0 =	rddreg [dreg:$0x0]  }
0x2: {  	s1 =	rddreg [dreg:$0x1]  }
0x3: {  	s3 =	srdreg.scid;
	s2 =	rddreg [dreg:$0x2]  }
0x4: {  	s12 =	stileid.u32;
	s13 =	simm.s32 $0x400;
	s14 =	simm.s32 $0x80  }
0x5: {  	s15 =	simm.s32 $0x800;
	s16 =	simm.s32 $0x4800;
	s17 =	simm.s32 $0x1  }
0x6: {  	s18 =	simm.s32 $0x100;
	s19 =	simm.s32 $0x2;
	s20 =	simm.s32 $0x480  }
0x7: {  	s28 =	simm.s32 $0x300;
	s29 =	simm.s32 $0x680;
	s6 =	smul.u32 $0x14000, s12  }
0x8: {  	s30 =	simm.s32 $0x380;
	s31 =	simm.s32 $0x700;
	s9 =	smul.u32 $0x50000, s12  }
0x9: {  	s5 =	sand.u32 $0x1, s3;
	s3 =	simm.s32 $0x0;
	s23 =	smul.u32 $0x500, s12  }
0xa: {  	s4 =	sadd.s32 $0xE600, s0;
	s22 =	sshll.u32 s12, $0x6;
	s7 =	smul.u32 $0x5000, s5  }
0xb: {  	[smem:$0x7FF] =	sst s3;
	s8 =	smul.u32 $0x140000, s5;
	s5 =	ssub.s32 $0x2, s5  }
0xc: {  	s12 =	simm.s32 $0x3;
	_ =	strace $0x8000004A;
	s11 =	sshrl.u32 s5, $0x1  }
0xd: {  	s9 =	sshrl.u32 s9, $0x2;
	s10 =	sadd.s32 s7, s0;
	s8 =	sadd.s32 s6, s8  }
0xe: {  	s5 =	ssub.s32 s5, s11;
	s21 =	sadd.s32 s9, s2;
	s6 =	sshrl.u32 s6, $0x3  }
0xf: {  	s25 =	sadd.s32 s7, s1;
	s1 =	simm.s32 $0x0;
	s8 =	sshrl.u32 s8, $0x3  }
0x10: {  	s6 =	sadd.s32 s4, s6;
	s24 =	smax.u32 s5, $0x1;
	s26 =	sadd.s32 s23, s10  }
0x11: {  	s9 =	sadd.s32 s23, s25;
	s7 =	sshrl.u32 s21, $0x3;
	s21 =	simm.s32 $0x180  }
0x12: {  	s23 =	simm.s32 $0x200;
	s25 =	simm.s32 $0x280;
	[dreg:$0x4] =	wrdreg s6  }
0x13: {  	s0 =	sadd.s32 s8, s0;
	s6 =	sor.u32 $0x1C03, s22;
	[dreg:$0x7] =	wrdreg s24  }
0x14: {  	s10 =	sadd.s32 $0x4600, s26;
	s22 =	simm.s32 $0x500;
	[dreg:$0x8] =	wrdreg s7  }
0x15: {  	s24 =	simm.s32 $0x580;
	s0 =	sadd.s32 $0x86E00, s0;
	[dreg:$0x5] =	wrdreg s6  }
0x16: {  	s26 =	simm.s32 $0x600;
	[dreg:$0x6] =	wrdreg s0;
	s0 =	simm.s32 $0x780  }
.LBB2_1:
0x17: {  	s5 =	rddreg [dreg:$0x4]  }
0x18: {  	[spmem:s7], [sflag:s6] =	dma.local [hbm:s5], $0x2800  }
0x19: {  	_ =	swait.ge [sflag:s12], $0x2800  }
0x1a: {  	[sflag:s12] =	ssyncset.done $0x0  }
0x1b: {  	[sflag:s12] =	ssyncadd.s32 $0xFFFFD800  }
0x1c: {  	s8 =	sadd.s32 $0x0, s10;
	[bflag:$0x0] =	sbarrier.arrive $0xFFFF  }
0x1d: {  	[tilespmem:s3], [sflag:$0x3] =	stream.linear.gather [hbm4b:s8+s3], $0x400, $0x38;
	[tilespmem:$0x1C800] =	vst v63  }
0x1e: {  	_ =	swait.ge [sflag:s12], $0x400  }
0x1f: {  	[sflag:s12] =	ssyncset.done $0x0  }
0x20: {  	s11 =	sadd.s32 $0x0, s9;
	[sflag:s12] =	ssyncadd.s32 $0xFFFFFC00  }
0x21: {  	[tilespmem:s13], [sflag:$0x3] =	stream.linear.gather [hbm4b:s11+s3], $0x400, $0x38;
	[tilespmem:$0x1C800] =	vst v63  }
0x22: {  	_ =	swait.ge [sflag:s12], $0x400  }
0x23: {  	[sflag:s12] =	ssyncset.done $0x0  }
0x24: {  	[sflag:s12] =	ssyncadd.s32 $0xFFFFFC00  }
0x25: {  	[tilespmem:s15], [sflag:$0x1] =	stream.indirect.gather [hbm4b:s4+s14], $0x80, s3, s14, $0xb8;
	[tilespmem:$0x1C800] =	vst v63  }
0x26: {  	_ = 	snop  }
0x27: {  	[tilespmem:s16], [sflag:$0x2] =	stream.indirect.gather [hbm4b:s4+s14], $0x80, s14, s14, $0xb8;
	[tilespmem:$0x1C800] =	vst v63  }
0x28: {  	_ =	swait.ge [sflag:s17], $0x4000  }
0x29: {  	[sflag:s17] =	ssyncset.done $0x0  }
0x2a: {  	[sflag:s17] =	ssyncadd.s32 $0xFFFFC000  }
0x2b: {  	[spmem:s2] =	stream.indirect.scatter.add.f32 [tilespmem:s15], [sflag:$0x3], $0x80, s13, s14, $0xb8;
	[tilespmem:$0x1C800] =	vst v63  }
0x2c: {  	_ =	swait.ge [sflag:s12], $0x4000  }
0x2d: {  	[sflag:s12] =	ssyncset.done $0x0  }
0x2e: {  	[sflag:s12] =	ssyncadd.s32 $0xFFFFC000  }
0x2f: {  	[tilespmem:s15], [sflag:$0x1] =	stream.indirect.gather [hbm4b:s4+s14], $0x80, s18, s14, $0xb8;
	[tilespmem:$0x1C800] =	vst v63  }
0x30: {  	_ =	swait.ge [sflag:s19], $0x4000  }
0x31: {  	[sflag:s19] =	ssyncset.done $0x0  }
0x32: {  	[sflag:s19] =	ssyncadd.s32 $0xFFFFC000  }
0x33: {  	[spmem:s2] =	stream.indirect.scatter.add.f32 [tilespmem:s16], [sflag:$0x3], $0x80, s20, s14, $0xb8;
	[tilespmem:$0x1C800] =	vst v63  }
0x34: {  	_ =	swait.ge [sflag:s12], $0x4000  }
0x35: {  	[sflag:s12] =	ssyncset.done $0x0  }
0x36: {  	[sflag:s12] =	ssyncadd.s32 $0xFFFFC000  }
0x37: {  	[tilespmem:s16], [sflag:$0x2] =	stream.indirect.gather [hbm4b:s4+s14], $0x80, s21, s14, $0xb8;
	[tilespmem:$0x1C800] =	vst v63  }
0x38: {  	_ =	swait.ge [sflag:s17], $0x4000  }
0x39: {  	[sflag:s17] =	ssyncset.done $0x0  }
0x3a: {  	[sflag:s17] =	ssyncadd.s32 $0xFFFFC000  }
0x3b: {  	[spmem:s2] =	stream.indirect.scatter.add.f32 [tilespmem:s15], [sflag:$0x3], $0x80, s22, s14, $0xb8;
	[tilespmem:$0x1C800] =	vst v63  }
0x3c: {  	_ =	swait.ge [sflag:s12], $0x4000  }
0x3d: {  	[sflag:s12] =	ssyncset.done $0x0  }
0x3e: {  	[sflag:s12] =	ssyncadd.s32 $0xFFFFC000  }
0x3f: {  	[tilespmem:s15], [sflag:$0x1] =	stream.indirect.gather [hbm4b:s4+s14], $0x80, s23, s14, $0xb8;
	[tilespmem:$0x1C800] =	vst v63  }
0x40: {  	_ =	swait.ge [sflag:s19], $0x4000  }
0x41: {  	[sflag:s19] =	ssyncset.done $0x0  }
0x42: {  	[sflag:s19] =	ssyncadd.s32 $0xFFFFC000  }
0x43: {  	[spmem:s2] =	stream.indirect.scatter.add.f32 [tilespmem:s16], [sflag:$0x3], $0x80, s24, s14, $0xb8;
	[tilespmem:$0x1C800] =	vst v63  }
0x44: {  	_ =	swait.ge [sflag:s12], $0x4000  }
0x45: {  	[sflag:s12] =	ssyncset.done $0x0  }
0x46: {  	[sflag:s12] =	ssyncadd.s32 $0xFFFFC000  }
0x47: {  	[tilespmem:s16], [sflag:$0x2] =	stream.indirect.gather [hbm4b:s4+s14], $0x80, s25, s14, $0xb8;
	[tilespmem:$0x1C800] =	vst v63  }
0x48: {  	_ =	swait.ge [sflag:s17], $0x4000  }
0x49: {  	[sflag:s17] =	ssyncset.done $0x0  }
0x4a: {  	[sflag:s17] =	ssyncadd.s32 $0xFFFFC000  }
0x4b: {  	[spmem:s2] =	stream.indirect.scatter.add.f32 [tilespmem:s15], [sflag:$0x3], $0x80, s26, s14, $0xb8;
	[tilespmem:$0x1C800] =	vst v63  }
0x4c: {  	_ =	swait.ge [sflag:s12], $0x4000  }
0x4d: {  	[sflag:s12] =	ssyncset.done $0x0  }
0x4e: {  	[sflag:s12] =	ssyncadd.s32 $0xFFFFC000  }
0x4f: {  	[tilespmem:s15], [sflag:$0x1] =	stream.indirect.gather [hbm4b:s4+s14], $0x80, s28, s14, $0xb8;
	[tilespmem:$0x1C800] =	vst v63  }
0x50: {  	_ =	swait.ge [sflag:s19], $0x4000  }
0x51: {  	[sflag:s19] =	ssyncset.done $0x0  }
0x52: {  	[sflag:s19] =	ssyncadd.s32 $0xFFFFC000  }
0x53: {  	[spmem:s2] =	stream.indirect.scatter.add.f32 [tilespmem:s16], [sflag:$0x3], $0x80, s29, s14, $0xb8;
	[tilespmem:$0x1C800] =	vst v63  }
0x54: {  	_ =	swait.ge [sflag:s12], $0x4000  }
0x55: {  	[sflag:s12] =	ssyncset.done $0x0  }
0x56: {  	[sflag:s12] =	ssyncadd.s32 $0xFFFFC000  }
0x57: {  	[tilespmem:s16], [sflag:$0x2] =	stream.indirect.gather [hbm4b:s4+s14], $0x80, s30, s14, $0xb8;
	[tilespmem:$0x1C800] =	vst v63  }
0x58: {  	_ =	swait.ge [sflag:s17], $0x4000  }
0x59: {  	[sflag:s17] =	ssyncset.done $0x0  }
0x5a: {  	[sflag:s17] =	ssyncadd.s32 $0xFFFFC000  }
0x5b: {  	[spmem:s2] =	stream.indirect.scatter.add.f32 [tilespmem:s15], [sflag:$0x3], $0x80, s31, s14, $0xb8;
	[tilespmem:$0x1C800] =	vst v63  }
0x5c: {  	_ =	swait.ge [sflag:s12], $0x4000  }
0x5d: {  	[sflag:s12] =	ssyncset.done $0x0  }
0x5e: {  	[sflag:s12] =	ssyncadd.s32 $0xFFFFC000  }
0x5f: {  	_ =	swait.ge [sflag:s19], $0x4000  }
0x60: {  	[sflag:s19] =	ssyncset.done $0x0  }
0x61: {  	[sflag:s19] =	ssyncadd.s32 $0xFFFFC000  }
0x62: {  	[spmem:s2] =	stream.indirect.scatter.add.f32 [tilespmem:s16], [sflag:$0x3], $0x80, s0, s14, $0xb8;
	[tilespmem:$0x1C800] =	vst v63  }
0x63: {  	_ =	swait.ge [sflag:s12], $0x4000  }
0x64: {  	s5 =	simm.s32 $0x80;
	s7 =	simm.s32 $0x100;
	[sflag:s12] =	ssyncset.done $0x0  }
.LBB2_2:
0x65: {  	s6 =	sadd.s32 s5, s10  }
0x66: {  	[sflag:s12] =	ssyncadd.s32 $0xFFFFC000;
	s11 =	smov.u32 s7;
	s8 =	sadd.s32 $0x80, s7  }
0x67: {  	[tilespmem:s3], [sflag:$0x3] =	stream.linear.gather [hbm4b:s6+s3], $0x400, $0x38;
	[tilespmem:$0x1C800] =	vst v63  }
0x68: {  	p0 =	sne.s32 s7, $0x480;
	_ =	swait.ge [sflag:s12], $0x400  }
0x69: {  	[sflag:s12] =	ssyncset.done $0x0  }
0x6a: {  	s6 =	sadd.s32 s5, s9;
	s5 =	smov.u32 s11;
	[sflag:s12] =	ssyncadd.s32 $0xFFFFFC00  }
0x6b: {  	[tilespmem:s13], [sflag:$0x3] =	stream.linear.gather [hbm4b:s6+s3], $0x400, $0x38;
	[tilespmem:$0x1C800] =	vst v63  }
0x6c: {  	_ =	swait.ge [sflag:s12], $0x400  }
0x6d: {  	[sflag:s12] =	ssyncset.done $0x0  }
0x6e: {  	[sflag:s12] =	ssyncadd.s32 $0xFFFFFC00  }
0x6f: {  	[tilespmem:s15], [sflag:$0x1] =	stream.indirect.gather [hbm4b:s4+s14], $0x80, s3, s14, $0xb8;
	[tilespmem:$0x1C800] =	vst v63  }
0x70: {  	_ = 	snop  }
0x71: {  	[tilespmem:s16], [sflag:$0x2] =	stream.indirect.gather [hbm4b:s4+s14], $0x80, s14, s14, $0xb8;
	[tilespmem:$0x1C800] =	vst v63  }
0x72: {  	_ =	swait.ge [sflag:s17], $0x4000  }
0x73: {  	[sflag:s17] =	ssyncset.done $0x0  }
0x74: {  	[sflag:s17] =	ssyncadd.s32 $0xFFFFC000  }
0x75: {  	[spmem:s2] =	stream.indirect.scatter.add.f32 [tilespmem:s15], [sflag:$0x3], $0x80, s13, s14, $0xb8;
	[tilespmem:$0x1C800] =	vst v63  }
0x76: {  	_ =	swait.ge [sflag:s12], $0x4000  }
0x77: {  	[sflag:s12] =	ssyncset.done $0x0  }
0x78: {  	[sflag:s12] =	ssyncadd.s32 $0xFFFFC000  }
0x79: {  	[tilespmem:s15], [sflag:$0x1] =	stream.indirect.gather [hbm4b:s4+s14], $0x80, s18, s14, $0xb8;
	[tilespmem:$0x1C800] =	vst v63  }
0x7a: {  	_ =	swait.ge [sflag:s19], $0x4000  }
0x7b: {  	[sflag:s19] =	ssyncset.done $0x0  }
0x7c: {  	[sflag:s19] =	ssyncadd.s32 $0xFFFFC000  }
0x7d: {  	[spmem:s2] =	stream.indirect.scatter.add.f32 [tilespmem:s16], [sflag:$0x3], $0x80, s20, s14, $0xb8;
	[tilespmem:$0x1C800] =	vst v63  }
0x7e: {  	_ =	swait.ge [sflag:s12], $0x4000  }
0x7f: {  	[sflag:s12] =	ssyncset.done $0x0  }
0x80: {  	[sflag:s12] =	ssyncadd.s32 $0xFFFFC000  }
0x81: {  	[tilespmem:s16], [sflag:$0x2] =	stream.indirect.gather [hbm4b:s4+s14], $0x80, s21, s14, $0xb8;
	[tilespmem:$0x1C800] =	vst v63  }
0x82: {  	_ =	swait.ge [sflag:s17], $0x4000  }
0x83: {  	[sflag:s17] =	ssyncset.done $0x0  }
0x84: {  	[sflag:s17] =	ssyncadd.s32 $0xFFFFC000  }
0x85: {  	[spmem:s2] =	stream.indirect.scatter.add.f32 [tilespmem:s15], [sflag:$0x3], $0x80, s22, s14, $0xb8;
	[tilespmem:$0x1C800] =	vst v63  }
0x86: {  	_ =	swait.ge [sflag:s12], $0x4000  }
0x87: {  	[sflag:s12] =	ssyncset.done $0x0  }
0x88: {  	[sflag:s12] =	ssyncadd.s32 $0xFFFFC000  }
0x89: {  	[tilespmem:s15], [sflag:$0x1] =	stream.indirect.gather [hbm4b:s4+s14], $0x80, s23, s14, $0xb8;
	[tilespmem:$0x1C800] =	vst v63  }
0x8a: {  	_ =	swait.ge [sflag:s19], $0x4000  }
0x8b: {  	[sflag:s19] =	ssyncset.done $0x0  }
0x8c: {  	[sflag:s19] =	ssyncadd.s32 $0xFFFFC000  }
0x8d: {  	[spmem:s2] =	stream.indirect.scatter.add.f32 [tilespmem:s16], [sflag:$0x3], $0x80, s24, s14, $0xb8;
	[tilespmem:$0x1C800] =	vst v63  }
0x8e: {  	_ =	swait.ge [sflag:s12], $0x4000  }
0x8f: {  	[sflag:s12] =	ssyncset.done $0x0  }
0x90: {  	[sflag:s12] =	ssyncadd.s32 $0xFFFFC000  }
0x91: {  	[tilespmem:s16], [sflag:$0x2] =	stream.indirect.gather [hbm4b:s4+s14], $0x80, s25, s14, $0xb8;
	[tilespmem:$0x1C800] =	vst v63  }
0x92: {  	_ =	swait.ge [sflag:s17], $0x4000  }
0x93: {  	[sflag:s17] =	ssyncset.done $0x0  }
0x94: {  	[sflag:s17] =	ssyncadd.s32 $0xFFFFC000  }
0x95: {  	[spmem:s2] =	stream.indirect.scatter.add.f32 [tilespmem:s15], [sflag:$0x3], $0x80, s26, s14, $0xb8;
	[tilespmem:$0x1C800] =	vst v63  }
0x96: {  	_ =	swait.ge [sflag:s12], $0x4000  }
0x97: {  	[sflag:s12] =	ssyncset.done $0x0  }
0x98: {  	[sflag:s12] =	ssyncadd.s32 $0xFFFFC000  }
0x99: {  	[tilespmem:s15], [sflag:$0x1] =	stream.indirect.gather [hbm4b:s4+s14], $0x80, s28, s14, $0xb8;
	[tilespmem:$0x1C800] =	vst v63  }
0x9a: {  	_ =	swait.ge [sflag:s19], $0x4000  }
0x9b: {  	[sflag:s19] =	ssyncset.done $0x0  }
0x9c: {  	[sflag:s19] =	ssyncadd.s32 $0xFFFFC000  }
0x9d: {  	[spmem:s2] =	stream.indirect.scatter.add.f32 [tilespmem:s16], [sflag:$0x3], $0x80, s29, s14, $0xb8;
	[tilespmem:$0x1C800] =	vst v63  }
0x9e: {  	_ =	swait.ge [sflag:s12], $0x4000  }
0x9f: {  	[sflag:s12] =	ssyncset.done $0x0  }
0xa0: {  	[sflag:s12] =	ssyncadd.s32 $0xFFFFC000  }
0xa1: {  	[tilespmem:s16], [sflag:$0x2] =	stream.indirect.gather [hbm4b:s4+s14], $0x80, s30, s14, $0xb8;
	[tilespmem:$0x1C800] =	vst v63  }
0xa2: {  	_ =	swait.ge [sflag:s17], $0x4000  }
0xa3: {  	[sflag:s17] =	ssyncset.done $0x0  }
0xa4: {  	[sflag:s17] =	ssyncadd.s32 $0xFFFFC000  }
0xa5: {  	[spmem:s2] =	stream.indirect.scatter.add.f32 [tilespmem:s15], [sflag:$0x3], $0x80, s31, s14, $0xb8;
	[tilespmem:$0x1C800] =	vst v63  }
0xa6: {  	_ =	swait.ge [sflag:s12], $0x4000  }
0xa7: {  	[sflag:s12] =	ssyncset.done $0x0  }
0xa8: {  	[sflag:s12] =	ssyncadd.s32 $0xFFFFC000  }
0xa9: {  	_ =	swait.ge [sflag:s19], $0x4000  }
.Ltmp0:
0xaa: {  	[sflag:s19] =	ssyncset.done $0x0;
	(pc) =	sbr.rel @p0 .LBB2_2-.Ltmp0, $4  }
0xab: {  	[sflag:s19] =	ssyncadd.s32 $0xFFFFC000  }
0xac: {  	[spmem:s2] =	stream.indirect.scatter.add.f32 [tilespmem:s16], [sflag:$0x3], $0x80, s0, s14, $0xb8;
	[tilespmem:$0x1C800] =	vst v63  }
0xad: {  	_ =	swait.ge [sflag:s12], $0x4000  }
0xae: {  	s7 =	smov.u32 s8;
	[sflag:s12] =	ssyncset.done $0x0  }
0xaf: {  	s6 =	sadd.s32 s5, s10;
	[sflag:s12] =	ssyncadd.s32 $0xFFFFC000  }
0xb0: {  	[tilespmem:s3], [sflag:$0x3] =	stream.linear.gather [hbm4b:s6+s3], $0x400, $0x38;
	[tilespmem:$0x1C800] =	vst v63  }
0xb1: {  	_ =	swait.ge [sflag:s12], $0x400  }
0xb2: {  	[sflag:s12] =	ssyncset.done $0x0  }
0xb3: {  	s7 =	sadd.s32 s5, s9;
	[sflag:s12] =	ssyncadd.s32 $0xFFFFFC00  }
0xb4: {  	[tilespmem:s13], [sflag:$0x3] =	stream.linear.gather [hbm4b:s7+s3], $0x400, $0x38;
	[tilespmem:$0x1C800] =	vst v63  }
0xb5: {  	_ =	swait.ge [sflag:s12], $0x400  }
0xb6: {  	[sflag:s12] =	ssyncset.done $0x0  }
0xb7: {  	[sflag:s12] =	ssyncadd.s32 $0xFFFFFC00  }
0xb8: {  	[tilespmem:s15], [sflag:$0x1] =	stream.indirect.gather [hbm4b:s4+s14], $0x80, s3, s14, $0xb8;
	[tilespmem:$0x1C800] =	vst v63  }
0xb9: {  	_ = 	snop  }
0xba: {  	[tilespmem:s16], [sflag:$0x2] =	stream.indirect.gather [hbm4b:s4+s14], $0x80, s14, s14, $0xb8;
	[tilespmem:$0x1C800] =	vst v63  }
0xbb: {  	_ =	swait.ge [sflag:s17], $0x4000  }
0xbc: {  	[sflag:s17] =	ssyncset.done $0x0  }
0xbd: {  	[sflag:s17] =	ssyncadd.s32 $0xFFFFC000  }
0xbe: {  	[spmem:s2] =	stream.indirect.scatter.add.f32 [tilespmem:s15], [sflag:$0x3], $0x80, s13, s14, $0xb8;
	[tilespmem:$0x1C800] =	vst v63  }
0xbf: {  	_ =	swait.ge [sflag:s12], $0x4000  }
0xc0: {  	[sflag:s12] =	ssyncset.done $0x0  }
0xc1: {  	[sflag:s12] =	ssyncadd.s32 $0xFFFFC000  }
0xc2: {  	[tilespmem:s15], [sflag:$0x1] =	stream.indirect.gather [hbm4b:s4+s14], $0x80, s18, s14, $0xb8;
	[tilespmem:$0x1C800] =	vst v63  }
0xc3: {  	_ =	swait.ge [sflag:s19], $0x4000  }
0xc4: {  	[sflag:s19] =	ssyncset.done $0x0  }
0xc5: {  	[sflag:s19] =	ssyncadd.s32 $0xFFFFC000  }
0xc6: {  	[spmem:s2] =	stream.indirect.scatter.add.f32 [tilespmem:s16], [sflag:$0x3], $0x80, s20, s14, $0xb8;
	[tilespmem:$0x1C800] =	vst v63  }
0xc7: {  	_ =	swait.ge [sflag:s12], $0x4000  }
0xc8: {  	[sflag:s12] =	ssyncset.done $0x0  }
0xc9: {  	[sflag:s12] =	ssyncadd.s32 $0xFFFFC000  }
0xca: {  	[tilespmem:s16], [sflag:$0x2] =	stream.indirect.gather [hbm4b:s4+s14], $0x80, s21, s14, $0xb8;
	[tilespmem:$0x1C800] =	vst v63  }
0xcb: {  	_ =	swait.ge [sflag:s17], $0x4000  }
0xcc: {  	[sflag:s17] =	ssyncset.done $0x0  }
0xcd: {  	[sflag:s17] =	ssyncadd.s32 $0xFFFFC000  }
0xce: {  	[spmem:s2] =	stream.indirect.scatter.add.f32 [tilespmem:s15], [sflag:$0x3], $0x80, s22, s14, $0xb8;
	[tilespmem:$0x1C800] =	vst v63  }
0xcf: {  	_ =	swait.ge [sflag:s12], $0x4000  }
0xd0: {  	[sflag:s12] =	ssyncset.done $0x0  }
0xd1: {  	[sflag:s12] =	ssyncadd.s32 $0xFFFFC000  }
0xd2: {  	[tilespmem:s15], [sflag:$0x1] =	stream.indirect.gather [hbm4b:s4+s14], $0x80, s23, s14, $0xb8;
	[tilespmem:$0x1C800] =	vst v63  }
0xd3: {  	_ =	swait.ge [sflag:s19], $0x4000  }
0xd4: {  	[sflag:s19] =	ssyncset.done $0x0  }
0xd5: {  	[sflag:s19] =	ssyncadd.s32 $0xFFFFC000  }
0xd6: {  	[spmem:s2] =	stream.indirect.scatter.add.f32 [tilespmem:s16], [sflag:$0x3], $0x80, s24, s14, $0xb8;
	[tilespmem:$0x1C800] =	vst v63  }
0xd7: {  	_ =	swait.ge [sflag:s12], $0x4000  }
0xd8: {  	[sflag:s12] =	ssyncset.done $0x0  }
0xd9: {  	[sflag:s12] =	ssyncadd.s32 $0xFFFFC000  }
0xda: {  	[tilespmem:s16], [sflag:$0x2] =	stream.indirect.gather [hbm4b:s4+s14], $0x80, s25, s14, $0xb8;
	[tilespmem:$0x1C800] =	vst v63  }
0xdb: {  	_ =	swait.ge [sflag:s17], $0x4000  }
0xdc: {  	[sflag:s17] =	ssyncset.done $0x0  }
0xdd: {  	[sflag:s17] =	ssyncadd.s32 $0xFFFFC000  }
0xde: {  	[spmem:s2] =	stream.indirect.scatter.add.f32 [tilespmem:s15], [sflag:$0x3], $0x80, s26, s14, $0xb8;
	[tilespmem:$0x1C800] =	vst v63  }
0xdf: {  	_ =	swait.ge [sflag:s12], $0x4000  }
0xe0: {  	[sflag:s12] =	ssyncset.done $0x0  }
0xe1: {  	[sflag:s12] =	ssyncadd.s32 $0xFFFFC000  }
0xe2: {  	[tilespmem:s15], [sflag:$0x1] =	stream.indirect.gather [hbm4b:s4+s14], $0x80, s28, s14, $0xb8;
	[tilespmem:$0x1C800] =	vst v63  }
0xe3: {  	_ =	swait.ge [sflag:s19], $0x4000  }
0xe4: {  	[sflag:s19] =	ssyncset.done $0x0  }
0xe5: {  	[sflag:s19] =	ssyncadd.s32 $0xFFFFC000  }
0xe6: {  	[spmem:s2] =	stream.indirect.scatter.add.f32 [tilespmem:s16], [sflag:$0x3], $0x80, s29, s14, $0xb8;
	[tilespmem:$0x1C800] =	vst v63  }
0xe7: {  	_ =	swait.ge [sflag:s12], $0x4000  }
0xe8: {  	[sflag:s12] =	ssyncset.done $0x0  }
0xe9: {  	[sflag:s12] =	ssyncadd.s32 $0xFFFFC000  }
0xea: {  	[tilespmem:s16], [sflag:$0x2] =	stream.indirect.gather [hbm4b:s4+s14], $0x80, s30, s14, $0xb8;
	[tilespmem:$0x1C800] =	vst v63  }
0xeb: {  	_ =	swait.ge [sflag:s17], $0x4000  }
0xec: {  	[sflag:s17] =	ssyncset.done $0x0  }
0xed: {  	[sflag:s17] =	ssyncadd.s32 $0xFFFFC000  }
0xee: {  	[spmem:s2] =	stream.indirect.scatter.add.f32 [tilespmem:s15], [sflag:$0x3], $0x80, s31, s14, $0xb8;
	[tilespmem:$0x1C800] =	vst v63  }
0xef: {  	_ =	swait.ge [sflag:s12], $0x4000  }
0xf0: {  	[sflag:s12] =	ssyncset.done $0x0  }
0xf1: {  	[sflag:s12] =	ssyncadd.s32 $0xFFFFC000  }
0xf2: {  	_ =	swait.ge [sflag:s19], $0x4000  }
0xf3: {  	[sflag:s19] =	ssyncset.done $0x0  }
0xf4: {  	[sflag:s19] =	ssyncadd.s32 $0xFFFFC000  }
0xf5: {  	[spmem:s2] =	stream.indirect.scatter.add.f32 [tilespmem:s16], [sflag:$0x3], $0x80, s0, s14, $0xb8;
	[tilespmem:$0x1C800] =	vst v63  }
0xf6: {  	_ =	swait.ge [sflag:s12], $0x4000  }
0xf7: {  	[sflag:s12] =	ssyncset.done $0x0  }
0xf8: {  	[sflag:s12] =	ssyncadd.s32 $0xFFFFC000  }
0xf9: {  	[bflag:$0x0] =	sbarrier.arrive $0xFFFF  }
0xfa: {  	s6 =	rddreg [dreg:$0x5]  }
0xfb: {  	s8 =	rddreg [dreg:$0x6]  }
0xfc: {  	s7 =	rddreg [dreg:$0x8]  }
0xfd: {  	[hbm:s8], [sflag:s6] =	dma.local [spmem:s7], $0x2800  }
0xfe: {  	_ =	swait.ge [sflag:s12], $0x2800  }
0xff: {  	s1 =	sadd.s32 $0x1, s1;
	s11 =	rddreg [dreg:$0x7]  }
0x100: {  	p0 =	sne.s32 s1, s11  }
.Ltmp1:
0x101: {  	_ = 	snop;
	(pc) =	sbr.rel @p0 .LBB2_1-.Ltmp1, $3  }
0x102: {  	_ =	sdelay $0x1  }
0x103: {  	[sflag:s12] =	ssyncset.done $0x0  }
0x104: {  	[sflag:s12] =	ssyncadd.s32 $0xFFFFD800  }
0x105: {  	_ =	sfence.sel $0x180000  }
0x106: {  	[bflag:$0x0] =	sbarrier.arrive $0xFFFF  }
0x107: {  	_ =	strace $0x9000004A  }
0x108: {  	s0 =	stileid.u32;
	[bflag:$0x2] =	sbarrier.arrive $0xFFFF  }
0x109: {  	p0 =	sne.s32 s0, $0x0;
	s0 =	rddreg [dreg:$0x3]  }
0x10a: {  	s0 =	sadd.s32 @!p0 $0x100000, s0  }
0x10b: {  	[sflag:s0] =	ssyncadd.tile.s32 @!p0 $0x1;
	_ =	shalt  }
.Lfunc_end2:
_tile_overlayer_lowered:
.L_overlay_start_2:
0x10c: {  	(tag) =	ssettag $0x2  }
0x10d: {  	s0 =	rddreg [dreg:$0x0];
	s2 =	stileid.u32  }
0x10e: {  	s1 =	rddreg [dreg:$0x1];
	p0 =	sne.s32 s2, $0x0  }
0x10f: {  	s3 =	rddreg [dreg:$0x2];
	[bflag:$0x3] =	sbarrier.arrive $0xFFFF;
	s2 =	simm.s32 @!p0 $0x1C03  }
0x110: {  	[timem:s3], [sflag:s2] =	dma.local @!p0 [hbm:s0], s1  }
0x111: {  	s0 =	simm.s32 @!p0 $0x3  }
0x112: {  	_ =	swait.ge @!p0 [sflag:s0], s1  }
0x113: {  	s1 =	ssub.s32 @!p0 $0x0, s1;
	[sflag:s0] =	ssyncset.done @!p0 $0x0  }
0x114: {  	[sflag:s0] =	ssyncadd.s32 @!p0 s1  }
0x115: {  	[bflag:$0x3] =	sbarrier.arrive $0xFFFF  }
0x116: {  	_ =	shalt  }

// kernel: kernel.18.cloned.1.call-start
scs
__scs_entry_jumppad:
0x0: {  	(pc) =	sbr.rel $0x88, $3  }
0x1: {  	(tag) =	ssettag $0x0;
	lr =	simm.s32 $0x1  }
0x2: {  	[smem:$0x3F97] =	sst lr;
	_ =	strace $0xD0000000  }
0x3: {  	_ = 	snop  }
0x4: {  	_ = 	snop  }
0x5: {  	_ = 	snop  }
0x6: {  	_ = 	snop  }
0x7: {  	_ = 	snop  }
__scs_overlays_trampoline_lowered:
0x8: {  	[smem:$0x3FA6] =	sst s0  }
0x9: {  	[smem:$0x3FA7] =	sst s1  }
0xa: {  	[smem:$0x3FA8] =	sst s2  }
0xb: {  	[smem:$0x3FA9] =	sst s3  }
0xc: {  	[smem:$0x3FAA] =	sst s4  }
0xd: {  	[smem:$0x3FAB] =	sst s5  }
0xe: {  	[smem:$0x3FAC] =	sst s6  }
0xf: {  	[smem:$0x3FAD] =	sst s7  }
0x10: {  	[smem:$0x3FAE] =	sst s8  }
0x11: {  	[smem:$0x3FAF] =	sst s9;
	s0 =	simm.s32 @!p0 $0x0  }
0x12: {  	s1 =	sld [smem:$0x3F95];
	s0 =	simm.s32 @p0 $0x1  }
0x13: {  	[smem:$0x3FB0] =	sst s0;
	s0 =	simm.s32 @!p1 $0x0  }
0x14: {  	s2 =	sld [smem:$0x3F94];
	s0 =	simm.s32 @p1 $0x1  }
0x15: {  	[smem:$0x3FB1] =	sst s0;
	s0 =	simm.s32 @!p2 $0x0  }
0x16: {  	s3 =	sld [smem:$0x3FDB];
	s0 =	simm.s32 @p2 $0x1  }
0x17: {  	s4 =	simm.s32 $0x1BF5;
	[smem:$0x3FB3] =	sst s0  }
0x18: {  	s0 =	sld [smem:$0x3F96];
	_ =	swait.ge [sflag:s4], $0x0  }
0x19: {  	s7 =	sld [smem:$0x3F97]  }
0x1a: {  	s8 =	sadd.s32 $0xFFFFE003, lr  }
0x1b: {  	s9 =	sadd.s32 $0xFFFFFEF7, lr;
	s5 =	simm.s32 $0xFFFFFFFF;
	p2 =	slt.u32 s8, $0xFFFFF086  }
0x1c: {  	p1 =	slt.u32 s9, $0xF7A;
	s5 =	simm.s32 @!p2 $0x0  }
0x1d: {  	s5 =	simm.s32 @p1 $0x1;
	p0 =	seq.s32 s7, s2  }
0x1e: {  	s7 =	smul.u32 @!p0 $0xF7A, s2;
	p2 =	seq.s32 @!p0 s5, $0x0  }
0x1f: {  	s9 =	smul.u32 $0xF7A, s1;
	s8 =	simm.s32 @!p0 $0x1BF5;
	p2 =	por !p2, p0  }
0x20: {  	[sflag:s8] =	ssyncset.s32 @!p0 $0xFFFFF086;
	s6 =	sadd.s32 @!p0 s3, s7;
	s7 =	simm.s32 @!p0 $0x108  }
0x21: {  	s3 =	sadd.s32 s3, s9;
	s6 =	sadd.s32 @!p0 $0x88, s6;
	s7 =	simm.s32 @p2 $0x1082  }
0x22: {  	[simem:s7], [sflag:s8] =	dma.local @!p0 [hbm:s6], $0xF7A  }
0x23: {  	s9 =	sor.u32 $0xD0000000, s2;
	s6 =	simm.s32 $0x108;
	_ =	swait.ge @!p0 [sflag:s8], $0x0  }
0x24: {  	s3 =	sadd.s32 $0x88, s3;
	s6 =	simm.s32 @!p1 $0x1082;
	[sflag:s4] =	ssyncset.s32 $0xFFFFF086  }
0x25: {  	[simem:s6], [sflag:s4] =	dma.local [hbm:s3], $0xF7A  }
0x26: {  	[smem:$0x3F97] =	sst s1;
	(tag) =	ssettag s2;
	_ =	strace s9  }
0x27: {  	s1 =	sld [smem:$0x3FA7]  }
0x28: {  	s2 =	sld [smem:$0x3FA8]  }
0x29: {  	s4 =	sld [smem:$0x3FAA]  }
0x2a: {  	p0 =	seq.s32 s5, $0x0;
	s5 =	sld [smem:$0x3FAB]  }
0x2b: {  	s6 =	sld [smem:$0x3FAC]  }
0x2c: {  	s7 =	sld [smem:$0x3FAD]  }
0x2d: {  	s3 =	simm.s32 $0x108;
	s8 =	sld [smem:$0x3FAE]  }
0x2e: {  	s3 =	simm.s32 @!p0 $0x1082;
	s9 =	sld [smem:$0x3FAF]  }
0x2f: {  	lr =	sadd.s32 s0, s3;
	s0 =	sld [smem:$0x3FA6]  }
0x30: {  	s3 =	sld [smem:$0x3FA9]  }
0x31: {  	[smem:$0x3FB2] =	sst s10  }
0x32: {  	s10 =	sld [smem:$0x3FB0];
	_ =	sdelay $0x3  }
0x33: {  	p0 =	seq.s32 s10, $0x1;
	s10 =	sld [smem:$0x3FB2];
	_ =	sdelay $0x3  }
0x34: {  	[smem:$0x3FB2] =	sst s10  }
0x35: {  	s10 =	sld [smem:$0x3FB1];
	_ =	sdelay $0x3  }
0x36: {  	p1 =	seq.s32 s10, $0x1;
	s10 =	sld [smem:$0x3FB2];
	_ =	sdelay $0x3  }
0x37: {  	[smem:$0x3FB2] =	sst s10  }
0x38: {  	s10 =	sld [smem:$0x3FB3]  }
0x39: {  	_ = 	snop;
	(pc) =	sbr.ind lr, $3  }
0x3a: {  	_ = 	snop  }
0x3b: {  	_ = 	snop  }
0x3c: {  	p2 =	seq.s32 s10, $0x1;
	s10 =	sld [smem:$0x3FB2]  }
0x3d: {  	_ =	shalt  }
0x3e: {  	_ =	shalt  }
0x3f: {  	_ =	shalt  }
0x40: {  	_ =	shalt  }
0x41: {  	_ =	shalt  }
0x42: {  	_ =	shalt  }
0x43: {  	_ =	shalt  }
0x44: {  	_ =	shalt  }
0x45: {  	_ =	shalt  }
0x46: {  	_ =	shalt  }
0x47: {  	_ =	shalt  }
0x48: {  	_ =	shalt  }
0x49: {  	_ =	shalt  }
0x4a: {  	_ =	shalt  }
0x4b: {  	_ =	shalt  }
0x4c: {  	_ =	shalt  }
0x4d: {  	_ =	shalt  }
0x4e: {  	_ =	shalt  }
0x4f: {  	_ =	shalt  }
0x50: {  	_ =	shalt  }
0x51: {  	_ =	shalt  }
0x52: {  	_ =	shalt  }
0x53: {  	_ =	shalt  }
0x54: {  	_ =	shalt  }
0x55: {  	_ =	shalt  }
0x56: {  	_ =	shalt  }
0x57: {  	_ =	shalt  }
0x58: {  	_ =	shalt  }
0x59: {  	_ =	shalt  }
0x5a: {  	_ =	shalt  }
0x5b: {  	_ =	shalt  }
0x5c: {  	_ =	shalt  }
0x5d: {  	_ =	shalt  }
0x5e: {  	_ =	shalt  }
0x5f: {  	_ =	shalt  }
0x60: {  	_ =	shalt  }
0x61: {  	_ =	shalt  }
0x62: {  	_ =	shalt  }
0x63: {  	_ =	shalt  }
0x64: {  	_ =	shalt  }
0x65: {  	_ =	shalt  }
0x66: {  	_ =	shalt  }
0x67: {  	_ =	shalt  }
0x68: {  	_ =	shalt  }
0x69: {  	_ =	shalt  }
0x6a: {  	_ =	shalt  }
0x6b: {  	_ =	shalt  }
0x6c: {  	_ =	shalt  }
0x6d: {  	_ =	shalt  }
0x6e: {  	_ =	shalt  }
0x6f: {  	_ =	shalt  }
0x70: {  	_ =	shalt  }
0x71: {  	_ =	shalt  }
0x72: {  	_ =	shalt  }
0x73: {  	_ =	shalt  }
0x74: {  	_ =	shalt  }
0x75: {  	_ =	shalt  }
0x76: {  	_ =	shalt  }
0x77: {  	_ =	shalt  }
0x78: {  	_ =	shalt  }
0x79: {  	_ =	shalt  }
0x7a: {  	_ =	shalt  }
0x7b: {  	_ =	shalt  }
0x7c: {  	_ =	shalt  }
0x7d: {  	_ =	shalt  }
0x7e: {  	_ =	shalt  }
0x7f: {  	_ =	shalt  }
0x80: {  	_ =	shalt  }
0x81: {  	_ =	shalt  }
0x82: {  	_ =	shalt  }
0x83: {  	_ =	shalt  }
0x84: {  	_ =	shalt  }
0x85: {  	_ =	shalt  }
0x86: {  	_ =	shalt  }
0x87: {  	_ =	shalt  }
.Lfunc_end0:
.L_simem_size_0:
called_computation.2_lowered:
.L_overlay_start_0:
0x88: {  	s2 =	sld [smem:$0x3FD9]  }
0x89: {  	s3 =	sld [smem:$0x3FFE];
	_ =	sdelay $0x1  }
0x8a: {  	s1 =	srdreg.scid  }
0x8b: {  	s0 =	sand.u32 $0x1, s1  }
0x8c: {  	s17 =	sshll.u32 s0, $0xA;
	s2 =	sadd.s32 s3, s2  }
0x8d: {  	s2 =	sadd.s32 s2, s17  }
0x8e: {  	[smem:$0x3FBE] =	sst s2  }
0x8f: {  	_ = 	snop  }
0x90: {  	s2 =	sld [smem:$0x3FD0];
	(tm) =	ssettm $0x1  }
0x91: {  	s18 =	sld [smem:$0x3FFB];
	_ =	sdelay $0x3  }
0x92: {  	_ =	strace s18  }
0x93: {  	s3 =	sld [smem:$0x3FFC];
	_ =	sdelay $0x3  }
0x94: {  	_ =	strace s3  }
0x95: {  	s3 =	sld [smem:$0x3FFD];
	_ =	sdelay $0x3  }
0x96: {  	_ =	strace s3  }
0x97: {  	_ =	strace $0x8FFFFFFF  }
0x98: {  	s19 =	sld [smem:$0x3FDB];
	_ =	sdelay $0x1  }
0x99: {  	s4 =	simm.s32 $_scs_section_size  }
0x9a: {  	s5 =	simm.s32 $_size__tile_overlayer_lowered;
	s6 =	simm.s32 $_tile_overlayer_lowered  }
0x9b: {  	s22 =	simm.s32 $0x1BFF;
	s21 =	sshll.u32 s6, $0x1;
	s3 =	sadd.s32 s4, s19  }
0x9c: {  	s7 =	simm.s32 $0x0;
	s20 =	sshll.u32 s5, $0x1;
	s5 =	sadd.s32 s21, s3  }
0x9d: {  	[timem:s7], [sflag:s22] =	dma.local [hbm:s5], s20  }
0x9e: {  	_ =	swait.ge [sflag:s22], s20  }
0x9f: {  	s4 =	ssub.s32 $0x0, s20;
	[sflag:s22] =	ssyncset.done $0x0  }
0xa0: {  	[sflag:s22] =	ssyncadd.s32 s4;
	_ =	sdelay $0x1  }
0xa1: {  	s23 =	simm.s32 $0x1B8B  }
0xa2: {  	_ =	swait.ge [sflag:s23], $0x1  }
0xa3: {  	[sflag:s23] =	ssyncset.done $0x0  }
0xa4: {  	s25 =	simm.s32 $0x1B8E;
	s24 =	sld [smem:$0x3FFE];
	[sflag:s23] =	ssyncadd.s32 $0xFFFFFFFF  }
0xa5: {  	s26 =	simm.s32 $execute0_lowered;
	[smem:$0x3FD2] =	sst s25  }
0xa6: {  	s5 =	sshll.u32 s26, $0x1;
	_ =	strace $0x8000004C;
	[dreg:$0x1] =	wrdreg $0xFFFFFFFF  }
0xa7: {  	s28 =	simm.s32 $_size_execute0_lowered;
	s3 =	sadd.s32 s3, s5;
	[dreg:$0x0] =	wrdreg $0x0  }
0xa8: {  	s5 =	sshll.u32 s28, $0x1;
	[dreg:$0x2] =	wrdreg s3  }
0xa9: {  	[dreg:$0x3] =	wrdreg s5  }
0xaa: {  	[dreg:$0x4] =	wrdreg $0xC0  }
0xab: {  	_ =	task [dreg:s7], $0x5FFFF  }
0xac: {  	[dreg:$0x1] =	wrdreg $0xFFFFFFFF  }
0xad: {  	[dreg:$0x0] =	wrdreg $0x60  }
0xae: {  	[dreg:$0x2] =	wrdreg s24  }
0xaf: {  	[dreg:$0x3] =	wrdreg s2  }
0xb0: {  	[dreg:$0x4] =	wrdreg $0x88000  }
0xb1: {  	[dreg:$0x5] =	wrdreg $0x9  }
0xb2: {  	_ =	task.clear_ibuf [dreg:s7], $0x6FFFF;
	_ =	strace $0x9000004C  }
0xb3: {  	s29 =	simm.s32 $0x9;
	_ =	strace $0x8000004E  }
0xb4: {  	_ =	swait.ge [sflag:s29], $0x1  }
0xb5: {  	[sflag:s29] =	ssyncadd.s32 $0xFFFFFFFF  }
0xb6: {  	_ =	strace $0x9000004E  }
0xb7: {  	_ =	sfence  }
0xb8: {  	s30 =	sld [smem:$0x0];
	_ =	sdelay $0x2  }
0xb9: {  	s31 =	sshll.u32 s1, $0xD;
	s1 =	sshrl.u32 s1, $0x2  }
0xba: {  	s3 =	sand.u32 $0x4000, s31;
	s1 =	sadd.s32 s1, s30  }
0xbb: {  	s0 =	sor.u32 s3, s0;
	s1 =	sshll.u32 s1, $0x11  }
0xbc: {  	s0 =	sor.u32 s1, s0  }
0xbd: {  	s0 =	sadd.s32 $0x8F2B, s0  }
0xbe: {  	[sflag:s0] =	ssyncadd.remote.s32 $0x1  }
0xbf: {  	_ =	sfence.sel $0xFFFF  }
0xc0: {  	[dreg:$0x0] =	wrdreg $0xFFFFFFFF;
	(pc) =	sbr.abs _section_cstart, $3  }
0xc1: {  	[dreg:$0x1] =	wrdreg $0xFFFFFFFF  }
0xc2: {  	_ =	task.clear_ibuf [dreg:s7], $0x2FFFF;
	_ =	strace $0x9FFFFFFF  }
0xc3: {  	(tm) =	ssettm $0x7FFFFFFF  }
tec
execute0_lowered:
.L_overlay_start_1:
0x0: {  	(tag) =	ssettag $0x1  }
0x1: {  	s0 =	rddreg [dreg:$0x0]  }
0x2: {  	s1 =	rddreg [dreg:$0x1]  }
0x3: {  	s3 =	srdreg.scid;
	s2 =	rddreg [dreg:$0x2]  }
0x4: {  	s12 =	stileid.u32;
	s13 =	simm.s32 $0x400;
	s14 =	simm.s32 $0x80  }
0x5: {  	s15 =	simm.s32 $0x800;
	s16 =	simm.s32 $0x4800;
	s17 =	simm.s32 $0x1  }
0x6: {  	s18 =	simm.s32 $0x100;
	s19 =	simm.s32 $0x2;
	s20 =	simm.s32 $0x480  }
0x7: {  	s28 =	simm.s32 $0x300;
	s29 =	simm.s32 $0x680;
	s6 =	smul.u32 $0x14000, s12  }
0x8: {  	s30 =	simm.s32 $0x380;
	s31 =	simm.s32 $0x700;
	s9 =	smul.u32 $0x50000, s12  }
0x9: {  	s5 =	sand.u32 $0x1, s3;
	s3 =	simm.s32 $0x0;
	s23 =	smul.u32 $0x500, s12  }
0xa: {  	s4 =	sadd.s32 $0xE600, s0;
	s22 =	sshll.u32 s12, $0x6;
	s7 =	smul.u32 $0x5000, s5  }
0xb: {  	[smem:$0x7FF] =	sst s3;
	s8 =	smul.u32 $0x140000, s5;
	s5 =	ssub.s32 $0x2, s5  }
0xc: {  	s12 =	simm.s32 $0x3;
	_ =	strace $0x8000004D;
	s11 =	sshrl.u32 s5, $0x1  }
0xd: {  	s9 =	sshrl.u32 s9, $0x2;
	s10 =	sadd.s32 s7, s0;
	s8 =	sadd.s32 s6, s8  }
0xe: {  	s5 =	ssub.s32 s5, s11;
	s21 =	sadd.s32 s9, s2;
	s6 =	sshrl.u32 s6, $0x3  }
0xf: {  	s25 =	sadd.s32 s7, s1;
	s1 =	simm.s32 $0x0;
	s8 =	sshrl.u32 s8, $0x3  }
0x10: {  	s6 =	sadd.s32 s4, s6;
	s24 =	smax.u32 s5, $0x1;
	s26 =	sadd.s32 s23, s10  }
0x11: {  	s9 =	sadd.s32 s23, s25;
	s7 =	sshrl.u32 s21, $0x3;
	s21 =	simm.s32 $0x180  }
0x12: {  	s23 =	simm.s32 $0x200;
	s25 =	simm.s32 $0x280;
	[dreg:$0x4] =	wrdreg s6  }
0x13: {  	s0 =	sadd.s32 s8, s0;
	s6 =	sor.u32 $0x1C03, s22;
	[dreg:$0x7] =	wrdreg s24  }
0x14: {  	s10 =	sadd.s32 $0x4600, s26;
	s22 =	simm.s32 $0x500;
	[dreg:$0x8] =	wrdreg s7  }
0x15: {  	s24 =	simm.s32 $0x580;
	s0 =	sadd.s32 $0x86E00, s0;
	[dreg:$0x5] =	wrdreg s6  }
0x16: {  	s26 =	simm.s32 $0x600;
	[dreg:$0x6] =	wrdreg s0;
	s0 =	simm.s32 $0x780  }
.LBB2_1:
0x17: {  	s5 =	rddreg [dreg:$0x4]  }
0x18: {  	[spmem:s7], [sflag:s6] =	dma.local [hbm:s5], $0x2800  }
0x19: {  	_ =	swait.ge [sflag:s12], $0x2800  }
0x1a: {  	[sflag:s12] =	ssyncset.done $0x0  }
0x1b: {  	[sflag:s12] =	ssyncadd.s32 $0xFFFFD800  }
0x1c: {  	s8 =	sadd.s32 $0x0, s10;
	[bflag:$0x0] =	sbarrier.arrive $0xFFFF  }
0x1d: {  	[tilespmem:s3], [sflag:$0x3] =	stream.linear.gather [hbm4b:s8+s3], $0x400, $0x38;
	[tilespmem:$0x1C800] =	vst v63  }
0x1e: {  	_ =	swait.ge [sflag:s12], $0x400  }
0x1f: {  	[sflag:s12] =	ssyncset.done $0x0  }
0x20: {  	s11 =	sadd.s32 $0x0, s9;
	[sflag:s12] =	ssyncadd.s32 $0xFFFFFC00  }
0x21: {  	[tilespmem:s13], [sflag:$0x3] =	stream.linear.gather [hbm4b:s11+s3], $0x400, $0x38;
	[tilespmem:$0x1C800] =	vst v63  }
0x22: {  	_ =	swait.ge [sflag:s12], $0x400  }
0x23: {  	[sflag:s12] =	ssyncset.done $0x0  }
0x24: {  	[sflag:s12] =	ssyncadd.s32 $0xFFFFFC00  }
0x25: {  	[tilespmem:s15], [sflag:$0x1] =	stream.indirect.gather [hbm4b:s4+s14], $0x80, s3, s14, $0xb8;
	[tilespmem:$0x1C800] =	vst v63  }
0x26: {  	_ = 	snop  }
0x27: {  	[tilespmem:s16], [sflag:$0x2] =	stream.indirect.gather [hbm4b:s4+s14], $0x80, s14, s14, $0xb8;
	[tilespmem:$0x1C800] =	vst v63  }
0x28: {  	_ =	swait.ge [sflag:s17], $0x4000  }
0x29: {  	[sflag:s17] =	ssyncset.done $0x0  }
0x2a: {  	[sflag:s17] =	ssyncadd.s32 $0xFFFFC000  }
0x2b: {  	[spmem:s2] =	stream.indirect.scatter.add.f32 [tilespmem:s15], [sflag:$0x3], $0x80, s13, s14, $0xb8;
	[tilespmem:$0x1C800] =	vst v63  }
0x2c: {  	_ =	swait.ge [sflag:s12], $0x4000  }
0x2d: {  	[sflag:s12] =	ssyncset.done $0x0  }
0x2e: {  	[sflag:s12] =	ssyncadd.s32 $0xFFFFC000  }
0x2f: {  	[tilespmem:s15], [sflag:$0x1] =	stream.indirect.gather [hbm4b:s4+s14], $0x80, s18, s14, $0xb8;
	[tilespmem:$0x1C800] =	vst v63  }
0x30: {  	_ =	swait.ge [sflag:s19], $0x4000  }
0x31: {  	[sflag:s19] =	ssyncset.done $0x0  }
0x32: {  	[sflag:s19] =	ssyncadd.s32 $0xFFFFC000  }
0x33: {  	[spmem:s2] =	stream.indirect.scatter.add.f32 [tilespmem:s16], [sflag:$0x3], $0x80, s20, s14, $0xb8;
	[tilespmem:$0x1C800] =	vst v63  }
0x34: {  	_ =	swait.ge [sflag:s12], $0x4000  }
0x35: {  	[sflag:s12] =	ssyncset.done $0x0  }
0x36: {  	[sflag:s12] =	ssyncadd.s32 $0xFFFFC000  }
0x37: {  	[tilespmem:s16], [sflag:$0x2] =	stream.indirect.gather [hbm4b:s4+s14], $0x80, s21, s14, $0xb8;
	[tilespmem:$0x1C800] =	vst v63  }
0x38: {  	_ =	swait.ge [sflag:s17], $0x4000  }
0x39: {  	[sflag:s17] =	ssyncset.done $0x0  }
0x3a: {  	[sflag:s17] =	ssyncadd.s32 $0xFFFFC000  }
0x3b: {  	[spmem:s2] =	stream.indirect.scatter.add.f32 [tilespmem:s15], [sflag:$0x3], $0x80, s22, s14, $0xb8;
	[tilespmem:$0x1C800] =	vst v63  }
0x3c: {  	_ =	swait.ge [sflag:s12], $0x4000  }
0x3d: {  	[sflag:s12] =	ssyncset.done $0x0  }
0x3e: {  	[sflag:s12] =	ssyncadd.s32 $0xFFFFC000  }
0x3f: {  	[tilespmem:s15], [sflag:$0x1] =	stream.indirect.gather [hbm4b:s4+s14], $0x80, s23, s14, $0xb8;
	[tilespmem:$0x1C800] =	vst v63  }
0x40: {  	_ =	swait.ge [sflag:s19], $0x4000  }
0x41: {  	[sflag:s19] =	ssyncset.done $0x0  }
0x42: {  	[sflag:s19] =	ssyncadd.s32 $0xFFFFC000  }
0x43: {  	[spmem:s2] =	stream.indirect.scatter.add.f32 [tilespmem:s16], [sflag:$0x3], $0x80, s24, s14, $0xb8;
	[tilespmem:$0x1C800] =	vst v63  }
0x44: {  	_ =	swait.ge [sflag:s12], $0x4000  }
0x45: {  	[sflag:s12] =	ssyncset.done $0x0  }
0x46: {  	[sflag:s12] =	ssyncadd.s32 $0xFFFFC000  }
0x47: {  	[tilespmem:s16], [sflag:$0x2] =	stream.indirect.gather [hbm4b:s4+s14], $0x80, s25, s14, $0xb8;
	[tilespmem:$0x1C800] =	vst v63  }
0x48: {  	_ =	swait.ge [sflag:s17], $0x4000  }
0x49: {  	[sflag:s17] =	ssyncset.done $0x0  }
0x4a: {  	[sflag:s17] =	ssyncadd.s32 $0xFFFFC000  }
0x4b: {  	[spmem:s2] =	stream.indirect.scatter.add.f32 [tilespmem:s15], [sflag:$0x3], $0x80, s26, s14, $0xb8;
	[tilespmem:$0x1C800] =	vst v63  }
0x4c: {  	_ =	swait.ge [sflag:s12], $0x4000  }
0x4d: {  	[sflag:s12] =	ssyncset.done $0x0  }
0x4e: {  	[sflag:s12] =	ssyncadd.s32 $0xFFFFC000  }
0x4f: {  	[tilespmem:s15], [sflag:$0x1] =	stream.indirect.gather [hbm4b:s4+s14], $0x80, s28, s14, $0xb8;
	[tilespmem:$0x1C800] =	vst v63  }
0x50: {  	_ =	swait.ge [sflag:s19], $0x4000  }
0x51: {  	[sflag:s19] =	ssyncset.done $0x0  }
0x52: {  	[sflag:s19] =	ssyncadd.s32 $0xFFFFC000  }
0x53: {  	[spmem:s2] =	stream.indirect.scatter.add.f32 [tilespmem:s16], [sflag:$0x3], $0x80, s29, s14, $0xb8;
	[tilespmem:$0x1C800] =	vst v63  }
0x54: {  	_ =	swait.ge [sflag:s12], $0x4000  }
0x55: {  	[sflag:s12] =	ssyncset.done $0x0  }
0x56: {  	[sflag:s12] =	ssyncadd.s32 $0xFFFFC000  }
0x57: {  	[tilespmem:s16], [sflag:$0x2] =	stream.indirect.gather [hbm4b:s4+s14], $0x80, s30, s14, $0xb8;
	[tilespmem:$0x1C800] =	vst v63  }
0x58: {  	_ =	swait.ge [sflag:s17], $0x4000  }
0x59: {  	[sflag:s17] =	ssyncset.done $0x0  }
0x5a: {  	[sflag:s17] =	ssyncadd.s32 $0xFFFFC000  }
0x5b: {  	[spmem:s2] =	stream.indirect.scatter.add.f32 [tilespmem:s15], [sflag:$0x3], $0x80, s31, s14, $0xb8;
	[tilespmem:$0x1C800] =	vst v63  }
0x5c: {  	_ =	swait.ge [sflag:s12], $0x4000  }
0x5d: {  	[sflag:s12] =	ssyncset.done $0x0  }
0x5e: {  	[sflag:s12] =	ssyncadd.s32 $0xFFFFC000  }
0x5f: {  	_ =	swait.ge [sflag:s19], $0x4000  }
0x60: {  	[sflag:s19] =	ssyncset.done $0x0  }
0x61: {  	[sflag:s19] =	ssyncadd.s32 $0xFFFFC000  }
0x62: {  	[spmem:s2] =	stream.indirect.scatter.add.f32 [tilespmem:s16], [sflag:$0x3], $0x80, s0, s14, $0xb8;
	[tilespmem:$0x1C800] =	vst v63  }
0x63: {  	_ =	swait.ge [sflag:s12], $0x4000  }
0x64: {  	s5 =	simm.s32 $0x80;
	s7 =	simm.s32 $0x100;
	[sflag:s12] =	ssyncset.done $0x0  }
.LBB2_2:
0x65: {  	s6 =	sadd.s32 s5, s10  }
0x66: {  	[sflag:s12] =	ssyncadd.s32 $0xFFFFC000;
	s11 =	smov.u32 s7;
	s8 =	sadd.s32 $0x80, s7  }
0x67: {  	[tilespmem:s3], [sflag:$0x3] =	stream.linear.gather [hbm4b:s6+s3], $0x400, $0x38;
	[tilespmem:$0x1C800] =	vst v63  }
0x68: {  	p0 =	sne.s32 s7, $0x480;
	_ =	swait.ge [sflag:s12], $0x400  }
0x69: {  	[sflag:s12] =	ssyncset.done $0x0  }
0x6a: {  	s6 =	sadd.s32 s5, s9;
	s5 =	smov.u32 s11;
	[sflag:s12] =	ssyncadd.s32 $0xFFFFFC00  }
0x6b: {  	[tilespmem:s13], [sflag:$0x3] =	stream.linear.gather [hbm4b:s6+s3], $0x400, $0x38;
	[tilespmem:$0x1C800] =	vst v63  }
0x6c: {  	_ =	swait.ge [sflag:s12], $0x400  }
0x6d: {  	[sflag:s12] =	ssyncset.done $0x0  }
0x6e: {  	[sflag:s12] =	ssyncadd.s32 $0xFFFFFC00  }
0x6f: {  	[tilespmem:s15], [sflag:$0x1] =	stream.indirect.gather [hbm4b:s4+s14], $0x80, s3, s14, $0xb8;
	[tilespmem:$0x1C800] =	vst v63  }
0x70: {  	_ = 	snop  }
0x71: {  	[tilespmem:s16], [sflag:$0x2] =	stream.indirect.gather [hbm4b:s4+s14], $0x80, s14, s14, $0xb8;
	[tilespmem:$0x1C800] =	vst v63  }
0x72: {  	_ =	swait.ge [sflag:s17], $0x4000  }
0x73: {  	[sflag:s17] =	ssyncset.done $0x0  }
0x74: {  	[sflag:s17] =	ssyncadd.s32 $0xFFFFC000  }
0x75: {  	[spmem:s2] =	stream.indirect.scatter.add.f32 [tilespmem:s15], [sflag:$0x3], $0x80, s13, s14, $0xb8;
	[tilespmem:$0x1C800] =	vst v63  }
0x76: {  	_ =	swait.ge [sflag:s12], $0x4000  }
0x77: {  	[sflag:s12] =	ssyncset.done $0x0  }
0x78: {  	[sflag:s12] =	ssyncadd.s32 $0xFFFFC000  }
0x79: {  	[tilespmem:s15], [sflag:$0x1] =	stream.indirect.gather [hbm4b:s4+s14], $0x80, s18, s14, $0xb8;
	[tilespmem:$0x1C800] =	vst v63  }
0x7a: {  	_ =	swait.ge [sflag:s19], $0x4000  }
0x7b: {  	[sflag:s19] =	ssyncset.done $0x0  }
0x7c: {  	[sflag:s19] =	ssyncadd.s32 $0xFFFFC000  }
0x7d: {  	[spmem:s2] =	stream.indirect.scatter.add.f32 [tilespmem:s16], [sflag:$0x3], $0x80, s20, s14, $0xb8;
	[tilespmem:$0x1C800] =	vst v63  }
0x7e: {  	_ =	swait.ge [sflag:s12], $0x4000  }
0x7f: {  	[sflag:s12] =	ssyncset.done $0x0  }
0x80: {  	[sflag:s12] =	ssyncadd.s32 $0xFFFFC000  }
0x81: {  	[tilespmem:s16], [sflag:$0x2] =	stream.indirect.gather [hbm4b:s4+s14], $0x80, s21, s14, $0xb8;
	[tilespmem:$0x1C800] =	vst v63  }
0x82: {  	_ =	swait.ge [sflag:s17], $0x4000  }
0x83: {  	[sflag:s17] =	ssyncset.done $0x0  }
0x84: {  	[sflag:s17] =	ssyncadd.s32 $0xFFFFC000  }
0x85: {  	[spmem:s2] =	stream.indirect.scatter.add.f32 [tilespmem:s15], [sflag:$0x3], $0x80, s22, s14, $0xb8;
	[tilespmem:$0x1C800] =	vst v63  }
0x86: {  	_ =	swait.ge [sflag:s12], $0x4000  }
0x87: {  	[sflag:s12] =	ssyncset.done $0x0  }
0x88: {  	[sflag:s12] =	ssyncadd.s32 $0xFFFFC000  }
0x89: {  	[tilespmem:s15], [sflag:$0x1] =	stream.indirect.gather [hbm4b:s4+s14], $0x80, s23, s14, $0xb8;
	[tilespmem:$0x1C800] =	vst v63  }
0x8a: {  	_ =	swait.ge [sflag:s19], $0x4000  }
0x8b: {  	[sflag:s19] =	ssyncset.done $0x0  }
0x8c: {  	[sflag:s19] =	ssyncadd.s32 $0xFFFFC000  }
0x8d: {  	[spmem:s2] =	stream.indirect.scatter.add.f32 [tilespmem:s16], [sflag:$0x3], $0x80, s24, s14, $0xb8;
	[tilespmem:$0x1C800] =	vst v63  }
0x8e: {  	_ =	swait.ge [sflag:s12], $0x4000  }
0x8f: {  	[sflag:s12] =	ssyncset.done $0x0  }
0x90: {  	[sflag:s12] =	ssyncadd.s32 $0xFFFFC000  }
0x91: {  	[tilespmem:s16], [sflag:$0x2] =	stream.indirect.gather [hbm4b:s4+s14], $0x80, s25, s14, $0xb8;
	[tilespmem:$0x1C800] =	vst v63  }
0x92: {  	_ =	swait.ge [sflag:s17], $0x4000  }
0x93: {  	[sflag:s17] =	ssyncset.done $0x0  }
0x94: {  	[sflag:s17] =	ssyncadd.s32 $0xFFFFC000  }
0x95: {  	[spmem:s2] =	stream.indirect.scatter.add.f32 [tilespmem:s15], [sflag:$0x3], $0x80, s26, s14, $0xb8;
	[tilespmem:$0x1C800] =	vst v63  }
0x96: {  	_ =	swait.ge [sflag:s12], $0x4000  }
0x97: {  	[sflag:s12] =	ssyncset.done $0x0  }
0x98: {  	[sflag:s12] =	ssyncadd.s32 $0xFFFFC000  }
0x99: {  	[tilespmem:s15], [sflag:$0x1] =	stream.indirect.gather [hbm4b:s4+s14], $0x80, s28, s14, $0xb8;
	[tilespmem:$0x1C800] =	vst v63  }
0x9a: {  	_ =	swait.ge [sflag:s19], $0x4000  }
0x9b: {  	[sflag:s19] =	ssyncset.done $0x0  }
0x9c: {  	[sflag:s19] =	ssyncadd.s32 $0xFFFFC000  }
0x9d: {  	[spmem:s2] =	stream.indirect.scatter.add.f32 [tilespmem:s16], [sflag:$0x3], $0x80, s29, s14, $0xb8;
	[tilespmem:$0x1C800] =	vst v63  }
0x9e: {  	_ =	swait.ge [sflag:s12], $0x4000  }
0x9f: {  	[sflag:s12] =	ssyncset.done $0x0  }
0xa0: {  	[sflag:s12] =	ssyncadd.s32 $0xFFFFC000  }
0xa1: {  	[tilespmem:s16], [sflag:$0x2] =	stream.indirect.gather [hbm4b:s4+s14], $0x80, s30, s14, $0xb8;
	[tilespmem:$0x1C800] =	vst v63  }
0xa2: {  	_ =	swait.ge [sflag:s17], $0x4000  }
0xa3: {  	[sflag:s17] =	ssyncset.done $0x0  }
0xa4: {  	[sflag:s17] =	ssyncadd.s32 $0xFFFFC000  }
0xa5: {  	[spmem:s2] =	stream.indirect.scatter.add.f32 [tilespmem:s15], [sflag:$0x3], $0x80, s31, s14, $0xb8;
	[tilespmem:$0x1C800] =	vst v63  }
0xa6: {  	_ =	swait.ge [sflag:s12], $0x4000  }
0xa7: {  	[sflag:s12] =	ssyncset.done $0x0  }
0xa8: {  	[sflag:s12] =	ssyncadd.s32 $0xFFFFC000  }
0xa9: {  	_ =	swait.ge [sflag:s19], $0x4000  }
.Ltmp0:
0xaa: {  	[sflag:s19] =	ssyncset.done $0x0;
	(pc) =	sbr.rel @p0 .LBB2_2-.Ltmp0, $4  }
0xab: {  	[sflag:s19] =	ssyncadd.s32 $0xFFFFC000  }
0xac: {  	[spmem:s2] =	stream.indirect.scatter.add.f32 [tilespmem:s16], [sflag:$0x3], $0x80, s0, s14, $0xb8;
	[tilespmem:$0x1C800] =	vst v63  }
0xad: {  	_ =	swait.ge [sflag:s12], $0x4000  }
0xae: {  	s7 =	smov.u32 s8;
	[sflag:s12] =	ssyncset.done $0x0  }
0xaf: {  	s6 =	sadd.s32 s5, s10;
	[sflag:s12] =	ssyncadd.s32 $0xFFFFC000  }
0xb0: {  	[tilespmem:s3], [sflag:$0x3] =	stream.linear.gather [hbm4b:s6+s3], $0x400, $0x38;
	[tilespmem:$0x1C800] =	vst v63  }
0xb1: {  	_ =	swait.ge [sflag:s12], $0x400  }
0xb2: {  	[sflag:s12] =	ssyncset.done $0x0  }
0xb3: {  	s7 =	sadd.s32 s5, s9;
	[sflag:s12] =	ssyncadd.s32 $0xFFFFFC00  }
0xb4: {  	[tilespmem:s13], [sflag:$0x3] =	stream.linear.gather [hbm4b:s7+s3], $0x400, $0x38;
	[tilespmem:$0x1C800] =	vst v63  }
0xb5: {  	_ =	swait.ge [sflag:s12], $0x400  }
0xb6: {  	[sflag:s12] =	ssyncset.done $0x0  }
0xb7: {  	[sflag:s12] =	ssyncadd.s32 $0xFFFFFC00  }
0xb8: {  	[tilespmem:s15], [sflag:$0x1] =	stream.indirect.gather [hbm4b:s4+s14], $0x80, s3, s14, $0xb8;
	[tilespmem:$0x1C800] =	vst v63  }
0xb9: {  	_ = 	snop  }
0xba: {  	[tilespmem:s16], [sflag:$0x2] =	stream.indirect.gather [hbm4b:s4+s14], $0x80, s14, s14, $0xb8;
	[tilespmem:$0x1C800] =	vst v63  }
0xbb: {  	_ =	swait.ge [sflag:s17], $0x4000  }
0xbc: {  	[sflag:s17] =	ssyncset.done $0x0  }
0xbd: {  	[sflag:s17] =	ssyncadd.s32 $0xFFFFC000  }
0xbe: {  	[spmem:s2] =	stream.indirect.scatter.add.f32 [tilespmem:s15], [sflag:$0x3], $0x80, s13, s14, $0xb8;
	[tilespmem:$0x1C800] =	vst v63  }
0xbf: {  	_ =	swait.ge [sflag:s12], $0x4000  }
0xc0: {  	[sflag:s12] =	ssyncset.done $0x0  }
0xc1: {  	[sflag:s12] =	ssyncadd.s32 $0xFFFFC000  }
0xc2: {  	[tilespmem:s15], [sflag:$0x1] =	stream.indirect.gather [hbm4b:s4+s14], $0x80, s18, s14, $0xb8;
	[tilespmem:$0x1C800] =	vst v63  }
0xc3: {  	_ =	swait.ge [sflag:s19], $0x4000  }
0xc4: {  	[sflag:s19] =	ssyncset.done $0x0  }
0xc5: {  	[sflag:s19] =	ssyncadd.s32 $0xFFFFC000  }
0xc6: {  	[spmem:s2] =	stream.indirect.scatter.add.f32 [tilespmem:s16], [sflag:$0x3], $0x80, s20, s14, $0xb8;
	[tilespmem:$0x1C800] =	vst v63  }
0xc7: {  	_ =	swait.ge [sflag:s12], $0x4000  }
0xc8: {  	[sflag:s12] =	ssyncset.done $0x0  }
0xc9: {  	[sflag:s12] =	ssyncadd.s32 $0xFFFFC000  }
0xca: {  	[tilespmem:s16], [sflag:$0x2] =	stream.indirect.gather [hbm4b:s4+s14], $0x80, s21, s14, $0xb8;
	[tilespmem:$0x1C800] =	vst v63  }
0xcb: {  	_ =	swait.ge [sflag:s17], $0x4000  }
0xcc: {  	[sflag:s17] =	ssyncset.done $0x0  }
0xcd: {  	[sflag:s17] =	ssyncadd.s32 $0xFFFFC000  }
0xce: {  	[spmem:s2] =	stream.indirect.scatter.add.f32 [tilespmem:s15], [sflag:$0x3], $0x80, s22, s14, $0xb8;
	[tilespmem:$0x1C800] =	vst v63  }
0xcf: {  	_ =	swait.ge [sflag:s12], $0x4000  }
0xd0: {  	[sflag:s12] =	ssyncset.done $0x0  }
0xd1: {  	[sflag:s12] =	ssyncadd.s32 $0xFFFFC000  }
0xd2: {  	[tilespmem:s15], [sflag:$0x1] =	stream.indirect.gather [hbm4b:s4+s14], $0x80, s23, s14, $0xb8;
	[tilespmem:$0x1C800] =	vst v63  }
0xd3: {  	_ =	swait.ge [sflag:s19], $0x4000  }
0xd4: {  	[sflag:s19] =	ssyncset.done $0x0  }
0xd5: {  	[sflag:s19] =	ssyncadd.s32 $0xFFFFC000  }
0xd6: {  	[spmem:s2] =	stream.indirect.scatter.add.f32 [tilespmem:s16], [sflag:$0x3], $0x80, s24, s14, $0xb8;
	[tilespmem:$0x1C800] =	vst v63  }
0xd7: {  	_ =	swait.ge [sflag:s12], $0x4000  }
0xd8: {  	[sflag:s12] =	ssyncset.done $0x0  }
0xd9: {  	[sflag:s12] =	ssyncadd.s32 $0xFFFFC000  }
0xda: {  	[tilespmem:s16], [sflag:$0x2] =	stream.indirect.gather [hbm4b:s4+s14], $0x80, s25, s14, $0xb8;
	[tilespmem:$0x1C800] =	vst v63  }
0xdb: {  	_ =	swait.ge [sflag:s17], $0x4000  }
0xdc: {  	[sflag:s17] =	ssyncset.done $0x0  }
0xdd: {  	[sflag:s17] =	ssyncadd.s32 $0xFFFFC000  }
0xde: {  	[spmem:s2] =	stream.indirect.scatter.add.f32 [tilespmem:s15], [sflag:$0x3], $0x80, s26, s14, $0xb8;
	[tilespmem:$0x1C800] =	vst v63  }
0xdf: {  	_ =	swait.ge [sflag:s12], $0x4000  }
0xe0: {  	[sflag:s12] =	ssyncset.done $0x0  }
0xe1: {  	[sflag:s12] =	ssyncadd.s32 $0xFFFFC000  }
0xe2: {  	[tilespmem:s15], [sflag:$0x1] =	stream.indirect.gather [hbm4b:s4+s14], $0x80, s28, s14, $0xb8;
	[tilespmem:$0x1C800] =	vst v63  }
0xe3: {  	_ =	swait.ge [sflag:s19], $0x4000  }
0xe4: {  	[sflag:s19] =	ssyncset.done $0x0  }
0xe5: {  	[sflag:s19] =	ssyncadd.s32 $0xFFFFC000  }
0xe6: {  	[spmem:s2] =	stream.indirect.scatter.add.f32 [tilespmem:s16], [sflag:$0x3], $0x80, s29, s14, $0xb8;
	[tilespmem:$0x1C800] =	vst v63  }
0xe7: {  	_ =	swait.ge [sflag:s12], $0x4000  }
0xe8: {  	[sflag:s12] =	ssyncset.done $0x0  }
0xe9: {  	[sflag:s12] =	ssyncadd.s32 $0xFFFFC000  }
0xea: {  	[tilespmem:s16], [sflag:$0x2] =	stream.indirect.gather [hbm4b:s4+s14], $0x80, s30, s14, $0xb8;
	[tilespmem:$0x1C800] =	vst v63  }
0xeb: {  	_ =	swait.ge [sflag:s17], $0x4000  }
0xec: {  	[sflag:s17] =	ssyncset.done $0x0  }
0xed: {  	[sflag:s17] =	ssyncadd.s32 $0xFFFFC000  }
0xee: {  	[spmem:s2] =	stream.indirect.scatter.add.f32 [tilespmem:s15], [sflag:$0x3], $0x80, s31, s14, $0xb8;
	[tilespmem:$0x1C800] =	vst v63  }
0xef: {  	_ =	swait.ge [sflag:s12], $0x4000  }
0xf0: {  	[sflag:s12] =	ssyncset.done $0x0  }
0xf1: {  	[sflag:s12] =	ssyncadd.s32 $0xFFFFC000  }
0xf2: {  	_ =	swait.ge [sflag:s19], $0x4000  }
0xf3: {  	[sflag:s19] =	ssyncset.done $0x0  }
0xf4: {  	[sflag:s19] =	ssyncadd.s32 $0xFFFFC000  }
0xf5: {  	[spmem:s2] =	stream.indirect.scatter.add.f32 [tilespmem:s16], [sflag:$0x3], $0x80, s0, s14, $0xb8;
	[tilespmem:$0x1C800] =	vst v63  }
0xf6: {  	_ =	swait.ge [sflag:s12], $0x4000  }
0xf7: {  	[sflag:s12] =	ssyncset.done $0x0  }
0xf8: {  	[sflag:s12] =	ssyncadd.s32 $0xFFFFC000  }
0xf9: {  	[bflag:$0x0] =	sbarrier.arrive $0xFFFF  }
0xfa: {  	s6 =	rddreg [dreg:$0x5]  }
0xfb: {  	s8 =	rddreg [dreg:$0x6]  }
0xfc: {  	s7 =	rddreg [dreg:$0x8]  }
0xfd: {  	[hbm:s8], [sflag:s6] =	dma.local [spmem:s7], $0x2800  }
0xfe: {  	_ =	swait.ge [sflag:s12], $0x2800  }
0xff: {  	s1 =	sadd.s32 $0x1, s1;
	s11 =	rddreg [dreg:$0x7]  }
0x100: {  	p0 =	sne.s32 s1, s11  }
.Ltmp1:
0x101: {  	_ = 	snop;
	(pc) =	sbr.rel @p0 .LBB2_1-.Ltmp1, $3  }
0x102: {  	_ =	sdelay $0x1  }
0x103: {  	[sflag:s12] =	ssyncset.done $0x0  }
0x104: {  	[sflag:s12] =	ssyncadd.s32 $0xFFFFD800  }
0x105: {  	_ =	sfence.sel $0x180000  }
0x106: {  	[bflag:$0x0] =	sbarrier.arrive $0xFFFF  }
0x107: {  	_ =	strace $0x9000004D  }
0x108: {  	s0 =	stileid.u32;
	[bflag:$0x2] =	sbarrier.arrive $0xFFFF  }
0x109: {  	p0 =	sne.s32 s0, $0x0;
	s0 =	rddreg [dreg:$0x3]  }
0x10a: {  	s0 =	sadd.s32 @!p0 $0x100000, s0  }
0x10b: {  	[sflag:s0] =	ssyncadd.tile.s32 @!p0 $0x1;
	_ =	shalt  }
.Lfunc_end2:
_tile_overlayer_lowered:
.L_overlay_start_2:
0x10c: {  	(tag) =	ssettag $0x2  }
0x10d: {  	s0 =	rddreg [dreg:$0x0];
	s2 =	stileid.u32  }
0x10e: {  	s1 =	rddreg [dreg:$0x1];
	p0 =	sne.s32 s2, $0x0  }
0x10f: {  	s3 =	rddreg [dreg:$0x2];
	[bflag:$0x3] =	sbarrier.arrive $0xFFFF;
	s2 =	simm.s32 @!p0 $0x1C03  }
0x110: {  	[timem:s3], [sflag:s2] =	dma.local @!p0 [hbm:s0], s1  }
0x111: {  	s0 =	simm.s32 @!p0 $0x3  }
0x112: {  	_ =	swait.ge @!p0 [sflag:s0], s1  }
0x113: {  	s1 =	ssub.s32 @!p0 $0x0, s1;
	[sflag:s0] =	ssyncset.done @!p0 $0x0  }
0x114: {  	[sflag:s0] =	ssyncadd.s32 @!p0 s1  }
0x115: {  	[bflag:$0x3] =	sbarrier.arrive $0xFFFF  }
0x116: {  	_ =	shalt  }

// kernel: kernel.21.cloned.1.call-start
scs
__scs_entry_jumppad:
0x0: {  	(pc) =	sbr.rel $0x88, $3  }
0x1: {  	(tag) =	ssettag $0x0;
	lr =	simm.s32 $0x1  }
0x2: {  	[smem:$0x3F97] =	sst lr;
	_ =	strace $0xD0000000  }
0x3: {  	_ = 	snop  }
0x4: {  	_ = 	snop  }
0x5: {  	_ = 	snop  }
0x6: {  	_ = 	snop  }
0x7: {  	_ = 	snop  }
__scs_overlays_trampoline_lowered:
0x8: {  	[smem:$0x3FA6] =	sst s0  }
0x9: {  	[smem:$0x3FA7] =	sst s1  }
0xa: {  	[smem:$0x3FA8] =	sst s2  }
0xb: {  	[smem:$0x3FA9] =	sst s3  }
0xc: {  	[smem:$0x3FAA] =	sst s4  }
0xd: {  	[smem:$0x3FAB] =	sst s5  }
0xe: {  	[smem:$0x3FAC] =	sst s6  }
0xf: {  	[smem:$0x3FAD] =	sst s7  }
0x10: {  	[smem:$0x3FAE] =	sst s8  }
0x11: {  	[smem:$0x3FAF] =	sst s9;
	s0 =	simm.s32 @!p0 $0x0  }
0x12: {  	s1 =	sld [smem:$0x3F95];
	s0 =	simm.s32 @p0 $0x1  }
0x13: {  	[smem:$0x3FB0] =	sst s0;
	s0 =	simm.s32 @!p1 $0x0  }
0x14: {  	s2 =	sld [smem:$0x3F94];
	s0 =	simm.s32 @p1 $0x1  }
0x15: {  	[smem:$0x3FB1] =	sst s0;
	s0 =	simm.s32 @!p2 $0x0  }
0x16: {  	s3 =	sld [smem:$0x3FDB];
	s0 =	simm.s32 @p2 $0x1  }
0x17: {  	s4 =	simm.s32 $0x1BF5;
	[smem:$0x3FB3] =	sst s0  }
0x18: {  	s0 =	sld [smem:$0x3F96];
	_ =	swait.ge [sflag:s4], $0x0  }
0x19: {  	s7 =	sld [smem:$0x3F97]  }
0x1a: {  	s8 =	sadd.s32 $0xFFFFE003, lr  }
0x1b: {  	s9 =	sadd.s32 $0xFFFFFEF7, lr;
	s5 =	simm.s32 $0xFFFFFFFF;
	p2 =	slt.u32 s8, $0xFFFFF086  }
0x1c: {  	p1 =	slt.u32 s9, $0xF7A;
	s5 =	simm.s32 @!p2 $0x0  }
0x1d: {  	s5 =	simm.s32 @p1 $0x1;
	p0 =	seq.s32 s7, s2  }
0x1e: {  	s7 =	smul.u32 @!p0 $0xF7A, s2;
	p2 =	seq.s32 @!p0 s5, $0x0  }
0x1f: {  	s9 =	smul.u32 $0xF7A, s1;
	s8 =	simm.s32 @!p0 $0x1BF5;
	p2 =	por !p2, p0  }
0x20: {  	[sflag:s8] =	ssyncset.s32 @!p0 $0xFFFFF086;
	s6 =	sadd.s32 @!p0 s3, s7;
	s7 =	simm.s32 @!p0 $0x108  }
0x21: {  	s3 =	sadd.s32 s3, s9;
	s6 =	sadd.s32 @!p0 $0x88, s6;
	s7 =	simm.s32 @p2 $0x1082  }
0x22: {  	[simem:s7], [sflag:s8] =	dma.local @!p0 [hbm:s6], $0xF7A  }
0x23: {  	s9 =	sor.u32 $0xD0000000, s2;
	s6 =	simm.s32 $0x108;
	_ =	swait.ge @!p0 [sflag:s8], $0x0  }
0x24: {  	s3 =	sadd.s32 $0x88, s3;
	s6 =	simm.s32 @!p1 $0x1082;
	[sflag:s4] =	ssyncset.s32 $0xFFFFF086  }
0x25: {  	[simem:s6], [sflag:s4] =	dma.local [hbm:s3], $0xF7A  }
0x26: {  	[smem:$0x3F97] =	sst s1;
	(tag) =	ssettag s2;
	_ =	strace s9  }
0x27: {  	s1 =	sld [smem:$0x3FA7]  }
0x28: {  	s2 =	sld [smem:$0x3FA8]  }
0x29: {  	s4 =	sld [smem:$0x3FAA]  }
0x2a: {  	p0 =	seq.s32 s5, $0x0;
	s5 =	sld [smem:$0x3FAB]  }
0x2b: {  	s6 =	sld [smem:$0x3FAC]  }
0x2c: {  	s7 =	sld [smem:$0x3FAD]  }
0x2d: {  	s3 =	simm.s32 $0x108;
	s8 =	sld [smem:$0x3FAE]  }
0x2e: {  	s3 =	simm.s32 @!p0 $0x1082;
	s9 =	sld [smem:$0x3FAF]  }
0x2f: {  	lr =	sadd.s32 s0, s3;
	s0 =	sld [smem:$0x3FA6]  }
0x30: {  	s3 =	sld [smem:$0x3FA9]  }
0x31: {  	[smem:$0x3FB2] =	sst s10  }
0x32: {  	s10 =	sld [smem:$0x3FB0];
	_ =	sdelay $0x3  }
0x33: {  	p0 =	seq.s32 s10, $0x1;
	s10 =	sld [smem:$0x3FB2];
	_ =	sdelay $0x3  }
0x34: {  	[smem:$0x3FB2] =	sst s10  }
0x35: {  	s10 =	sld [smem:$0x3FB1];
	_ =	sdelay $0x3  }
0x36: {  	p1 =	seq.s32 s10, $0x1;
	s10 =	sld [smem:$0x3FB2];
	_ =	sdelay $0x3  }
0x37: {  	[smem:$0x3FB2] =	sst s10  }
0x38: {  	s10 =	sld [smem:$0x3FB3]  }
0x39: {  	_ = 	snop;
	(pc) =	sbr.ind lr, $3  }
0x3a: {  	_ = 	snop  }
0x3b: {  	_ = 	snop  }
0x3c: {  	p2 =	seq.s32 s10, $0x1;
	s10 =	sld [smem:$0x3FB2]  }
0x3d: {  	_ =	shalt  }
0x3e: {  	_ =	shalt  }
0x3f: {  	_ =	shalt  }
0x40: {  	_ =	shalt  }
0x41: {  	_ =	shalt  }
0x42: {  	_ =	shalt  }
0x43: {  	_ =	shalt  }
0x44: {  	_ =	shalt  }
0x45: {  	_ =	shalt  }
0x46: {  	_ =	shalt  }
0x47: {  	_ =	shalt  }
0x48: {  	_ =	shalt  }
0x49: {  	_ =	shalt  }
0x4a: {  	_ =	shalt  }
0x4b: {  	_ =	shalt  }
0x4c: {  	_ =	shalt  }
0x4d: {  	_ =	shalt  }
0x4e: {  	_ =	shalt  }
0x4f: {  	_ =	shalt  }
0x50: {  	_ =	shalt  }
0x51: {  	_ =	shalt  }
0x52: {  	_ =	shalt  }
0x53: {  	_ =	shalt  }
0x54: {  	_ =	shalt  }
0x55: {  	_ =	shalt  }
0x56: {  	_ =	shalt  }
0x57: {  	_ =	shalt  }
0x58: {  	_ =	shalt  }
0x59: {  	_ =	shalt  }
0x5a: {  	_ =	shalt  }
0x5b: {  	_ =	shalt  }
0x5c: {  	_ =	shalt  }
0x5d: {  	_ =	shalt  }
0x5e: {  	_ =	shalt  }
0x5f: {  	_ =	shalt  }
0x60: {  	_ =	shalt  }
0x61: {  	_ =	shalt  }
0x62: {  	_ =	shalt  }
0x63: {  	_ =	shalt  }
0x64: {  	_ =	shalt  }
0x65: {  	_ =	shalt  }
0x66: {  	_ =	shalt  }
0x67: {  	_ =	shalt  }
0x68: {  	_ =	shalt  }
0x69: {  	_ =	shalt  }
0x6a: {  	_ =	shalt  }
0x6b: {  	_ =	shalt  }
0x6c: {  	_ =	shalt  }
0x6d: {  	_ =	shalt  }
0x6e: {  	_ =	shalt  }
0x6f: {  	_ =	shalt  }
0x70: {  	_ =	shalt  }
0x71: {  	_ =	shalt  }
0x72: {  	_ =	shalt  }
0x73: {  	_ =	shalt  }
0x74: {  	_ =	shalt  }
0x75: {  	_ =	shalt  }
0x76: {  	_ =	shalt  }
0x77: {  	_ =	shalt  }
0x78: {  	_ =	shalt  }
0x79: {  	_ =	shalt  }
0x7a: {  	_ =	shalt  }
0x7b: {  	_ =	shalt  }
0x7c: {  	_ =	shalt  }
0x7d: {  	_ =	shalt  }
0x7e: {  	_ =	shalt  }
0x7f: {  	_ =	shalt  }
0x80: {  	_ =	shalt  }
0x81: {  	_ =	shalt  }
0x82: {  	_ =	shalt  }
0x83: {  	_ =	shalt  }
0x84: {  	_ =	shalt  }
0x85: {  	_ =	shalt  }
0x86: {  	_ =	shalt  }
0x87: {  	_ =	shalt  }
.Lfunc_end0:
.L_simem_size_0:
called_computation.3_lowered:
.L_overlay_start_0:
0x88: {  	s2 =	sld [smem:$0x3FD9]  }
0x89: {  	s3 =	sld [smem:$0x3FFE];
	_ =	sdelay $0x1  }
0x8a: {  	s1 =	srdreg.scid  }
0x8b: {  	s0 =	sand.u32 $0x1, s1  }
0x8c: {  	s17 =	sshll.u32 s0, $0xA;
	s2 =	sadd.s32 s3, s2  }
0x8d: {  	s2 =	sadd.s32 s2, s17  }
0x8e: {  	[smem:$0x3FBE] =	sst s2  }
0x8f: {  	_ = 	snop  }
0x90: {  	s2 =	sld [smem:$0x3FD0];
	(tm) =	ssettm $0x1  }
0x91: {  	s18 =	sld [smem:$0x3FFB];
	_ =	sdelay $0x3  }
0x92: {  	_ =	strace s18  }
0x93: {  	s3 =	sld [smem:$0x3FFC];
	_ =	sdelay $0x3  }
0x94: {  	_ =	strace s3  }
0x95: {  	s3 =	sld [smem:$0x3FFD];
	_ =	sdelay $0x3  }
0x96: {  	_ =	strace s3  }
0x97: {  	_ =	strace $0x8FFFFFFF  }
0x98: {  	s19 =	sld [smem:$0x3FDB];
	_ =	sdelay $0x1  }
0x99: {  	s4 =	simm.s32 $_scs_section_size  }
0x9a: {  	s5 =	simm.s32 $_size__tile_overlayer_lowered;
	s6 =	simm.s32 $_tile_overlayer_lowered  }
0x9b: {  	s22 =	simm.s32 $0x1BFF;
	s21 =	sshll.u32 s6, $0x1;
	s3 =	sadd.s32 s4, s19  }
0x9c: {  	s7 =	simm.s32 $0x0;
	s20 =	sshll.u32 s5, $0x1;
	s5 =	sadd.s32 s21, s3  }
0x9d: {  	[timem:s7], [sflag:s22] =	dma.local [hbm:s5], s20  }
0x9e: {  	_ =	swait.ge [sflag:s22], s20  }
0x9f: {  	s4 =	ssub.s32 $0x0, s20;
	[sflag:s22] =	ssyncset.done $0x0  }
0xa0: {  	[sflag:s22] =	ssyncadd.s32 s4;
	_ =	sdelay $0x1  }
0xa1: {  	s23 =	simm.s32 $0x1B8B  }
0xa2: {  	_ =	swait.ge [sflag:s23], $0x1  }
0xa3: {  	[sflag:s23] =	ssyncset.done $0x0  }
0xa4: {  	s25 =	simm.s32 $0x1B8E;
	s24 =	sld [smem:$0x3FFE];
	[sflag:s23] =	ssyncadd.s32 $0xFFFFFFFF  }
0xa5: {  	s26 =	simm.s32 $execute0_lowered;
	[smem:$0x3FD2] =	sst s25  }
0xa6: {  	s5 =	sshll.u32 s26, $0x1;
	_ =	strace $0x8000004F;
	[dreg:$0x1] =	wrdreg $0xFFFFFFFF  }
0xa7: {  	s28 =	simm.s32 $_size_execute0_lowered;
	s3 =	sadd.s32 s3, s5;
	[dreg:$0x0] =	wrdreg $0x0  }
0xa8: {  	s5 =	sshll.u32 s28, $0x1;
	[dreg:$0x2] =	wrdreg s3  }
0xa9: {  	[dreg:$0x3] =	wrdreg s5  }
0xaa: {  	[dreg:$0x4] =	wrdreg $0xC0  }
0xab: {  	_ =	task [dreg:s7], $0x5FFFF  }
0xac: {  	[dreg:$0x1] =	wrdreg $0xFFFFFFFF  }
0xad: {  	[dreg:$0x0] =	wrdreg $0x60  }
0xae: {  	[dreg:$0x2] =	wrdreg s24  }
0xaf: {  	[dreg:$0x3] =	wrdreg s2  }
0xb0: {  	[dreg:$0x4] =	wrdreg $0x88000  }
0xb1: {  	[dreg:$0x5] =	wrdreg $0x9  }
0xb2: {  	_ =	task.clear_ibuf [dreg:s7], $0x6FFFF;
	_ =	strace $0x9000004F  }
0xb3: {  	s29 =	simm.s32 $0x9;
	_ =	strace $0x80000051  }
0xb4: {  	_ =	swait.ge [sflag:s29], $0x1  }
0xb5: {  	[sflag:s29] =	ssyncadd.s32 $0xFFFFFFFF  }
0xb6: {  	_ =	strace $0x90000051  }
0xb7: {  	_ =	sfence  }
0xb8: {  	s30 =	sld [smem:$0x0];
	_ =	sdelay $0x2  }
0xb9: {  	s31 =	sshll.u32 s1, $0xD;
	s1 =	sshrl.u32 s1, $0x2  }
0xba: {  	s3 =	sand.u32 $0x4000, s31;
	s1 =	sadd.s32 s1, s30  }
0xbb: {  	s0 =	sor.u32 s3, s0;
	s1 =	sshll.u32 s1, $0x11  }
0xbc: {  	s0 =	sor.u32 s1, s0  }
0xbd: {  	s0 =	sadd.s32 $0x8F2B, s0  }
0xbe: {  	[sflag:s0] =	ssyncadd.remote.s32 $0x1  }
0xbf: {  	_ =	sfence.sel $0xFFFF  }
0xc0: {  	[dreg:$0x0] =	wrdreg $0xFFFFFFFF;
	(pc) =	sbr.abs _section_cstart, $3  }
0xc1: {  	[dreg:$0x1] =	wrdreg $0xFFFFFFFF  }
0xc2: {  	_ =	task.clear_ibuf [dreg:s7], $0x2FFFF;
	_ =	strace $0x9FFFFFFF  }
0xc3: {  	(tm) =	ssettm $0x7FFFFFFF  }
tec
execute0_lowered:
.L_overlay_start_1:
0x0: {  	(tag) =	ssettag $0x1  }
0x1: {  	s0 =	rddreg [dreg:$0x0]  }
0x2: {  	s1 =	rddreg [dreg:$0x1]  }
0x3: {  	s3 =	srdreg.scid;
	s2 =	rddreg [dreg:$0x2]  }
0x4: {  	s12 =	stileid.u32;
	s13 =	simm.s32 $0x400;
	s14 =	simm.s32 $0x80  }
0x5: {  	s15 =	simm.s32 $0x800;
	s16 =	simm.s32 $0x4800;
	s17 =	simm.s32 $0x1  }
0x6: {  	s18 =	simm.s32 $0x100;
	s19 =	simm.s32 $0x2;
	s20 =	simm.s32 $0x480  }
0x7: {  	s28 =	simm.s32 $0x300;
	s29 =	simm.s32 $0x680;
	s6 =	smul.u32 $0x14000, s12  }
0x8: {  	s30 =	simm.s32 $0x380;
	s31 =	simm.s32 $0x700;
	s9 =	smul.u32 $0x50000, s12  }
0x9: {  	s5 =	sand.u32 $0x1, s3;
	s3 =	simm.s32 $0x0;
	s23 =	smul.u32 $0x500, s12  }
0xa: {  	s4 =	sadd.s32 $0xE600, s0;
	s22 =	sshll.u32 s12, $0x6;
	s7 =	smul.u32 $0x5000, s5  }
0xb: {  	[smem:$0x7FF] =	sst s3;
	s8 =	smul.u32 $0x140000, s5;
	s5 =	ssub.s32 $0x2, s5  }
0xc: {  	s12 =	simm.s32 $0x3;
	_ =	strace $0x80000050;
	s11 =	sshrl.u32 s5, $0x1  }
0xd: {  	s9 =	sshrl.u32 s9, $0x2;
	s10 =	sadd.s32 s7, s0;
	s8 =	sadd.s32 s6, s8  }
0xe: {  	s5 =	ssub.s32 s5, s11;
	s21 =	sadd.s32 s9, s2;
	s6 =	sshrl.u32 s6, $0x3  }
0xf: {  	s25 =	sadd.s32 s7, s1;
	s1 =	simm.s32 $0x0;
	s8 =	sshrl.u32 s8, $0x3  }
0x10: {  	s6 =	sadd.s32 s4, s6;
	s24 =	smax.u32 s5, $0x1;
	s26 =	sadd.s32 s23, s10  }
0x11: {  	s9 =	sadd.s32 s23, s25;
	s7 =	sshrl.u32 s21, $0x3;
	s21 =	simm.s32 $0x180  }
0x12: {  	s23 =	simm.s32 $0x200;
	s25 =	simm.s32 $0x280;
	[dreg:$0x4] =	wrdreg s6  }
0x13: {  	s0 =	sadd.s32 s8, s0;
	s6 =	sor.u32 $0x1C03, s22;
	[dreg:$0x7] =	wrdreg s24  }
0x14: {  	s10 =	sadd.s32 $0x4600, s26;
	s22 =	simm.s32 $0x500;
	[dreg:$0x8] =	wrdreg s7  }
0x15: {  	s24 =	simm.s32 $0x580;
	s0 =	sadd.s32 $0x86E00, s0;
	[dreg:$0x5] =	wrdreg s6  }
0x16: {  	s26 =	simm.s32 $0x600;
	[dreg:$0x6] =	wrdreg s0;
	s0 =	simm.s32 $0x780  }
.LBB2_1:
0x17: {  	s5 =	rddreg [dreg:$0x4]  }
0x18: {  	[spmem:s7], [sflag:s6] =	dma.local [hbm:s5], $0x2800  }
0x19: {  	_ =	swait.ge [sflag:s12], $0x2800  }
0x1a: {  	[sflag:s12] =	ssyncset.done $0x0  }
0x1b: {  	[sflag:s12] =	ssyncadd.s32 $0xFFFFD800  }
0x1c: {  	s8 =	sadd.s32 $0x0, s10;
	[bflag:$0x0] =	sbarrier.arrive $0xFFFF  }
0x1d: {  	[tilespmem:s3], [sflag:$0x3] =	stream.linear.gather [hbm4b:s8+s3], $0x400, $0x38;
	[tilespmem:$0x1C800] =	vst v63  }
0x1e: {  	_ =	swait.ge [sflag:s12], $0x400  }
0x1f: {  	[sflag:s12] =	ssyncset.done $0x0  }
0x20: {  	s11 =	sadd.s32 $0x0, s9;
	[sflag:s12] =	ssyncadd.s32 $0xFFFFFC00  }
0x21: {  	[tilespmem:s13], [sflag:$0x3] =	stream.linear.gather [hbm4b:s11+s3], $0x400, $0x38;
	[tilespmem:$0x1C800] =	vst v63  }
0x22: {  	_ =	swait.ge [sflag:s12], $0x400  }
0x23: {  	[sflag:s12] =	ssyncset.done $0x0  }
0x24: {  	[sflag:s12] =	ssyncadd.s32 $0xFFFFFC00  }
0x25: {  	[tilespmem:s15], [sflag:$0x1] =	stream.indirect.gather [hbm4b:s4+s14], $0x80, s3, s14, $0xb8;
	[tilespmem:$0x1C800] =	vst v63  }
0x26: {  	_ = 	snop  }
0x27: {  	[tilespmem:s16], [sflag:$0x2] =	stream.indirect.gather [hbm4b:s4+s14], $0x80, s14, s14, $0xb8;
	[tilespmem:$0x1C800] =	vst v63  }
0x28: {  	_ =	swait.ge [sflag:s17], $0x4000  }
0x29: {  	[sflag:s17] =	ssyncset.done $0x0  }
0x2a: {  	[sflag:s17] =	ssyncadd.s32 $0xFFFFC000  }
0x2b: {  	[spmem:s2] =	stream.indirect.scatter.add.f32 [tilespmem:s15], [sflag:$0x3], $0x80, s13, s14, $0xb8;
	[tilespmem:$0x1C800] =	vst v63  }
0x2c: {  	_ =	swait.ge [sflag:s12], $0x4000  }
0x2d: {  	[sflag:s12] =	ssyncset.done $0x0  }
0x2e: {  	[sflag:s12] =	ssyncadd.s32 $0xFFFFC000  }
0x2f: {  	[tilespmem:s15], [sflag:$0x1] =	stream.indirect.gather [hbm4b:s4+s14], $0x80, s18, s14, $0xb8;
	[tilespmem:$0x1C800] =	vst v63  }
0x30: {  	_ =	swait.ge [sflag:s19], $0x4000  }
0x31: {  	[sflag:s19] =	ssyncset.done $0x0  }
0x32: {  	[sflag:s19] =	ssyncadd.s32 $0xFFFFC000  }
0x33: {  	[spmem:s2] =	stream.indirect.scatter.add.f32 [tilespmem:s16], [sflag:$0x3], $0x80, s20, s14, $0xb8;
	[tilespmem:$0x1C800] =	vst v63  }
0x34: {  	_ =	swait.ge [sflag:s12], $0x4000  }
0x35: {  	[sflag:s12] =	ssyncset.done $0x0  }
0x36: {  	[sflag:s12] =	ssyncadd.s32 $0xFFFFC000  }
0x37: {  	[tilespmem:s16], [sflag:$0x2] =	stream.indirect.gather [hbm4b:s4+s14], $0x80, s21, s14, $0xb8;
	[tilespmem:$0x1C800] =	vst v63  }
0x38: {  	_ =	swait.ge [sflag:s17], $0x4000  }
0x39: {  	[sflag:s17] =	ssyncset.done $0x0  }
0x3a: {  	[sflag:s17] =	ssyncadd.s32 $0xFFFFC000  }
0x3b: {  	[spmem:s2] =	stream.indirect.scatter.add.f32 [tilespmem:s15], [sflag:$0x3], $0x80, s22, s14, $0xb8;
	[tilespmem:$0x1C800] =	vst v63  }
0x3c: {  	_ =	swait.ge [sflag:s12], $0x4000  }
0x3d: {  	[sflag:s12] =	ssyncset.done $0x0  }
0x3e: {  	[sflag:s12] =	ssyncadd.s32 $0xFFFFC000  }
0x3f: {  	[tilespmem:s15], [sflag:$0x1] =	stream.indirect.gather [hbm4b:s4+s14], $0x80, s23, s14, $0xb8;
	[tilespmem:$0x1C800] =	vst v63  }
0x40: {  	_ =	swait.ge [sflag:s19], $0x4000  }
0x41: {  	[sflag:s19] =	ssyncset.done $0x0  }
0x42: {  	[sflag:s19] =	ssyncadd.s32 $0xFFFFC000  }
0x43: {  	[spmem:s2] =	stream.indirect.scatter.add.f32 [tilespmem:s16], [sflag:$0x3], $0x80, s24, s14, $0xb8;
	[tilespmem:$0x1C800] =	vst v63  }
0x44: {  	_ =	swait.ge [sflag:s12], $0x4000  }
0x45: {  	[sflag:s12] =	ssyncset.done $0x0  }
0x46: {  	[sflag:s12] =	ssyncadd.s32 $0xFFFFC000  }
0x47: {  	[tilespmem:s16], [sflag:$0x2] =	stream.indirect.gather [hbm4b:s4+s14], $0x80, s25, s14, $0xb8;
	[tilespmem:$0x1C800] =	vst v63  }
0x48: {  	_ =	swait.ge [sflag:s17], $0x4000  }
0x49: {  	[sflag:s17] =	ssyncset.done $0x0  }
0x4a: {  	[sflag:s17] =	ssyncadd.s32 $0xFFFFC000  }
0x4b: {  	[spmem:s2] =	stream.indirect.scatter.add.f32 [tilespmem:s15], [sflag:$0x3], $0x80, s26, s14, $0xb8;
	[tilespmem:$0x1C800] =	vst v63  }
0x4c: {  	_ =	swait.ge [sflag:s12], $0x4000  }
0x4d: {  	[sflag:s12] =	ssyncset.done $0x0  }
0x4e: {  	[sflag:s12] =	ssyncadd.s32 $0xFFFFC000  }
0x4f: {  	[tilespmem:s15], [sflag:$0x1] =	stream.indirect.gather [hbm4b:s4+s14], $0x80, s28, s14, $0xb8;
	[tilespmem:$0x1C800] =	vst v63  }
0x50: {  	_ =	swait.ge [sflag:s19], $0x4000  }
0x51: {  	[sflag:s19] =	ssyncset.done $0x0  }
0x52: {  	[sflag:s19] =	ssyncadd.s32 $0xFFFFC000  }
0x53: {  	[spmem:s2] =	stream.indirect.scatter.add.f32 [tilespmem:s16], [sflag:$0x3], $0x80, s29, s14, $0xb8;
	[tilespmem:$0x1C800] =	vst v63  }
0x54: {  	_ =	swait.ge [sflag:s12], $0x4000  }
0x55: {  	[sflag:s12] =	ssyncset.done $0x0  }
0x56: {  	[sflag:s12] =	ssyncadd.s32 $0xFFFFC000  }
0x57: {  	[tilespmem:s16], [sflag:$0x2] =	stream.indirect.gather [hbm4b:s4+s14], $0x80, s30, s14, $0xb8;
	[tilespmem:$0x1C800] =	vst v63  }
0x58: {  	_ =	swait.ge [sflag:s17], $0x4000  }
0x59: {  	[sflag:s17] =	ssyncset.done $0x0  }
0x5a: {  	[sflag:s17] =	ssyncadd.s32 $0xFFFFC000  }
0x5b: {  	[spmem:s2] =	stream.indirect.scatter.add.f32 [tilespmem:s15], [sflag:$0x3], $0x80, s31, s14, $0xb8;
	[tilespmem:$0x1C800] =	vst v63  }
0x5c: {  	_ =	swait.ge [sflag:s12], $0x4000  }
0x5d: {  	[sflag:s12] =	ssyncset.done $0x0  }
0x5e: {  	[sflag:s12] =	ssyncadd.s32 $0xFFFFC000  }
0x5f: {  	_ =	swait.ge [sflag:s19], $0x4000  }
0x60: {  	[sflag:s19] =	ssyncset.done $0x0  }
0x61: {  	[sflag:s19] =	ssyncadd.s32 $0xFFFFC000  }
0x62: {  	[spmem:s2] =	stream.indirect.scatter.add.f32 [tilespmem:s16], [sflag:$0x3], $0x80, s0, s14, $0xb8;
	[tilespmem:$0x1C800] =	vst v63  }
0x63: {  	_ =	swait.ge [sflag:s12], $0x4000  }
0x64: {  	s5 =	simm.s32 $0x80;
	s7 =	simm.s32 $0x100;
	[sflag:s12] =	ssyncset.done $0x0  }
.LBB2_2:
0x65: {  	s6 =	sadd.s32 s5, s10  }
0x66: {  	[sflag:s12] =	ssyncadd.s32 $0xFFFFC000;
	s11 =	smov.u32 s7;
	s8 =	sadd.s32 $0x80, s7  }
0x67: {  	[tilespmem:s3], [sflag:$0x3] =	stream.linear.gather [hbm4b:s6+s3], $0x400, $0x38;
	[tilespmem:$0x1C800] =	vst v63  }
0x68: {  	p0 =	sne.s32 s7, $0x480;
	_ =	swait.ge [sflag:s12], $0x400  }
0x69: {  	[sflag:s12] =	ssyncset.done $0x0  }
0x6a: {  	s6 =	sadd.s32 s5, s9;
	s5 =	smov.u32 s11;
	[sflag:s12] =	ssyncadd.s32 $0xFFFFFC00  }
0x6b: {  	[tilespmem:s13], [sflag:$0x3] =	stream.linear.gather [hbm4b:s6+s3], $0x400, $0x38;
	[tilespmem:$0x1C800] =	vst v63  }
0x6c: {  	_ =	swait.ge [sflag:s12], $0x400  }
0x6d: {  	[sflag:s12] =	ssyncset.done $0x0  }
0x6e: {  	[sflag:s12] =	ssyncadd.s32 $0xFFFFFC00  }
0x6f: {  	[tilespmem:s15], [sflag:$0x1] =	stream.indirect.gather [hbm4b:s4+s14], $0x80, s3, s14, $0xb8;
	[tilespmem:$0x1C800] =	vst v63  }
0x70: {  	_ = 	snop  }
0x71: {  	[tilespmem:s16], [sflag:$0x2] =	stream.indirect.gather [hbm4b:s4+s14], $0x80, s14, s14, $0xb8;
	[tilespmem:$0x1C800] =	vst v63  }
0x72: {  	_ =	swait.ge [sflag:s17], $0x4000  }
0x73: {  	[sflag:s17] =	ssyncset.done $0x0  }
0x74: {  	[sflag:s17] =	ssyncadd.s32 $0xFFFFC000  }
0x75: {  	[spmem:s2] =	stream.indirect.scatter.add.f32 [tilespmem:s15], [sflag:$0x3], $0x80, s13, s14, $0xb8;
	[tilespmem:$0x1C800] =	vst v63  }
0x76: {  	_ =	swait.ge [sflag:s12], $0x4000  }
0x77: {  	[sflag:s12] =	ssyncset.done $0x0  }
0x78: {  	[sflag:s12] =	ssyncadd.s32 $0xFFFFC000  }
0x79: {  	[tilespmem:s15], [sflag:$0x1] =	stream.indirect.gather [hbm4b:s4+s14], $0x80, s18, s14, $0xb8;
	[tilespmem:$0x1C800] =	vst v63  }
0x7a: {  	_ =	swait.ge [sflag:s19], $0x4000  }
0x7b: {  	[sflag:s19] =	ssyncset.done $0x0  }
0x7c: {  	[sflag:s19] =	ssyncadd.s32 $0xFFFFC000  }
0x7d: {  	[spmem:s2] =	stream.indirect.scatter.add.f32 [tilespmem:s16], [sflag:$0x3], $0x80, s20, s14, $0xb8;
	[tilespmem:$0x1C800] =	vst v63  }
0x7e: {  	_ =	swait.ge [sflag:s12], $0x4000  }
0x7f: {  	[sflag:s12] =	ssyncset.done $0x0  }
0x80: {  	[sflag:s12] =	ssyncadd.s32 $0xFFFFC000  }
0x81: {  	[tilespmem:s16], [sflag:$0x2] =	stream.indirect.gather [hbm4b:s4+s14], $0x80, s21, s14, $0xb8;
	[tilespmem:$0x1C800] =	vst v63  }
0x82: {  	_ =	swait.ge [sflag:s17], $0x4000  }
0x83: {  	[sflag:s17] =	ssyncset.done $0x0  }
0x84: {  	[sflag:s17] =	ssyncadd.s32 $0xFFFFC000  }
0x85: {  	[spmem:s2] =	stream.indirect.scatter.add.f32 [tilespmem:s15], [sflag:$0x3], $0x80, s22, s14, $0xb8;
	[tilespmem:$0x1C800] =	vst v63  }
0x86: {  	_ =	swait.ge [sflag:s12], $0x4000  }
0x87: {  	[sflag:s12] =	ssyncset.done $0x0  }
0x88: {  	[sflag:s12] =	ssyncadd.s32 $0xFFFFC000  }
0x89: {  	[tilespmem:s15], [sflag:$0x1] =	stream.indirect.gather [hbm4b:s4+s14], $0x80, s23, s14, $0xb8;
	[tilespmem:$0x1C800] =	vst v63  }
0x8a: {  	_ =	swait.ge [sflag:s19], $0x4000  }
0x8b: {  	[sflag:s19] =	ssyncset.done $0x0  }
0x8c: {  	[sflag:s19] =	ssyncadd.s32 $0xFFFFC000  }
0x8d: {  	[spmem:s2] =	stream.indirect.scatter.add.f32 [tilespmem:s16], [sflag:$0x3], $0x80, s24, s14, $0xb8;
	[tilespmem:$0x1C800] =	vst v63  }
0x8e: {  	_ =	swait.ge [sflag:s12], $0x4000  }
0x8f: {  	[sflag:s12] =	ssyncset.done $0x0  }
0x90: {  	[sflag:s12] =	ssyncadd.s32 $0xFFFFC000  }
0x91: {  	[tilespmem:s16], [sflag:$0x2] =	stream.indirect.gather [hbm4b:s4+s14], $0x80, s25, s14, $0xb8;
	[tilespmem:$0x1C800] =	vst v63  }
0x92: {  	_ =	swait.ge [sflag:s17], $0x4000  }
0x93: {  	[sflag:s17] =	ssyncset.done $0x0  }
0x94: {  	[sflag:s17] =	ssyncadd.s32 $0xFFFFC000  }
0x95: {  	[spmem:s2] =	stream.indirect.scatter.add.f32 [tilespmem:s15], [sflag:$0x3], $0x80, s26, s14, $0xb8;
	[tilespmem:$0x1C800] =	vst v63  }
0x96: {  	_ =	swait.ge [sflag:s12], $0x4000  }
0x97: {  	[sflag:s12] =	ssyncset.done $0x0  }
0x98: {  	[sflag:s12] =	ssyncadd.s32 $0xFFFFC000  }
0x99: {  	[tilespmem:s15], [sflag:$0x1] =	stream.indirect.gather [hbm4b:s4+s14], $0x80, s28, s14, $0xb8;
	[tilespmem:$0x1C800] =	vst v63  }
0x9a: {  	_ =	swait.ge [sflag:s19], $0x4000  }
0x9b: {  	[sflag:s19] =	ssyncset.done $0x0  }
0x9c: {  	[sflag:s19] =	ssyncadd.s32 $0xFFFFC000  }
0x9d: {  	[spmem:s2] =	stream.indirect.scatter.add.f32 [tilespmem:s16], [sflag:$0x3], $0x80, s29, s14, $0xb8;
	[tilespmem:$0x1C800] =	vst v63  }
0x9e: {  	_ =	swait.ge [sflag:s12], $0x4000  }
0x9f: {  	[sflag:s12] =	ssyncset.done $0x0  }
0xa0: {  	[sflag:s12] =	ssyncadd.s32 $0xFFFFC000  }
0xa1: {  	[tilespmem:s16], [sflag:$0x2] =	stream.indirect.gather [hbm4b:s4+s14], $0x80, s30, s14, $0xb8;
	[tilespmem:$0x1C800] =	vst v63  }
0xa2: {  	_ =	swait.ge [sflag:s17], $0x4000  }
0xa3: {  	[sflag:s17] =	ssyncset.done $0x0  }
0xa4: {  	[sflag:s17] =	ssyncadd.s32 $0xFFFFC000  }
0xa5: {  	[spmem:s2] =	stream.indirect.scatter.add.f32 [tilespmem:s15], [sflag:$0x3], $0x80, s31, s14, $0xb8;
	[tilespmem:$0x1C800] =	vst v63  }
0xa6: {  	_ =	swait.ge [sflag:s12], $0x4000  }
0xa7: {  	[sflag:s12] =	ssyncset.done $0x0  }
0xa8: {  	[sflag:s12] =	ssyncadd.s32 $0xFFFFC000  }
0xa9: {  	_ =	swait.ge [sflag:s19], $0x4000  }
.Ltmp0:
0xaa: {  	[sflag:s19] =	ssyncset.done $0x0;
	(pc) =	sbr.rel @p0 .LBB2_2-.Ltmp0, $4  }
0xab: {  	[sflag:s19] =	ssyncadd.s32 $0xFFFFC000  }
0xac: {  	[spmem:s2] =	stream.indirect.scatter.add.f32 [tilespmem:s16], [sflag:$0x3], $0x80, s0, s14, $0xb8;
	[tilespmem:$0x1C800] =	vst v63  }
0xad: {  	_ =	swait.ge [sflag:s12], $0x4000  }
0xae: {  	s7 =	smov.u32 s8;
	[sflag:s12] =	ssyncset.done $0x0  }
0xaf: {  	s6 =	sadd.s32 s5, s10;
	[sflag:s12] =	ssyncadd.s32 $0xFFFFC000  }
0xb0: {  	[tilespmem:s3], [sflag:$0x3] =	stream.linear.gather [hbm4b:s6+s3], $0x400, $0x38;
	[tilespmem:$0x1C800] =	vst v63  }
0xb1: {  	_ =	swait.ge [sflag:s12], $0x400  }
0xb2: {  	[sflag:s12] =	ssyncset.done $0x0  }
0xb3: {  	s7 =	sadd.s32 s5, s9;
	[sflag:s12] =	ssyncadd.s32 $0xFFFFFC00  }
0xb4: {  	[tilespmem:s13], [sflag:$0x3] =	stream.linear.gather [hbm4b:s7+s3], $0x400, $0x38;
	[tilespmem:$0x1C800] =	vst v63  }
0xb5: {  	_ =	swait.ge [sflag:s12], $0x400  }
0xb6: {  	[sflag:s12] =	ssyncset.done $0x0  }
0xb7: {  	[sflag:s12] =	ssyncadd.s32 $0xFFFFFC00  }
0xb8: {  	[tilespmem:s15], [sflag:$0x1] =	stream.indirect.gather [hbm4b:s4+s14], $0x80, s3, s14, $0xb8;
	[tilespmem:$0x1C800] =	vst v63  }
0xb9: {  	_ = 	snop  }
0xba: {  	[tilespmem:s16], [sflag:$0x2] =	stream.indirect.gather [hbm4b:s4+s14], $0x80, s14, s14, $0xb8;
	[tilespmem:$0x1C800] =	vst v63  }
0xbb: {  	_ =	swait.ge [sflag:s17], $0x4000  }
0xbc: {  	[sflag:s17] =	ssyncset.done $0x0  }
0xbd: {  	[sflag:s17] =	ssyncadd.s32 $0xFFFFC000  }
0xbe: {  	[spmem:s2] =	stream.indirect.scatter.add.f32 [tilespmem:s15], [sflag:$0x3], $0x80, s13, s14, $0xb8;
	[tilespmem:$0x1C800] =	vst v63  }
0xbf: {  	_ =	swait.ge [sflag:s12], $0x4000  }
0xc0: {  	[sflag:s12] =	ssyncset.done $0x0  }
0xc1: {  	[sflag:s12] =	ssyncadd.s32 $0xFFFFC000  }
0xc2: {  	[tilespmem:s15], [sflag:$0x1] =	stream.indirect.gather [hbm4b:s4+s14], $0x80, s18, s14, $0xb8;
	[tilespmem:$0x1C800] =	vst v63  }
0xc3: {  	_ =	swait.ge [sflag:s19], $0x4000  }
0xc4: {  	[sflag:s19] =	ssyncset.done $0x0  }
0xc5: {  	[sflag:s19] =	ssyncadd.s32 $0xFFFFC000  }
0xc6: {  	[spmem:s2] =	stream.indirect.scatter.add.f32 [tilespmem:s16], [sflag:$0x3], $0x80, s20, s14, $0xb8;
	[tilespmem:$0x1C800] =	vst v63  }
0xc7: {  	_ =	swait.ge [sflag:s12], $0x4000  }
0xc8: {  	[sflag:s12] =	ssyncset.done $0x0  }
0xc9: {  	[sflag:s12] =	ssyncadd.s32 $0xFFFFC000  }
0xca: {  	[tilespmem:s16], [sflag:$0x2] =	stream.indirect.gather [hbm4b:s4+s14], $0x80, s21, s14, $0xb8;
	[tilespmem:$0x1C800] =	vst v63  }
0xcb: {  	_ =	swait.ge [sflag:s17], $0x4000  }
0xcc: {  	[sflag:s17] =	ssyncset.done $0x0  }
0xcd: {  	[sflag:s17] =	ssyncadd.s32 $0xFFFFC000  }
0xce: {  	[spmem:s2] =	stream.indirect.scatter.add.f32 [tilespmem:s15], [sflag:$0x3], $0x80, s22, s14, $0xb8;
	[tilespmem:$0x1C800] =	vst v63  }
0xcf: {  	_ =	swait.ge [sflag:s12], $0x4000  }
0xd0: {  	[sflag:s12] =	ssyncset.done $0x0  }
0xd1: {  	[sflag:s12] =	ssyncadd.s32 $0xFFFFC000  }
0xd2: {  	[tilespmem:s15], [sflag:$0x1] =	stream.indirect.gather [hbm4b:s4+s14], $0x80, s23, s14, $0xb8;
	[tilespmem:$0x1C800] =	vst v63  }
0xd3: {  	_ =	swait.ge [sflag:s19], $0x4000  }
0xd4: {  	[sflag:s19] =	ssyncset.done $0x0  }
0xd5: {  	[sflag:s19] =	ssyncadd.s32 $0xFFFFC000  }
0xd6: {  	[spmem:s2] =	stream.indirect.scatter.add.f32 [tilespmem:s16], [sflag:$0x3], $0x80, s24, s14, $0xb8;
	[tilespmem:$0x1C800] =	vst v63  }
0xd7: {  	_ =	swait.ge [sflag:s12], $0x4000  }
0xd8: {  	[sflag:s12] =	ssyncset.done $0x0  }
0xd9: {  	[sflag:s12] =	ssyncadd.s32 $0xFFFFC000  }
0xda: {  	[tilespmem:s16], [sflag:$0x2] =	stream.indirect.gather [hbm4b:s4+s14], $0x80, s25, s14, $0xb8;
	[tilespmem:$0x1C800] =	vst v63  }
0xdb: {  	_ =	swait.ge [sflag:s17], $0x4000  }
0xdc: {  	[sflag:s17] =	ssyncset.done $0x0  }
0xdd: {  	[sflag:s17] =	ssyncadd.s32 $0xFFFFC000  }
0xde: {  	[spmem:s2] =	stream.indirect.scatter.add.f32 [tilespmem:s15], [sflag:$0x3], $0x80, s26, s14, $0xb8;
	[tilespmem:$0x1C800] =	vst v63  }
0xdf: {  	_ =	swait.ge [sflag:s12], $0x4000  }
0xe0: {  	[sflag:s12] =	ssyncset.done $0x0  }
0xe1: {  	[sflag:s12] =	ssyncadd.s32 $0xFFFFC000  }
0xe2: {  	[tilespmem:s15], [sflag:$0x1] =	stream.indirect.gather [hbm4b:s4+s14], $0x80, s28, s14, $0xb8;
	[tilespmem:$0x1C800] =	vst v63  }
0xe3: {  	_ =	swait.ge [sflag:s19], $0x4000  }
0xe4: {  	[sflag:s19] =	ssyncset.done $0x0  }
0xe5: {  	[sflag:s19] =	ssyncadd.s32 $0xFFFFC000  }
0xe6: {  	[spmem:s2] =	stream.indirect.scatter.add.f32 [tilespmem:s16], [sflag:$0x3], $0x80, s29, s14, $0xb8;
	[tilespmem:$0x1C800] =	vst v63  }
0xe7: {  	_ =	swait.ge [sflag:s12], $0x4000  }
0xe8: {  	[sflag:s12] =	ssyncset.done $0x0  }
0xe9: {  	[sflag:s12] =	ssyncadd.s32 $0xFFFFC000  }
0xea: {  	[tilespmem:s16], [sflag:$0x2] =	stream.indirect.gather [hbm4b:s4+s14], $0x80, s30, s14, $0xb8;
	[tilespmem:$0x1C800] =	vst v63  }
0xeb: {  	_ =	swait.ge [sflag:s17], $0x4000  }
0xec: {  	[sflag:s17] =	ssyncset.done $0x0  }
0xed: {  	[sflag:s17] =	ssyncadd.s32 $0xFFFFC000  }
0xee: {  	[spmem:s2] =	stream.indirect.scatter.add.f32 [tilespmem:s15], [sflag:$0x3], $0x80, s31, s14, $0xb8;
	[tilespmem:$0x1C800] =	vst v63  }
0xef: {  	_ =	swait.ge [sflag:s12], $0x4000  }
0xf0: {  	[sflag:s12] =	ssyncset.done $0x0  }
0xf1: {  	[sflag:s12] =	ssyncadd.s32 $0xFFFFC000  }
0xf2: {  	_ =	swait.ge [sflag:s19], $0x4000  }
0xf3: {  	[sflag:s19] =	ssyncset.done $0x0  }
0xf4: {  	[sflag:s19] =	ssyncadd.s32 $0xFFFFC000  }
0xf5: {  	[spmem:s2] =	stream.indirect.scatter.add.f32 [tilespmem:s16], [sflag:$0x3], $0x80, s0, s14, $0xb8;
	[tilespmem:$0x1C800] =	vst v63  }
0xf6: {  	_ =	swait.ge [sflag:s12], $0x4000  }
0xf7: {  	[sflag:s12] =	ssyncset.done $0x0  }
0xf8: {  	[sflag:s12] =	ssyncadd.s32 $0xFFFFC000  }
0xf9: {  	[bflag:$0x0] =	sbarrier.arrive $0xFFFF  }
0xfa: {  	s6 =	rddreg [dreg:$0x5]  }
0xfb: {  	s8 =	rddreg [dreg:$0x6]  }
0xfc: {  	s7 =	rddreg [dreg:$0x8]  }
0xfd: {  	[hbm:s8], [sflag:s6] =	dma.local [spmem:s7], $0x2800  }
0xfe: {  	_ =	swait.ge [sflag:s12], $0x2800  }
0xff: {  	s1 =	sadd.s32 $0x1, s1;
	s11 =	rddreg [dreg:$0x7]  }
0x100: {  	p0 =	sne.s32 s1, s11  }
.Ltmp1:
0x101: {  	_ = 	snop;
	(pc) =	sbr.rel @p0 .LBB2_1-.Ltmp1, $3  }
0x102: {  	_ =	sdelay $0x1  }
0x103: {  	[sflag:s12] =	ssyncset.done $0x0  }
0x104: {  	[sflag:s12] =	ssyncadd.s32 $0xFFFFD800  }
0x105: {  	_ =	sfence.sel $0x180000  }
0x106: {  	[bflag:$0x0] =	sbarrier.arrive $0xFFFF  }
0x107: {  	_ =	strace $0x90000050  }
0x108: {  	s0 =	stileid.u32;
	[bflag:$0x2] =	sbarrier.arrive $0xFFFF  }
0x109: {  	p0 =	sne.s32 s0, $0x0;
	s0 =	rddreg [dreg:$0x3]  }
0x10a: {  	s0 =	sadd.s32 @!p0 $0x100000, s0  }
0x10b: {  	[sflag:s0] =	ssyncadd.tile.s32 @!p0 $0x1;
	_ =	shalt  }
.Lfunc_end2:
_tile_overlayer_lowered:
.L_overlay_start_2:
0x10c: {  	(tag) =	ssettag $0x2  }
0x10d: {  	s0 =	rddreg [dreg:$0x0];
	s2 =	stileid.u32  }
0x10e: {  	s1 =	rddreg [dreg:$0x1];
	p0 =	sne.s32 s2, $0x0  }
0x10f: {  	s3 =	rddreg [dreg:$0x2];
	[bflag:$0x3] =	sbarrier.arrive $0xFFFF;
	s2 =	simm.s32 @!p0 $0x1C03  }
0x110: {  	[timem:s3], [sflag:s2] =	dma.local @!p0 [hbm:s0], s1  }
0x111: {  	s0 =	simm.s32 @!p0 $0x3  }
0x112: {  	_ =	swait.ge @!p0 [sflag:s0], s1  }
0x113: {  	s1 =	ssub.s32 @!p0 $0x0, s1;
	[sflag:s0] =	ssyncset.done @!p0 $0x0  }
0x114: {  	[sflag:s0] =	ssyncadd.s32 @!p0 s1  }
0x115: {  	[bflag:$0x3] =	sbarrier.arrive $0xFFFF  }
0x116: {  	_ =	shalt  }

// kernel: kernel.24.cloned.1.call-start
scs
__scs_entry_jumppad:
0x0: {  	(pc) =	sbr.rel $0x88, $3  }
0x1: {  	(tag) =	ssettag $0x0;
	lr =	simm.s32 $0x1  }
0x2: {  	[smem:$0x3F97] =	sst lr;
	_ =	strace $0xD0000000  }
0x3: {  	_ = 	snop  }
0x4: {  	_ = 	snop  }
0x5: {  	_ = 	snop  }
0x6: {  	_ = 	snop  }
0x7: {  	_ = 	snop  }
__scs_overlays_trampoline_lowered:
0x8: {  	[smem:$0x3FA6] =	sst s0  }
0x9: {  	[smem:$0x3FA7] =	sst s1  }
0xa: {  	[smem:$0x3FA8] =	sst s2  }
0xb: {  	[smem:$0x3FA9] =	sst s3  }
0xc: {  	[smem:$0x3FAA] =	sst s4  }
0xd: {  	[smem:$0x3FAB] =	sst s5  }
0xe: {  	[smem:$0x3FAC] =	sst s6  }
0xf: {  	[smem:$0x3FAD] =	sst s7  }
0x10: {  	[smem:$0x3FAE] =	sst s8  }
0x11: {  	[smem:$0x3FAF] =	sst s9;
	s0 =	simm.s32 @!p0 $0x0  }
0x12: {  	s1 =	sld [smem:$0x3F95];
	s0 =	simm.s32 @p0 $0x1  }
0x13: {  	[smem:$0x3FB0] =	sst s0;
	s0 =	simm.s32 @!p1 $0x0  }
0x14: {  	s2 =	sld [smem:$0x3F94];
	s0 =	simm.s32 @p1 $0x1  }
0x15: {  	[smem:$0x3FB1] =	sst s0;
	s0 =	simm.s32 @!p2 $0x0  }
0x16: {  	s3 =	sld [smem:$0x3FDB];
	s0 =	simm.s32 @p2 $0x1  }
0x17: {  	s4 =	simm.s32 $0x1BF5;
	[smem:$0x3FB3] =	sst s0  }
0x18: {  	s0 =	sld [smem:$0x3F96];
	_ =	swait.ge [sflag:s4], $0x0  }
0x19: {  	s7 =	sld [smem:$0x3F97]  }
0x1a: {  	s8 =	sadd.s32 $0xFFFFE003, lr  }
0x1b: {  	s9 =	sadd.s32 $0xFFFFFEF7, lr;
	s5 =	simm.s32 $0xFFFFFFFF;
	p2 =	slt.u32 s8, $0xFFFFF086  }
0x1c: {  	p1 =	slt.u32 s9, $0xF7A;
	s5 =	simm.s32 @!p2 $0x0  }
0x1d: {  	s5 =	simm.s32 @p1 $0x1;
	p0 =	seq.s32 s7, s2  }
0x1e: {  	s7 =	smul.u32 @!p0 $0xF7A, s2;
	p2 =	seq.s32 @!p0 s5, $0x0  }
0x1f: {  	s9 =	smul.u32 $0xF7A, s1;
	s8 =	simm.s32 @!p0 $0x1BF5;
	p2 =	por !p2, p0  }
0x20: {  	[sflag:s8] =	ssyncset.s32 @!p0 $0xFFFFF086;
	s6 =	sadd.s32 @!p0 s3, s7;
	s7 =	simm.s32 @!p0 $0x108  }
0x21: {  	s3 =	sadd.s32 s3, s9;
	s6 =	sadd.s32 @!p0 $0x88, s6;
	s7 =	simm.s32 @p2 $0x1082  }
0x22: {  	[simem:s7], [sflag:s8] =	dma.local @!p0 [hbm:s6], $0xF7A  }
0x23: {  	s9 =	sor.u32 $0xD0000000, s2;
	s6 =	simm.s32 $0x108;
	_ =	swait.ge @!p0 [sflag:s8], $0x0  }
0x24: {  	s3 =	sadd.s32 $0x88, s3;
	s6 =	simm.s32 @!p1 $0x1082;
	[sflag:s4] =	ssyncset.s32 $0xFFFFF086  }
0x25: {  	[simem:s6], [sflag:s4] =	dma.local [hbm:s3], $0xF7A  }
0x26: {  	[smem:$0x3F97] =	sst s1;
	(tag) =	ssettag s2;
	_ =	strace s9  }
0x27: {  	s1 =	sld [smem:$0x3FA7]  }
0x28: {  	s2 =	sld [smem:$0x3FA8]  }
0x29: {  	s4 =	sld [smem:$0x3FAA]  }
0x2a: {  	p0 =	seq.s32 s5, $0x0;
	s5 =	sld [smem:$0x3FAB]  }
0x2b: {  	s6 =	sld [smem:$0x3FAC]  }
0x2c: {  	s7 =	sld [smem:$0x3FAD]  }
0x2d: {  	s3 =	simm.s32 $0x108;
	s8 =	sld [smem:$0x3FAE]  }
0x2e: {  	s3 =	simm.s32 @!p0 $0x1082;
	s9 =	sld [smem:$0x3FAF]  }
0x2f: {  	lr =	sadd.s32 s0, s3;
	s0 =	sld [smem:$0x3FA6]  }
0x30: {  	s3 =	sld [smem:$0x3FA9]  }
0x31: {  	[smem:$0x3FB2] =	sst s10  }
0x32: {  	s10 =	sld [smem:$0x3FB0];
	_ =	sdelay $0x3  }
0x33: {  	p0 =	seq.s32 s10, $0x1;
	s10 =	sld [smem:$0x3FB2];
	_ =	sdelay $0x3  }
0x34: {  	[smem:$0x3FB2] =	sst s10  }
0x35: {  	s10 =	sld [smem:$0x3FB1];
	_ =	sdelay $0x3  }
0x36: {  	p1 =	seq.s32 s10, $0x1;
	s10 =	sld [smem:$0x3FB2];
	_ =	sdelay $0x3  }
0x37: {  	[smem:$0x3FB2] =	sst s10  }
0x38: {  	s10 =	sld [smem:$0x3FB3]  }
0x39: {  	_ = 	snop;
	(pc) =	sbr.ind lr, $3  }
0x3a: {  	_ = 	snop  }
0x3b: {  	_ = 	snop  }
0x3c: {  	p2 =	seq.s32 s10, $0x1;
	s10 =	sld [smem:$0x3FB2]  }
0x3d: {  	_ =	shalt  }
0x3e: {  	_ =	shalt  }
0x3f: {  	_ =	shalt  }
0x40: {  	_ =	shalt  }
0x41: {  	_ =	shalt  }
0x42: {  	_ =	shalt  }
0x43: {  	_ =	shalt  }
0x44: {  	_ =	shalt  }
0x45: {  	_ =	shalt  }
0x46: {  	_ =	shalt  }
0x47: {  	_ =	shalt  }
0x48: {  	_ =	shalt  }
0x49: {  	_ =	shalt  }
0x4a: {  	_ =	shalt  }
0x4b: {  	_ =	shalt  }
0x4c: {  	_ =	shalt  }
0x4d: {  	_ =	shalt  }
0x4e: {  	_ =	shalt  }
0x4f: {  	_ =	shalt  }
0x50: {  	_ =	shalt  }
0x51: {  	_ =	shalt  }
0x52: {  	_ =	shalt  }
0x53: {  	_ =	shalt  }
0x54: {  	_ =	shalt  }
0x55: {  	_ =	shalt  }
0x56: {  	_ =	shalt  }
0x57: {  	_ =	shalt  }
0x58: {  	_ =	shalt  }
0x59: {  	_ =	shalt  }
0x5a: {  	_ =	shalt  }
0x5b: {  	_ =	shalt  }
0x5c: {  	_ =	shalt  }
0x5d: {  	_ =	shalt  }
0x5e: {  	_ =	shalt  }
0x5f: {  	_ =	shalt  }
0x60: {  	_ =	shalt  }
0x61: {  	_ =	shalt  }
0x62: {  	_ =	shalt  }
0x63: {  	_ =	shalt  }
0x64: {  	_ =	shalt  }
0x65: {  	_ =	shalt  }
0x66: {  	_ =	shalt  }
0x67: {  	_ =	shalt  }
0x68: {  	_ =	shalt  }
0x69: {  	_ =	shalt  }
0x6a: {  	_ =	shalt  }
0x6b: {  	_ =	shalt  }
0x6c: {  	_ =	shalt  }
0x6d: {  	_ =	shalt  }
0x6e: {  	_ =	shalt  }
0x6f: {  	_ =	shalt  }
0x70: {  	_ =	shalt  }
0x71: {  	_ =	shalt  }
0x72: {  	_ =	shalt  }
0x73: {  	_ =	shalt  }
0x74: {  	_ =	shalt  }
0x75: {  	_ =	shalt  }
0x76: {  	_ =	shalt  }
0x77: {  	_ =	shalt  }
0x78: {  	_ =	shalt  }
0x79: {  	_ =	shalt  }
0x7a: {  	_ =	shalt  }
0x7b: {  	_ =	shalt  }
0x7c: {  	_ =	shalt  }
0x7d: {  	_ =	shalt  }
0x7e: {  	_ =	shalt  }
0x7f: {  	_ =	shalt  }
0x80: {  	_ =	shalt  }
0x81: {  	_ =	shalt  }
0x82: {  	_ =	shalt  }
0x83: {  	_ =	shalt  }
0x84: {  	_ =	shalt  }
0x85: {  	_ =	shalt  }
0x86: {  	_ =	shalt  }
0x87: {  	_ =	shalt  }
.Lfunc_end0:
.L_simem_size_0:
called_computation.4_lowered:
.L_overlay_start_0:
0x88: {  	s2 =	sld [smem:$0x3FD9]  }
0x89: {  	s3 =	sld [smem:$0x3FFE];
	_ =	sdelay $0x1  }
0x8a: {  	s1 =	srdreg.scid  }
0x8b: {  	s0 =	sand.u32 $0x1, s1  }
0x8c: {  	s17 =	sshll.u32 s0, $0xA;
	s2 =	sadd.s32 s3, s2  }
0x8d: {  	s2 =	sadd.s32 s2, s17  }
0x8e: {  	[smem:$0x3FBE] =	sst s2  }
0x8f: {  	_ = 	snop  }
0x90: {  	s2 =	sld [smem:$0x3FD0];
	(tm) =	ssettm $0x1  }
0x91: {  	s18 =	sld [smem:$0x3FFB];
	_ =	sdelay $0x3  }
0x92: {  	_ =	strace s18  }
0x93: {  	s3 =	sld [smem:$0x3FFC];
	_ =	sdelay $0x3  }
0x94: {  	_ =	strace s3  }
0x95: {  	s3 =	sld [smem:$0x3FFD];
	_ =	sdelay $0x3  }
0x96: {  	_ =	strace s3  }
0x97: {  	_ =	strace $0x8FFFFFFF  }
0x98: {  	s19 =	sld [smem:$0x3FDB];
	_ =	sdelay $0x1  }
0x99: {  	s4 =	simm.s32 $_scs_section_size  }
0x9a: {  	s5 =	simm.s32 $_size__tile_overlayer_lowered;
	s6 =	simm.s32 $_tile_overlayer_lowered  }
0x9b: {  	s22 =	simm.s32 $0x1BFF;
	s21 =	sshll.u32 s6, $0x1;
	s3 =	sadd.s32 s4, s19  }
0x9c: {  	s7 =	simm.s32 $0x0;
	s20 =	sshll.u32 s5, $0x1;
	s5 =	sadd.s32 s21, s3  }
0x9d: {  	[timem:s7], [sflag:s22] =	dma.local [hbm:s5], s20  }
0x9e: {  	_ =	swait.ge [sflag:s22], s20  }
0x9f: {  	s4 =	ssub.s32 $0x0, s20;
	[sflag:s22] =	ssyncset.done $0x0  }
0xa0: {  	[sflag:s22] =	ssyncadd.s32 s4;
	_ =	sdelay $0x1  }
0xa1: {  	s23 =	simm.s32 $0x1B8B  }
0xa2: {  	_ =	swait.ge [sflag:s23], $0x1  }
0xa3: {  	[sflag:s23] =	ssyncset.done $0x0  }
0xa4: {  	s25 =	simm.s32 $0x1B8E;
	s24 =	sld [smem:$0x3FFE];
	[sflag:s23] =	ssyncadd.s32 $0xFFFFFFFF  }
0xa5: {  	s26 =	simm.s32 $execute0_lowered;
	[smem:$0x3FD2] =	sst s25  }
0xa6: {  	s5 =	sshll.u32 s26, $0x1;
	_ =	strace $0x80000052;
	[dreg:$0x1] =	wrdreg $0xFFFFFFFF  }
0xa7: {  	s28 =	simm.s32 $_size_execute0_lowered;
	s3 =	sadd.s32 s3, s5;
	[dreg:$0x0] =	wrdreg $0x0  }
0xa8: {  	s5 =	sshll.u32 s28, $0x1;
	[dreg:$0x2] =	wrdreg s3  }
0xa9: {  	[dreg:$0x3] =	wrdreg s5  }
0xaa: {  	[dreg:$0x4] =	wrdreg $0xC0  }
0xab: {  	_ =	task [dreg:s7], $0x5FFFF  }
0xac: {  	[dreg:$0x1] =	wrdreg $0xFFFFFFFF  }
0xad: {  	[dreg:$0x0] =	wrdreg $0x60  }
0xae: {  	[dreg:$0x2] =	wrdreg s24  }
0xaf: {  	[dreg:$0x3] =	wrdreg s2  }
0xb0: {  	[dreg:$0x4] =	wrdreg $0x88000  }
0xb1: {  	[dreg:$0x5] =	wrdreg $0x9  }
0xb2: {  	_ =	task.clear_ibuf [dreg:s7], $0x6FFFF;
	_ =	strace $0x90000052  }
0xb3: {  	s29 =	simm.s32 $0x9;
	_ =	strace $0x80000054  }
0xb4: {  	_ =	swait.ge [sflag:s29], $0x1  }
0xb5: {  	[sflag:s29] =	ssyncadd.s32 $0xFFFFFFFF  }
0xb6: {  	_ =	strace $0x90000054  }
0xb7: {  	_ =	sfence  }
0xb8: {  	s30 =	sld [smem:$0x0];
	_ =	sdelay $0x2  }
0xb9: {  	s31 =	sshll.u32 s1, $0xD;
	s1 =	sshrl.u32 s1, $0x2  }
0xba: {  	s3 =	sand.u32 $0x4000, s31;
	s1 =	sadd.s32 s1, s30  }
0xbb: {  	s0 =	sor.u32 s3, s0;
	s1 =	sshll.u32 s1, $0x11  }
0xbc: {  	s0 =	sor.u32 s1, s0  }
0xbd: {  	s0 =	sadd.s32 $0x8F2B, s0  }
0xbe: {  	[sflag:s0] =	ssyncadd.remote.s32 $0x1  }
0xbf: {  	_ =	sfence.sel $0xFFFF  }
0xc0: {  	[dreg:$0x0] =	wrdreg $0xFFFFFFFF;
	(pc) =	sbr.abs _section_cstart, $3  }
0xc1: {  	[dreg:$0x1] =	wrdreg $0xFFFFFFFF  }
0xc2: {  	_ =	task.clear_ibuf [dreg:s7], $0x2FFFF;
	_ =	strace $0x9FFFFFFF  }
0xc3: {  	(tm) =	ssettm $0x7FFFFFFF  }
tec
execute0_lowered:
.L_overlay_start_1:
0x0: {  	(tag) =	ssettag $0x1  }
0x1: {  	s0 =	rddreg [dreg:$0x0]  }
0x2: {  	s1 =	rddreg [dreg:$0x1]  }
0x3: {  	s3 =	srdreg.scid;
	s2 =	rddreg [dreg:$0x2]  }
0x4: {  	s12 =	stileid.u32;
	s13 =	simm.s32 $0x400;
	s14 =	simm.s32 $0x80  }
0x5: {  	s15 =	simm.s32 $0x800;
	s16 =	simm.s32 $0x4800;
	s17 =	simm.s32 $0x1  }
0x6: {  	s18 =	simm.s32 $0x100;
	s19 =	simm.s32 $0x2;
	s20 =	simm.s32 $0x480  }
0x7: {  	s28 =	simm.s32 $0x300;
	s29 =	simm.s32 $0x680;
	s6 =	smul.u32 $0x14000, s12  }
0x8: {  	s30 =	simm.s32 $0x380;
	s31 =	simm.s32 $0x700;
	s9 =	smul.u32 $0x50000, s12  }
0x9: {  	s5 =	sand.u32 $0x1, s3;
	s3 =	simm.s32 $0x0;
	s23 =	smul.u32 $0x500, s12  }
0xa: {  	s4 =	sadd.s32 $0xE600, s0;
	s22 =	sshll.u32 s12, $0x6;
	s7 =	smul.u32 $0x5000, s5  }
0xb: {  	[smem:$0x7FF] =	sst s3;
	s8 =	smul.u32 $0x140000, s5;
	s5 =	ssub.s32 $0x2, s5  }
0xc: {  	s12 =	simm.s32 $0x3;
	_ =	strace $0x80000053;
	s11 =	sshrl.u32 s5, $0x1  }
0xd: {  	s9 =	sshrl.u32 s9, $0x2;
	s10 =	sadd.s32 s7, s0;
	s8 =	sadd.s32 s6, s8  }
0xe: {  	s5 =	ssub.s32 s5, s11;
	s21 =	sadd.s32 s9, s2;
	s6 =	sshrl.u32 s6, $0x3  }
0xf: {  	s25 =	sadd.s32 s7, s1;
	s1 =	simm.s32 $0x0;
	s8 =	sshrl.u32 s8, $0x3  }
0x10: {  	s6 =	sadd.s32 s4, s6;
	s24 =	smax.u32 s5, $0x1;
	s26 =	sadd.s32 s23, s10  }
0x11: {  	s9 =	sadd.s32 s23, s25;
	s7 =	sshrl.u32 s21, $0x3;
	s21 =	simm.s32 $0x180  }
0x12: {  	s23 =	simm.s32 $0x200;
	s25 =	simm.s32 $0x280;
	[dreg:$0x4] =	wrdreg s6  }
0x13: {  	s0 =	sadd.s32 s8, s0;
	s6 =	sor.u32 $0x1C03, s22;
	[dreg:$0x7] =	wrdreg s24  }
0x14: {  	s10 =	sadd.s32 $0x4600, s26;
	s22 =	simm.s32 $0x500;
	[dreg:$0x8] =	wrdreg s7  }
0x15: {  	s24 =	simm.s32 $0x580;
	s0 =	sadd.s32 $0x86E00, s0;
	[dreg:$0x5] =	wrdreg s6  }
0x16: {  	s26 =	simm.s32 $0x600;
	[dreg:$0x6] =	wrdreg s0;
	s0 =	simm.s32 $0x780  }
.LBB2_1:
0x17: {  	s5 =	rddreg [dreg:$0x4]  }
0x18: {  	[spmem:s7], [sflag:s6] =	dma.local [hbm:s5], $0x2800  }
0x19: {  	_ =	swait.ge [sflag:s12], $0x2800  }
0x1a: {  	[sflag:s12] =	ssyncset.done $0x0  }
0x1b: {  	[sflag:s12] =	ssyncadd.s32 $0xFFFFD800  }
0x1c: {  	s8 =	sadd.s32 $0x0, s10;
	[bflag:$0x0] =	sbarrier.arrive $0xFFFF  }
0x1d: {  	[tilespmem:s3], [sflag:$0x3] =	stream.linear.gather [hbm4b:s8+s3], $0x400, $0x38;
	[tilespmem:$0x1C800] =	vst v63  }
0x1e: {  	_ =	swait.ge [sflag:s12], $0x400  }
0x1f: {  	[sflag:s12] =	ssyncset.done $0x0  }
0x20: {  	s11 =	sadd.s32 $0x0, s9;
	[sflag:s12] =	ssyncadd.s32 $0xFFFFFC00  }
0x21: {  	[tilespmem:s13], [sflag:$0x3] =	stream.linear.gather [hbm4b:s11+s3], $0x400, $0x38;
	[tilespmem:$0x1C800] =	vst v63  }
0x22: {  	_ =	swait.ge [sflag:s12], $0x400  }
0x23: {  	[sflag:s12] =	ssyncset.done $0x0  }
0x24: {  	[sflag:s12] =	ssyncadd.s32 $0xFFFFFC00  }
0x25: {  	[tilespmem:s15], [sflag:$0x1] =	stream.indirect.gather [hbm4b:s4+s14], $0x80, s3, s14, $0xb8;
	[tilespmem:$0x1C800] =	vst v63  }
0x26: {  	_ = 	snop  }
0x27: {  	[tilespmem:s16], [sflag:$0x2] =	stream.indirect.gather [hbm4b:s4+s14], $0x80, s14, s14, $0xb8;
	[tilespmem:$0x1C800] =	vst v63  }
0x28: {  	_ =	swait.ge [sflag:s17], $0x4000  }
0x29: {  	[sflag:s17] =	ssyncset.done $0x0  }
0x2a: {  	[sflag:s17] =	ssyncadd.s32 $0xFFFFC000  }
0x2b: {  	[spmem:s2] =	stream.indirect.scatter.add.f32 [tilespmem:s15], [sflag:$0x3], $0x80, s13, s14, $0xb8;
	[tilespmem:$0x1C800] =	vst v63  }
0x2c: {  	_ =	swait.ge [sflag:s12], $0x4000  }
0x2d: {  	[sflag:s12] =	ssyncset.done $0x0  }
0x2e: {  	[sflag:s12] =	ssyncadd.s32 $0xFFFFC000  }
0x2f: {  	[tilespmem:s15], [sflag:$0x1] =	stream.indirect.gather [hbm4b:s4+s14], $0x80, s18, s14, $0xb8;
	[tilespmem:$0x1C800] =	vst v63  }
0x30: {  	_ =	swait.ge [sflag:s19], $0x4000  }
0x31: {  	[sflag:s19] =	ssyncset.done $0x0  }
0x32: {  	[sflag:s19] =	ssyncadd.s32 $0xFFFFC000  }
0x33: {  	[spmem:s2] =	stream.indirect.scatter.add.f32 [tilespmem:s16], [sflag:$0x3], $0x80, s20, s14, $0xb8;
	[tilespmem:$0x1C800] =	vst v63  }
0x34: {  	_ =	swait.ge [sflag:s12], $0x4000  }
0x35: {  	[sflag:s12] =	ssyncset.done $0x0  }
0x36: {  	[sflag:s12] =	ssyncadd.s32 $0xFFFFC000  }
0x37: {  	[tilespmem:s16], [sflag:$0x2] =	stream.indirect.gather [hbm4b:s4+s14], $0x80, s21, s14, $0xb8;
	[tilespmem:$0x1C800] =	vst v63  }
0x38: {  	_ =	swait.ge [sflag:s17], $0x4000  }
0x39: {  	[sflag:s17] =	ssyncset.done $0x0  }
0x3a: {  	[sflag:s17] =	ssyncadd.s32 $0xFFFFC000  }
0x3b: {  	[spmem:s2] =	stream.indirect.scatter.add.f32 [tilespmem:s15], [sflag:$0x3], $0x80, s22, s14, $0xb8;
	[tilespmem:$0x1C800] =	vst v63  }
0x3c: {  	_ =	swait.ge [sflag:s12], $0x4000  }
0x3d: {  	[sflag:s12] =	ssyncset.done $0x0  }
0x3e: {  	[sflag:s12] =	ssyncadd.s32 $0xFFFFC000  }
0x3f: {  	[tilespmem:s15], [sflag:$0x1] =	stream.indirect.gather [hbm4b:s4+s14], $0x80, s23, s14, $0xb8;
	[tilespmem:$0x1C800] =	vst v63  }
0x40: {  	_ =	swait.ge [sflag:s19], $0x4000  }
0x41: {  	[sflag:s19] =	ssyncset.done $0x0  }
0x42: {  	[sflag:s19] =	ssyncadd.s32 $0xFFFFC000  }
0x43: {  	[spmem:s2] =	stream.indirect.scatter.add.f32 [tilespmem:s16], [sflag:$0x3], $0x80, s24, s14, $0xb8;
	[tilespmem:$0x1C800] =	vst v63  }
0x44: {  	_ =	swait.ge [sflag:s12], $0x4000  }
0x45: {  	[sflag:s12] =	ssyncset.done $0x0  }
0x46: {  	[sflag:s12] =	ssyncadd.s32 $0xFFFFC000  }
0x47: {  	[tilespmem:s16], [sflag:$0x2] =	stream.indirect.gather [hbm4b:s4+s14], $0x80, s25, s14, $0xb8;
	[tilespmem:$0x1C800] =	vst v63  }
0x48: {  	_ =	swait.ge [sflag:s17], $0x4000  }
0x49: {  	[sflag:s17] =	ssyncset.done $0x0  }
0x4a: {  	[sflag:s17] =	ssyncadd.s32 $0xFFFFC000  }
0x4b: {  	[spmem:s2] =	stream.indirect.scatter.add.f32 [tilespmem:s15], [sflag:$0x3], $0x80, s26, s14, $0xb8;
	[tilespmem:$0x1C800] =	vst v63  }
0x4c: {  	_ =	swait.ge [sflag:s12], $0x4000  }
0x4d: {  	[sflag:s12] =	ssyncset.done $0x0  }
0x4e: {  	[sflag:s12] =	ssyncadd.s32 $0xFFFFC000  }
0x4f: {  	[tilespmem:s15], [sflag:$0x1] =	stream.indirect.gather [hbm4b:s4+s14], $0x80, s28, s14, $0xb8;
	[tilespmem:$0x1C800] =	vst v63  }
0x50: {  	_ =	swait.ge [sflag:s19], $0x4000  }
0x51: {  	[sflag:s19] =	ssyncset.done $0x0  }
0x52: {  	[sflag:s19] =	ssyncadd.s32 $0xFFFFC000  }
0x53: {  	[spmem:s2] =	stream.indirect.scatter.add.f32 [tilespmem:s16], [sflag:$0x3], $0x80, s29, s14, $0xb8;
	[tilespmem:$0x1C800] =	vst v63  }
0x54: {  	_ =	swait.ge [sflag:s12], $0x4000  }
0x55: {  	[sflag:s12] =	ssyncset.done $0x0  }
0x56: {  	[sflag:s12] =	ssyncadd.s32 $0xFFFFC000  }
0x57: {  	[tilespmem:s16], [sflag:$0x2] =	stream.indirect.gather [hbm4b:s4+s14], $0x80, s30, s14, $0xb8;
	[tilespmem:$0x1C800] =	vst v63  }
0x58: {  	_ =	swait.ge [sflag:s17], $0x4000  }
0x59: {  	[sflag:s17] =	ssyncset.done $0x0  }
0x5a: {  	[sflag:s17] =	ssyncadd.s32 $0xFFFFC000  }
0x5b: {  	[spmem:s2] =	stream.indirect.scatter.add.f32 [tilespmem:s15], [sflag:$0x3], $0x80, s31, s14, $0xb8;
	[tilespmem:$0x1C800] =	vst v63  }
0x5c: {  	_ =	swait.ge [sflag:s12], $0x4000  }
0x5d: {  	[sflag:s12] =	ssyncset.done $0x0  }
0x5e: {  	[sflag:s12] =	ssyncadd.s32 $0xFFFFC000  }
0x5f: {  	_ =	swait.ge [sflag:s19], $0x4000  }
0x60: {  	[sflag:s19] =	ssyncset.done $0x0  }
0x61: {  	[sflag:s19] =	ssyncadd.s32 $0xFFFFC000  }
0x62: {  	[spmem:s2] =	stream.indirect.scatter.add.f32 [tilespmem:s16], [sflag:$0x3], $0x80, s0, s14, $0xb8;
	[tilespmem:$0x1C800] =	vst v63  }
0x63: {  	_ =	swait.ge [sflag:s12], $0x4000  }
0x64: {  	s5 =	simm.s32 $0x80;
	s7 =	simm.s32 $0x100;
	[sflag:s12] =	ssyncset.done $0x0  }
.LBB2_2:
0x65: {  	s6 =	sadd.s32 s5, s10  }
0x66: {  	[sflag:s12] =	ssyncadd.s32 $0xFFFFC000;
	s11 =	smov.u32 s7;
	s8 =	sadd.s32 $0x80, s7  }
0x67: {  	[tilespmem:s3], [sflag:$0x3] =	stream.linear.gather [hbm4b:s6+s3], $0x400, $0x38;
	[tilespmem:$0x1C800] =	vst v63  }
0x68: {  	p0 =	sne.s32 s7, $0x480;
	_ =	swait.ge [sflag:s12], $0x400  }
0x69: {  	[sflag:s12] =	ssyncset.done $0x0  }
0x6a: {  	s6 =	sadd.s32 s5, s9;
	s5 =	smov.u32 s11;
	[sflag:s12] =	ssyncadd.s32 $0xFFFFFC00  }
0x6b: {  	[tilespmem:s13], [sflag:$0x3] =	stream.linear.gather [hbm4b:s6+s3], $0x400, $0x38;
	[tilespmem:$0x1C800] =	vst v63  }
0x6c: {  	_ =	swait.ge [sflag:s12], $0x400  }
0x6d: {  	[sflag:s12] =	ssyncset.done $0x0  }
0x6e: {  	[sflag:s12] =	ssyncadd.s32 $0xFFFFFC00  }
0x6f: {  	[tilespmem:s15], [sflag:$0x1] =	stream.indirect.gather [hbm4b:s4+s14], $0x80, s3, s14, $0xb8;
	[tilespmem:$0x1C800] =	vst v63  }
0x70: {  	_ = 	snop  }
0x71: {  	[tilespmem:s16], [sflag:$0x2] =	stream.indirect.gather [hbm4b:s4+s14], $0x80, s14, s14, $0xb8;
	[tilespmem:$0x1C800] =	vst v63  }
0x72: {  	_ =	swait.ge [sflag:s17], $0x4000  }
0x73: {  	[sflag:s17] =	ssyncset.done $0x0  }
0x74: {  	[sflag:s17] =	ssyncadd.s32 $0xFFFFC000  }
0x75: {  	[spmem:s2] =	stream.indirect.scatter.add.f32 [tilespmem:s15], [sflag:$0x3], $0x80, s13, s14, $0xb8;
	[tilespmem:$0x1C800] =	vst v63  }
0x76: {  	_ =	swait.ge [sflag:s12], $0x4000  }
0x77: {  	[sflag:s12] =	ssyncset.done $0x0  }
0x78: {  	[sflag:s12] =	ssyncadd.s32 $0xFFFFC000  }
0x79: {  	[tilespmem:s15], [sflag:$0x1] =	stream.indirect.gather [hbm4b:s4+s14], $0x80, s18, s14, $0xb8;
	[tilespmem:$0x1C800] =	vst v63  }
0x7a: {  	_ =	swait.ge [sflag:s19], $0x4000  }
0x7b: {  	[sflag:s19] =	ssyncset.done $0x0  }
0x7c: {  	[sflag:s19] =	ssyncadd.s32 $0xFFFFC000  }
0x7d: {  	[spmem:s2] =	stream.indirect.scatter.add.f32 [tilespmem:s16], [sflag:$0x3], $0x80, s20, s14, $0xb8;
	[tilespmem:$0x1C800] =	vst v63  }
0x7e: {  	_ =	swait.ge [sflag:s12], $0x4000  }
0x7f: {  	[sflag:s12] =	ssyncset.done $0x0  }
0x80: {  	[sflag:s12] =	ssyncadd.s32 $0xFFFFC000  }
0x81: {  	[tilespmem:s16], [sflag:$0x2] =	stream.indirect.gather [hbm4b:s4+s14], $0x80, s21, s14, $0xb8;
	[tilespmem:$0x1C800] =	vst v63  }
0x82: {  	_ =	swait.ge [sflag:s17], $0x4000  }
0x83: {  	[sflag:s17] =	ssyncset.done $0x0  }
0x84: {  	[sflag:s17] =	ssyncadd.s32 $0xFFFFC000  }
0x85: {  	[spmem:s2] =	stream.indirect.scatter.add.f32 [tilespmem:s15], [sflag:$0x3], $0x80, s22, s14, $0xb8;
	[tilespmem:$0x1C800] =	vst v63  }
0x86: {  	_ =	swait.ge [sflag:s12], $0x4000  }
0x87: {  	[sflag:s12] =	ssyncset.done $0x0  }
0x88: {  	[sflag:s12] =	ssyncadd.s32 $0xFFFFC000  }
0x89: {  	[tilespmem:s15], [sflag:$0x1] =	stream.indirect.gather [hbm4b:s4+s14], $0x80, s23, s14, $0xb8;
	[tilespmem:$0x1C800] =	vst v63  }
0x8a: {  	_ =	swait.ge [sflag:s19], $0x4000  }
0x8b: {  	[sflag:s19] =	ssyncset.done $0x0  }
0x8c: {  	[sflag:s19] =	ssyncadd.s32 $0xFFFFC000  }
0x8d: {  	[spmem:s2] =	stream.indirect.scatter.add.f32 [tilespmem:s16], [sflag:$0x3], $0x80, s24, s14, $0xb8;
	[tilespmem:$0x1C800] =	vst v63  }
0x8e: {  	_ =	swait.ge [sflag:s12], $0x4000  }
0x8f: {  	[sflag:s12] =	ssyncset.done $0x0  }
0x90: {  	[sflag:s12] =	ssyncadd.s32 $0xFFFFC000  }
0x91: {  	[tilespmem:s16], [sflag:$0x2] =	stream.indirect.gather [hbm4b:s4+s14], $0x80, s25, s14, $0xb8;
	[tilespmem:$0x1C800] =	vst v63  }
0x92: {  	_ =	swait.ge [sflag:s17], $0x4000  }
0x93: {  	[sflag:s17] =	ssyncset.done $0x0  }
0x94: {  	[sflag:s17] =	ssyncadd.s32 $0xFFFFC000  }
0x95: {  	[spmem:s2] =	stream.indirect.scatter.add.f32 [tilespmem:s15], [sflag:$0x3], $0x80, s26, s14, $0xb8;
	[tilespmem:$0x1C800] =	vst v63  }
0x96: {  	_ =	swait.ge [sflag:s12], $0x4000  }
0x97: {  	[sflag:s12] =	ssyncset.done $0x0  }
0x98: {  	[sflag:s12] =	ssyncadd.s32 $0xFFFFC000  }
0x99: {  	[tilespmem:s15], [sflag:$0x1] =	stream.indirect.gather [hbm4b:s4+s14], $0x80, s28, s14, $0xb8;
	[tilespmem:$0x1C800] =	vst v63  }
0x9a: {  	_ =	swait.ge [sflag:s19], $0x4000  }
0x9b: {  	[sflag:s19] =	ssyncset.done $0x0  }
0x9c: {  	[sflag:s19] =	ssyncadd.s32 $0xFFFFC000  }
0x9d: {  	[spmem:s2] =	stream.indirect.scatter.add.f32 [tilespmem:s16], [sflag:$0x3], $0x80, s29, s14, $0xb8;
	[tilespmem:$0x1C800] =	vst v63  }
0x9e: {  	_ =	swait.ge [sflag:s12], $0x4000  }
0x9f: {  	[sflag:s12] =	ssyncset.done $0x0  }
0xa0: {  	[sflag:s12] =	ssyncadd.s32 $0xFFFFC000  }
0xa1: {  	[tilespmem:s16], [sflag:$0x2] =	stream.indirect.gather [hbm4b:s4+s14], $0x80, s30, s14, $0xb8;
	[tilespmem:$0x1C800] =	vst v63  }
0xa2: {  	_ =	swait.ge [sflag:s17], $0x4000  }
0xa3: {  	[sflag:s17] =	ssyncset.done $0x0  }
0xa4: {  	[sflag:s17] =	ssyncadd.s32 $0xFFFFC000  }
0xa5: {  	[spmem:s2] =	stream.indirect.scatter.add.f32 [tilespmem:s15], [sflag:$0x3], $0x80, s31, s14, $0xb8;
	[tilespmem:$0x1C800] =	vst v63  }
0xa6: {  	_ =	swait.ge [sflag:s12], $0x4000  }
0xa7: {  	[sflag:s12] =	ssyncset.done $0x0  }
0xa8: {  	[sflag:s12] =	ssyncadd.s32 $0xFFFFC000  }
0xa9: {  	_ =	swait.ge [sflag:s19], $0x4000  }
.Ltmp0:
0xaa: {  	[sflag:s19] =	ssyncset.done $0x0;
	(pc) =	sbr.rel @p0 .LBB2_2-.Ltmp0, $4  }
0xab: {  	[sflag:s19] =	ssyncadd.s32 $0xFFFFC000  }
0xac: {  	[spmem:s2] =	stream.indirect.scatter.add.f32 [tilespmem:s16], [sflag:$0x3], $0x80, s0, s14, $0xb8;
	[tilespmem:$0x1C800] =	vst v63  }
0xad: {  	_ =	swait.ge [sflag:s12], $0x4000  }
0xae: {  	s7 =	smov.u32 s8;
	[sflag:s12] =	ssyncset.done $0x0  }
0xaf: {  	s6 =	sadd.s32 s5, s10;
	[sflag:s12] =	ssyncadd.s32 $0xFFFFC000  }
0xb0: {  	[tilespmem:s3], [sflag:$0x3] =	stream.linear.gather [hbm4b:s6+s3], $0x400, $0x38;
	[tilespmem:$0x1C800] =	vst v63  }
0xb1: {  	_ =	swait.ge [sflag:s12], $0x400  }
0xb2: {  	[sflag:s12] =	ssyncset.done $0x0  }
0xb3: {  	s7 =	sadd.s32 s5, s9;
	[sflag:s12] =	ssyncadd.s32 $0xFFFFFC00  }
0xb4: {  	[tilespmem:s13], [sflag:$0x3] =	stream.linear.gather [hbm4b:s7+s3], $0x400, $0x38;
	[tilespmem:$0x1C800] =	vst v63  }
0xb5: {  	_ =	swait.ge [sflag:s12], $0x400  }
0xb6: {  	[sflag:s12] =	ssyncset.done $0x0  }
0xb7: {  	[sflag:s12] =	ssyncadd.s32 $0xFFFFFC00  }
0xb8: {  	[tilespmem:s15], [sflag:$0x1] =	stream.indirect.gather [hbm4b:s4+s14], $0x80, s3, s14, $0xb8;
	[tilespmem:$0x1C800] =	vst v63  }
0xb9: {  	_ = 	snop  }
0xba: {  	[tilespmem:s16], [sflag:$0x2] =	stream.indirect.gather [hbm4b:s4+s14], $0x80, s14, s14, $0xb8;
	[tilespmem:$0x1C800] =	vst v63  }
0xbb: {  	_ =	swait.ge [sflag:s17], $0x4000  }
0xbc: {  	[sflag:s17] =	ssyncset.done $0x0  }
0xbd: {  	[sflag:s17] =	ssyncadd.s32 $0xFFFFC000  }
0xbe: {  	[spmem:s2] =	stream.indirect.scatter.add.f32 [tilespmem:s15], [sflag:$0x3], $0x80, s13, s14, $0xb8;
	[tilespmem:$0x1C800] =	vst v63  }
0xbf: {  	_ =	swait.ge [sflag:s12], $0x4000  }
0xc0: {  	[sflag:s12] =	ssyncset.done $0x0  }
0xc1: {  	[sflag:s12] =	ssyncadd.s32 $0xFFFFC000  }
0xc2: {  	[tilespmem:s15], [sflag:$0x1] =	stream.indirect.gather [hbm4b:s4+s14], $0x80, s18, s14, $0xb8;
	[tilespmem:$0x1C800] =	vst v63  }
0xc3: {  	_ =	swait.ge [sflag:s19], $0x4000  }
0xc4: {  	[sflag:s19] =	ssyncset.done $0x0  }
0xc5: {  	[sflag:s19] =	ssyncadd.s32 $0xFFFFC000  }
0xc6: {  	[spmem:s2] =	stream.indirect.scatter.add.f32 [tilespmem:s16], [sflag:$0x3], $0x80, s20, s14, $0xb8;
	[tilespmem:$0x1C800] =	vst v63  }
0xc7: {  	_ =	swait.ge [sflag:s12], $0x4000  }
0xc8: {  	[sflag:s12] =	ssyncset.done $0x0  }
0xc9: {  	[sflag:s12] =	ssyncadd.s32 $0xFFFFC000  }
0xca: {  	[tilespmem:s16], [sflag:$0x2] =	stream.indirect.gather [hbm4b:s4+s14], $0x80, s21, s14, $0xb8;
	[tilespmem:$0x1C800] =	vst v63  }
0xcb: {  	_ =	swait.ge [sflag:s17], $0x4000  }
0xcc: {  	[sflag:s17] =	ssyncset.done $0x0  }
0xcd: {  	[sflag:s17] =	ssyncadd.s32 $0xFFFFC000  }
0xce: {  	[spmem:s2] =	stream.indirect.scatter.add.f32 [tilespmem:s15], [sflag:$0x3], $0x80, s22, s14, $0xb8;
	[tilespmem:$0x1C800] =	vst v63  }
0xcf: {  	_ =	swait.ge [sflag:s12], $0x4000  }
0xd0: {  	[sflag:s12] =	ssyncset.done $0x0  }
0xd1: {  	[sflag:s12] =	ssyncadd.s32 $0xFFFFC000  }
0xd2: {  	[tilespmem:s15], [sflag:$0x1] =	stream.indirect.gather [hbm4b:s4+s14], $0x80, s23, s14, $0xb8;
	[tilespmem:$0x1C800] =	vst v63  }
0xd3: {  	_ =	swait.ge [sflag:s19], $0x4000  }
0xd4: {  	[sflag:s19] =	ssyncset.done $0x0  }
0xd5: {  	[sflag:s19] =	ssyncadd.s32 $0xFFFFC000  }
0xd6: {  	[spmem:s2] =	stream.indirect.scatter.add.f32 [tilespmem:s16], [sflag:$0x3], $0x80, s24, s14, $0xb8;
	[tilespmem:$0x1C800] =	vst v63  }
0xd7: {  	_ =	swait.ge [sflag:s12], $0x4000  }
0xd8: {  	[sflag:s12] =	ssyncset.done $0x0  }
0xd9: {  	[sflag:s12] =	ssyncadd.s32 $0xFFFFC000  }
0xda: {  	[tilespmem:s16], [sflag:$0x2] =	stream.indirect.gather [hbm4b:s4+s14], $0x80, s25, s14, $0xb8;
	[tilespmem:$0x1C800] =	vst v63  }
0xdb: {  	_ =	swait.ge [sflag:s17], $0x4000  }
0xdc: {  	[sflag:s17] =	ssyncset.done $0x0  }
0xdd: {  	[sflag:s17] =	ssyncadd.s32 $0xFFFFC000  }
0xde: {  	[spmem:s2] =	stream.indirect.scatter.add.f32 [tilespmem:s15], [sflag:$0x3], $0x80, s26, s14, $0xb8;
	[tilespmem:$0x1C800] =	vst v63  }
0xdf: {  	_ =	swait.ge [sflag:s12], $0x4000  }
0xe0: {  	[sflag:s12] =	ssyncset.done $0x0  }
0xe1: {  	[sflag:s12] =	ssyncadd.s32 $0xFFFFC000  }
0xe2: {  	[tilespmem:s15], [sflag:$0x1] =	stream.indirect.gather [hbm4b:s4+s14], $0x80, s28, s14, $0xb8;
	[tilespmem:$0x1C800] =	vst v63  }
0xe3: {  	_ =	swait.ge [sflag:s19], $0x4000  }
0xe4: {  	[sflag:s19] =	ssyncset.done $0x0  }
0xe5: {  	[sflag:s19] =	ssyncadd.s32 $0xFFFFC000  }
0xe6: {  	[spmem:s2] =	stream.indirect.scatter.add.f32 [tilespmem:s16], [sflag:$0x3], $0x80, s29, s14, $0xb8;
	[tilespmem:$0x1C800] =	vst v63  }
0xe7: {  	_ =	swait.ge [sflag:s12], $0x4000  }
0xe8: {  	[sflag:s12] =	ssyncset.done $0x0  }
0xe9: {  	[sflag:s12] =	ssyncadd.s32 $0xFFFFC000  }
0xea: {  	[tilespmem:s16], [sflag:$0x2] =	stream.indirect.gather [hbm4b:s4+s14], $0x80, s30, s14, $0xb8;
	[tilespmem:$0x1C800] =	vst v63  }
0xeb: {  	_ =	swait.ge [sflag:s17], $0x4000  }
0xec: {  	[sflag:s17] =	ssyncset.done $0x0  }
0xed: {  	[sflag:s17] =	ssyncadd.s32 $0xFFFFC000  }
0xee: {  	[spmem:s2] =	stream.indirect.scatter.add.f32 [tilespmem:s15], [sflag:$0x3], $0x80, s31, s14, $0xb8;
	[tilespmem:$0x1C800] =	vst v63  }
0xef: {  	_ =	swait.ge [sflag:s12], $0x4000  }
0xf0: {  	[sflag:s12] =	ssyncset.done $0x0  }
0xf1: {  	[sflag:s12] =	ssyncadd.s32 $0xFFFFC000  }
0xf2: {  	_ =	swait.ge [sflag:s19], $0x4000  }
0xf3: {  	[sflag:s19] =	ssyncset.done $0x0  }
0xf4: {  	[sflag:s19] =	ssyncadd.s32 $0xFFFFC000  }
0xf5: {  	[spmem:s2] =	stream.indirect.scatter.add.f32 [tilespmem:s16], [sflag:$0x3], $0x80, s0, s14, $0xb8;
	[tilespmem:$0x1C800] =	vst v63  }
0xf6: {  	_ =	swait.ge [sflag:s12], $0x4000  }
0xf7: {  	[sflag:s12] =	ssyncset.done $0x0  }
0xf8: {  	[sflag:s12] =	ssyncadd.s32 $0xFFFFC000  }
0xf9: {  	[bflag:$0x0] =	sbarrier.arrive $0xFFFF  }
0xfa: {  	s6 =	rddreg [dreg:$0x5]  }
0xfb: {  	s8 =	rddreg [dreg:$0x6]  }
0xfc: {  	s7 =	rddreg [dreg:$0x8]  }
0xfd: {  	[hbm:s8], [sflag:s6] =	dma.local [spmem:s7], $0x2800  }
0xfe: {  	_ =	swait.ge [sflag:s12], $0x2800  }
0xff: {  	s1 =	sadd.s32 $0x1, s1;
	s11 =	rddreg [dreg:$0x7]  }
0x100: {  	p0 =	sne.s32 s1, s11  }
.Ltmp1:
0x101: {  	_ = 	snop;
	(pc) =	sbr.rel @p0 .LBB2_1-.Ltmp1, $3  }
0x102: {  	_ =	sdelay $0x1  }
0x103: {  	[sflag:s12] =	ssyncset.done $0x0  }
0x104: {  	[sflag:s12] =	ssyncadd.s32 $0xFFFFD800  }
0x105: {  	_ =	sfence.sel $0x180000  }
0x106: {  	[bflag:$0x0] =	sbarrier.arrive $0xFFFF  }
0x107: {  	_ =	strace $0x90000053  }
0x108: {  	s0 =	stileid.u32;
	[bflag:$0x2] =	sbarrier.arrive $0xFFFF  }
0x109: {  	p0 =	sne.s32 s0, $0x0;
	s0 =	rddreg [dreg:$0x3]  }
0x10a: {  	s0 =	sadd.s32 @!p0 $0x100000, s0  }
0x10b: {  	[sflag:s0] =	ssyncadd.tile.s32 @!p0 $0x1;
	_ =	shalt  }
.Lfunc_end2:
_tile_overlayer_lowered:
.L_overlay_start_2:
0x10c: {  	(tag) =	ssettag $0x2  }
0x10d: {  	s0 =	rddreg [dreg:$0x0];
	s2 =	stileid.u32  }
0x10e: {  	s1 =	rddreg [dreg:$0x1];
	p0 =	sne.s32 s2, $0x0  }
0x10f: {  	s3 =	rddreg [dreg:$0x2];
	[bflag:$0x3] =	sbarrier.arrive $0xFFFF;
	s2 =	simm.s32 @!p0 $0x1C03  }
0x110: {  	[timem:s3], [sflag:s2] =	dma.local @!p0 [hbm:s0], s1  }
0x111: {  	s0 =	simm.s32 @!p0 $0x3  }
0x112: {  	_ =	swait.ge @!p0 [sflag:s0], s1  }
0x113: {  	s1 =	ssub.s32 @!p0 $0x0, s1;
	[sflag:s0] =	ssyncset.done @!p0 $0x0  }
0x114: {  	[sflag:s0] =	ssyncadd.s32 @!p0 s1  }
0x115: {  	[bflag:$0x3] =	sbarrier.arrive $0xFFFF  }
0x116: {  	_ =	shalt  }

</sc_bundles>
